<compile_context>
chip_gen: v7x
topology: tpu7x:2x2x1
jax: 0.10.2.dev20260603
libtpu: 0.0.44.dev20260713+nightly
codegen_flags: <defaults>
</compile_context>

<pallas_src>
import functools

import jax
import jax.numpy as jnp
from jax import lax
from jax.experimental import pallas as pl
from jax.experimental.pallas import tpu as pltpu
from jax.experimental.pallas import tpu_sc as plsc

N = 10000
M = 320000
ND = 128
ED = 16

NC, NS = 2, 16
NW = NC * NS
CHUNK = 1000
NCHUNK = M // CHUNK
ITERS = NCHUNK // NW

_f32 = jnp.float32


@functools.lru_cache(maxsize=1)
def _sc_mesh():
    return plsc.VectorSubcoreMesh(
        core_axis_name="c", subcore_axis_name="s", num_cores=NC, num_subcores=NS
    )


_SC_PARAMS = pltpu.CompilerParams(
    use_tc_tiling_on_sc=False, needs_layout_passes=False
)


def _prep_body(v_ref, ws_ref, wr_ref, ps_ref, pr_ref):
    v = v_ref[...]
    ps_ref[...] = jnp.dot(v, ws_ref[...], preferred_element_type=_f32)
    pr_ref[...] = jnp.dot(v, wr_ref[...], preferred_element_type=_f32)


def _tc_prep(v2d, ws, wr):
    return pl.pallas_call(
        _prep_body,
        out_shape=(
            jax.ShapeDtypeStruct((N, ED), _f32),
            jax.ShapeDtypeStruct((N, ED), _f32),
        ),
    )(v2d, ws, wr)


CP = 1024


def _iota16():
    return lax.broadcasted_iota(jnp.int32, (16,), 0)


def _gather_body(ps_hbm, pr_hbm, srcr_hbm, dstr_hbm, et_hbm, ones_hbm,
                 zeros_hbm, gs_hbm, gr_hbm, e8_hbm, cnt_hbm,
                 sidx, didx, gsv, grv, etv, e8p, onesv, cnt_sh, sem, sem2):
    cid = lax.axis_index("c")
    sid = lax.axis_index("s")
    wid = sid * NC + cid

    pltpu.sync_copy(ones_hbm, onesv)

    @pl.when(sid == 0)
    def _():
        pltpu.sync_copy(zeros_hbm, cnt_sh)

    plsc.subcore_barrier()
    iota = _iota16()
    cols = [jnp.full((16,), f, jnp.int32) for f in range(ED)]

    def fire(i, b):
        c = wid + i * NW
        pltpu.sync_copy(srcr_hbm.at[pl.ds(c, 1)], sidx.at[b])
        pltpu.sync_copy(dstr_hbm.at[pl.ds(c, 1)], didx.at[b])
        pltpu.async_copy(ps_hbm.at[sidx.at[b].at[0]], gsv.at[b], sem)
        pltpu.async_copy(pr_hbm.at[didx.at[b].at[0]], grv.at[b], sem)

    def wait_slot(b):
        pltpu.make_async_copy(ps_hbm.at[pl.ds(0, CHUNK)], gsv.at[b], sem).wait()
        pltpu.make_async_copy(pr_hbm.at[pl.ds(0, CHUNK)], grv.at[b], sem).wait()

    fire(0, 0)

    def outer(g, carry):
        for b in (0, 1):
            i = 2 * g + b

            @pl.when(i + 1 < ITERS)
            def _():
                fire(i + 1, 1 - b)

            c = wid + i * NW
            base = c * CHUNK
            ec = pltpu.async_copy(et_hbm.at[:, pl.ds(base, CHUNK)],
                                  etv.at[:, pl.ds(0, CHUNK)], sem2)
            wait_slot(b)
            pltpu.sync_copy(gsv.at[b], gs_hbm.at[pl.ds(base, CHUNK)])
            pltpu.sync_copy(grv.at[b], gr_hbm.at[pl.ds(base, CHUNK)])
            pltpu.sync_copy(onesv, cnt_sh.at[didx.at[b].at[0]], add=True)
            ec.wait()

            def tgrp(gg, carry2):
                rows = iota + gg * 16
                for f in range(ED):
                    v = etv[f, pl.ds(gg * 16, 16)]
                    plsc.store_scatter(e8p, [rows, cols[f]], v)
                return carry2

            lax.fori_loop(0, CP // 16, tgrp, 0)
            pltpu.sync_copy(e8p.at[pl.ds(0, CHUNK)],
                            e8_hbm.at[pl.ds(base, CHUNK)])
        return carry

    lax.fori_loop(0, ITERS // 2, outer, 0)
    plsc.subcore_barrier()

    @pl.when(sid == 0)
    def _():
        pltpu.sync_copy(cnt_sh, cnt_hbm.at[cid])


def _sc_gather(ps, pr, srcr, dstr, et, ones, zeros):
    return pl.kernel(
        _gather_body,
        out_type=(
            jax.ShapeDtypeStruct((M, ED), _f32),
            jax.ShapeDtypeStruct((M, ED), _f32),
            jax.ShapeDtypeStruct((M, ED), _f32),
            jax.ShapeDtypeStruct((NC, N, ED), _f32),
        ),
        mesh=_sc_mesh(),
        scratch_types=(
            pltpu.VMEM((2, 1, CHUNK), jnp.int32),
            pltpu.VMEM((2, 1, CHUNK), jnp.int32),
            pltpu.VMEM((2, CHUNK, ED), _f32),
            pltpu.VMEM((2, CHUNK, ED), _f32),
            pltpu.VMEM((ED, CP), _f32),
            pltpu.VMEM((CP, ED), _f32),
            pltpu.VMEM((CHUNK, ED), _f32),
            pltpu.VMEM_SHARED((N, ED), _f32),
            pltpu.SemaphoreType.DMA,
            pltpu.SemaphoreType.DMA,
        ),
        compiler_params=_SC_PARAMS,
    )(ps, pr, srcr, dstr, et, ones, zeros)


def _edge_body(gs_ref, gr_ref, e_ref, w0_ref, w1_ref, w2c_ref, km_ref,
               b0_ref, b1_ref, b2c_ref, lnw_ref, lnb_ref, e2_ref):
    e8 = e_ref[...]
    x = (gs_ref[...] + gr_ref[...] + b0_ref[...]
         + jnp.dot(e8, w0_ref[...], preferred_element_type=_f32))
    h0 = x * jax.nn.sigmoid(x)
    y = jnp.dot(h0, w1_ref[...], preferred_element_type=_f32) + b1_ref[...]
    h1 = y * jax.nn.sigmoid(y)
    hc = jnp.dot(h1, w2c_ref[...], preferred_element_type=_f32) + b2c_ref[...]
    var = jnp.dot(hc * hc, km_ref[...], preferred_element_type=_f32)
    e2_ref[...] = (e8 + hc * lax.rsqrt(var + 1e-5) * lnw_ref[...]
                   + lnb_ref[...])


def _tc_edge_mlp(gs8, gr8, e8, w0k, w1k, w2ck, kmk, b0t, b1t, b2ct, lnwt, lnbt):
    m8 = M // 8
    bm = 2000
    grid = m8 // bm
    data = pl.BlockSpec((bm, 128), lambda i: (i, 0))
    wspec = pl.BlockSpec((128, 128), lambda i: (0, 0))
    bspec = pl.BlockSpec((1, 128), lambda i: (0, 0))
    return pl.pallas_call(
        _edge_body,
        grid=(grid,),
        in_specs=[data, data, data, wspec, wspec, wspec, wspec,
                  bspec, bspec, bspec, bspec, bspec],
        out_specs=data,
        out_shape=jax.ShapeDtypeStruct((m8, 128), _f32),
    )(gs8, gr8, e8, w0k, w1k, w2ck, kmk, b0t, b1t, b2ct, lnwt, lnbt)


def _scatter_body(e2_hbm, dstr_hbm, zeros_hbm, sum_hbm, e2t_hbm,
                  didx, e2p, e2tv, acc_sh, sem):
    cid = lax.axis_index("c")
    sid = lax.axis_index("s")
    wid = sid * NC + cid

    @pl.when(sid == 0)
    def _():
        pltpu.sync_copy(zeros_hbm, acc_sh)

    plsc.subcore_barrier()
    iota = _iota16()
    cols = [jnp.full((16,), f, jnp.int32) for f in range(ED)]

    def fire(i, b):
        c = wid + i * NW
        pltpu.sync_copy(dstr_hbm.at[pl.ds(c, 1)], didx.at[b])
        pltpu.async_copy(e2_hbm.at[pl.ds(c * CHUNK, CHUNK)],
                         e2p.at[b].at[pl.ds(0, CHUNK)], sem)

    def wait_slot(b):
        pltpu.make_async_copy(e2_hbm.at[pl.ds(0, CHUNK)],
                              e2p.at[b].at[pl.ds(0, CHUNK)], sem).wait()

    fire(0, 0)

    def outer(g, carry):
        for b in (0, 1):
            i = 2 * g + b

            @pl.when(i + 1 < ITERS)
            def _():
                fire(i + 1, 1 - b)

            wait_slot(b)
            base = (wid + i * NW) * CHUNK
            pltpu.sync_copy(e2p.at[b].at[pl.ds(0, CHUNK)],
                            acc_sh.at[didx.at[b].at[0]], add=True)

            def tgrp(gg, carry2):
                rows = iota + gg * 16
                for f in range(ED):
                    v = plsc.load_gather(e2p.at[b], [rows, cols[f]])
                    e2tv[f, pl.ds(gg * 16, 16)] = v
                return carry2

            lax.fori_loop(0, CP // 16, tgrp, 0)
            pltpu.sync_copy(e2tv.at[:, pl.ds(0, CHUNK)],
                            e2t_hbm.at[:, pl.ds(base, CHUNK)])
        return carry

    lax.fori_loop(0, ITERS // 2, outer, 0)
    plsc.subcore_barrier()

    @pl.when(sid == 0)
    def _():
        pltpu.sync_copy(acc_sh, sum_hbm.at[cid])


def _sc_scatter(e2, dstr, zeros):
    return pl.kernel(
        _scatter_body,
        out_type=(
            jax.ShapeDtypeStruct((NC, N, ED), _f32),
            jax.ShapeDtypeStruct((ED, M), _f32),
        ),
        mesh=_sc_mesh(),
        scratch_types=(
            pltpu.VMEM((2, 1, CHUNK), jnp.int32),
            pltpu.VMEM((2, CP, ED), _f32),
            pltpu.VMEM((ED, CP), _f32),
            pltpu.VMEM_SHARED((N, ED), _f32),
            pltpu.SemaphoreType.DMA,
        ),
        compiler_params=_SC_PARAMS,
    )(e2, dstr, zeros)


def _node_body(v_ref, a_ref, b_ref, w0v_ref, w0a_ref, w1_ref, w2_ref,
               b0_ref, b1_ref, b2_ref, lnw_ref, lnb_ref, v2_ref):
    v = v_ref[...]
    asum = a_ref[0] + a_ref[1]
    cnt = b_ref[0] + b_ref[1]
    agg = asum / jnp.maximum(cnt, 1.0)
    x = (jnp.dot(v, w0v_ref[...], preferred_element_type=_f32)
         + jnp.dot(agg, w0a_ref[...], preferred_element_type=_f32)
         + b0_ref[...])
    h0 = x * jax.nn.sigmoid(x)
    y = jnp.dot(h0, w1_ref[...], preferred_element_type=_f32) + b1_ref[...]
    h1 = y * jax.nn.sigmoid(y)
    h = jnp.dot(h1, w2_ref[...], preferred_element_type=_f32) + b2_ref[...]
    mu = jnp.mean(h, axis=-1, keepdims=True)
    d = h - mu
    var = jnp.mean(d * d, axis=-1, keepdims=True)
    v2_ref[...] = v + d * lax.rsqrt(var + 1e-5) * lnw_ref[...] + lnb_ref[...]


def _tc_node_mlp(v2d, sums, cnts, w0v, w0a, w1, w2, b0, b1, b2, lnw, lnb):
    bn = 2000
    grid = N // bn
    vspec = pl.BlockSpec((bn, ND), lambda i: (i, 0))
    pspec = pl.BlockSpec((NC, bn, ED), lambda i: (0, i, 0))
    w128 = pl.BlockSpec((ND, ND), lambda i: (0, 0))
    w16 = pl.BlockSpec((ED, ND), lambda i: (0, 0))
    bspec = pl.BlockSpec((1, ND), lambda i: (0, 0))
    return pl.pallas_call(
        _node_body,
        grid=(grid,),
        in_specs=[vspec, pspec, pspec, w128, w16, w128, w128,
                  bspec, bspec, bspec, bspec, bspec],
        out_specs=vspec,
        out_shape=jax.ShapeDtypeStruct((N, ND), _f32),
    )(v2d, sums, cnts, w0v, w0a, w1, w2, b0, b1, b2, lnw, lnb)


def kernel(V, E, edges, fe_w0, fe_b0, fe_w1, fe_b1, fe_w2, fe_b2, fe_lnw,
           fe_lnb, fn_w0, fn_b0, fn_w1, fn_b1, fn_w2, fn_b2, fn_lnw, fn_lnb):
    v2d = V[0]
    src = edges[0, :, 0].reshape(NCHUNK, CHUNK)
    dst = edges[0, :, 1].reshape(NCHUNK, CHUNK)

    ws = fe_w0[:ND]
    wr = fe_w0[ND:2 * ND]
    w0e = fe_w0[2 * ND:]
    eye8 = jnp.eye(8, dtype=_f32)
    jm = jnp.full((ED, ED), 1.0 / ED, dtype=_f32)
    w0k = jnp.kron(eye8, w0e)
    w1k = jnp.kron(eye8, fe_w1)
    w2ck = jnp.kron(eye8, fe_w2 - fe_w2 @ jm)
    kmk = jnp.kron(eye8, jm)
    tile8 = lambda b: jnp.tile(b, 8)[None]
    b0t = tile8(fe_b0)
    b1t = tile8(fe_b1)
    b2ct = tile8(fe_b2 - jnp.mean(fe_b2))
    lnwt = tile8(fe_lnw)
    lnbt = tile8(fe_lnb)

    ones = jnp.ones((CHUNK, ED), _f32)
    zeros = jnp.zeros((N, ED), _f32)

    et = jnp.transpose(E[0])
    ps, pr = _tc_prep(v2d, ws, wr)
    gs, gr, e8, cnts = _sc_gather(ps, pr, src, dst, et, ones, zeros)

    e2_8 = _tc_edge_mlp(
        gs.reshape(M // 8, 128), gr.reshape(M // 8, 128),
        e8.reshape(M // 8, 128),
        w0k, w1k, w2ck, kmk, b0t, b1t, b2ct, lnwt, lnbt)

    sums, e2t = _sc_scatter(e2_8.reshape(M, ED), dst, zeros)
    e2_out = jnp.transpose(e2t)[None]

    v2 = _tc_node_mlp(
        v2d, sums, cnts,
        fn_w0[:ND], fn_w0[ND:], fn_w1, fn_w2,
        fn_b0[None], fn_b1[None], fn_b2[None], fn_lnw[None], fn_lnb[None])

    return (v2[None], e2_out)

# --- scband reference (transcript-rebuilt; emitter-appended) ---
"""Pipeline reference for scband-mgnblock-59803124629572 (READ-ONLY COPY).

The authoritative reference and input builder live on the scoring server;
editing this copy changes nothing except your own understanding.
"""

import jax, jax.numpy as jnp
import numpy as np

BS, N, M, ND, ED = 1, 10000, 320000, 128, 16


def _mlp(x, params):
    w0, b0, w1, b1, w2, b2, lw, lb = params
    h = jax.nn.silu(x @ w0 + b0)
    h = jax.nn.silu(h @ w1 + b1)
    h = h @ w2 + b2
    mu = jnp.mean(h, axis=-1, keepdims=True)
    var = jnp.mean((h - mu) ** 2, axis=-1, keepdims=True)
    return (h - mu) / jnp.sqrt(var + 1e-5) * lw + lb


def _scatter_mean(vals, idx, n):
    def one(v, i):
        s = jax.ops.segment_sum(v, i, num_segments=n)
        c = jax.ops.segment_sum(jnp.ones((v.shape[0],), v.dtype), i, num_segments=n)
        return s / jnp.clip(c, 1.0)[:, None]
    return jax.vmap(one)(vals, idx)


def _lin(k, i, o):
    return jax.random.normal(k, (i, o), jnp.float32) * (1.0 / np.sqrt(i))


def setup_inputs(seed: int = 0) -> dict:
    key = jax.random.key(seed)
    ks = [jax.random.fold_in(key, i) for i in range(32)]
    inp = {}
    inp["V"] = jax.random.normal(ks[0], (BS, N, ND), jnp.float32)
    inp["E"] = jax.random.normal(ks[1], (BS, M, ED), jnp.float32)
    inp["edges"] = jax.random.randint(ks[2], (BS, M, 2), 0, N, dtype=jnp.int32)
    # f_edge: in = 2*ND + ED = 272, hidden = ED = 16, out = ED = 16
    inp["fe_w0"] = _lin(ks[3], 2 * ND + ED, ED); inp["fe_b0"] = jnp.zeros((ED,), jnp.float32)
    inp["fe_w1"] = _lin(ks[4], ED, ED);           inp["fe_b1"] = jnp.zeros((ED,), jnp.float32)
    inp["fe_w2"] = _lin(ks[5], ED, ED);           inp["fe_b2"] = jnp.zeros((ED,), jnp.float32)
    inp["fe_lnw"] = jnp.ones((ED,), jnp.float32); inp["fe_lnb"] = jnp.zeros((ED,), jnp.float32)
    # f_node: in = ND + ED = 144, hidden = ND = 128, out = ND = 128
    inp["fn_w0"] = _lin(ks[6], ND + ED, ND);      inp["fn_b0"] = jnp.zeros((ND,), jnp.float32)
    inp["fn_w1"] = _lin(ks[7], ND, ND);           inp["fn_b1"] = jnp.zeros((ND,), jnp.float32)
    inp["fn_w2"] = _lin(ks[8], ND, ND);           inp["fn_b2"] = jnp.zeros((ND,), jnp.float32)
    inp["fn_lnw"] = jnp.ones((ND,), jnp.float32); inp["fn_lnb"] = jnp.zeros((ND,), jnp.float32)
    return inp


def reference(V, E, edges, fe_w0, fe_b0, fe_w1, fe_b1, fe_w2, fe_b2, fe_lnw, fe_lnb,
              fn_w0, fn_b0, fn_w1, fn_b1, fn_w2, fn_b2, fn_lnw, fn_lnb):
    fe = (fe_w0, fe_b0, fe_w1, fe_b1, fe_w2, fe_b2, fe_lnw, fe_lnb)
    fn = (fn_w0, fn_b0, fn_w1, fn_b1, fn_w2, fn_b2, fn_lnw, fn_lnb)
    n = V.shape[1]
    valid = jnp.all(edges >= 0, axis=-1)
    safe = jnp.clip(edges, 0, n - 1)
    v_s = jnp.take_along_axis(V, safe[..., 0:1], axis=1)
    v_r = jnp.take_along_axis(V, safe[..., 1:2], axis=1)
    e_delta = _mlp(jnp.concatenate([v_s, v_r, E], axis=-1), fe)
    e_delta = e_delta * valid[..., None]
    E2 = E + e_delta
    agg = _scatter_mean(E2 * valid[..., None], safe[..., 1], n)
    v_delta = _mlp(jnp.concatenate([V, agg], axis=-1), fn)
    V2 = V + v_delta
    return (V2, E2)

if __name__ == "__main__":
    import jax
    _d = setup_inputs()
    print(jax.jit(kernel)(*tuple(_d.values())))

</pallas_src>

<mosaic_0001>
#map = affine_map<(d0, d1) -> (0, 0)>
#map1 = affine_map<(d0, d1) -> (0, 0, 0)>
module attributes {stable_mosaic.version = 14 : i64} {
  func.func @_gather_body(%arg0: i32, %arg1: i32, %arg2: memref<10000x16xf32, #tpu.memory_space<hbm>>, %arg3: memref<10000x16xf32, #tpu.memory_space<hbm>>, %arg4: memref<320x1000xi32, #tpu.memory_space<hbm>>, %arg5: memref<320x1000xi32, #tpu.memory_space<hbm>>, %arg6: memref<16x320000xf32, #tpu.memory_space<hbm>>, %arg7: memref<1000x16xf32, #tpu.memory_space<hbm>>, %arg8: memref<10000x16xf32, #tpu.memory_space<hbm>>, %arg9: memref<320000x16xf32, #tpu.memory_space<hbm>>, %arg10: memref<320000x16xf32, #tpu.memory_space<hbm>>, %arg11: memref<320000x16xf32, #tpu.memory_space<hbm>>, %arg12: memref<2x10000x16xf32, #tpu.memory_space<hbm>>, %arg13: memref<2x1x1000xi32, #tpu.memory_space<vmem>>, %arg14: memref<2x1x1000xi32, #tpu.memory_space<vmem>>, %arg15: memref<2x1000x16xf32, #tpu.memory_space<vmem>>, %arg16: memref<2x1000x16xf32, #tpu.memory_space<vmem>>, %arg17: memref<16x1024xf32, #tpu.memory_space<vmem>>, %arg18: memref<1024x16xf32, #tpu.memory_space<vmem>>, %arg19: memref<1000x16xf32, #tpu.memory_space<vmem>>, %arg20: memref<10000x16xf32, #tpu.memory_space<vmem_shared>>, %arg21: memref<!tpu.dma_semaphore, #tpu.memory_space<semaphore_mem>>, %arg22: memref<!tpu.dma_semaphore, #tpu.memory_space<semaphore_mem>>) attributes {dimension_semantics = [#tpu.dimension_semantics<core_parallel>, #tpu.dimension_semantics<subcore_parallel>], iteration_bounds = array<i64: 2, 16>, scalar_prefetch = 0 : i64, scratch_operands = 10 : i64, tpu.core_type = #tpu.core_type<sc_vector_subcore>, window_params = [{transform_indices = #map}, {transform_indices = #map}, {transform_indices = #map}, {transform_indices = #map}, {transform_indices = #map}, {transform_indices = #map}, {transform_indices = #map}, {transform_indices = #map}, {transform_indices = #map}, {transform_indices = #map}, {transform_indices = #map1}]} {
    %mul3A = arith.constant 2 : i32
    %mul3A_0 = arith.muli %arg1, %mul3A : i32
    %add3A = arith.addi %mul3A_0, %arg0 : i32
    "tpu.region"() ({
      %run_scoped3A_81 = tpu.sem_alloc : memref<!tpu.dma_semaphore, #tpu.memory_space<semaphore_mem>>
      tpu.enqueue_dma source(%arg7 : memref<1000x16xf32, #tpu.memory_space<hbm>>) target(%arg19 : memref<1000x16xf32, #tpu.memory_space<vmem>>) target_semaphore(%run_scoped3A_81 : memref<!tpu.dma_semaphore, #tpu.memory_space<semaphore_mem>>)
      tpu.wait_dma2 semaphore(%run_scoped3A_81 : memref<!tpu.dma_semaphore, #tpu.memory_space<semaphore_mem>>) src(%arg7 : memref<1000x16xf32, #tpu.memory_space<hbm>>) dst(%arg19 : memref<1000x16xf32, #tpu.memory_space<vmem>>)
      tpu.yield
    }) : () -> ()
    %eq3A = arith.constant 0 : i32
    %eq3A_1 = arith.cmpi eq, %arg1, %eq3A : i32
    %convert_element_type3A = arith.extui %eq3A_1 : i1 to i32
    %cond3A = arith.constant 0 : i32
    %cond3A_2 = arith.cmpi ne, %convert_element_type3A, %cond3A : i32
    scf.if %cond3A_2 {
      "tpu.region"() ({
        %run_scoped3A_81 = tpu.sem_alloc : memref<!tpu.dma_semaphore, #tpu.memory_space<semaphore_mem>>
        tpu.enqueue_dma source(%arg8 : memref<10000x16xf32, #tpu.memory_space<hbm>>) target(%arg20 : memref<10000x16xf32, #tpu.memory_space<vmem_shared>>) target_semaphore(%run_scoped3A_81 : memref<!tpu.dma_semaphore, #tpu.memory_space<semaphore_mem>>)
        tpu.wait_dma2 semaphore(%run_scoped3A_81 : memref<!tpu.dma_semaphore, #tpu.memory_space<semaphore_mem>>) src(%arg8 : memref<10000x16xf32, #tpu.memory_space<hbm>>) dst(%arg20 : memref<10000x16xf32, #tpu.memory_space<vmem_shared>>)
        tpu.yield
      }) : () -> ()
    } else {
    }
    %barrier3A = arith.constant 0 : index
    tpu.barrier barrier_id(%barrier3A)
    %iota3A = tpu.iota {dimensions = array<i32: 0>} : vector<16xi32>
    %broadcast_in_dim3A = arith.constant 0 : i32
    %broadcast_in_dim3A_3 = vector.broadcast %broadcast_in_dim3A : i32 to vector<16xi32>
    %broadcast_in_dim3A_4 = arith.constant 1 : i32
    %broadcast_in_dim3A_5 = vector.broadcast %broadcast_in_dim3A_4 : i32 to vector<16xi32>
    %broadcast_in_dim3A_6 = arith.constant 2 : i32
    %broadcast_in_dim3A_7 = vector.broadcast %broadcast_in_dim3A_6 : i32 to vector<16xi32>
    %broadcast_in_dim3A_8 = arith.constant 3 : i32
    %broadcast_in_dim3A_9 = vector.broadcast %broadcast_in_dim3A_8 : i32 to vector<16xi32>
    %broadcast_in_dim3A_10 = arith.constant 4 : i32
    %broadcast_in_dim3A_11 = vector.broadcast %broadcast_in_dim3A_10 : i32 to vector<16xi32>
    %broadcast_in_dim3A_12 = arith.constant 5 : i32
    %broadcast_in_dim3A_13 = vector.broadcast %broadcast_in_dim3A_12 : i32 to vector<16xi32>
    %broadcast_in_dim3A_14 = arith.constant 6 : i32
    %broadcast_in_dim3A_15 = vector.broadcast %broadcast_in_dim3A_14 : i32 to vector<16xi32>
    %broadcast_in_dim3A_16 = arith.constant 7 : i32
    %broadcast_in_dim3A_17 = vector.broadcast %broadcast_in_dim3A_16 : i32 to vector<16xi32>
    %broadcast_in_dim3A_18 = arith.constant 8 : i32
    %broadcast_in_dim3A_19 = vector.broadcast %broadcast_in_dim3A_18 : i32 to vector<16xi32>
    %broadcast_in_dim3A_20 = arith.constant 9 : i32
    %broadcast_in_dim3A_21 = vector.broadcast %broadcast_in_dim3A_20 : i32 to vector<16xi32>
    %broadcast_in_dim3A_22 = arith.constant 10 : i32
    %broadcast_in_dim3A_23 = vector.broadcast %broadcast_in_dim3A_22 : i32 to vector<16xi32>
    %broadcast_in_dim3A_24 = arith.constant 11 : i32
    %broadcast_in_dim3A_25 = vector.broadcast %broadcast_in_dim3A_24 : i32 to vector<16xi32>
    %broadcast_in_dim3A_26 = arith.constant 12 : i32
    %broadcast_in_dim3A_27 = vector.broadcast %broadcast_in_dim3A_26 : i32 to vector<16xi32>
    %broadcast_in_dim3A_28 = arith.constant 13 : i32
    %broadcast_in_dim3A_29 = vector.broadcast %broadcast_in_dim3A_28 : i32 to vector<16xi32>
    %broadcast_in_dim3A_30 = arith.constant 14 : i32
    %broadcast_in_dim3A_31 = vector.broadcast %broadcast_in_dim3A_30 : i32 to vector<16xi32>
    %broadcast_in_dim3A_32 = arith.constant 15 : i32
    %broadcast_in_dim3A_33 = vector.broadcast %broadcast_in_dim3A_32 : i32 to vector<16xi32>
    %add3A_34 = arith.constant 0 : i32
    %add3A_35 = arith.addi %add3A, %add3A_34 : i32
    %run_scoped3A = arith.constant 0 : i32
    "tpu.region"() ({
      %run_scoped3A_81 = tpu.sem_alloc : memref<!tpu.dma_semaphore, #tpu.memory_space<semaphore_mem>>
      %dma_start3A_82 = arith.constant 0 : i32
      %dma_start3A_83 = arith.constant 0 : i32
      %dma_start3A_84 = tpu.memref_slice %arg13[%run_scoped3A, %dma_start3A_82, %dma_start3A_83] : memref<2x1x1000xi32, #tpu.memory_space<vmem>> -> memref<1x1x1000xi32, #tpu.memory_space<vmem>>
      %dma_start3A_85 = tpu.memref_squeeze %dma_start3A_84 : memref<1x1x1000xi32, #tpu.memory_space<vmem>> -> memref<1x1000xi32, #tpu.memory_space<vmem>>
      %dma_start3A_86 = arith.constant 0 : i32
      %dma_start3A_87 = tpu.memref_slice %arg4[%add3A_35, %dma_start3A_86] : memref<320x1000xi32, #tpu.memory_space<hbm>> -> memref<1x1000xi32, #tpu.memory_space<hbm>>
      %dma_start3A_88 = arith.constant 0 : i32
      %dma_start3A_89 = arith.constant 0 : i32
      %dma_start3A_90 = tpu.memref_slice %arg13[%run_scoped3A, %dma_start3A_88, %dma_start3A_89] : memref<2x1x1000xi32, #tpu.memory_space<vmem>> -> memref<1x1x1000xi32, #tpu.memory_space<vmem>>
      %dma_start3A_91 = tpu.memref_squeeze %dma_start3A_90 : memref<1x1x1000xi32, #tpu.memory_space<vmem>> -> memref<1x1000xi32, #tpu.memory_space<vmem>>
      %dma_start3A_92 = arith.constant 0 : i32
      %dma_start3A_93 = tpu.memref_slice %arg4[%add3A_35, %dma_start3A_92] : memref<320x1000xi32, #tpu.memory_space<hbm>> -> memref<1x1000xi32, #tpu.memory_space<hbm>>
      tpu.enqueue_dma source(%dma_start3A_93 : memref<1x1000xi32, #tpu.memory_space<hbm>>) target(%dma_start3A_91 : memref<1x1000xi32, #tpu.memory_space<vmem>>) target_semaphore(%run_scoped3A_81 : memref<!tpu.dma_semaphore, #tpu.memory_space<semaphore_mem>>)
      %dma_wait3A = arith.constant 0 : i32
      %dma_wait3A_94 = arith.constant 0 : i32
      %dma_wait3A_95 = tpu.memref_slice %arg13[%run_scoped3A, %dma_wait3A, %dma_wait3A_94] : memref<2x1x1000xi32, #tpu.memory_space<vmem>> -> memref<1x1x1000xi32, #tpu.memory_space<vmem>>
      %dma_wait3A_96 = tpu.memref_squeeze %dma_wait3A_95 : memref<1x1x1000xi32, #tpu.memory_space<vmem>> -> memref<1x1000xi32, #tpu.memory_space<vmem>>
      %dma_wait3A_97 = arith.constant 0 : i32
      %dma_wait3A_98 = tpu.memref_slice %arg4[%add3A_35, %dma_wait3A_97] : memref<320x1000xi32, #tpu.memory_space<hbm>> -> memref<1x1000xi32, #tpu.memory_space<hbm>>
      %dma_wait3A_99 = arith.constant 0 : i32
      %dma_wait3A_100 = arith.constant 0 : i32
      %dma_wait3A_101 = tpu.memref_slice %arg13[%run_scoped3A, %dma_wait3A_99, %dma_wait3A_100] : memref<2x1x1000xi32, #tpu.memory_space<vmem>> -> memref<1x1x1000xi32, #tpu.memory_space<vmem>>
      %dma_wait3A_102 = tpu.memref_squeeze %dma_wait3A_101 : memref<1x1x1000xi32, #tpu.memory_space<vmem>> -> memref<1x1000xi32, #tpu.memory_space<vmem>>
      %dma_wait3A_103 = arith.constant 0 : i32
      %dma_wait3A_104 = tpu.memref_slice %arg4[%add3A_35, %dma_wait3A_103] : memref<320x1000xi32, #tpu.memory_space<hbm>> -> memref<1x1000xi32, #tpu.memory_space<hbm>>
      tpu.wait_dma2 semaphore(%run_scoped3A_81 : memref<!tpu.dma_semaphore, #tpu.memory_space<semaphore_mem>>) src(%dma_wait3A_104 : memref<1x1000xi32, #tpu.memory_space<hbm>>) dst(%dma_wait3A_102 : memref<1x1000xi32, #tpu.memory_space<vmem>>)
      tpu.yield
    }) : () -> ()
    %run_scoped3A_36 = arith.constant 0 : i32
    "tpu.region"() ({
      %run_scoped3A_81 = tpu.sem_alloc : memref<!tpu.dma_semaphore, #tpu.memory_space<semaphore_mem>>
      %dma_start3A_82 = arith.constant 0 : i32
      %dma_start3A_83 = arith.constant 0 : i32
      %dma_start3A_84 = tpu.memref_slice %arg14[%run_scoped3A_36, %dma_start3A_82, %dma_start3A_83] : memref<2x1x1000xi32, #tpu.memory_space<vmem>> -> memref<1x1x1000xi32, #tpu.memory_space<vmem>>
      %dma_start3A_85 = tpu.memref_squeeze %dma_start3A_84 : memref<1x1x1000xi32, #tpu.memory_space<vmem>> -> memref<1x1000xi32, #tpu.memory_space<vmem>>
      %dma_start3A_86 = arith.constant 0 : i32
      %dma_start3A_87 = tpu.memref_slice %arg5[%add3A_35, %dma_start3A_86] : memref<320x1000xi32, #tpu.memory_space<hbm>> -> memref<1x1000xi32, #tpu.memory_space<hbm>>
      %dma_start3A_88 = arith.constant 0 : i32
      %dma_start3A_89 = arith.constant 0 : i32
      %dma_start3A_90 = tpu.memref_slice %arg14[%run_scoped3A_36, %dma_start3A_88, %dma_start3A_89] : memref<2x1x1000xi32, #tpu.memory_space<vmem>> -> memref<1x1x1000xi32, #tpu.memory_space<vmem>>
      %dma_start3A_91 = tpu.memref_squeeze %dma_start3A_90 : memref<1x1x1000xi32, #tpu.memory_space<vmem>> -> memref<1x1000xi32, #tpu.memory_space<vmem>>
      %dma_start3A_92 = arith.constant 0 : i32
      %dma_start3A_93 = tpu.memref_slice %arg5[%add3A_35, %dma_start3A_92] : memref<320x1000xi32, #tpu.memory_space<hbm>> -> memref<1x1000xi32, #tpu.memory_space<hbm>>
      tpu.enqueue_dma source(%dma_start3A_93 : memref<1x1000xi32, #tpu.memory_space<hbm>>) target(%dma_start3A_91 : memref<1x1000xi32, #tpu.memory_space<vmem>>) target_semaphore(%run_scoped3A_81 : memref<!tpu.dma_semaphore, #tpu.memory_space<semaphore_mem>>)
      %dma_wait3A = arith.constant 0 : i32
      %dma_wait3A_94 = arith.constant 0 : i32
      %dma_wait3A_95 = tpu.memref_slice %arg14[%run_scoped3A_36, %dma_wait3A, %dma_wait3A_94] : memref<2x1x1000xi32, #tpu.memory_space<vmem>> -> memref<1x1x1000xi32, #tpu.memory_space<vmem>>
      %dma_wait3A_96 = tpu.memref_squeeze %dma_wait3A_95 : memref<1x1x1000xi32, #tpu.memory_space<vmem>> -> memref<1x1000xi32, #tpu.memory_space<vmem>>
      %dma_wait3A_97 = arith.constant 0 : i32
      %dma_wait3A_98 = tpu.memref_slice %arg5[%add3A_35, %dma_wait3A_97] : memref<320x1000xi32, #tpu.memory_space<hbm>> -> memref<1x1000xi32, #tpu.memory_space<hbm>>
      %dma_wait3A_99 = arith.constant 0 : i32
      %dma_wait3A_100 = arith.constant 0 : i32
      %dma_wait3A_101 = tpu.memref_slice %arg14[%run_scoped3A_36, %dma_wait3A_99, %dma_wait3A_100] : memref<2x1x1000xi32, #tpu.memory_space<vmem>> -> memref<1x1x1000xi32, #tpu.memory_space<vmem>>
      %dma_wait3A_102 = tpu.memref_squeeze %dma_wait3A_101 : memref<1x1x1000xi32, #tpu.memory_space<vmem>> -> memref<1x1000xi32, #tpu.memory_space<vmem>>
      %dma_wait3A_103 = arith.constant 0 : i32
      %dma_wait3A_104 = tpu.memref_slice %arg5[%add3A_35, %dma_wait3A_103] : memref<320x1000xi32, #tpu.memory_space<hbm>> -> memref<1x1000xi32, #tpu.memory_space<hbm>>
      tpu.wait_dma2 semaphore(%run_scoped3A_81 : memref<!tpu.dma_semaphore, #tpu.memory_space<semaphore_mem>>) src(%dma_wait3A_104 : memref<1x1000xi32, #tpu.memory_space<hbm>>) dst(%dma_wait3A_102 : memref<1x1000xi32, #tpu.memory_space<vmem>>)
      tpu.yield
    }) : () -> ()
    %dma_start3A = arith.constant 0 : i32
    %dma_start3A_37 = arith.constant 0 : i32
    %dma_start3A_38 = arith.constant 0 : i32
    %dma_start3A_39 = arith.constant 0 : i32
    %dma_start3A_40 = arith.constant 0 : i32
    %dma_start3A_41 = tpu.memref_slice %arg15[%dma_start3A_38, %dma_start3A_39, %dma_start3A_40] : memref<2x1000x16xf32, #tpu.memory_space<vmem>> -> memref<1x1000x16xf32, #tpu.memory_space<vmem>>
    %dma_start3A_42 = tpu.memref_squeeze %dma_start3A_41 : memref<1x1000x16xf32, #tpu.memory_space<vmem>> -> memref<1000x16xf32, #tpu.memory_space<vmem>>
    %dma_start3A_43 = arith.constant 0 : i32
    %dma_start3A_44 = arith.constant 0 : i32
    %dma_start3A_45 = tpu.memref_slice %arg13[%dma_start3A, %dma_start3A_43, %dma_start3A_44] : memref<2x1x1000xi32, #tpu.memory_space<vmem>> -> memref<1x1x1000xi32, #tpu.memory_space<vmem>>
    %dma_start3A_46 = tpu.memref_squeeze %dma_start3A_45 : memref<1x1x1000xi32, #tpu.memory_space<vmem>> -> memref<1x1000xi32, #tpu.memory_space<vmem>>
    %dma_start3A_47 = arith.constant 0 : i32
    %dma_start3A_48 = tpu.memref_slice %dma_start3A_46[%dma_start3A_37, %dma_start3A_47] : memref<1x1000xi32, #tpu.memory_space<vmem>> -> memref<1x1000xi32, #tpu.memory_space<vmem>>
    %dma_start3A_49 = tpu.memref_squeeze %dma_start3A_48 : memref<1x1000xi32, #tpu.memory_space<vmem>> -> memref<1000xi32, #tpu.memory_space<vmem>>
    %dma_start3A_50 = arith.constant 0 : i32
    %dma_start3A_51 = arith.constant 0 : i32
    %dma_start3A_52 = tpu.memref_slice %arg2[%dma_start3A_50, %dma_start3A_51] : memref<10000x16xf32, #tpu.memory_space<hbm>> -> memref<10000x16xf32, #tpu.memory_space<hbm>>
    tpu.enqueue_indirect_dma source(%dma_start3A_52 : memref<10000x16xf32, #tpu.memory_space<hbm>>) target(%dma_start3A_42 : memref<1000x16xf32, #tpu.memory_space<vmem>>) offsets(%dma_start3A_49 : memref<1000xi32, #tpu.memory_space<vmem>>) semaphore(%arg21 : memref<!tpu.dma_semaphore, #tpu.memory_space<semaphore_mem>>)
    %dma_start3A_53 = arith.constant 0 : i32
    %dma_start3A_54 = arith.constant 0 : i32
    %dma_start3A_55 = arith.constant 0 : i32
    %dma_start3A_56 = arith.constant 0 : i32
    %dma_start3A_57 = arith.constant 0 : i32
    %dma_start3A_58 = tpu.memref_slice %arg16[%dma_start3A_55, %dma_start3A_56, %dma_start3A_57] : memref<2x1000x16xf32, #tpu.memory_space<vmem>> -> memref<1x1000x16xf32, #tpu.memory_space<vmem>>
    %dma_start3A_59 = tpu.memref_squeeze %dma_start3A_58 : memref<1x1000x16xf32, #tpu.memory_space<vmem>> -> memref<1000x16xf32, #tpu.memory_space<vmem>>
    %dma_start3A_60 = arith.constant 0 : i32
    %dma_start3A_61 = arith.constant 0 : i32
    %dma_start3A_62 = tpu.memref_slice %arg14[%dma_start3A_53, %dma_start3A_60, %dma_start3A_61] : memref<2x1x1000xi32, #tpu.memory_space<vmem>> -> memref<1x1x1000xi32, #tpu.memory_space<vmem>>
    %dma_start3A_63 = tpu.memref_squeeze %dma_start3A_62 : memref<1x1x1000xi32, #tpu.memory_space<vmem>> -> memref<1x1000xi32, #tpu.memory_space<vmem>>
    %dma_start3A_64 = arith.constant 0 : i32
    %dma_start3A_65 = tpu.memref_slice %dma_start3A_63[%dma_start3A_54, %dma_start3A_64] : memref<1x1000xi32, #tpu.memory_space<vmem>> -> memref<1x1000xi32, #tpu.memory_space<vmem>>
    %dma_start3A_66 = tpu.memref_squeeze %dma_start3A_65 : memref<1x1000xi32, #tpu.memory_space<vmem>> -> memref<1000xi32, #tpu.memory_space<vmem>>
    %dma_start3A_67 = arith.constant 0 : i32
    %dma_start3A_68 = arith.constant 0 : i32
    %dma_start3A_69 = tpu.memref_slice %arg3[%dma_start3A_67, %dma_start3A_68] : memref<10000x16xf32, #tpu.memory_space<hbm>> -> memref<10000x16xf32, #tpu.memory_space<hbm>>
    tpu.enqueue_indirect_dma source(%dma_start3A_69 : memref<10000x16xf32, #tpu.memory_space<hbm>>) target(%dma_start3A_59 : memref<1000x16xf32, #tpu.memory_space<vmem>>) offsets(%dma_start3A_66 : memref<1000xi32, #tpu.memory_space<vmem>>) semaphore(%arg21 : memref<!tpu.dma_semaphore, #tpu.memory_space<semaphore_mem>>)
    %scan3A = arith.constant 0 : i32
    %scan3A_70 = arith.constant 0 : i32
    %scan3A_71 = arith.constant 5 : i32
    %scan3A_72 = arith.addi %scan3A_70, %scan3A_71 : i32
    %scan3A_73 = arith.constant 1 : i32
    scf.for %scan3A_81 = %scan3A_70 to %scan3A_72 step %scan3A_73  : i32 {
      %mul3A_82 = arith.constant 2 : i32
      %mul3A_83 = arith.muli %mul3A_82, %scan3A_81 : i32
      %add3A_84 = arith.constant 0 : i32
      %add3A_85 = arith.addi %mul3A_83, %add3A_84 : i32
      %add3A_86 = arith.constant 1 : i32
      %add3A_87 = arith.addi %add3A_85, %add3A_86 : i32
      %lt3A = arith.constant 10 : i32
      %lt3A_88 = arith.cmpi slt, %add3A_87, %lt3A : i32
      %convert_element_type3A_89 = arith.extui %lt3A_88 : i1 to i32
      %cond3A_90 = arith.constant 0 : i32
      %cond3A_91 = arith.cmpi ne, %convert_element_type3A_89, %cond3A_90 : i32
      scf.if %cond3A_91 {
        %add3A_232 = arith.constant 1 : i32
        %add3A_233 = arith.addi %add3A_85, %add3A_232 : i32
        %mul3A_234 = arith.constant 32 : i32
        %mul3A_235 = arith.muli %add3A_233, %mul3A_234 : i32
        %add3A_236 = arith.addi %add3A, %mul3A_235 : i32
        %run_scoped3A_237 = arith.constant 1 : i32
        "tpu.region"() ({
          %run_scoped3A_273 = tpu.sem_alloc : memref<!tpu.dma_semaphore, #tpu.memory_space<semaphore_mem>>
          %dma_start3A_274 = arith.constant 0 : i32
          %dma_start3A_275 = arith.constant 0 : i32
          %dma_start3A_276 = tpu.memref_slice %arg13[%run_scoped3A_237, %dma_start3A_274, %dma_start3A_275] : memref<2x1x1000xi32, #tpu.memory_space<vmem>> -> memref<1x1x1000xi32, #tpu.memory_space<vmem>>
          %dma_start3A_277 = tpu.memref_squeeze %dma_start3A_276 : memref<1x1x1000xi32, #tpu.memory_space<vmem>> -> memref<1x1000xi32, #tpu.memory_space<vmem>>
          %dma_start3A_278 = arith.constant 0 : i32
          %dma_start3A_279 = tpu.memref_slice %arg4[%add3A_236, %dma_start3A_278] : memref<320x1000xi32, #tpu.memory_space<hbm>> -> memref<1x1000xi32, #tpu.memory_space<hbm>>
          %dma_start3A_280 = arith.constant 0 : i32
          %dma_start3A_281 = arith.constant 0 : i32
          %dma_start3A_282 = tpu.memref_slice %arg13[%run_scoped3A_237, %dma_start3A_280, %dma_start3A_281] : memref<2x1x1000xi32, #tpu.memory_space<vmem>> -> memref<1x1x1000xi32, #tpu.memory_space<vmem>>
          %dma_start3A_283 = tpu.memref_squeeze %dma_start3A_282 : memref<1x1x1000xi32, #tpu.memory_space<vmem>> -> memref<1x1000xi32, #tpu.memory_space<vmem>>
          %dma_start3A_284 = arith.constant 0 : i32
          %dma_start3A_285 = tpu.memref_slice %arg4[%add3A_236, %dma_start3A_284] : memref<320x1000xi32, #tpu.memory_space<hbm>> -> memref<1x1000xi32, #tpu.memory_space<hbm>>
          tpu.enqueue_dma source(%dma_start3A_285 : memref<1x1000xi32, #tpu.memory_space<hbm>>) target(%dma_start3A_283 : memref<1x1000xi32, #tpu.memory_space<vmem>>) target_semaphore(%run_scoped3A_273 : memref<!tpu.dma_semaphore, #tpu.memory_space<semaphore_mem>>)
          %dma_wait3A_286 = arith.constant 0 : i32
          %dma_wait3A_287 = arith.constant 0 : i32
          %dma_wait3A_288 = tpu.memref_slice %arg13[%run_scoped3A_237, %dma_wait3A_286, %dma_wait3A_287] : memref<2x1x1000xi32, #tpu.memory_space<vmem>> -> memref<1x1x1000xi32, #tpu.memory_space<vmem>>
          %dma_wait3A_289 = tpu.memref_squeeze %dma_wait3A_288 : memref<1x1x1000xi32, #tpu.memory_space<vmem>> -> memref<1x1000xi32, #tpu.memory_space<vmem>>
          %dma_wait3A_290 = arith.constant 0 : i32
          %dma_wait3A_291 = tpu.memref_slice %arg4[%add3A_236, %dma_wait3A_290] : memref<320x1000xi32, #tpu.memory_space<hbm>> -> memref<1x1000xi32, #tpu.memory_space<hbm>>
          %dma_wait3A_292 = arith.constant 0 : i32
          %dma_wait3A_293 = arith.constant 0 : i32
          %dma_wait3A_294 = tpu.memref_slice %arg13[%run_scoped3A_237, %dma_wait3A_292, %dma_wait3A_293] : memref<2x1x1000xi32, #tpu.memory_space<vmem>> -> memref<1x1x1000xi32, #tpu.memory_space<vmem>>
          %dma_wait3A_295 = tpu.memref_squeeze %dma_wait3A_294 : memref<1x1x1000xi32, #tpu.memory_space<vmem>> -> memref<1x1000xi32, #tpu.memory_space<vmem>>
          %dma_wait3A_296 = arith.constant 0 : i32
          %dma_wait3A_297 = tpu.memref_slice %arg4[%add3A_236, %dma_wait3A_296] : memref<320x1000xi32, #tpu.memory_space<hbm>> -> memref<1x1000xi32, #tpu.memory_space<hbm>>
          tpu.wait_dma2 semaphore(%run_scoped3A_273 : memref<!tpu.dma_semaphore, #tpu.memory_space<semaphore_mem>>) src(%dma_wait3A_297 : memref<1x1000xi32, #tpu.memory_space<hbm>>) dst(%dma_wait3A_295 : memref<1x1000xi32, #tpu.memory_space<vmem>>)
          tpu.yield
        }) : () -> ()
        %run_scoped3A_238 = arith.constant 1 : i32
        "tpu.region"() ({
          %run_scoped3A_273 = tpu.sem_alloc : memref<!tpu.dma_semaphore, #tpu.memory_space<semaphore_mem>>
          %dma_start3A_274 = arith.constant 0 : i32
          %dma_start3A_275 = arith.constant 0 : i32
          %dma_start3A_276 = tpu.memref_slice %arg14[%run_scoped3A_238, %dma_start3A_274, %dma_start3A_275] : memref<2x1x1000xi32, #tpu.memory_space<vmem>> -> memref<1x1x1000xi32, #tpu.memory_space<vmem>>
          %dma_start3A_277 = tpu.memref_squeeze %dma_start3A_276 : memref<1x1x1000xi32, #tpu.memory_space<vmem>> -> memref<1x1000xi32, #tpu.memory_space<vmem>>
          %dma_start3A_278 = arith.constant 0 : i32
          %dma_start3A_279 = tpu.memref_slice %arg5[%add3A_236, %dma_start3A_278] : memref<320x1000xi32, #tpu.memory_space<hbm>> -> memref<1x1000xi32, #tpu.memory_space<hbm>>
          %dma_start3A_280 = arith.constant 0 : i32
          %dma_start3A_281 = arith.constant 0 : i32
          %dma_start3A_282 = tpu.memref_slice %arg14[%run_scoped3A_238, %dma_start3A_280, %dma_start3A_281] : memref<2x1x1000xi32, #tpu.memory_space<vmem>> -> memref<1x1x1000xi32, #tpu.memory_space<vmem>>
          %dma_start3A_283 = tpu.memref_squeeze %dma_start3A_282 : memref<1x1x1000xi32, #tpu.memory_space<vmem>> -> memref<1x1000xi32, #tpu.memory_space<vmem>>
          %dma_start3A_284 = arith.constant 0 : i32
          %dma_start3A_285 = tpu.memref_slice %arg5[%add3A_236, %dma_start3A_284] : memref<320x1000xi32, #tpu.memory_space<hbm>> -> memref<1x1000xi32, #tpu.memory_space<hbm>>
          tpu.enqueue_dma source(%dma_start3A_285 : memref<1x1000xi32, #tpu.memory_space<hbm>>) target(%dma_start3A_283 : memref<1x1000xi32, #tpu.memory_space<vmem>>) target_semaphore(%run_scoped3A_273 : memref<!tpu.dma_semaphore, #tpu.memory_space<semaphore_mem>>)
          %dma_wait3A_286 = arith.constant 0 : i32
          %dma_wait3A_287 = arith.constant 0 : i32
          %dma_wait3A_288 = tpu.memref_slice %arg14[%run_scoped3A_238, %dma_wait3A_286, %dma_wait3A_287] : memref<2x1x1000xi32, #tpu.memory_space<vmem>> -> memref<1x1x1000xi32, #tpu.memory_space<vmem>>
          %dma_wait3A_289 = tpu.memref_squeeze %dma_wait3A_288 : memref<1x1x1000xi32, #tpu.memory_space<vmem>> -> memref<1x1000xi32, #tpu.memory_space<vmem>>
          %dma_wait3A_290 = arith.constant 0 : i32
          %dma_wait3A_291 = tpu.memref_slice %arg5[%add3A_236, %dma_wait3A_290] : memref<320x1000xi32, #tpu.memory_space<hbm>> -> memref<1x1000xi32, #tpu.memory_space<hbm>>
          %dma_wait3A_292 = arith.constant 0 : i32
          %dma_wait3A_293 = arith.constant 0 : i32
          %dma_wait3A_294 = tpu.memref_slice %arg14[%run_scoped3A_238, %dma_wait3A_292, %dma_wait3A_293] : memref<2x1x1000xi32, #tpu.memory_space<vmem>> -> memref<1x1x1000xi32, #tpu.memory_space<vmem>>
          %dma_wait3A_295 = tpu.memref_squeeze %dma_wait3A_294 : memref<1x1x1000xi32, #tpu.memory_space<vmem>> -> memref<1x1000xi32, #tpu.memory_space<vmem>>
          %dma_wait3A_296 = arith.constant 0 : i32
          %dma_wait3A_297 = tpu.memref_slice %arg5[%add3A_236, %dma_wait3A_296] : memref<320x1000xi32, #tpu.memory_space<hbm>> -> memref<1x1000xi32, #tpu.memory_space<hbm>>
          tpu.wait_dma2 semaphore(%run_scoped3A_273 : memref<!tpu.dma_semaphore, #tpu.memory_space<semaphore_mem>>) src(%dma_wait3A_297 : memref<1x1000xi32, #tpu.memory_space<hbm>>) dst(%dma_wait3A_295 : memref<1x1000xi32, #tpu.memory_space<vmem>>)
          tpu.yield
        }) : () -> ()
        %dma_start3A_239 = arith.constant 1 : i32
        %dma_start3A_240 = arith.constant 0 : i32
        %dma_start3A_241 = arith.constant 1 : i32
        %dma_start3A_242 = arith.constant 0 : i32
        %dma_start3A_243 = arith.constant 0 : i32
        %dma_start3A_244 = tpu.memref_slice %arg15[%dma_start3A_241, %dma_start3A_242, %dma_start3A_243] : memref<2x1000x16xf32, #tpu.memory_space<vmem>> -> memref<1x1000x16xf32, #tpu.memory_space<vmem>>
        %dma_start3A_245 = tpu.memref_squeeze %dma_start3A_244 : memref<1x1000x16xf32, #tpu.memory_space<vmem>> -> memref<1000x16xf32, #tpu.memory_space<vmem>>
        %dma_start3A_246 = arith.constant 0 : i32
        %dma_start3A_247 = arith.constant 0 : i32
        %dma_start3A_248 = tpu.memref_slice %arg13[%dma_start3A_239, %dma_start3A_246, %dma_start3A_247] : memref<2x1x1000xi32, #tpu.memory_space<vmem>> -> memref<1x1x1000xi32, #tpu.memory_space<vmem>>
        %dma_start3A_249 = tpu.memref_squeeze %dma_start3A_248 : memref<1x1x1000xi32, #tpu.memory_space<vmem>> -> memref<1x1000xi32, #tpu.memory_space<vmem>>
        %dma_start3A_250 = arith.constant 0 : i32
        %dma_start3A_251 = tpu.memref_slice %dma_start3A_249[%dma_start3A_240, %dma_start3A_250] : memref<1x1000xi32, #tpu.memory_space<vmem>> -> memref<1x1000xi32, #tpu.memory_space<vmem>>
        %dma_start3A_252 = tpu.memref_squeeze %dma_start3A_251 : memref<1x1000xi32, #tpu.memory_space<vmem>> -> memref<1000xi32, #tpu.memory_space<vmem>>
        %dma_start3A_253 = arith.constant 0 : i32
        %dma_start3A_254 = arith.constant 0 : i32
        %dma_start3A_255 = tpu.memref_slice %arg2[%dma_start3A_253, %dma_start3A_254] : memref<10000x16xf32, #tpu.memory_space<hbm>> -> memref<10000x16xf32, #tpu.memory_space<hbm>>
        tpu.enqueue_indirect_dma source(%dma_start3A_255 : memref<10000x16xf32, #tpu.memory_space<hbm>>) target(%dma_start3A_245 : memref<1000x16xf32, #tpu.memory_space<vmem>>) offsets(%dma_start3A_252 : memref<1000xi32, #tpu.memory_space<vmem>>) semaphore(%arg21 : memref<!tpu.dma_semaphore, #tpu.memory_space<semaphore_mem>>)
        %dma_start3A_256 = arith.constant 1 : i32
        %dma_start3A_257 = arith.constant 0 : i32
        %dma_start3A_258 = arith.constant 1 : i32
        %dma_start3A_259 = arith.constant 0 : i32
        %dma_start3A_260 = arith.constant 0 : i32
        %dma_start3A_261 = tpu.memref_slice %arg16[%dma_start3A_258, %dma_start3A_259, %dma_start3A_260] : memref<2x1000x16xf32, #tpu.memory_space<vmem>> -> memref<1x1000x16xf32, #tpu.memory_space<vmem>>
        %dma_start3A_262 = tpu.memref_squeeze %dma_start3A_261 : memref<1x1000x16xf32, #tpu.memory_space<vmem>> -> memref<1000x16xf32, #tpu.memory_space<vmem>>
        %dma_start3A_263 = arith.constant 0 : i32
        %dma_start3A_264 = arith.constant 0 : i32
        %dma_start3A_265 = tpu.memref_slice %arg14[%dma_start3A_256, %dma_start3A_263, %dma_start3A_264] : memref<2x1x1000xi32, #tpu.memory_space<vmem>> -> memref<1x1x1000xi32, #tpu.memory_space<vmem>>
        %dma_start3A_266 = tpu.memref_squeeze %dma_start3A_265 : memref<1x1x1000xi32, #tpu.memory_space<vmem>> -> memref<1x1000xi32, #tpu.memory_space<vmem>>
        %dma_start3A_267 = arith.constant 0 : i32
        %dma_start3A_268 = tpu.memref_slice %dma_start3A_266[%dma_start3A_257, %dma_start3A_267] : memref<1x1000xi32, #tpu.memory_space<vmem>> -> memref<1x1000xi32, #tpu.memory_space<vmem>>
        %dma_start3A_269 = tpu.memref_squeeze %dma_start3A_268 : memref<1x1000xi32, #tpu.memory_space<vmem>> -> memref<1000xi32, #tpu.memory_space<vmem>>
        %dma_start3A_270 = arith.constant 0 : i32
        %dma_start3A_271 = arith.constant 0 : i32
        %dma_start3A_272 = tpu.memref_slice %arg3[%dma_start3A_270, %dma_start3A_271] : memref<10000x16xf32, #tpu.memory_space<hbm>> -> memref<10000x16xf32, #tpu.memory_space<hbm>>
        tpu.enqueue_indirect_dma source(%dma_start3A_272 : memref<10000x16xf32, #tpu.memory_space<hbm>>) target(%dma_start3A_262 : memref<1000x16xf32, #tpu.memory_space<vmem>>) offsets(%dma_start3A_269 : memref<1000xi32, #tpu.memory_space<vmem>>) semaphore(%arg21 : memref<!tpu.dma_semaphore, #tpu.memory_space<semaphore_mem>>)
      } else {
      }
      %mul3A_92 = arith.constant 32 : i32
      %mul3A_93 = arith.muli %add3A_85, %mul3A_92 : i32
      %add3A_94 = arith.addi %add3A, %mul3A_93 : i32
      %mul3A_95 = arith.constant 1000 : i32
      %mul3A_96 = arith.muli %add3A_94, %mul3A_95 : i32
      %dma_start3A_97 = arith.constant 0 : i32
      %dma_start3A_98 = arith.constant 0 : i32
      %dma_start3A_99 = tpu.memref_slice %arg17[%dma_start3A_97, %dma_start3A_98] : memref<16x1024xf32, #tpu.memory_space<vmem>> -> memref<16x1000xf32, #tpu.memory_space<vmem>>
      %dma_start3A_100 = arith.constant 0 : i32
      %dma_start3A_101 = tpu.memref_slice %arg6[%dma_start3A_100, %mul3A_96] : memref<16x320000xf32, #tpu.memory_space<hbm>> -> memref<16x1000xf32, #tpu.memory_space<hbm>>
      %dma_start3A_102 = arith.constant 0 : i32
      %dma_start3A_103 = arith.constant 0 : i32
      %dma_start3A_104 = tpu.memref_slice %arg17[%dma_start3A_102, %dma_start3A_103] : memref<16x1024xf32, #tpu.memory_space<vmem>> -> memref<16x1000xf32, #tpu.memory_space<vmem>>
      %dma_start3A_105 = arith.constant 0 : i32
      %dma_start3A_106 = tpu.memref_slice %arg6[%dma_start3A_105, %mul3A_96] : memref<16x320000xf32, #tpu.memory_space<hbm>> -> memref<16x1000xf32, #tpu.memory_space<hbm>>
      tpu.enqueue_dma source(%dma_start3A_106 : memref<16x1000xf32, #tpu.memory_space<hbm>>) target(%dma_start3A_104 : memref<16x1000xf32, #tpu.memory_space<vmem>>) target_semaphore(%arg22 : memref<!tpu.dma_semaphore, #tpu.memory_space<semaphore_mem>>)
      %dma_wait3A = arith.constant 0 : i32
      %dma_wait3A_107 = arith.constant 0 : i32
      %dma_wait3A_108 = arith.constant 0 : i32
      %dma_wait3A_109 = tpu.memref_slice %arg15[%dma_wait3A, %dma_wait3A_107, %dma_wait3A_108] : memref<2x1000x16xf32, #tpu.memory_space<vmem>> -> memref<1x1000x16xf32, #tpu.memory_space<vmem>>
      %dma_wait3A_110 = tpu.memref_squeeze %dma_wait3A_109 : memref<1x1000x16xf32, #tpu.memory_space<vmem>> -> memref<1000x16xf32, #tpu.memory_space<vmem>>
      %dma_wait3A_111 = arith.constant 0 : i32
      %dma_wait3A_112 = arith.constant 0 : i32
      %dma_wait3A_113 = tpu.memref_slice %arg2[%dma_wait3A_111, %dma_wait3A_112] : memref<10000x16xf32, #tpu.memory_space<hbm>> -> memref<1000x16xf32, #tpu.memory_space<hbm>>
      %dma_wait3A_114 = arith.constant 0 : i32
      %dma_wait3A_115 = arith.constant 0 : i32
      %dma_wait3A_116 = tpu.memref_slice %arg15[%dma_wait3A, %dma_wait3A_114, %dma_wait3A_115] : memref<2x1000x16xf32, #tpu.memory_space<vmem>> -> memref<1x1000x16xf32, #tpu.memory_space<vmem>>
      %dma_wait3A_117 = tpu.memref_squeeze %dma_wait3A_116 : memref<1x1000x16xf32, #tpu.memory_space<vmem>> -> memref<1000x16xf32, #tpu.memory_space<vmem>>
      %dma_wait3A_118 = arith.constant 0 : i32
      %dma_wait3A_119 = arith.constant 0 : i32
      %dma_wait3A_120 = tpu.memref_slice %arg2[%dma_wait3A_118, %dma_wait3A_119] : memref<10000x16xf32, #tpu.memory_space<hbm>> -> memref<1000x16xf32, #tpu.memory_space<hbm>>
      tpu.wait_dma2 semaphore(%arg21 : memref<!tpu.dma_semaphore, #tpu.memory_space<semaphore_mem>>) src(%dma_wait3A_120 : memref<1000x16xf32, #tpu.memory_space<hbm>>) dst(%dma_wait3A_117 : memref<1000x16xf32, #tpu.memory_space<vmem>>)
      %dma_wait3A_121 = arith.constant 0 : i32
      %dma_wait3A_122 = arith.constant 0 : i32
      %dma_wait3A_123 = arith.constant 0 : i32
      %dma_wait3A_124 = tpu.memref_slice %arg16[%dma_wait3A_121, %dma_wait3A_122, %dma_wait3A_123] : memref<2x1000x16xf32, #tpu.memory_space<vmem>> -> memref<1x1000x16xf32, #tpu.memory_space<vmem>>
      %dma_wait3A_125 = tpu.memref_squeeze %dma_wait3A_124 : memref<1x1000x16xf32, #tpu.memory_space<vmem>> -> memref<1000x16xf32, #tpu.memory_space<vmem>>
      %dma_wait3A_126 = arith.constant 0 : i32
      %dma_wait3A_127 = arith.constant 0 : i32
      %dma_wait3A_128 = tpu.memref_slice %arg3[%dma_wait3A_126, %dma_wait3A_127] : memref<10000x16xf32, #tpu.memory_space<hbm>> -> memref<1000x16xf32, #tpu.memory_space<hbm>>
      %dma_wait3A_129 = arith.constant 0 : i32
      %dma_wait3A_130 = arith.constant 0 : i32
      %dma_wait3A_131 = tpu.memref_slice %arg16[%dma_wait3A_121, %dma_wait3A_129, %dma_wait3A_130] : memref<2x1000x16xf32, #tpu.memory_space<vmem>> -> memref<1x1000x16xf32, #tpu.memory_space<vmem>>
      %dma_wait3A_132 = tpu.memref_squeeze %dma_wait3A_131 : memref<1x1000x16xf32, #tpu.memory_space<vmem>> -> memref<1000x16xf32, #tpu.memory_space<vmem>>
      %dma_wait3A_133 = arith.constant 0 : i32
      %dma_wait3A_134 = arith.constant 0 : i32
      %dma_wait3A_135 = tpu.memref_slice %arg3[%dma_wait3A_133, %dma_wait3A_134] : memref<10000x16xf32, #tpu.memory_space<hbm>> -> memref<1000x16xf32, #tpu.memory_space<hbm>>
      tpu.wait_dma2 semaphore(%arg21 : memref<!tpu.dma_semaphore, #tpu.memory_space<semaphore_mem>>) src(%dma_wait3A_135 : memref<1000x16xf32, #tpu.memory_space<hbm>>) dst(%dma_wait3A_132 : memref<1000x16xf32, #tpu.memory_space<vmem>>)
      %run_scoped3A_136 = arith.constant 0 : i32
      "tpu.region"() ({
        %run_scoped3A_232 = tpu.sem_alloc : memref<!tpu.dma_semaphore, #tpu.memory_space<semaphore_mem>>
        %dma_start3A_233 = arith.constant 0 : i32
        %dma_start3A_234 = arith.constant 0 : i32
        %dma_start3A_235 = tpu.memref_slice %arg15[%run_scoped3A_136, %dma_start3A_233, %dma_start3A_234] : memref<2x1000x16xf32, #tpu.memory_space<vmem>> -> memref<1x1000x16xf32, #tpu.memory_space<vmem>>
        %dma_start3A_236 = tpu.memref_squeeze %dma_start3A_235 : memref<1x1000x16xf32, #tpu.memory_space<vmem>> -> memref<1000x16xf32, #tpu.memory_space<vmem>>
        %dma_start3A_237 = arith.constant 0 : i32
        %dma_start3A_238 = tpu.memref_slice %arg9[%mul3A_96, %dma_start3A_237] : memref<320000x16xf32, #tpu.memory_space<hbm>> -> memref<1000x16xf32, #tpu.memory_space<hbm>>
        %dma_start3A_239 = arith.constant 0 : i32
        %dma_start3A_240 = tpu.memref_slice %arg9[%mul3A_96, %dma_start3A_239] : memref<320000x16xf32, #tpu.memory_space<hbm>> -> memref<1000x16xf32, #tpu.memory_space<hbm>>
        %dma_start3A_241 = arith.constant 0 : i32
        %dma_start3A_242 = arith.constant 0 : i32
        %dma_start3A_243 = tpu.memref_slice %arg15[%run_scoped3A_136, %dma_start3A_241, %dma_start3A_242] : memref<2x1000x16xf32, #tpu.memory_space<vmem>> -> memref<1x1000x16xf32, #tpu.memory_space<vmem>>
        %dma_start3A_244 = tpu.memref_squeeze %dma_start3A_243 : memref<1x1000x16xf32, #tpu.memory_space<vmem>> -> memref<1000x16xf32, #tpu.memory_space<vmem>>
        tpu.enqueue_dma source(%dma_start3A_244 : memref<1000x16xf32, #tpu.memory_space<vmem>>) target(%dma_start3A_240 : memref<1000x16xf32, #tpu.memory_space<hbm>>) target_semaphore(%run_scoped3A_232 : memref<!tpu.dma_semaphore, #tpu.memory_space<semaphore_mem>>)
        %dma_wait3A_245 = arith.constant 0 : i32
        %dma_wait3A_246 = arith.constant 0 : i32
        %dma_wait3A_247 = tpu.memref_slice %arg15[%run_scoped3A_136, %dma_wait3A_245, %dma_wait3A_246] : memref<2x1000x16xf32, #tpu.memory_space<vmem>> -> memref<1x1000x16xf32, #tpu.memory_space<vmem>>
        %dma_wait3A_248 = tpu.memref_squeeze %dma_wait3A_247 : memref<1x1000x16xf32, #tpu.memory_space<vmem>> -> memref<1000x16xf32, #tpu.memory_space<vmem>>
        %dma_wait3A_249 = arith.constant 0 : i32
        %dma_wait3A_250 = tpu.memref_slice %arg9[%mul3A_96, %dma_wait3A_249] : memref<320000x16xf32, #tpu.memory_space<hbm>> -> memref<1000x16xf32, #tpu.memory_space<hbm>>
        %dma_wait3A_251 = arith.constant 0 : i32
        %dma_wait3A_252 = tpu.memref_slice %arg9[%mul3A_96, %dma_wait3A_251] : memref<320000x16xf32, #tpu.memory_space<hbm>> -> memref<1000x16xf32, #tpu.memory_space<hbm>>
        %dma_wait3A_253 = arith.constant 0 : i32
        %dma_wait3A_254 = arith.constant 0 : i32
        %dma_wait3A_255 = tpu.memref_slice %arg15[%run_scoped3A_136, %dma_wait3A_253, %dma_wait3A_254] : memref<2x1000x16xf32, #tpu.memory_space<vmem>> -> memref<1x1000x16xf32, #tpu.memory_space<vmem>>
        %dma_wait3A_256 = tpu.memref_squeeze %dma_wait3A_255 : memref<1x1000x16xf32, #tpu.memory_space<vmem>> -> memref<1000x16xf32, #tpu.memory_space<vmem>>
        tpu.wait_dma2 semaphore(%run_scoped3A_232 : memref<!tpu.dma_semaphore, #tpu.memory_space<semaphore_mem>>) src(%dma_wait3A_256 : memref<1000x16xf32, #tpu.memory_space<vmem>>) dst(%dma_wait3A_252 : memref<1000x16xf32, #tpu.memory_space<hbm>>)
        tpu.yield
      }) : () -> ()
      %run_scoped3A_137 = arith.constant 0 : i32
      "tpu.region"() ({
        %run_scoped3A_232 = tpu.sem_alloc : memref<!tpu.dma_semaphore, #tpu.memory_space<semaphore_mem>>
        %dma_start3A_233 = arith.constant 0 : i32
        %dma_start3A_234 = arith.constant 0 : i32
        %dma_start3A_235 = tpu.memref_slice %arg16[%run_scoped3A_137, %dma_start3A_233, %dma_start3A_234] : memref<2x1000x16xf32, #tpu.memory_space<vmem>> -> memref<1x1000x16xf32, #tpu.memory_space<vmem>>
        %dma_start3A_236 = tpu.memref_squeeze %dma_start3A_235 : memref<1x1000x16xf32, #tpu.memory_space<vmem>> -> memref<1000x16xf32, #tpu.memory_space<vmem>>
        %dma_start3A_237 = arith.constant 0 : i32
        %dma_start3A_238 = tpu.memref_slice %arg10[%mul3A_96, %dma_start3A_237] : memref<320000x16xf32, #tpu.memory_space<hbm>> -> memref<1000x16xf32, #tpu.memory_space<hbm>>
        %dma_start3A_239 = arith.constant 0 : i32
        %dma_start3A_240 = tpu.memref_slice %arg10[%mul3A_96, %dma_start3A_239] : memref<320000x16xf32, #tpu.memory_space<hbm>> -> memref<1000x16xf32, #tpu.memory_space<hbm>>
        %dma_start3A_241 = arith.constant 0 : i32
        %dma_start3A_242 = arith.constant 0 : i32
        %dma_start3A_243 = tpu.memref_slice %arg16[%run_scoped3A_137, %dma_start3A_241, %dma_start3A_242] : memref<2x1000x16xf32, #tpu.memory_space<vmem>> -> memref<1x1000x16xf32, #tpu.memory_space<vmem>>
        %dma_start3A_244 = tpu.memref_squeeze %dma_start3A_243 : memref<1x1000x16xf32, #tpu.memory_space<vmem>> -> memref<1000x16xf32, #tpu.memory_space<vmem>>
        tpu.enqueue_dma source(%dma_start3A_244 : memref<1000x16xf32, #tpu.memory_space<vmem>>) target(%dma_start3A_240 : memref<1000x16xf32, #tpu.memory_space<hbm>>) target_semaphore(%run_scoped3A_232 : memref<!tpu.dma_semaphore, #tpu.memory_space<semaphore_mem>>)
        %dma_wait3A_245 = arith.constant 0 : i32
        %dma_wait3A_246 = arith.constant 0 : i32
        %dma_wait3A_247 = tpu.memref_slice %arg16[%run_scoped3A_137, %dma_wait3A_245, %dma_wait3A_246] : memref<2x1000x16xf32, #tpu.memory_space<vmem>> -> memref<1x1000x16xf32, #tpu.memory_space<vmem>>
        %dma_wait3A_248 = tpu.memref_squeeze %dma_wait3A_247 : memref<1x1000x16xf32, #tpu.memory_space<vmem>> -> memref<1000x16xf32, #tpu.memory_space<vmem>>
        %dma_wait3A_249 = arith.constant 0 : i32
        %dma_wait3A_250 = tpu.memref_slice %arg10[%mul3A_96, %dma_wait3A_249] : memref<320000x16xf32, #tpu.memory_space<hbm>> -> memref<1000x16xf32, #tpu.memory_space<hbm>>
        %dma_wait3A_251 = arith.constant 0 : i32
        %dma_wait3A_252 = tpu.memref_slice %arg10[%mul3A_96, %dma_wait3A_251] : memref<320000x16xf32, #tpu.memory_space<hbm>> -> memref<1000x16xf32, #tpu.memory_space<hbm>>
        %dma_wait3A_253 = arith.constant 0 : i32
        %dma_wait3A_254 = arith.constant 0 : i32
        %dma_wait3A_255 = tpu.memref_slice %arg16[%run_scoped3A_137, %dma_wait3A_253, %dma_wait3A_254] : memref<2x1000x16xf32, #tpu.memory_space<vmem>> -> memref<1x1000x16xf32, #tpu.memory_space<vmem>>
        %dma_wait3A_256 = tpu.memref_squeeze %dma_wait3A_255 : memref<1x1000x16xf32, #tpu.memory_space<vmem>> -> memref<1000x16xf32, #tpu.memory_space<vmem>>
        tpu.wait_dma2 semaphore(%run_scoped3A_232 : memref<!tpu.dma_semaphore, #tpu.memory_space<semaphore_mem>>) src(%dma_wait3A_256 : memref<1000x16xf32, #tpu.memory_space<vmem>>) dst(%dma_wait3A_252 : memref<1000x16xf32, #tpu.memory_space<hbm>>)
        tpu.yield
      }) : () -> ()
      %run_scoped3A_138 = arith.constant 0 : i32
      %run_scoped3A_139 = arith.constant 0 : i32
      "tpu.region"() ({
        %run_scoped3A_232 = tpu.sem_alloc : memref<!tpu.dma_semaphore, #tpu.memory_space<semaphore_mem>>
        %dma_start3A_233 = arith.constant 0 : i32
        %dma_start3A_234 = arith.constant 0 : i32
        %dma_start3A_235 = tpu.memref_slice %arg14[%run_scoped3A_138, %dma_start3A_233, %dma_start3A_234] : memref<2x1x1000xi32, #tpu.memory_space<vmem>> -> memref<1x1x1000xi32, #tpu.memory_space<vmem>>
        %dma_start3A_236 = tpu.memref_squeeze %dma_start3A_235 : memref<1x1x1000xi32, #tpu.memory_space<vmem>> -> memref<1x1000xi32, #tpu.memory_space<vmem>>
        %dma_start3A_237 = arith.constant 0 : i32
        %dma_start3A_238 = tpu.memref_slice %dma_start3A_236[%run_scoped3A_139, %dma_start3A_237] : memref<1x1000xi32, #tpu.memory_space<vmem>> -> memref<1x1000xi32, #tpu.memory_space<vmem>>
        %dma_start3A_239 = tpu.memref_squeeze %dma_start3A_238 : memref<1x1000xi32, #tpu.memory_space<vmem>> -> memref<1000xi32, #tpu.memory_space<vmem>>
        %dma_start3A_240 = arith.constant 0 : i32
        %dma_start3A_241 = arith.constant 0 : i32
        %dma_start3A_242 = tpu.memref_slice %arg20[%dma_start3A_240, %dma_start3A_241] : memref<10000x16xf32, #tpu.memory_space<vmem_shared>> -> memref<10000x16xf32, #tpu.memory_space<vmem_shared>>
        tpu.enqueue_indirect_dma source(%arg19 : memref<1000x16xf32, #tpu.memory_space<vmem>>) target(%dma_start3A_242 : memref<10000x16xf32, #tpu.memory_space<vmem_shared>>) offsets(%dma_start3A_239 : memref<1000xi32, #tpu.memory_space<vmem>>) semaphore(%run_scoped3A_232 : memref<!tpu.dma_semaphore, #tpu.memory_space<semaphore_mem>>) {add = true}
        %dma_wait3A_243 = arith.constant 0 : i32
        %dma_wait3A_244 = arith.constant 0 : i32
        %dma_wait3A_245 = tpu.memref_slice %arg14[%run_scoped3A_138, %dma_wait3A_243, %dma_wait3A_244] : memref<2x1x1000xi32, #tpu.memory_space<vmem>> -> memref<1x1x1000xi32, #tpu.memory_space<vmem>>
        %dma_wait3A_246 = tpu.memref_squeeze %dma_wait3A_245 : memref<1x1x1000xi32, #tpu.memory_space<vmem>> -> memref<1x1000xi32, #tpu.memory_space<vmem>>
        %dma_wait3A_247 = arith.constant 0 : i32
        %dma_wait3A_248 = tpu.memref_slice %dma_wait3A_246[%run_scoped3A_139, %dma_wait3A_247] : memref<1x1000xi32, #tpu.memory_space<vmem>> -> memref<1x1000xi32, #tpu.memory_space<vmem>>
        %dma_wait3A_249 = tpu.memref_squeeze %dma_wait3A_248 : memref<1x1000xi32, #tpu.memory_space<vmem>> -> memref<1000xi32, #tpu.memory_space<vmem>>
        %dma_wait3A_250 = arith.constant 0 : i32
        %dma_wait3A_251 = arith.constant 0 : i32
        %dma_wait3A_252 = tpu.memref_slice %arg20[%dma_wait3A_250, %dma_wait3A_251] : memref<10000x16xf32, #tpu.memory_space<vmem_shared>> -> memref<10000x16xf32, #tpu.memory_space<vmem_shared>>
        tpu.wait_indirect_dma semaphore(%run_scoped3A_232 : memref<!tpu.dma_semaphore, #tpu.memory_space<semaphore_mem>>) src(%arg19 : memref<1000x16xf32, #tpu.memory_space<vmem>>) dst(%dma_wait3A_252 : memref<10000x16xf32, #tpu.memory_space<vmem_shared>>)
        tpu.yield
      }) : () -> ()
      %dma_wait3A_140 = arith.constant 0 : i32
      %dma_wait3A_141 = arith.constant 0 : i32
      %dma_wait3A_142 = tpu.memref_slice %arg17[%dma_wait3A_140, %dma_wait3A_141] : memref<16x1024xf32, #tpu.memory_space<vmem>> -> memref<16x1000xf32, #tpu.memory_space<vmem>>
      %dma_wait3A_143 = arith.constant 0 : i32
      %dma_wait3A_144 = tpu.memref_slice %arg6[%dma_wait3A_143, %mul3A_96] : memref<16x320000xf32, #tpu.memory_space<hbm>> -> memref<16x1000xf32, #tpu.memory_space<hbm>>
      %dma_wait3A_145 = arith.constant 0 : i32
      %dma_wait3A_146 = arith.constant 0 : i32
      %dma_wait3A_147 = tpu.memref_slice %arg17[%dma_wait3A_145, %dma_wait3A_146] : memref<16x1024xf32, #tpu.memory_space<vmem>> -> memref<16x1000xf32, #tpu.memory_space<vmem>>
      %dma_wait3A_148 = arith.constant 0 : i32
      %dma_wait3A_149 = tpu.memref_slice %arg6[%dma_wait3A_148, %mul3A_96] : memref<16x320000xf32, #tpu.memory_space<hbm>> -> memref<16x1000xf32, #tpu.memory_space<hbm>>
      tpu.wait_dma2 semaphore(%arg22 : memref<!tpu.dma_semaphore, #tpu.memory_space<semaphore_mem>>) src(%dma_wait3A_149 : memref<16x1000xf32, #tpu.memory_space<hbm>>) dst(%dma_wait3A_147 : memref<16x1000xf32, #tpu.memory_space<vmem>>)
      %scan3A_150 = arith.constant 0 : i32
      %scan3A_151 = arith.constant 0 : i32
      %scan3A_152 = arith.constant 64 : i32
      %scan3A_153 = arith.addi %scan3A_151, %scan3A_152 : i32
      %scan3A_154 = arith.constant 1 : i32
      scf.for %scan3A_232 = %scan3A_151 to %scan3A_153 step %scan3A_154  : i32 {
        %mul3A_233 = arith.constant 16 : i32
        %mul3A_234 = arith.muli %scan3A_232, %mul3A_233 : i32
        %add3A_235 = vector.broadcast %mul3A_234 : i32 to vector<16xi32>
        %add3A_236 = arith.addi %iota3A, %add3A_235 : vector<16xi32>
        %mul3A_237 = arith.constant 16 : i32
        %mul3A_238 = arith.muli %scan3A_232, %mul3A_237 : i32
        %get3A = arith.constant 0 : i32
        %get3A_239 = arith.index_cast %get3A : i32 to index
        %get3A_240 = arith.index_cast %mul3A_238 : i32 to index
        %get3A_241 = tpu.vector_load %arg17[%get3A_239, %get3A_240] {strides = array<i32>} : memref<16x1024xf32, #tpu.memory_space<vmem>>, vector<16xf32>,
        tpu.vector_store_idx %arg18[%add3A_236, %broadcast_in_dim3A_3], %get3A_241 : memref<1024x16xf32, #tpu.memory_space<vmem>>[vector<16xi32>, vector<16xi32>], vector<16xf32>,
        %mul3A_242 = arith.constant 16 : i32
        %mul3A_243 = arith.muli %scan3A_232, %mul3A_242 : i32
        %get3A_244 = arith.constant 1 : i32
        %get3A_245 = arith.index_cast %get3A_244 : i32 to index
        %get3A_246 = arith.index_cast %mul3A_243 : i32 to index
        %get3A_247 = tpu.vector_load %arg17[%get3A_245, %get3A_246] {strides = array<i32>} : memref<16x1024xf32, #tpu.memory_space<vmem>>, vector<16xf32>,
        tpu.vector_store_idx %arg18[%add3A_236, %broadcast_in_dim3A_5], %get3A_247 : memref<1024x16xf32, #tpu.memory_space<vmem>>[vector<16xi32>, vector<16xi32>], vector<16xf32>,
        %mul3A_248 = arith.constant 16 : i32
        %mul3A_249 = arith.muli %scan3A_232, %mul3A_248 : i32
        %get3A_250 = arith.constant 2 : i32
        %get3A_251 = arith.index_cast %get3A_250 : i32 to index
        %get3A_252 = arith.index_cast %mul3A_249 : i32 to index
        %get3A_253 = tpu.vector_load %arg17[%get3A_251, %get3A_252] {strides = array<i32>} : memref<16x1024xf32, #tpu.memory_space<vmem>>, vector<16xf32>,
        tpu.vector_store_idx %arg18[%add3A_236, %broadcast_in_dim3A_7], %get3A_253 : memref<1024x16xf32, #tpu.memory_space<vmem>>[vector<16xi32>, vector<16xi32>], vector<16xf32>,
        %mul3A_254 = arith.constant 16 : i32
        %mul3A_255 = arith.muli %scan3A_232, %mul3A_254 : i32
        %get3A_256 = arith.constant 3 : i32
        %get3A_257 = arith.index_cast %get3A_256 : i32 to index
        %get3A_258 = arith.index_cast %mul3A_255 : i32 to index
        %get3A_259 = tpu.vector_load %arg17[%get3A_257, %get3A_258] {strides = array<i32>} : memref<16x1024xf32, #tpu.memory_space<vmem>>, vector<16xf32>,
        tpu.vector_store_idx %arg18[%add3A_236, %broadcast_in_dim3A_9], %get3A_259 : memref<1024x16xf32, #tpu.memory_space<vmem>>[vector<16xi32>, vector<16xi32>], vector<16xf32>,
        %mul3A_260 = arith.constant 16 : i32
        %mul3A_261 = arith.muli %scan3A_232, %mul3A_260 : i32
        %get3A_262 = arith.constant 4 : i32
        %get3A_263 = arith.index_cast %get3A_262 : i32 to index
        %get3A_264 = arith.index_cast %mul3A_261 : i32 to index
        %get3A_265 = tpu.vector_load %arg17[%get3A_263, %get3A_264] {strides = array<i32>} : memref<16x1024xf32, #tpu.memory_space<vmem>>, vector<16xf32>,
        tpu.vector_store_idx %arg18[%add3A_236, %broadcast_in_dim3A_11], %get3A_265 : memref<1024x16xf32, #tpu.memory_space<vmem>>[vector<16xi32>, vector<16xi32>], vector<16xf32>,
        %mul3A_266 = arith.constant 16 : i32
        %mul3A_267 = arith.muli %scan3A_232, %mul3A_266 : i32
        %get3A_268 = arith.constant 5 : i32
        %get3A_269 = arith.index_cast %get3A_268 : i32 to index
        %get3A_270 = arith.index_cast %mul3A_267 : i32 to index
        %get3A_271 = tpu.vector_load %arg17[%get3A_269, %get3A_270] {strides = array<i32>} : memref<16x1024xf32, #tpu.memory_space<vmem>>, vector<16xf32>,
        tpu.vector_store_idx %arg18[%add3A_236, %broadcast_in_dim3A_13], %get3A_271 : memref<1024x16xf32, #tpu.memory_space<vmem>>[vector<16xi32>, vector<16xi32>], vector<16xf32>,
        %mul3A_272 = arith.constant 16 : i32
        %mul3A_273 = arith.muli %scan3A_232, %mul3A_272 : i32
        %get3A_274 = arith.constant 6 : i32
        %get3A_275 = arith.index_cast %get3A_274 : i32 to index
        %get3A_276 = arith.index_cast %mul3A_273 : i32 to index
        %get3A_277 = tpu.vector_load %arg17[%get3A_275, %get3A_276] {strides = array<i32>} : memref<16x1024xf32, #tpu.memory_space<vmem>>, vector<16xf32>,
        tpu.vector_store_idx %arg18[%add3A_236, %broadcast_in_dim3A_15], %get3A_277 : memref<1024x16xf32, #tpu.memory_space<vmem>>[vector<16xi32>, vector<16xi32>], vector<16xf32>,
        %mul3A_278 = arith.constant 16 : i32
        %mul3A_279 = arith.muli %scan3A_232, %mul3A_278 : i32
        %get3A_280 = arith.constant 7 : i32
        %get3A_281 = arith.index_cast %get3A_280 : i32 to index
        %get3A_282 = arith.index_cast %mul3A_279 : i32 to index
        %get3A_283 = tpu.vector_load %arg17[%get3A_281, %get3A_282] {strides = array<i32>} : memref<16x1024xf32, #tpu.memory_space<vmem>>, vector<16xf32>,
        tpu.vector_store_idx %arg18[%add3A_236, %broadcast_in_dim3A_17], %get3A_283 : memref<1024x16xf32, #tpu.memory_space<vmem>>[vector<16xi32>, vector<16xi32>], vector<16xf32>,
        %mul3A_284 = arith.constant 16 : i32
        %mul3A_285 = arith.muli %scan3A_232, %mul3A_284 : i32
        %get3A_286 = arith.constant 8 : i32
        %get3A_287 = arith.index_cast %get3A_286 : i32 to index
        %get3A_288 = arith.index_cast %mul3A_285 : i32 to index
        %get3A_289 = tpu.vector_load %arg17[%get3A_287, %get3A_288] {strides = array<i32>} : memref<16x1024xf32, #tpu.memory_space<vmem>>, vector<16xf32>,
        tpu.vector_store_idx %arg18[%add3A_236, %broadcast_in_dim3A_19], %get3A_289 : memref<1024x16xf32, #tpu.memory_space<vmem>>[vector<16xi32>, vector<16xi32>], vector<16xf32>,
        %mul3A_290 = arith.constant 16 : i32
        %mul3A_291 = arith.muli %scan3A_232, %mul3A_290 : i32
        %get3A_292 = arith.constant 9 : i32
        %get3A_293 = arith.index_cast %get3A_292 : i32 to index
        %get3A_294 = arith.index_cast %mul3A_291 : i32 to index
        %get3A_295 = tpu.vector_load %arg17[%get3A_293, %get3A_294] {strides = array<i32>} : memref<16x1024xf32, #tpu.memory_space<vmem>>, vector<16xf32>,
        tpu.vector_store_idx %arg18[%add3A_236, %broadcast_in_dim3A_21], %get3A_295 : memref<1024x16xf32, #tpu.memory_space<vmem>>[vector<16xi32>, vector<16xi32>], vector<16xf32>,
        %mul3A_296 = arith.constant 16 : i32
        %mul3A_297 = arith.muli %scan3A_232, %mul3A_296 : i32
        %get3A_298 = arith.constant 10 : i32
        %get3A_299 = arith.index_cast %get3A_298 : i32 to index
        %get3A_300 = arith.index_cast %mul3A_297 : i32 to index
        %get3A_301 = tpu.vector_load %arg17[%get3A_299, %get3A_300] {strides = array<i32>} : memref<16x1024xf32, #tpu.memory_space<vmem>>, vector<16xf32>,
        tpu.vector_store_idx %arg18[%add3A_236, %broadcast_in_dim3A_23], %get3A_301 : memref<1024x16xf32, #tpu.memory_space<vmem>>[vector<16xi32>, vector<16xi32>], vector<16xf32>,
        %mul3A_302 = arith.constant 16 : i32
        %mul3A_303 = arith.muli %scan3A_232, %mul3A_302 : i32
        %get3A_304 = arith.constant 11 : i32
        %get3A_305 = arith.index_cast %get3A_304 : i32 to index
        %get3A_306 = arith.index_cast %mul3A_303 : i32 to index
        %get3A_307 = tpu.vector_load %arg17[%get3A_305, %get3A_306] {strides = array<i32>} : memref<16x1024xf32, #tpu.memory_space<vmem>>, vector<16xf32>,
        tpu.vector_store_idx %arg18[%add3A_236, %broadcast_in_dim3A_25], %get3A_307 : memref<1024x16xf32, #tpu.memory_space<vmem>>[vector<16xi32>, vector<16xi32>], vector<16xf32>,
        %mul3A_308 = arith.constant 16 : i32
        %mul3A_309 = arith.muli %scan3A_232, %mul3A_308 : i32
        %get3A_310 = arith.constant 12 : i32
        %get3A_311 = arith.index_cast %get3A_310 : i32 to index
        %get3A_312 = arith.index_cast %mul3A_309 : i32 to index
        %get3A_313 = tpu.vector_load %arg17[%get3A_311, %get3A_312] {strides = array<i32>} : memref<16x1024xf32, #tpu.memory_space<vmem>>, vector<16xf32>,
        tpu.vector_store_idx %arg18[%add3A_236, %broadcast_in_dim3A_27], %get3A_313 : memref<1024x16xf32, #tpu.memory_space<vmem>>[vector<16xi32>, vector<16xi32>], vector<16xf32>,
        %mul3A_314 = arith.constant 16 : i32
        %mul3A_315 = arith.muli %scan3A_232, %mul3A_314 : i32
        %get3A_316 = arith.constant 13 : i32
        %get3A_317 = arith.index_cast %get3A_316 : i32 to index
        %get3A_318 = arith.index_cast %mul3A_315 : i32 to index
        %get3A_319 = tpu.vector_load %arg17[%get3A_317, %get3A_318] {strides = array<i32>} : memref<16x1024xf32, #tpu.memory_space<vmem>>, vector<16xf32>,
        tpu.vector_store_idx %arg18[%add3A_236, %broadcast_in_dim3A_29], %get3A_319 : memref<1024x16xf32, #tpu.memory_space<vmem>>[vector<16xi32>, vector<16xi32>], vector<16xf32>,
        %mul3A_320 = arith.constant 16 : i32
        %mul3A_321 = arith.muli %scan3A_232, %mul3A_320 : i32
        %get3A_322 = arith.constant 14 : i32
        %get3A_323 = arith.index_cast %get3A_322 : i32 to index
        %get3A_324 = arith.index_cast %mul3A_321 : i32 to index
        %get3A_325 = tpu.vector_load %arg17[%get3A_323, %get3A_324] {strides = array<i32>} : memref<16x1024xf32, #tpu.memory_space<vmem>>, vector<16xf32>,
        tpu.vector_store_idx %arg18[%add3A_236, %broadcast_in_dim3A_31], %get3A_325 : memref<1024x16xf32, #tpu.memory_space<vmem>>[vector<16xi32>, vector<16xi32>], vector<16xf32>,
        %mul3A_326 = arith.constant 16 : i32
        %mul3A_327 = arith.muli %scan3A_232, %mul3A_326 : i32
        %get3A_328 = arith.constant 15 : i32
        %get3A_329 = arith.index_cast %get3A_328 : i32 to index
        %get3A_330 = arith.index_cast %mul3A_327 : i32 to index
        %get3A_331 = tpu.vector_load %arg17[%get3A_329, %get3A_330] {strides = array<i32>} : memref<16x1024xf32, #tpu.memory_space<vmem>>, vector<16xf32>,
        tpu.vector_store_idx %arg18[%add3A_236, %broadcast_in_dim3A_33], %get3A_331 : memref<1024x16xf32, #tpu.memory_space<vmem>>[vector<16xi32>, vector<16xi32>], vector<16xf32>,
      }
      %scan3A_155 = arith.constant 64 : i32
      "tpu.region"() ({
        %run_scoped3A_232 = tpu.sem_alloc : memref<!tpu.dma_semaphore, #tpu.memory_space<semaphore_mem>>
        %dma_start3A_233 = arith.constant 0 : i32
        %dma_start3A_234 = arith.constant 0 : i32
        %dma_start3A_235 = tpu.memref_slice %arg18[%dma_start3A_233, %dma_start3A_234] : memref<1024x16xf32, #tpu.memory_space<vmem>> -> memref<1000x16xf32, #tpu.memory_space<vmem>>
        %dma_start3A_236 = arith.constant 0 : i32
        %dma_start3A_237 = tpu.memref_slice %arg11[%mul3A_96, %dma_start3A_236] : memref<320000x16xf32, #tpu.memory_space<hbm>> -> memref<1000x16xf32, #tpu.memory_space<hbm>>
        %dma_start3A_238 = arith.constant 0 : i32
        %dma_start3A_239 = tpu.memref_slice %arg11[%mul3A_96, %dma_start3A_238] : memref<320000x16xf32, #tpu.memory_space<hbm>> -> memref<1000x16xf32, #tpu.memory_space<hbm>>
        %dma_start3A_240 = arith.constant 0 : i32
        %dma_start3A_241 = arith.constant 0 : i32
        %dma_start3A_242 = tpu.memref_slice %arg18[%dma_start3A_240, %dma_start3A_241] : memref<1024x16xf32, #tpu.memory_space<vmem>> -> memref<1000x16xf32, #tpu.memory_space<vmem>>
        tpu.enqueue_dma source(%dma_start3A_242 : memref<1000x16xf32, #tpu.memory_space<vmem>>) target(%dma_start3A_239 : memref<1000x16xf32, #tpu.memory_space<hbm>>) target_semaphore(%run_scoped3A_232 : memref<!tpu.dma_semaphore, #tpu.memory_space<semaphore_mem>>)
        %dma_wait3A_243 = arith.constant 0 : i32
        %dma_wait3A_244 = arith.constant 0 : i32
        %dma_wait3A_245 = tpu.memref_slice %arg18[%dma_wait3A_243, %dma_wait3A_244] : memref<1024x16xf32, #tpu.memory_space<vmem>> -> memref<1000x16xf32, #tpu.memory_space<vmem>>
        %dma_wait3A_246 = arith.constant 0 : i32
        %dma_wait3A_247 = tpu.memref_slice %arg11[%mul3A_96, %dma_wait3A_246] : memref<320000x16xf32, #tpu.memory_space<hbm>> -> memref<1000x16xf32, #tpu.memory_space<hbm>>
        %dma_wait3A_248 = arith.constant 0 : i32
        %dma_wait3A_249 = tpu.memref_slice %arg11[%mul3A_96, %dma_wait3A_248] : memref<320000x16xf32, #tpu.memory_space<hbm>> -> memref<1000x16xf32, #tpu.memory_space<hbm>>
        %dma_wait3A_250 = arith.constant 0 : i32
        %dma_wait3A_251 = arith.constant 0 : i32
        %dma_wait3A_252 = tpu.memref_slice %arg18[%dma_wait3A_250, %dma_wait3A_251] : memref<1024x16xf32, #tpu.memory_space<vmem>> -> memref<1000x16xf32, #tpu.memory_space<vmem>>
        tpu.wait_dma2 semaphore(%run_scoped3A_232 : memref<!tpu.dma_semaphore, #tpu.memory_space<semaphore_mem>>) src(%dma_wait3A_252 : memref<1000x16xf32, #tpu.memory_space<vmem>>) dst(%dma_wait3A_249 : memref<1000x16xf32, #tpu.memory_space<hbm>>)
        tpu.yield
      }) : () -> ()
      %mul3A_156 = arith.constant 2 : i32
      %mul3A_157 = arith.muli %mul3A_156, %scan3A_81 : i32
      %add3A_158 = arith.constant 1 : i32
      %add3A_159 = arith.addi %mul3A_157, %add3A_158 : i32
      %add3A_160 = arith.constant 1 : i32
      %add3A_161 = arith.addi %add3A_159, %add3A_160 : i32
      %lt3A_162 = arith.constant 10 : i32
      %lt3A_163 = arith.cmpi slt, %add3A_161, %lt3A_162 : i32
      %convert_element_type3A_164 = arith.extui %lt3A_163 : i1 to i32
      %cond3A_165 = arith.constant 0 : i32
      %cond3A_166 = arith.cmpi ne, %convert_element_type3A_164, %cond3A_165 : i32
      scf.if %cond3A_166 {
        %add3A_232 = arith.constant 1 : i32
        %add3A_233 = arith.addi %add3A_159, %add3A_232 : i32
        %mul3A_234 = arith.constant 32 : i32
        %mul3A_235 = arith.muli %add3A_233, %mul3A_234 : i32
        %add3A_236 = arith.addi %add3A, %mul3A_235 : i32
        %run_scoped3A_237 = arith.constant 0 : i32
        "tpu.region"() ({
          %run_scoped3A_273 = tpu.sem_alloc : memref<!tpu.dma_semaphore, #tpu.memory_space<semaphore_mem>>
          %dma_start3A_274 = arith.constant 0 : i32
          %dma_start3A_275 = arith.constant 0 : i32
          %dma_start3A_276 = tpu.memref_slice %arg13[%run_scoped3A_237, %dma_start3A_274, %dma_start3A_275] : memref<2x1x1000xi32, #tpu.memory_space<vmem>> -> memref<1x1x1000xi32, #tpu.memory_space<vmem>>
          %dma_start3A_277 = tpu.memref_squeeze %dma_start3A_276 : memref<1x1x1000xi32, #tpu.memory_space<vmem>> -> memref<1x1000xi32, #tpu.memory_space<vmem>>
          %dma_start3A_278 = arith.constant 0 : i32
          %dma_start3A_279 = tpu.memref_slice %arg4[%add3A_236, %dma_start3A_278] : memref<320x1000xi32, #tpu.memory_space<hbm>> -> memref<1x1000xi32, #tpu.memory_space<hbm>>
          %dma_start3A_280 = arith.constant 0 : i32
          %dma_start3A_281 = arith.constant 0 : i32
          %dma_start3A_282 = tpu.memref_slice %arg13[%run_scoped3A_237, %dma_start3A_280, %dma_start3A_281] : memref<2x1x1000xi32, #tpu.memory_space<vmem>> -> memref<1x1x1000xi32, #tpu.memory_space<vmem>>
          %dma_start3A_283 = tpu.memref_squeeze %dma_start3A_282 : memref<1x1x1000xi32, #tpu.memory_space<vmem>> -> memref<1x1000xi32, #tpu.memory_space<vmem>>
          %dma_start3A_284 = arith.constant 0 : i32
          %dma_start3A_285 = tpu.memref_slice %arg4[%add3A_236, %dma_start3A_284] : memref<320x1000xi32, #tpu.memory_space<hbm>> -> memref<1x1000xi32, #tpu.memory_space<hbm>>
          tpu.enqueue_dma source(%dma_start3A_285 : memref<1x1000xi32, #tpu.memory_space<hbm>>) target(%dma_start3A_283 : memref<1x1000xi32, #tpu.memory_space<vmem>>) target_semaphore(%run_scoped3A_273 : memref<!tpu.dma_semaphore, #tpu.memory_space<semaphore_mem>>)
          %dma_wait3A_286 = arith.constant 0 : i32
          %dma_wait3A_287 = arith.constant 0 : i32
          %dma_wait3A_288 = tpu.memref_slice %arg13[%run_scoped3A_237, %dma_wait3A_286, %dma_wait3A_287] : memref<2x1x1000xi32, #tpu.memory_space<vmem>> -> memref<1x1x1000xi32, #tpu.memory_space<vmem>>
          %dma_wait3A_289 = tpu.memref_squeeze %dma_wait3A_288 : memref<1x1x1000xi32, #tpu.memory_space<vmem>> -> memref<1x1000xi32, #tpu.memory_space<vmem>>
          %dma_wait3A_290 = arith.constant 0 : i32
          %dma_wait3A_291 = tpu.memref_slice %arg4[%add3A_236, %dma_wait3A_290] : memref<320x1000xi32, #tpu.memory_space<hbm>> -> memref<1x1000xi32, #tpu.memory_space<hbm>>
          %dma_wait3A_292 = arith.constant 0 : i32
          %dma_wait3A_293 = arith.constant 0 : i32
          %dma_wait3A_294 = tpu.memref_slice %arg13[%run_scoped3A_237, %dma_wait3A_292, %dma_wait3A_293] : memref<2x1x1000xi32, #tpu.memory_space<vmem>> -> memref<1x1x1000xi32, #tpu.memory_space<vmem>>
          %dma_wait3A_295 = tpu.memref_squeeze %dma_wait3A_294 : memref<1x1x1000xi32, #tpu.memory_space<vmem>> -> memref<1x1000xi32, #tpu.memory_space<vmem>>
          %dma_wait3A_296 = arith.constant 0 : i32
          %dma_wait3A_297 = tpu.memref_slice %arg4[%add3A_236, %dma_wait3A_296] : memref<320x1000xi32, #tpu.memory_space<hbm>> -> memref<1x1000xi32, #tpu.memory_space<hbm>>
          tpu.wait_dma2 semaphore(%run_scoped3A_273 : memref<!tpu.dma_semaphore, #tpu.memory_space<semaphore_mem>>) src(%dma_wait3A_297 : memref<1x1000xi32, #tpu.memory_space<hbm>>) dst(%dma_wait3A_295 : memref<1x1000xi32, #tpu.memory_space<vmem>>)
          tpu.yield
        }) : () -> ()
        %run_scoped3A_238 = arith.constant 0 : i32
        "tpu.region"() ({
          %run_scoped3A_273 = tpu.sem_alloc : memref<!tpu.dma_semaphore, #tpu.memory_space<semaphore_mem>>
          %dma_start3A_274 = arith.constant 0 : i32
          %dma_start3A_275 = arith.constant 0 : i32
          %dma_start3A_276 = tpu.memref_slice %arg14[%run_scoped3A_238, %dma_start3A_274, %dma_start3A_275] : memref<2x1x1000xi32, #tpu.memory_space<vmem>> -> memref<1x1x1000xi32, #tpu.memory_space<vmem>>
          %dma_start3A_277 = tpu.memref_squeeze %dma_start3A_276 : memref<1x1x1000xi32, #tpu.memory_space<vmem>> -> memref<1x1000xi32, #tpu.memory_space<vmem>>
          %dma_start3A_278 = arith.constant 0 : i32
          %dma_start3A_279 = tpu.memref_slice %arg5[%add3A_236, %dma_start3A_278] : memref<320x1000xi32, #tpu.memory_space<hbm>> -> memref<1x1000xi32, #tpu.memory_space<hbm>>
          %dma_start3A_280 = arith.constant 0 : i32
          %dma_start3A_281 = arith.constant 0 : i32
          %dma_start3A_282 = tpu.memref_slice %arg14[%run_scoped3A_238, %dma_start3A_280, %dma_start3A_281] : memref<2x1x1000xi32, #tpu.memory_space<vmem>> -> memref<1x1x1000xi32, #tpu.memory_space<vmem>>
          %dma_start3A_283 = tpu.memref_squeeze %dma_start3A_282 : memref<1x1x1000xi32, #tpu.memory_space<vmem>> -> memref<1x1000xi32, #tpu.memory_space<vmem>>
          %dma_start3A_284 = arith.constant 0 : i32
          %dma_start3A_285 = tpu.memref_slice %arg5[%add3A_236, %dma_start3A_284] : memref<320x1000xi32, #tpu.memory_space<hbm>> -> memref<1x1000xi32, #tpu.memory_space<hbm>>
          tpu.enqueue_dma source(%dma_start3A_285 : memref<1x1000xi32, #tpu.memory_space<hbm>>) target(%dma_start3A_283 : memref<1x1000xi32, #tpu.memory_space<vmem>>) target_semaphore(%run_scoped3A_273 : memref<!tpu.dma_semaphore, #tpu.memory_space<semaphore_mem>>)
          %dma_wait3A_286 = arith.constant 0 : i32
          %dma_wait3A_287 = arith.constant 0 : i32
          %dma_wait3A_288 = tpu.memref_slice %arg14[%run_scoped3A_238, %dma_wait3A_286, %dma_wait3A_287] : memref<2x1x1000xi32, #tpu.memory_space<vmem>> -> memref<1x1x1000xi32, #tpu.memory_space<vmem>>
          %dma_wait3A_289 = tpu.memref_squeeze %dma_wait3A_288 : memref<1x1x1000xi32, #tpu.memory_space<vmem>> -> memref<1x1000xi32, #tpu.memory_space<vmem>>
          %dma_wait3A_290 = arith.constant 0 : i32
          %dma_wait3A_291 = tpu.memref_slice %arg5[%add3A_236, %dma_wait3A_290] : memref<320x1000xi32, #tpu.memory_space<hbm>> -> memref<1x1000xi32, #tpu.memory_space<hbm>>
          %dma_wait3A_292 = arith.constant 0 : i32
          %dma_wait3A_293 = arith.constant 0 : i32
          %dma_wait3A_294 = tpu.memref_slice %arg14[%run_scoped3A_238, %dma_wait3A_292, %dma_wait3A_293] : memref<2x1x1000xi32, #tpu.memory_space<vmem>> -> memref<1x1x1000xi32, #tpu.memory_space<vmem>>
          %dma_wait3A_295 = tpu.memref_squeeze %dma_wait3A_294 : memref<1x1x1000xi32, #tpu.memory_space<vmem>> -> memref<1x1000xi32, #tpu.memory_space<vmem>>
          %dma_wait3A_296 = arith.constant 0 : i32
          %dma_wait3A_297 = tpu.memref_slice %arg5[%add3A_236, %dma_wait3A_296] : memref<320x1000xi32, #tpu.memory_space<hbm>> -> memref<1x1000xi32, #tpu.memory_space<hbm>>
          tpu.wait_dma2 semaphore(%run_scoped3A_273 : memref<!tpu.dma_semaphore, #tpu.memory_space<semaphore_mem>>) src(%dma_wait3A_297 : memref<1x1000xi32, #tpu.memory_space<hbm>>) dst(%dma_wait3A_295 : memref<1x1000xi32, #tpu.memory_space<vmem>>)
          tpu.yield
        }) : () -> ()
        %dma_start3A_239 = arith.constant 0 : i32
        %dma_start3A_240 = arith.constant 0 : i32
        %dma_start3A_241 = arith.constant 0 : i32
        %dma_start3A_242 = arith.constant 0 : i32
        %dma_start3A_243 = arith.constant 0 : i32
        %dma_start3A_244 = tpu.memref_slice %arg15[%dma_start3A_241, %dma_start3A_242, %dma_start3A_243] : memref<2x1000x16xf32, #tpu.memory_space<vmem>> -> memref<1x1000x16xf32, #tpu.memory_space<vmem>>
        %dma_start3A_245 = tpu.memref_squeeze %dma_start3A_244 : memref<1x1000x16xf32, #tpu.memory_space<vmem>> -> memref<1000x16xf32, #tpu.memory_space<vmem>>
        %dma_start3A_246 = arith.constant 0 : i32
        %dma_start3A_247 = arith.constant 0 : i32
        %dma_start3A_248 = tpu.memref_slice %arg13[%dma_start3A_239, %dma_start3A_246, %dma_start3A_247] : memref<2x1x1000xi32, #tpu.memory_space<vmem>> -> memref<1x1x1000xi32, #tpu.memory_space<vmem>>
        %dma_start3A_249 = tpu.memref_squeeze %dma_start3A_248 : memref<1x1x1000xi32, #tpu.memory_space<vmem>> -> memref<1x1000xi32, #tpu.memory_space<vmem>>
        %dma_start3A_250 = arith.constant 0 : i32
        %dma_start3A_251 = tpu.memref_slice %dma_start3A_249[%dma_start3A_240, %dma_start3A_250] : memref<1x1000xi32, #tpu.memory_space<vmem>> -> memref<1x1000xi32, #tpu.memory_space<vmem>>
        %dma_start3A_252 = tpu.memref_squeeze %dma_start3A_251 : memref<1x1000xi32, #tpu.memory_space<vmem>> -> memref<1000xi32, #tpu.memory_space<vmem>>
        %dma_start3A_253 = arith.constant 0 : i32
        %dma_start3A_254 = arith.constant 0 : i32
        %dma_start3A_255 = tpu.memref_slice %arg2[%dma_start3A_253, %dma_start3A_254] : memref<10000x16xf32, #tpu.memory_space<hbm>> -> memref<10000x16xf32, #tpu.memory_space<hbm>>
        tpu.enqueue_indirect_dma source(%dma_start3A_255 : memref<10000x16xf32, #tpu.memory_space<hbm>>) target(%dma_start3A_245 : memref<1000x16xf32, #tpu.memory_space<vmem>>) offsets(%dma_start3A_252 : memref<1000xi32, #tpu.memory_space<vmem>>) semaphore(%arg21 : memref<!tpu.dma_semaphore, #tpu.memory_space<semaphore_mem>>)
        %dma_start3A_256 = arith.constant 0 : i32
        %dma_start3A_257 = arith.constant 0 : i32
        %dma_start3A_258 = arith.constant 0 : i32
        %dma_start3A_259 = arith.constant 0 : i32
        %dma_start3A_260 = arith.constant 0 : i32
        %dma_start3A_261 = tpu.memref_slice %arg16[%dma_start3A_258, %dma_start3A_259, %dma_start3A_260] : memref<2x1000x16xf32, #tpu.memory_space<vmem>> -> memref<1x1000x16xf32, #tpu.memory_space<vmem>>
        %dma_start3A_262 = tpu.memref_squeeze %dma_start3A_261 : memref<1x1000x16xf32, #tpu.memory_space<vmem>> -> memref<1000x16xf32, #tpu.memory_space<vmem>>
        %dma_start3A_263 = arith.constant 0 : i32
        %dma_start3A_264 = arith.constant 0 : i32
        %dma_start3A_265 = tpu.memref_slice %arg14[%dma_start3A_256, %dma_start3A_263, %dma_start3A_264] : memref<2x1x1000xi32, #tpu.memory_space<vmem>> -> memref<1x1x1000xi32, #tpu.memory_space<vmem>>
        %dma_start3A_266 = tpu.memref_squeeze %dma_start3A_265 : memref<1x1x1000xi32, #tpu.memory_space<vmem>> -> memref<1x1000xi32, #tpu.memory_space<vmem>>
        %dma_start3A_267 = arith.constant 0 : i32
        %dma_start3A_268 = tpu.memref_slice %dma_start3A_266[%dma_start3A_257, %dma_start3A_267] : memref<1x1000xi32, #tpu.memory_space<vmem>> -> memref<1x1000xi32, #tpu.memory_space<vmem>>
        %dma_start3A_269 = tpu.memref_squeeze %dma_start3A_268 : memref<1x1000xi32, #tpu.memory_space<vmem>> -> memref<1000xi32, #tpu.memory_space<vmem>>
        %dma_start3A_270 = arith.constant 0 : i32
        %dma_start3A_271 = arith.constant 0 : i32
        %dma_start3A_272 = tpu.memref_slice %arg3[%dma_start3A_270, %dma_start3A_271] : memref<10000x16xf32, #tpu.memory_space<hbm>> -> memref<10000x16xf32, #tpu.memory_space<hbm>>
        tpu.enqueue_indirect_dma source(%dma_start3A_272 : memref<10000x16xf32, #tpu.memory_space<hbm>>) target(%dma_start3A_262 : memref<1000x16xf32, #tpu.memory_space<vmem>>) offsets(%dma_start3A_269 : memref<1000xi32, #tpu.memory_space<vmem>>) semaphore(%arg21 : memref<!tpu.dma_semaphore, #tpu.memory_space<semaphore_mem>>)
      } else {
      }
      %mul3A_167 = arith.constant 32 : i32
      %mul3A_168 = arith.muli %add3A_159, %mul3A_167 : i32
      %add3A_169 = arith.addi %add3A, %mul3A_168 : i32
      %mul3A_170 = arith.constant 1000 : i32
      %mul3A_171 = arith.muli %add3A_169, %mul3A_170 : i32
      %dma_start3A_172 = arith.constant 0 : i32
      %dma_start3A_173 = arith.constant 0 : i32
      %dma_start3A_174 = tpu.memref_slice %arg17[%dma_start3A_172, %dma_start3A_173] : memref<16x1024xf32, #tpu.memory_space<vmem>> -> memref<16x1000xf32, #tpu.memory_space<vmem>>
      %dma_start3A_175 = arith.constant 0 : i32
      %dma_start3A_176 = tpu.memref_slice %arg6[%dma_start3A_175, %mul3A_171] : memref<16x320000xf32, #tpu.memory_space<hbm>> -> memref<16x1000xf32, #tpu.memory_space<hbm>>
      %dma_start3A_177 = arith.constant 0 : i32
      %dma_start3A_178 = arith.constant 0 : i32
      %dma_start3A_179 = tpu.memref_slice %arg17[%dma_start3A_177, %dma_start3A_178] : memref<16x1024xf32, #tpu.memory_space<vmem>> -> memref<16x1000xf32, #tpu.memory_space<vmem>>
      %dma_start3A_180 = arith.constant 0 : i32
      %dma_start3A_181 = tpu.memref_slice %arg6[%dma_start3A_180, %mul3A_171] : memref<16x320000xf32, #tpu.memory_space<hbm>> -> memref<16x1000xf32, #tpu.memory_space<hbm>>
      tpu.enqueue_dma source(%dma_start3A_181 : memref<16x1000xf32, #tpu.memory_space<hbm>>) target(%dma_start3A_179 : memref<16x1000xf32, #tpu.memory_space<vmem>>) target_semaphore(%arg22 : memref<!tpu.dma_semaphore, #tpu.memory_space<semaphore_mem>>)
      %dma_wait3A_182 = arith.constant 1 : i32
      %dma_wait3A_183 = arith.constant 0 : i32
      %dma_wait3A_184 = arith.constant 0 : i32
      %dma_wait3A_185 = tpu.memref_slice %arg15[%dma_wait3A_182, %dma_wait3A_183, %dma_wait3A_184] : memref<2x1000x16xf32, #tpu.memory_space<vmem>> -> memref<1x1000x16xf32, #tpu.memory_space<vmem>>
      %dma_wait3A_186 = tpu.memref_squeeze %dma_wait3A_185 : memref<1x1000x16xf32, #tpu.memory_space<vmem>> -> memref<1000x16xf32, #tpu.memory_space<vmem>>
      %dma_wait3A_187 = arith.constant 0 : i32
      %dma_wait3A_188 = arith.constant 0 : i32
      %dma_wait3A_189 = tpu.memref_slice %arg2[%dma_wait3A_187, %dma_wait3A_188] : memref<10000x16xf32, #tpu.memory_space<hbm>> -> memref<1000x16xf32, #tpu.memory_space<hbm>>
      %dma_wait3A_190 = arith.constant 0 : i32
      %dma_wait3A_191 = arith.constant 0 : i32
      %dma_wait3A_192 = tpu.memref_slice %arg15[%dma_wait3A_182, %dma_wait3A_190, %dma_wait3A_191] : memref<2x1000x16xf32, #tpu.memory_space<vmem>> -> memref<1x1000x16xf32, #tpu.memory_space<vmem>>
      %dma_wait3A_193 = tpu.memref_squeeze %dma_wait3A_192 : memref<1x1000x16xf32, #tpu.memory_space<vmem>> -> memref<1000x16xf32, #tpu.memory_space<vmem>>
      %dma_wait3A_194 = arith.constant 0 : i32
      %dma_wait3A_195 = arith.constant 0 : i32
      %dma_wait3A_196 = tpu.memref_slice %arg2[%dma_wait3A_194, %dma_wait3A_195] : memref<10000x16xf32, #tpu.memory_space<hbm>> -> memref<1000x16xf32, #tpu.memory_space<hbm>>
      tpu.wait_dma2 semaphore(%arg21 : memref<!tpu.dma_semaphore, #tpu.memory_space<semaphore_mem>>) src(%dma_wait3A_196 : memref<1000x16xf32, #tpu.memory_space<hbm>>) dst(%dma_wait3A_193 : memref<1000x16xf32, #tpu.memory_space<vmem>>)
      %dma_wait3A_197 = arith.constant 1 : i32
      %dma_wait3A_198 = arith.constant 0 : i32
      %dma_wait3A_199 = arith.constant 0 : i32
      %dma_wait3A_200 = tpu.memref_slice %arg16[%dma_wait3A_197, %dma_wait3A_198, %dma_wait3A_199] : memref<2x1000x16xf32, #tpu.memory_space<vmem>> -> memref<1x1000x16xf32, #tpu.memory_space<vmem>>
      %dma_wait3A_201 = tpu.memref_squeeze %dma_wait3A_200 : memref<1x1000x16xf32, #tpu.memory_space<vmem>> -> memref<1000x16xf32, #tpu.memory_space<vmem>>
      %dma_wait3A_202 = arith.constant 0 : i32
      %dma_wait3A_203 = arith.constant 0 : i32
      %dma_wait3A_204 = tpu.memref_slice %arg3[%dma_wait3A_202, %dma_wait3A_203] : memref<10000x16xf32, #tpu.memory_space<hbm>> -> memref<1000x16xf32, #tpu.memory_space<hbm>>
      %dma_wait3A_205 = arith.constant 0 : i32
      %dma_wait3A_206 = arith.constant 0 : i32
      %dma_wait3A_207 = tpu.memref_slice %arg16[%dma_wait3A_197, %dma_wait3A_205, %dma_wait3A_206] : memref<2x1000x16xf32, #tpu.memory_space<vmem>> -> memref<1x1000x16xf32, #tpu.memory_space<vmem>>
      %dma_wait3A_208 = tpu.memref_squeeze %dma_wait3A_207 : memref<1x1000x16xf32, #tpu.memory_space<vmem>> -> memref<1000x16xf32, #tpu.memory_space<vmem>>
      %dma_wait3A_209 = arith.constant 0 : i32
      %dma_wait3A_210 = arith.constant 0 : i32
      %dma_wait3A_211 = tpu.memref_slice %arg3[%dma_wait3A_209, %dma_wait3A_210] : memref<10000x16xf32, #tpu.memory_space<hbm>> -> memref<1000x16xf32, #tpu.memory_space<hbm>>
      tpu.wait_dma2 semaphore(%arg21 : memref<!tpu.dma_semaphore, #tpu.memory_space<semaphore_mem>>) src(%dma_wait3A_211 : memref<1000x16xf32, #tpu.memory_space<hbm>>) dst(%dma_wait3A_208 : memref<1000x16xf32, #tpu.memory_space<vmem>>)
      %run_scoped3A_212 = arith.constant 1 : i32
      "tpu.region"() ({
        %run_scoped3A_232 = tpu.sem_alloc : memref<!tpu.dma_semaphore, #tpu.memory_space<semaphore_mem>>
        %dma_start3A_233 = arith.constant 0 : i32
        %dma_start3A_234 = arith.constant 0 : i32
        %dma_start3A_235 = tpu.memref_slice %arg15[%run_scoped3A_212, %dma_start3A_233, %dma_start3A_234] : memref<2x1000x16xf32, #tpu.memory_space<vmem>> -> memref<1x1000x16xf32, #tpu.memory_space<vmem>>
        %dma_start3A_236 = tpu.memref_squeeze %dma_start3A_235 : memref<1x1000x16xf32, #tpu.memory_space<vmem>> -> memref<1000x16xf32, #tpu.memory_space<vmem>>
        %dma_start3A_237 = arith.constant 0 : i32
        %dma_start3A_238 = tpu.memref_slice %arg9[%mul3A_171, %dma_start3A_237] : memref<320000x16xf32, #tpu.memory_space<hbm>> -> memref<1000x16xf32, #tpu.memory_space<hbm>>
        %dma_start3A_239 = arith.constant 0 : i32
        %dma_start3A_240 = tpu.memref_slice %arg9[%mul3A_171, %dma_start3A_239] : memref<320000x16xf32, #tpu.memory_space<hbm>> -> memref<1000x16xf32, #tpu.memory_space<hbm>>
        %dma_start3A_241 = arith.constant 0 : i32
        %dma_start3A_242 = arith.constant 0 : i32
        %dma_start3A_243 = tpu.memref_slice %arg15[%run_scoped3A_212, %dma_start3A_241, %dma_start3A_242] : memref<2x1000x16xf32, #tpu.memory_space<vmem>> -> memref<1x1000x16xf32, #tpu.memory_space<vmem>>
        %dma_start3A_244 = tpu.memref_squeeze %dma_start3A_243 : memref<1x1000x16xf32, #tpu.memory_space<vmem>> -> memref<1000x16xf32, #tpu.memory_space<vmem>>
        tpu.enqueue_dma source(%dma_start3A_244 : memref<1000x16xf32, #tpu.memory_space<vmem>>) target(%dma_start3A_240 : memref<1000x16xf32, #tpu.memory_space<hbm>>) target_semaphore(%run_scoped3A_232 : memref<!tpu.dma_semaphore, #tpu.memory_space<semaphore_mem>>)
        %dma_wait3A_245 = arith.constant 0 : i32
        %dma_wait3A_246 = arith.constant 0 : i32
        %dma_wait3A_247 = tpu.memref_slice %arg15[%run_scoped3A_212, %dma_wait3A_245, %dma_wait3A_246] : memref<2x1000x16xf32, #tpu.memory_space<vmem>> -> memref<1x1000x16xf32, #tpu.memory_space<vmem>>
        %dma_wait3A_248 = tpu.memref_squeeze %dma_wait3A_247 : memref<1x1000x16xf32, #tpu.memory_space<vmem>> -> memref<1000x16xf32, #tpu.memory_space<vmem>>
        %dma_wait3A_249 = arith.constant 0 : i32
        %dma_wait3A_250 = tpu.memref_slice %arg9[%mul3A_171, %dma_wait3A_249] : memref<320000x16xf32, #tpu.memory_space<hbm>> -> memref<1000x16xf32, #tpu.memory_space<hbm>>
        %dma_wait3A_251 = arith.constant 0 : i32
        %dma_wait3A_252 = tpu.memref_slice %arg9[%mul3A_171, %dma_wait3A_251] : memref<320000x16xf32, #tpu.memory_space<hbm>> -> memref<1000x16xf32, #tpu.memory_space<hbm>>
        %dma_wait3A_253 = arith.constant 0 : i32
        %dma_wait3A_254 = arith.constant 0 : i32
        %dma_wait3A_255 = tpu.memref_slice %arg15[%run_scoped3A_212, %dma_wait3A_253, %dma_wait3A_254] : memref<2x1000x16xf32, #tpu.memory_space<vmem>> -> memref<1x1000x16xf32, #tpu.memory_space<vmem>>
        %dma_wait3A_256 = tpu.memref_squeeze %dma_wait3A_255 : memref<1x1000x16xf32, #tpu.memory_space<vmem>> -> memref<1000x16xf32, #tpu.memory_space<vmem>>
        tpu.wait_dma2 semaphore(%run_scoped3A_232 : memref<!tpu.dma_semaphore, #tpu.memory_space<semaphore_mem>>) src(%dma_wait3A_256 : memref<1000x16xf32, #tpu.memory_space<vmem>>) dst(%dma_wait3A_252 : memref<1000x16xf32, #tpu.memory_space<hbm>>)
        tpu.yield
      }) : () -> ()
      %run_scoped3A_213 = arith.constant 1 : i32
      "tpu.region"() ({
        %run_scoped3A_232 = tpu.sem_alloc : memref<!tpu.dma_semaphore, #tpu.memory_space<semaphore_mem>>
        %dma_start3A_233 = arith.constant 0 : i32
        %dma_start3A_234 = arith.constant 0 : i32
        %dma_start3A_235 = tpu.memref_slice %arg16[%run_scoped3A_213, %dma_start3A_233, %dma_start3A_234] : memref<2x1000x16xf32, #tpu.memory_space<vmem>> -> memref<1x1000x16xf32, #tpu.memory_space<vmem>>
        %dma_start3A_236 = tpu.memref_squeeze %dma_start3A_235 : memref<1x1000x16xf32, #tpu.memory_space<vmem>> -> memref<1000x16xf32, #tpu.memory_space<vmem>>
        %dma_start3A_237 = arith.constant 0 : i32
        %dma_start3A_238 = tpu.memref_slice %arg10[%mul3A_171, %dma_start3A_237] : memref<320000x16xf32, #tpu.memory_space<hbm>> -> memref<1000x16xf32, #tpu.memory_space<hbm>>
        %dma_start3A_239 = arith.constant 0 : i32
        %dma_start3A_240 = tpu.memref_slice %arg10[%mul3A_171, %dma_start3A_239] : memref<320000x16xf32, #tpu.memory_space<hbm>> -> memref<1000x16xf32, #tpu.memory_space<hbm>>
        %dma_start3A_241 = arith.constant 0 : i32
        %dma_start3A_242 = arith.constant 0 : i32
        %dma_start3A_243 = tpu.memref_slice %arg16[%run_scoped3A_213, %dma_start3A_241, %dma_start3A_242] : memref<2x1000x16xf32, #tpu.memory_space<vmem>> -> memref<1x1000x16xf32, #tpu.memory_space<vmem>>
        %dma_start3A_244 = tpu.memref_squeeze %dma_start3A_243 : memref<1x1000x16xf32, #tpu.memory_space<vmem>> -> memref<1000x16xf32, #tpu.memory_space<vmem>>
        tpu.enqueue_dma source(%dma_start3A_244 : memref<1000x16xf32, #tpu.memory_space<vmem>>) target(%dma_start3A_240 : memref<1000x16xf32, #tpu.memory_space<hbm>>) target_semaphore(%run_scoped3A_232 : memref<!tpu.dma_semaphore, #tpu.memory_space<semaphore_mem>>)
        %dma_wait3A_245 = arith.constant 0 : i32
        %dma_wait3A_246 = arith.constant 0 : i32
        %dma_wait3A_247 = tpu.memref_slice %arg16[%run_scoped3A_213, %dma_wait3A_245, %dma_wait3A_246] : memref<2x1000x16xf32, #tpu.memory_space<vmem>> -> memref<1x1000x16xf32, #tpu.memory_space<vmem>>
        %dma_wait3A_248 = tpu.memref_squeeze %dma_wait3A_247 : memref<1x1000x16xf32, #tpu.memory_space<vmem>> -> memref<1000x16xf32, #tpu.memory_space<vmem>>
        %dma_wait3A_249 = arith.constant 0 : i32
        %dma_wait3A_250 = tpu.memref_slice %arg10[%mul3A_171, %dma_wait3A_249] : memref<320000x16xf32, #tpu.memory_space<hbm>> -> memref<1000x16xf32, #tpu.memory_space<hbm>>
        %dma_wait3A_251 = arith.constant 0 : i32
        %dma_wait3A_252 = tpu.memref_slice %arg10[%mul3A_171, %dma_wait3A_251] : memref<320000x16xf32, #tpu.memory_space<hbm>> -> memref<1000x16xf32, #tpu.memory_space<hbm>>
        %dma_wait3A_253 = arith.constant 0 : i32
        %dma_wait3A_254 = arith.constant 0 : i32
        %dma_wait3A_255 = tpu.memref_slice %arg16[%run_scoped3A_213, %dma_wait3A_253, %dma_wait3A_254] : memref<2x1000x16xf32, #tpu.memory_space<vmem>> -> memref<1x1000x16xf32, #tpu.memory_space<vmem>>
        %dma_wait3A_256 = tpu.memref_squeeze %dma_wait3A_255 : memref<1x1000x16xf32, #tpu.memory_space<vmem>> -> memref<1000x16xf32, #tpu.memory_space<vmem>>
        tpu.wait_dma2 semaphore(%run_scoped3A_232 : memref<!tpu.dma_semaphore, #tpu.memory_space<semaphore_mem>>) src(%dma_wait3A_256 : memref<1000x16xf32, #tpu.memory_space<vmem>>) dst(%dma_wait3A_252 : memref<1000x16xf32, #tpu.memory_space<hbm>>)
        tpu.yield
      }) : () -> ()
      %run_scoped3A_214 = arith.constant 1 : i32
      %run_scoped3A_215 = arith.constant 0 : i32
      "tpu.region"() ({
        %run_scoped3A_232 = tpu.sem_alloc : memref<!tpu.dma_semaphore, #tpu.memory_space<semaphore_mem>>
        %dma_start3A_233 = arith.constant 0 : i32
        %dma_start3A_234 = arith.constant 0 : i32
        %dma_start3A_235 = tpu.memref_slice %arg14[%run_scoped3A_214, %dma_start3A_233, %dma_start3A_234] : memref<2x1x1000xi32, #tpu.memory_space<vmem>> -> memref<1x1x1000xi32, #tpu.memory_space<vmem>>
        %dma_start3A_236 = tpu.memref_squeeze %dma_start3A_235 : memref<1x1x1000xi32, #tpu.memory_space<vmem>> -> memref<1x1000xi32, #tpu.memory_space<vmem>>
        %dma_start3A_237 = arith.constant 0 : i32
        %dma_start3A_238 = tpu.memref_slice %dma_start3A_236[%run_scoped3A_215, %dma_start3A_237] : memref<1x1000xi32, #tpu.memory_space<vmem>> -> memref<1x1000xi32, #tpu.memory_space<vmem>>
        %dma_start3A_239 = tpu.memref_squeeze %dma_start3A_238 : memref<1x1000xi32, #tpu.memory_space<vmem>> -> memref<1000xi32, #tpu.memory_space<vmem>>
        %dma_start3A_240 = arith.constant 0 : i32
        %dma_start3A_241 = arith.constant 0 : i32
        %dma_start3A_242 = tpu.memref_slice %arg20[%dma_start3A_240, %dma_start3A_241] : memref<10000x16xf32, #tpu.memory_space<vmem_shared>> -> memref<10000x16xf32, #tpu.memory_space<vmem_shared>>
        tpu.enqueue_indirect_dma source(%arg19 : memref<1000x16xf32, #tpu.memory_space<vmem>>) target(%dma_start3A_242 : memref<10000x16xf32, #tpu.memory_space<vmem_shared>>) offsets(%dma_start3A_239 : memref<1000xi32, #tpu.memory_space<vmem>>) semaphore(%run_scoped3A_232 : memref<!tpu.dma_semaphore, #tpu.memory_space<semaphore_mem>>) {add = true}
        %dma_wait3A_243 = arith.constant 0 : i32
        %dma_wait3A_244 = arith.constant 0 : i32
        %dma_wait3A_245 = tpu.memref_slice %arg14[%run_scoped3A_214, %dma_wait3A_243, %dma_wait3A_244] : memref<2x1x1000xi32, #tpu.memory_space<vmem>> -> memref<1x1x1000xi32, #tpu.memory_space<vmem>>
        %dma_wait3A_246 = tpu.memref_squeeze %dma_wait3A_245 : memref<1x1x1000xi32, #tpu.memory_space<vmem>> -> memref<1x1000xi32, #tpu.memory_space<vmem>>
        %dma_wait3A_247 = arith.constant 0 : i32
        %dma_wait3A_248 = tpu.memref_slice %dma_wait3A_246[%run_scoped3A_215, %dma_wait3A_247] : memref<1x1000xi32, #tpu.memory_space<vmem>> -> memref<1x1000xi32, #tpu.memory_space<vmem>>
        %dma_wait3A_249 = tpu.memref_squeeze %dma_wait3A_248 : memref<1x1000xi32, #tpu.memory_space<vmem>> -> memref<1000xi32, #tpu.memory_space<vmem>>
        %dma_wait3A_250 = arith.constant 0 : i32
        %dma_wait3A_251 = arith.constant 0 : i32
        %dma_wait3A_252 = tpu.memref_slice %arg20[%dma_wait3A_250, %dma_wait3A_251] : memref<10000x16xf32, #tpu.memory_space<vmem_shared>> -> memref<10000x16xf32, #tpu.memory_space<vmem_shared>>
        tpu.wait_indirect_dma semaphore(%run_scoped3A_232 : memref<!tpu.dma_semaphore, #tpu.memory_space<semaphore_mem>>) src(%arg19 : memref<1000x16xf32, #tpu.memory_space<vmem>>) dst(%dma_wait3A_252 : memref<10000x16xf32, #tpu.memory_space<vmem_shared>>)
        tpu.yield
      }) : () -> ()
      %dma_wait3A_216 = arith.constant 0 : i32
      %dma_wait3A_217 = arith.constant 0 : i32
      %dma_wait3A_218 = tpu.memref_slice %arg17[%dma_wait3A_216, %dma_wait3A_217] : memref<16x1024xf32, #tpu.memory_space<vmem>> -> memref<16x1000xf32, #tpu.memory_space<vmem>>
      %dma_wait3A_219 = arith.constant 0 : i32
      %dma_wait3A_220 = tpu.memref_slice %arg6[%dma_wait3A_219, %mul3A_171] : memref<16x320000xf32, #tpu.memory_space<hbm>> -> memref<16x1000xf32, #tpu.memory_space<hbm>>
      %dma_wait3A_221 = arith.constant 0 : i32
      %dma_wait3A_222 = arith.constant 0 : i32
      %dma_wait3A_223 = tpu.memref_slice %arg17[%dma_wait3A_221, %dma_wait3A_222] : memref<16x1024xf32, #tpu.memory_space<vmem>> -> memref<16x1000xf32, #tpu.memory_space<vmem>>
      %dma_wait3A_224 = arith.constant 0 : i32
      %dma_wait3A_225 = tpu.memref_slice %arg6[%dma_wait3A_224, %mul3A_171] : memref<16x320000xf32, #tpu.memory_space<hbm>> -> memref<16x1000xf32, #tpu.memory_space<hbm>>
      tpu.wait_dma2 semaphore(%arg22 : memref<!tpu.dma_semaphore, #tpu.memory_space<semaphore_mem>>) src(%dma_wait3A_225 : memref<16x1000xf32, #tpu.memory_space<hbm>>) dst(%dma_wait3A_223 : memref<16x1000xf32, #tpu.memory_space<vmem>>)
      %scan3A_226 = arith.constant 0 : i32
      %scan3A_227 = arith.constant 0 : i32
      %scan3A_228 = arith.constant 64 : i32
      %scan3A_229 = arith.addi %scan3A_227, %scan3A_228 : i32
      %scan3A_230 = arith.constant 1 : i32
      scf.for %scan3A_232 = %scan3A_227 to %scan3A_229 step %scan3A_230  : i32 {
        %mul3A_233 = arith.constant 16 : i32
        %mul3A_234 = arith.muli %scan3A_232, %mul3A_233 : i32
        %add3A_235 = vector.broadcast %mul3A_234 : i32 to vector<16xi32>
        %add3A_236 = arith.addi %iota3A, %add3A_235 : vector<16xi32>
        %mul3A_237 = arith.constant 16 : i32
        %mul3A_238 = arith.muli %scan3A_232, %mul3A_237 : i32
        %get3A = arith.constant 0 : i32
        %get3A_239 = arith.index_cast %get3A : i32 to index
        %get3A_240 = arith.index_cast %mul3A_238 : i32 to index
        %get3A_241 = tpu.vector_load %arg17[%get3A_239, %get3A_240] {strides = array<i32>} : memref<16x1024xf32, #tpu.memory_space<vmem>>, vector<16xf32>,
        tpu.vector_store_idx %arg18[%add3A_236, %broadcast_in_dim3A_3], %get3A_241 : memref<1024x16xf32, #tpu.memory_space<vmem>>[vector<16xi32>, vector<16xi32>], vector<16xf32>,
        %mul3A_242 = arith.constant 16 : i32
        %mul3A_243 = arith.muli %scan3A_232, %mul3A_242 : i32
        %get3A_244 = arith.constant 1 : i32
        %get3A_245 = arith.index_cast %get3A_244 : i32 to index
        %get3A_246 = arith.index_cast %mul3A_243 : i32 to index
        %get3A_247 = tpu.vector_load %arg17[%get3A_245, %get3A_246] {strides = array<i32>} : memref<16x1024xf32, #tpu.memory_space<vmem>>, vector<16xf32>,
        tpu.vector_store_idx %arg18[%add3A_236, %broadcast_in_dim3A_5], %get3A_247 : memref<1024x16xf32, #tpu.memory_space<vmem>>[vector<16xi32>, vector<16xi32>], vector<16xf32>,
        %mul3A_248 = arith.constant 16 : i32
        %mul3A_249 = arith.muli %scan3A_232, %mul3A_248 : i32
        %get3A_250 = arith.constant 2 : i32
        %get3A_251 = arith.index_cast %get3A_250 : i32 to index
        %get3A_252 = arith.index_cast %mul3A_249 : i32 to index
        %get3A_253 = tpu.vector_load %arg17[%get3A_251, %get3A_252] {strides = array<i32>} : memref<16x1024xf32, #tpu.memory_space<vmem>>, vector<16xf32>,
        tpu.vector_store_idx %arg18[%add3A_236, %broadcast_in_dim3A_7], %get3A_253 : memref<1024x16xf32, #tpu.memory_space<vmem>>[vector<16xi32>, vector<16xi32>], vector<16xf32>,
        %mul3A_254 = arith.constant 16 : i32
        %mul3A_255 = arith.muli %scan3A_232, %mul3A_254 : i32
        %get3A_256 = arith.constant 3 : i32
        %get3A_257 = arith.index_cast %get3A_256 : i32 to index
        %get3A_258 = arith.index_cast %mul3A_255 : i32 to index
        %get3A_259 = tpu.vector_load %arg17[%get3A_257, %get3A_258] {strides = array<i32>} : memref<16x1024xf32, #tpu.memory_space<vmem>>, vector<16xf32>,
        tpu.vector_store_idx %arg18[%add3A_236, %broadcast_in_dim3A_9], %get3A_259 : memref<1024x16xf32, #tpu.memory_space<vmem>>[vector<16xi32>, vector<16xi32>], vector<16xf32>,
        %mul3A_260 = arith.constant 16 : i32
        %mul3A_261 = arith.muli %scan3A_232, %mul3A_260 : i32
        %get3A_262 = arith.constant 4 : i32
        %get3A_263 = arith.index_cast %get3A_262 : i32 to index
        %get3A_264 = arith.index_cast %mul3A_261 : i32 to index
        %get3A_265 = tpu.vector_load %arg17[%get3A_263, %get3A_264] {strides = array<i32>} : memref<16x1024xf32, #tpu.memory_space<vmem>>, vector<16xf32>,
        tpu.vector_store_idx %arg18[%add3A_236, %broadcast_in_dim3A_11], %get3A_265 : memref<1024x16xf32, #tpu.memory_space<vmem>>[vector<16xi32>, vector<16xi32>], vector<16xf32>,
        %mul3A_266 = arith.constant 16 : i32
        %mul3A_267 = arith.muli %scan3A_232, %mul3A_266 : i32
        %get3A_268 = arith.constant 5 : i32
        %get3A_269 = arith.index_cast %get3A_268 : i32 to index
        %get3A_270 = arith.index_cast %mul3A_267 : i32 to index
        %get3A_271 = tpu.vector_load %arg17[%get3A_269, %get3A_270] {strides = array<i32>} : memref<16x1024xf32, #tpu.memory_space<vmem>>, vector<16xf32>,
        tpu.vector_store_idx %arg18[%add3A_236, %broadcast_in_dim3A_13], %get3A_271 : memref<1024x16xf32, #tpu.memory_space<vmem>>[vector<16xi32>, vector<16xi32>], vector<16xf32>,
        %mul3A_272 = arith.constant 16 : i32
        %mul3A_273 = arith.muli %scan3A_232, %mul3A_272 : i32
        %get3A_274 = arith.constant 6 : i32
        %get3A_275 = arith.index_cast %get3A_274 : i32 to index
        %get3A_276 = arith.index_cast %mul3A_273 : i32 to index
        %get3A_277 = tpu.vector_load %arg17[%get3A_275, %get3A_276] {strides = array<i32>} : memref<16x1024xf32, #tpu.memory_space<vmem>>, vector<16xf32>,
        tpu.vector_store_idx %arg18[%add3A_236, %broadcast_in_dim3A_15], %get3A_277 : memref<1024x16xf32, #tpu.memory_space<vmem>>[vector<16xi32>, vector<16xi32>], vector<16xf32>,
        %mul3A_278 = arith.constant 16 : i32
        %mul3A_279 = arith.muli %scan3A_232, %mul3A_278 : i32
        %get3A_280 = arith.constant 7 : i32
        %get3A_281 = arith.index_cast %get3A_280 : i32 to index
        %get3A_282 = arith.index_cast %mul3A_279 : i32 to index
        %get3A_283 = tpu.vector_load %arg17[%get3A_281, %get3A_282] {strides = array<i32>} : memref<16x1024xf32, #tpu.memory_space<vmem>>, vector<16xf32>,
        tpu.vector_store_idx %arg18[%add3A_236, %broadcast_in_dim3A_17], %get3A_283 : memref<1024x16xf32, #tpu.memory_space<vmem>>[vector<16xi32>, vector<16xi32>], vector<16xf32>,
        %mul3A_284 = arith.constant 16 : i32
        %mul3A_285 = arith.muli %scan3A_232, %mul3A_284 : i32
        %get3A_286 = arith.constant 8 : i32
        %get3A_287 = arith.index_cast %get3A_286 : i32 to index
        %get3A_288 = arith.index_cast %mul3A_285 : i32 to index
        %get3A_289 = tpu.vector_load %arg17[%get3A_287, %get3A_288] {strides = array<i32>} : memref<16x1024xf32, #tpu.memory_space<vmem>>, vector<16xf32>,
        tpu.vector_store_idx %arg18[%add3A_236, %broadcast_in_dim3A_19], %get3A_289 : memref<1024x16xf32, #tpu.memory_space<vmem>>[vector<16xi32>, vector<16xi32>], vector<16xf32>,
        %mul3A_290 = arith.constant 16 : i32
        %mul3A_291 = arith.muli %scan3A_232, %mul3A_290 : i32
        %get3A_292 = arith.constant 9 : i32
        %get3A_293 = arith.index_cast %get3A_292 : i32 to index
        %get3A_294 = arith.index_cast %mul3A_291 : i32 to index
        %get3A_295 = tpu.vector_load %arg17[%get3A_293, %get3A_294] {strides = array<i32>} : memref<16x1024xf32, #tpu.memory_space<vmem>>, vector<16xf32>,
        tpu.vector_store_idx %arg18[%add3A_236, %broadcast_in_dim3A_21], %get3A_295 : memref<1024x16xf32, #tpu.memory_space<vmem>>[vector<16xi32>, vector<16xi32>], vector<16xf32>,
        %mul3A_296 = arith.constant 16 : i32
        %mul3A_297 = arith.muli %scan3A_232, %mul3A_296 : i32
        %get3A_298 = arith.constant 10 : i32
        %get3A_299 = arith.index_cast %get3A_298 : i32 to index
        %get3A_300 = arith.index_cast %mul3A_297 : i32 to index
        %get3A_301 = tpu.vector_load %arg17[%get3A_299, %get3A_300] {strides = array<i32>} : memref<16x1024xf32, #tpu.memory_space<vmem>>, vector<16xf32>,
        tpu.vector_store_idx %arg18[%add3A_236, %broadcast_in_dim3A_23], %get3A_301 : memref<1024x16xf32, #tpu.memory_space<vmem>>[vector<16xi32>, vector<16xi32>], vector<16xf32>,
        %mul3A_302 = arith.constant 16 : i32
        %mul3A_303 = arith.muli %scan3A_232, %mul3A_302 : i32
        %get3A_304 = arith.constant 11 : i32
        %get3A_305 = arith.index_cast %get3A_304 : i32 to index
        %get3A_306 = arith.index_cast %mul3A_303 : i32 to index
        %get3A_307 = tpu.vector_load %arg17[%get3A_305, %get3A_306] {strides = array<i32>} : memref<16x1024xf32, #tpu.memory_space<vmem>>, vector<16xf32>,
        tpu.vector_store_idx %arg18[%add3A_236, %broadcast_in_dim3A_25], %get3A_307 : memref<1024x16xf32, #tpu.memory_space<vmem>>[vector<16xi32>, vector<16xi32>], vector<16xf32>,
        %mul3A_308 = arith.constant 16 : i32
        %mul3A_309 = arith.muli %scan3A_232, %mul3A_308 : i32
        %get3A_310 = arith.constant 12 : i32
        %get3A_311 = arith.index_cast %get3A_310 : i32 to index
        %get3A_312 = arith.index_cast %mul3A_309 : i32 to index
        %get3A_313 = tpu.vector_load %arg17[%get3A_311, %get3A_312] {strides = array<i32>} : memref<16x1024xf32, #tpu.memory_space<vmem>>, vector<16xf32>,
        tpu.vector_store_idx %arg18[%add3A_236, %broadcast_in_dim3A_27], %get3A_313 : memref<1024x16xf32, #tpu.memory_space<vmem>>[vector<16xi32>, vector<16xi32>], vector<16xf32>,
        %mul3A_314 = arith.constant 16 : i32
        %mul3A_315 = arith.muli %scan3A_232, %mul3A_314 : i32
        %get3A_316 = arith.constant 13 : i32
        %get3A_317 = arith.index_cast %get3A_316 : i32 to index
        %get3A_318 = arith.index_cast %mul3A_315 : i32 to index
        %get3A_319 = tpu.vector_load %arg17[%get3A_317, %get3A_318] {strides = array<i32>} : memref<16x1024xf32, #tpu.memory_space<vmem>>, vector<16xf32>,
        tpu.vector_store_idx %arg18[%add3A_236, %broadcast_in_dim3A_29], %get3A_319 : memref<1024x16xf32, #tpu.memory_space<vmem>>[vector<16xi32>, vector<16xi32>], vector<16xf32>,
        %mul3A_320 = arith.constant 16 : i32
        %mul3A_321 = arith.muli %scan3A_232, %mul3A_320 : i32
        %get3A_322 = arith.constant 14 : i32
        %get3A_323 = arith.index_cast %get3A_322 : i32 to index
        %get3A_324 = arith.index_cast %mul3A_321 : i32 to index
        %get3A_325 = tpu.vector_load %arg17[%get3A_323, %get3A_324] {strides = array<i32>} : memref<16x1024xf32, #tpu.memory_space<vmem>>, vector<16xf32>,
        tpu.vector_store_idx %arg18[%add3A_236, %broadcast_in_dim3A_31], %get3A_325 : memref<1024x16xf32, #tpu.memory_space<vmem>>[vector<16xi32>, vector<16xi32>], vector<16xf32>,
        %mul3A_326 = arith.constant 16 : i32
        %mul3A_327 = arith.muli %scan3A_232, %mul3A_326 : i32
        %get3A_328 = arith.constant 15 : i32
        %get3A_329 = arith.index_cast %get3A_328 : i32 to index
        %get3A_330 = arith.index_cast %mul3A_327 : i32 to index
        %get3A_331 = tpu.vector_load %arg17[%get3A_329, %get3A_330] {strides = array<i32>} : memref<16x1024xf32, #tpu.memory_space<vmem>>, vector<16xf32>,
        tpu.vector_store_idx %arg18[%add3A_236, %broadcast_in_dim3A_33], %get3A_331 : memref<1024x16xf32, #tpu.memory_space<vmem>>[vector<16xi32>, vector<16xi32>], vector<16xf32>,
      }
      %scan3A_231 = arith.constant 64 : i32
      "tpu.region"() ({
        %run_scoped3A_232 = tpu.sem_alloc : memref<!tpu.dma_semaphore, #tpu.memory_space<semaphore_mem>>
        %dma_start3A_233 = arith.constant 0 : i32
        %dma_start3A_234 = arith.constant 0 : i32
        %dma_start3A_235 = tpu.memref_slice %arg18[%dma_start3A_233, %dma_start3A_234] : memref<1024x16xf32, #tpu.memory_space<vmem>> -> memref<1000x16xf32, #tpu.memory_space<vmem>>
        %dma_start3A_236 = arith.constant 0 : i32
        %dma_start3A_237 = tpu.memref_slice %arg11[%mul3A_171, %dma_start3A_236] : memref<320000x16xf32, #tpu.memory_space<hbm>> -> memref<1000x16xf32, #tpu.memory_space<hbm>>
        %dma_start3A_238 = arith.constant 0 : i32
        %dma_start3A_239 = tpu.memref_slice %arg11[%mul3A_171, %dma_start3A_238] : memref<320000x16xf32, #tpu.memory_space<hbm>> -> memref<1000x16xf32, #tpu.memory_space<hbm>>
        %dma_start3A_240 = arith.constant 0 : i32
        %dma_start3A_241 = arith.constant 0 : i32
        %dma_start3A_242 = tpu.memref_slice %arg18[%dma_start3A_240, %dma_start3A_241] : memref<1024x16xf32, #tpu.memory_space<vmem>> -> memref<1000x16xf32, #tpu.memory_space<vmem>>
        tpu.enqueue_dma source(%dma_start3A_242 : memref<1000x16xf32, #tpu.memory_space<vmem>>) target(%dma_start3A_239 : memref<1000x16xf32, #tpu.memory_space<hbm>>) target_semaphore(%run_scoped3A_232 : memref<!tpu.dma_semaphore, #tpu.memory_space<semaphore_mem>>)
        %dma_wait3A_243 = arith.constant 0 : i32
        %dma_wait3A_244 = arith.constant 0 : i32
        %dma_wait3A_245 = tpu.memref_slice %arg18[%dma_wait3A_243, %dma_wait3A_244] : memref<1024x16xf32, #tpu.memory_space<vmem>> -> memref<1000x16xf32, #tpu.memory_space<vmem>>
        %dma_wait3A_246 = arith.constant 0 : i32
        %dma_wait3A_247 = tpu.memref_slice %arg11[%mul3A_171, %dma_wait3A_246] : memref<320000x16xf32, #tpu.memory_space<hbm>> -> memref<1000x16xf32, #tpu.memory_space<hbm>>
        %dma_wait3A_248 = arith.constant 0 : i32
        %dma_wait3A_249 = tpu.memref_slice %arg11[%mul3A_171, %dma_wait3A_248] : memref<320000x16xf32, #tpu.memory_space<hbm>> -> memref<1000x16xf32, #tpu.memory_space<hbm>>
        %dma_wait3A_250 = arith.constant 0 : i32
        %dma_wait3A_251 = arith.constant 0 : i32
        %dma_wait3A_252 = tpu.memref_slice %arg18[%dma_wait3A_250, %dma_wait3A_251] : memref<1024x16xf32, #tpu.memory_space<vmem>> -> memref<1000x16xf32, #tpu.memory_space<vmem>>
        tpu.wait_dma2 semaphore(%run_scoped3A_232 : memref<!tpu.dma_semaphore, #tpu.memory_space<semaphore_mem>>) src(%dma_wait3A_252 : memref<1000x16xf32, #tpu.memory_space<vmem>>) dst(%dma_wait3A_249 : memref<1000x16xf32, #tpu.memory_space<hbm>>)
        tpu.yield
      }) : () -> ()
    }
    %scan3A_74 = arith.constant 5 : i32
    %barrier3A_75 = arith.constant 0 : index
    tpu.barrier barrier_id(%barrier3A_75)
    %eq3A_76 = arith.constant 0 : i32
    %eq3A_77 = arith.cmpi eq, %arg1, %eq3A_76 : i32
    %convert_element_type3A_78 = arith.extui %eq3A_77 : i1 to i32
    %cond3A_79 = arith.constant 0 : i32
    %cond3A_80 = arith.cmpi ne, %convert_element_type3A_78, %cond3A_79 : i32
    scf.if %cond3A_80 {
      "tpu.region"() ({
        %run_scoped3A_81 = tpu.sem_alloc : memref<!tpu.dma_semaphore, #tpu.memory_space<semaphore_mem>>
        %dma_start3A_82 = arith.constant 0 : i32
        %dma_start3A_83 = arith.constant 0 : i32
        %dma_start3A_84 = tpu.memref_slice %arg12[%arg0, %dma_start3A_82, %dma_start3A_83] : memref<2x10000x16xf32, #tpu.memory_space<hbm>> -> memref<1x10000x16xf32, #tpu.memory_space<hbm>>
        %dma_start3A_85 = tpu.memref_squeeze %dma_start3A_84 : memref<1x10000x16xf32, #tpu.memory_space<hbm>> -> memref<10000x16xf32, #tpu.memory_space<hbm>>
        tpu.enqueue_dma source(%arg20 : memref<10000x16xf32, #tpu.memory_space<vmem_shared>>) target(%dma_start3A_85 : memref<10000x16xf32, #tpu.memory_space<hbm>>) target_semaphore(%run_scoped3A_81 : memref<!tpu.dma_semaphore, #tpu.memory_space<semaphore_mem>>)
        %dma_wait3A = arith.constant 0 : i32
        %dma_wait3A_86 = arith.constant 0 : i32
        %dma_wait3A_87 = tpu.memref_slice %arg12[%arg0, %dma_wait3A, %dma_wait3A_86] : memref<2x10000x16xf32, #tpu.memory_space<hbm>> -> memref<1x10000x16xf32, #tpu.memory_space<hbm>>
        %dma_wait3A_88 = tpu.memref_squeeze %dma_wait3A_87 : memref<1x10000x16xf32, #tpu.memory_space<hbm>> -> memref<10000x16xf32, #tpu.memory_space<hbm>>
        tpu.wait_dma2 semaphore(%run_scoped3A_81 : memref<!tpu.dma_semaphore, #tpu.memory_space<semaphore_mem>>) src(%arg20 : memref<10000x16xf32, #tpu.memory_space<vmem_shared>>) dst(%dma_wait3A_88 : memref<10000x16xf32, #tpu.memory_space<hbm>>)
        tpu.yield
      }) : () -> ()
    } else {
    }
    return
  }
}

#map = affine_map<(d0, d1) -> (0, 0)>
#map1 = affine_map<(d0, d1) -> (0, 0, 0)>
module attributes {stable_mosaic.version = 14 : i64} {
  func.func @_scatter_body(%arg0: i32, %arg1: i32, %arg2: memref<320000x16xf32, #tpu.memory_space<hbm>>, %arg3: memref<320x1000xi32, #tpu.memory_space<hbm>>, %arg4: memref<10000x16xf32, #tpu.memory_space<hbm>>, %arg5: memref<2x10000x16xf32, #tpu.memory_space<hbm>>, %arg6: memref<16x320000xf32, #tpu.memory_space<hbm>>, %arg7: memref<2x1x1000xi32, #tpu.memory_space<vmem>>, %arg8: memref<2x1024x16xf32, #tpu.memory_space<vmem>>, %arg9: memref<16x1024xf32, #tpu.memory_space<vmem>>, %arg10: memref<10000x16xf32, #tpu.memory_space<vmem_shared>>, %arg11: memref<!tpu.dma_semaphore, #tpu.memory_space<semaphore_mem>>) attributes {dimension_semantics = [#tpu.dimension_semantics<core_parallel>, #tpu.dimension_semantics<subcore_parallel>], iteration_bounds = array<i64: 2, 16>, scalar_prefetch = 0 : i64, scratch_operands = 5 : i64, tpu.core_type = #tpu.core_type<sc_vector_subcore>, window_params = [{transform_indices = #map}, {transform_indices = #map}, {transform_indices = #map}, {transform_indices = #map1}, {transform_indices = #map}]} {
    %mul3A = arith.constant 2 : i32
    %mul3A_0 = arith.muli %arg1, %mul3A : i32
    %add3A = arith.addi %mul3A_0, %arg0 : i32
    %eq3A = arith.constant 0 : i32
    %eq3A_1 = arith.cmpi eq, %arg1, %eq3A : i32
    %convert_element_type3A = arith.extui %eq3A_1 : i1 to i32
    %cond3A = arith.constant 0 : i32
    %cond3A_2 = arith.cmpi ne, %convert_element_type3A, %cond3A : i32
    scf.if %cond3A_2 {
      "tpu.region"() ({
        %run_scoped3A_67 = tpu.sem_alloc : memref<!tpu.dma_semaphore, #tpu.memory_space<semaphore_mem>>
        tpu.enqueue_dma source(%arg4 : memref<10000x16xf32, #tpu.memory_space<hbm>>) target(%arg10 : memref<10000x16xf32, #tpu.memory_space<vmem_shared>>) target_semaphore(%run_scoped3A_67 : memref<!tpu.dma_semaphore, #tpu.memory_space<semaphore_mem>>)
        tpu.wait_dma2 semaphore(%run_scoped3A_67 : memref<!tpu.dma_semaphore, #tpu.memory_space<semaphore_mem>>) src(%arg4 : memref<10000x16xf32, #tpu.memory_space<hbm>>) dst(%arg10 : memref<10000x16xf32, #tpu.memory_space<vmem_shared>>)
        tpu.yield
      }) : () -> ()
    } else {
    }
    %barrier3A = arith.constant 0 : index
    tpu.barrier barrier_id(%barrier3A)
    %iota3A = tpu.iota {dimensions = array<i32: 0>} : vector<16xi32>
    %broadcast_in_dim3A = arith.constant 0 : i32
    %broadcast_in_dim3A_3 = vector.broadcast %broadcast_in_dim3A : i32 to vector<16xi32>
    %broadcast_in_dim3A_4 = arith.constant 1 : i32
    %broadcast_in_dim3A_5 = vector.broadcast %broadcast_in_dim3A_4 : i32 to vector<16xi32>
    %broadcast_in_dim3A_6 = arith.constant 2 : i32
    %broadcast_in_dim3A_7 = vector.broadcast %broadcast_in_dim3A_6 : i32 to vector<16xi32>
    %broadcast_in_dim3A_8 = arith.constant 3 : i32
    %broadcast_in_dim3A_9 = vector.broadcast %broadcast_in_dim3A_8 : i32 to vector<16xi32>
    %broadcast_in_dim3A_10 = arith.constant 4 : i32
    %broadcast_in_dim3A_11 = vector.broadcast %broadcast_in_dim3A_10 : i32 to vector<16xi32>
    %broadcast_in_dim3A_12 = arith.constant 5 : i32
    %broadcast_in_dim3A_13 = vector.broadcast %broadcast_in_dim3A_12 : i32 to vector<16xi32>
    %broadcast_in_dim3A_14 = arith.constant 6 : i32
    %broadcast_in_dim3A_15 = vector.broadcast %broadcast_in_dim3A_14 : i32 to vector<16xi32>
    %broadcast_in_dim3A_16 = arith.constant 7 : i32
    %broadcast_in_dim3A_17 = vector.broadcast %broadcast_in_dim3A_16 : i32 to vector<16xi32>
    %broadcast_in_dim3A_18 = arith.constant 8 : i32
    %broadcast_in_dim3A_19 = vector.broadcast %broadcast_in_dim3A_18 : i32 to vector<16xi32>
    %broadcast_in_dim3A_20 = arith.constant 9 : i32
    %broadcast_in_dim3A_21 = vector.broadcast %broadcast_in_dim3A_20 : i32 to vector<16xi32>
    %broadcast_in_dim3A_22 = arith.constant 10 : i32
    %broadcast_in_dim3A_23 = vector.broadcast %broadcast_in_dim3A_22 : i32 to vector<16xi32>
    %broadcast_in_dim3A_24 = arith.constant 11 : i32
    %broadcast_in_dim3A_25 = vector.broadcast %broadcast_in_dim3A_24 : i32 to vector<16xi32>
    %broadcast_in_dim3A_26 = arith.constant 12 : i32
    %broadcast_in_dim3A_27 = vector.broadcast %broadcast_in_dim3A_26 : i32 to vector<16xi32>
    %broadcast_in_dim3A_28 = arith.constant 13 : i32
    %broadcast_in_dim3A_29 = vector.broadcast %broadcast_in_dim3A_28 : i32 to vector<16xi32>
    %broadcast_in_dim3A_30 = arith.constant 14 : i32
    %broadcast_in_dim3A_31 = vector.broadcast %broadcast_in_dim3A_30 : i32 to vector<16xi32>
    %broadcast_in_dim3A_32 = arith.constant 15 : i32
    %broadcast_in_dim3A_33 = vector.broadcast %broadcast_in_dim3A_32 : i32 to vector<16xi32>
    %add3A_34 = arith.constant 0 : i32
    %add3A_35 = arith.addi %add3A, %add3A_34 : i32
    %run_scoped3A = arith.constant 0 : i32
    "tpu.region"() ({
      %run_scoped3A_67 = tpu.sem_alloc : memref<!tpu.dma_semaphore, #tpu.memory_space<semaphore_mem>>
      %dma_start3A_68 = arith.constant 0 : i32
      %dma_start3A_69 = arith.constant 0 : i32
      %dma_start3A_70 = tpu.memref_slice %arg7[%run_scoped3A, %dma_start3A_68, %dma_start3A_69] : memref<2x1x1000xi32, #tpu.memory_space<vmem>> -> memref<1x1x1000xi32, #tpu.memory_space<vmem>>
      %dma_start3A_71 = tpu.memref_squeeze %dma_start3A_70 : memref<1x1x1000xi32, #tpu.memory_space<vmem>> -> memref<1x1000xi32, #tpu.memory_space<vmem>>
      %dma_start3A_72 = arith.constant 0 : i32
      %dma_start3A_73 = tpu.memref_slice %arg3[%add3A_35, %dma_start3A_72] : memref<320x1000xi32, #tpu.memory_space<hbm>> -> memref<1x1000xi32, #tpu.memory_space<hbm>>
      %dma_start3A_74 = arith.constant 0 : i32
      %dma_start3A_75 = arith.constant 0 : i32
      %dma_start3A_76 = tpu.memref_slice %arg7[%run_scoped3A, %dma_start3A_74, %dma_start3A_75] : memref<2x1x1000xi32, #tpu.memory_space<vmem>> -> memref<1x1x1000xi32, #tpu.memory_space<vmem>>
      %dma_start3A_77 = tpu.memref_squeeze %dma_start3A_76 : memref<1x1x1000xi32, #tpu.memory_space<vmem>> -> memref<1x1000xi32, #tpu.memory_space<vmem>>
      %dma_start3A_78 = arith.constant 0 : i32
      %dma_start3A_79 = tpu.memref_slice %arg3[%add3A_35, %dma_start3A_78] : memref<320x1000xi32, #tpu.memory_space<hbm>> -> memref<1x1000xi32, #tpu.memory_space<hbm>>
      tpu.enqueue_dma source(%dma_start3A_79 : memref<1x1000xi32, #tpu.memory_space<hbm>>) target(%dma_start3A_77 : memref<1x1000xi32, #tpu.memory_space<vmem>>) target_semaphore(%run_scoped3A_67 : memref<!tpu.dma_semaphore, #tpu.memory_space<semaphore_mem>>)
      %dma_wait3A = arith.constant 0 : i32
      %dma_wait3A_80 = arith.constant 0 : i32
      %dma_wait3A_81 = tpu.memref_slice %arg7[%run_scoped3A, %dma_wait3A, %dma_wait3A_80] : memref<2x1x1000xi32, #tpu.memory_space<vmem>> -> memref<1x1x1000xi32, #tpu.memory_space<vmem>>
      %dma_wait3A_82 = tpu.memref_squeeze %dma_wait3A_81 : memref<1x1x1000xi32, #tpu.memory_space<vmem>> -> memref<1x1000xi32, #tpu.memory_space<vmem>>
      %dma_wait3A_83 = arith.constant 0 : i32
      %dma_wait3A_84 = tpu.memref_slice %arg3[%add3A_35, %dma_wait3A_83] : memref<320x1000xi32, #tpu.memory_space<hbm>> -> memref<1x1000xi32, #tpu.memory_space<hbm>>
      %dma_wait3A_85 = arith.constant 0 : i32
      %dma_wait3A_86 = arith.constant 0 : i32
      %dma_wait3A_87 = tpu.memref_slice %arg7[%run_scoped3A, %dma_wait3A_85, %dma_wait3A_86] : memref<2x1x1000xi32, #tpu.memory_space<vmem>> -> memref<1x1x1000xi32, #tpu.memory_space<vmem>>
      %dma_wait3A_88 = tpu.memref_squeeze %dma_wait3A_87 : memref<1x1x1000xi32, #tpu.memory_space<vmem>> -> memref<1x1000xi32, #tpu.memory_space<vmem>>
      %dma_wait3A_89 = arith.constant 0 : i32
      %dma_wait3A_90 = tpu.memref_slice %arg3[%add3A_35, %dma_wait3A_89] : memref<320x1000xi32, #tpu.memory_space<hbm>> -> memref<1x1000xi32, #tpu.memory_space<hbm>>
      tpu.wait_dma2 semaphore(%run_scoped3A_67 : memref<!tpu.dma_semaphore, #tpu.memory_space<semaphore_mem>>) src(%dma_wait3A_90 : memref<1x1000xi32, #tpu.memory_space<hbm>>) dst(%dma_wait3A_88 : memref<1x1000xi32, #tpu.memory_space<vmem>>)
      tpu.yield
    }) : () -> ()
    %mul3A_36 = arith.constant 1000 : i32
    %mul3A_37 = arith.muli %add3A_35, %mul3A_36 : i32
    %dma_start3A = arith.constant 0 : i32
    %dma_start3A_38 = arith.constant 0 : i32
    %dma_start3A_39 = arith.constant 0 : i32
    %dma_start3A_40 = tpu.memref_slice %arg8[%dma_start3A, %dma_start3A_38, %dma_start3A_39] : memref<2x1024x16xf32, #tpu.memory_space<vmem>> -> memref<1x1024x16xf32, #tpu.memory_space<vmem>>
    %dma_start3A_41 = tpu.memref_squeeze %dma_start3A_40 : memref<1x1024x16xf32, #tpu.memory_space<vmem>> -> memref<1024x16xf32, #tpu.memory_space<vmem>>
    %dma_start3A_42 = arith.constant 0 : i32
    %dma_start3A_43 = arith.constant 0 : i32
    %dma_start3A_44 = tpu.memref_slice %dma_start3A_41[%dma_start3A_42, %dma_start3A_43] : memref<1024x16xf32, #tpu.memory_space<vmem>> -> memref<1000x16xf32, #tpu.memory_space<vmem>>
    %dma_start3A_45 = arith.constant 0 : i32
    %dma_start3A_46 = tpu.memref_slice %arg2[%mul3A_37, %dma_start3A_45] : memref<320000x16xf32, #tpu.memory_space<hbm>> -> memref<1000x16xf32, #tpu.memory_space<hbm>>
    %dma_start3A_47 = arith.constant 0 : i32
    %dma_start3A_48 = arith.constant 0 : i32
    %dma_start3A_49 = tpu.memref_slice %arg8[%dma_start3A, %dma_start3A_47, %dma_start3A_48] : memref<2x1024x16xf32, #tpu.memory_space<vmem>> -> memref<1x1024x16xf32, #tpu.memory_space<vmem>>
    %dma_start3A_50 = tpu.memref_squeeze %dma_start3A_49 : memref<1x1024x16xf32, #tpu.memory_space<vmem>> -> memref<1024x16xf32, #tpu.memory_space<vmem>>
    %dma_start3A_51 = arith.constant 0 : i32
    %dma_start3A_52 = arith.constant 0 : i32
    %dma_start3A_53 = tpu.memref_slice %dma_start3A_50[%dma_start3A_51, %dma_start3A_52] : memref<1024x16xf32, #tpu.memory_space<vmem>> -> memref<1000x16xf32, #tpu.memory_space<vmem>>
    %dma_start3A_54 = arith.constant 0 : i32
    %dma_start3A_55 = tpu.memref_slice %arg2[%mul3A_37, %dma_start3A_54] : memref<320000x16xf32, #tpu.memory_space<hbm>> -> memref<1000x16xf32, #tpu.memory_space<hbm>>
    tpu.enqueue_dma source(%dma_start3A_55 : memref<1000x16xf32, #tpu.memory_space<hbm>>) target(%dma_start3A_53 : memref<1000x16xf32, #tpu.memory_space<vmem>>) target_semaphore(%arg11 : memref<!tpu.dma_semaphore, #tpu.memory_space<semaphore_mem>>)
    %scan3A = arith.constant 0 : i32
    %scan3A_56 = arith.constant 0 : i32
    %scan3A_57 = arith.constant 5 : i32
    %scan3A_58 = arith.addi %scan3A_56, %scan3A_57 : i32
    %scan3A_59 = arith.constant 1 : i32
    scf.for %scan3A_67 = %scan3A_56 to %scan3A_58 step %scan3A_59  : i32 {
      %mul3A_68 = arith.constant 2 : i32
      %mul3A_69 = arith.muli %mul3A_68, %scan3A_67 : i32
      %add3A_70 = arith.constant 0 : i32
      %add3A_71 = arith.addi %mul3A_69, %add3A_70 : i32
      %add3A_72 = arith.constant 1 : i32
      %add3A_73 = arith.addi %add3A_71, %add3A_72 : i32
      %lt3A = arith.constant 10 : i32
      %lt3A_74 = arith.cmpi slt, %add3A_73, %lt3A : i32
      %convert_element_type3A_75 = arith.extui %lt3A_74 : i1 to i32
      %cond3A_76 = arith.constant 0 : i32
      %cond3A_77 = arith.cmpi ne, %convert_element_type3A_75, %cond3A_76 : i32
      scf.if %cond3A_77 {
        %add3A_158 = arith.constant 1 : i32
        %add3A_159 = arith.addi %add3A_71, %add3A_158 : i32
        %mul3A_160 = arith.constant 32 : i32
        %mul3A_161 = arith.muli %add3A_159, %mul3A_160 : i32
        %add3A_162 = arith.addi %add3A, %mul3A_161 : i32
        %run_scoped3A_163 = arith.constant 1 : i32
        "tpu.region"() ({
          %run_scoped3A_185 = tpu.sem_alloc : memref<!tpu.dma_semaphore, #tpu.memory_space<semaphore_mem>>
          %dma_start3A_186 = arith.constant 0 : i32
          %dma_start3A_187 = arith.constant 0 : i32
          %dma_start3A_188 = tpu.memref_slice %arg7[%run_scoped3A_163, %dma_start3A_186, %dma_start3A_187] : memref<2x1x1000xi32, #tpu.memory_space<vmem>> -> memref<1x1x1000xi32, #tpu.memory_space<vmem>>
          %dma_start3A_189 = tpu.memref_squeeze %dma_start3A_188 : memref<1x1x1000xi32, #tpu.memory_space<vmem>> -> memref<1x1000xi32, #tpu.memory_space<vmem>>
          %dma_start3A_190 = arith.constant 0 : i32
          %dma_start3A_191 = tpu.memref_slice %arg3[%add3A_162, %dma_start3A_190] : memref<320x1000xi32, #tpu.memory_space<hbm>> -> memref<1x1000xi32, #tpu.memory_space<hbm>>
          %dma_start3A_192 = arith.constant 0 : i32
          %dma_start3A_193 = arith.constant 0 : i32
          %dma_start3A_194 = tpu.memref_slice %arg7[%run_scoped3A_163, %dma_start3A_192, %dma_start3A_193] : memref<2x1x1000xi32, #tpu.memory_space<vmem>> -> memref<1x1x1000xi32, #tpu.memory_space<vmem>>
          %dma_start3A_195 = tpu.memref_squeeze %dma_start3A_194 : memref<1x1x1000xi32, #tpu.memory_space<vmem>> -> memref<1x1000xi32, #tpu.memory_space<vmem>>
          %dma_start3A_196 = arith.constant 0 : i32
          %dma_start3A_197 = tpu.memref_slice %arg3[%add3A_162, %dma_start3A_196] : memref<320x1000xi32, #tpu.memory_space<hbm>> -> memref<1x1000xi32, #tpu.memory_space<hbm>>
          tpu.enqueue_dma source(%dma_start3A_197 : memref<1x1000xi32, #tpu.memory_space<hbm>>) target(%dma_start3A_195 : memref<1x1000xi32, #tpu.memory_space<vmem>>) target_semaphore(%run_scoped3A_185 : memref<!tpu.dma_semaphore, #tpu.memory_space<semaphore_mem>>)
          %dma_wait3A_198 = arith.constant 0 : i32
          %dma_wait3A_199 = arith.constant 0 : i32
          %dma_wait3A_200 = tpu.memref_slice %arg7[%run_scoped3A_163, %dma_wait3A_198, %dma_wait3A_199] : memref<2x1x1000xi32, #tpu.memory_space<vmem>> -> memref<1x1x1000xi32, #tpu.memory_space<vmem>>
          %dma_wait3A_201 = tpu.memref_squeeze %dma_wait3A_200 : memref<1x1x1000xi32, #tpu.memory_space<vmem>> -> memref<1x1000xi32, #tpu.memory_space<vmem>>
          %dma_wait3A_202 = arith.constant 0 : i32
          %dma_wait3A_203 = tpu.memref_slice %arg3[%add3A_162, %dma_wait3A_202] : memref<320x1000xi32, #tpu.memory_space<hbm>> -> memref<1x1000xi32, #tpu.memory_space<hbm>>
          %dma_wait3A_204 = arith.constant 0 : i32
          %dma_wait3A_205 = arith.constant 0 : i32
          %dma_wait3A_206 = tpu.memref_slice %arg7[%run_scoped3A_163, %dma_wait3A_204, %dma_wait3A_205] : memref<2x1x1000xi32, #tpu.memory_space<vmem>> -> memref<1x1x1000xi32, #tpu.memory_space<vmem>>
          %dma_wait3A_207 = tpu.memref_squeeze %dma_wait3A_206 : memref<1x1x1000xi32, #tpu.memory_space<vmem>> -> memref<1x1000xi32, #tpu.memory_space<vmem>>
          %dma_wait3A_208 = arith.constant 0 : i32
          %dma_wait3A_209 = tpu.memref_slice %arg3[%add3A_162, %dma_wait3A_208] : memref<320x1000xi32, #tpu.memory_space<hbm>> -> memref<1x1000xi32, #tpu.memory_space<hbm>>
          tpu.wait_dma2 semaphore(%run_scoped3A_185 : memref<!tpu.dma_semaphore, #tpu.memory_space<semaphore_mem>>) src(%dma_wait3A_209 : memref<1x1000xi32, #tpu.memory_space<hbm>>) dst(%dma_wait3A_207 : memref<1x1000xi32, #tpu.memory_space<vmem>>)
          tpu.yield
        }) : () -> ()
        %mul3A_164 = arith.constant 1000 : i32
        %mul3A_165 = arith.muli %add3A_162, %mul3A_164 : i32
        %dma_start3A_166 = arith.constant 1 : i32
        %dma_start3A_167 = arith.constant 0 : i32
        %dma_start3A_168 = arith.constant 0 : i32
        %dma_start3A_169 = tpu.memref_slice %arg8[%dma_start3A_166, %dma_start3A_167, %dma_start3A_168] : memref<2x1024x16xf32, #tpu.memory_space<vmem>> -> memref<1x1024x16xf32, #tpu.memory_space<vmem>>
        %dma_start3A_170 = tpu.memref_squeeze %dma_start3A_169 : memref<1x1024x16xf32, #tpu.memory_space<vmem>> -> memref<1024x16xf32, #tpu.memory_space<vmem>>
        %dma_start3A_171 = arith.constant 0 : i32
        %dma_start3A_172 = arith.constant 0 : i32
        %dma_start3A_173 = tpu.memref_slice %dma_start3A_170[%dma_start3A_171, %dma_start3A_172] : memref<1024x16xf32, #tpu.memory_space<vmem>> -> memref<1000x16xf32, #tpu.memory_space<vmem>>
        %dma_start3A_174 = arith.constant 0 : i32
        %dma_start3A_175 = tpu.memref_slice %arg2[%mul3A_165, %dma_start3A_174] : memref<320000x16xf32, #tpu.memory_space<hbm>> -> memref<1000x16xf32, #tpu.memory_space<hbm>>
        %dma_start3A_176 = arith.constant 0 : i32
        %dma_start3A_177 = arith.constant 0 : i32
        %dma_start3A_178 = tpu.memref_slice %arg8[%dma_start3A_166, %dma_start3A_176, %dma_start3A_177] : memref<2x1024x16xf32, #tpu.memory_space<vmem>> -> memref<1x1024x16xf32, #tpu.memory_space<vmem>>
        %dma_start3A_179 = tpu.memref_squeeze %dma_start3A_178 : memref<1x1024x16xf32, #tpu.memory_space<vmem>> -> memref<1024x16xf32, #tpu.memory_space<vmem>>
        %dma_start3A_180 = arith.constant 0 : i32
        %dma_start3A_181 = arith.constant 0 : i32
        %dma_start3A_182 = tpu.memref_slice %dma_start3A_179[%dma_start3A_180, %dma_start3A_181] : memref<1024x16xf32, #tpu.memory_space<vmem>> -> memref<1000x16xf32, #tpu.memory_space<vmem>>
        %dma_start3A_183 = arith.constant 0 : i32
        %dma_start3A_184 = tpu.memref_slice %arg2[%mul3A_165, %dma_start3A_183] : memref<320000x16xf32, #tpu.memory_space<hbm>> -> memref<1000x16xf32, #tpu.memory_space<hbm>>
        tpu.enqueue_dma source(%dma_start3A_184 : memref<1000x16xf32, #tpu.memory_space<hbm>>) target(%dma_start3A_182 : memref<1000x16xf32, #tpu.memory_space<vmem>>) target_semaphore(%arg11 : memref<!tpu.dma_semaphore, #tpu.memory_space<semaphore_mem>>)
      } else {
      }
      %dma_wait3A = arith.constant 0 : i32
      %dma_wait3A_78 = arith.constant 0 : i32
      %dma_wait3A_79 = arith.constant 0 : i32
      %dma_wait3A_80 = tpu.memref_slice %arg8[%dma_wait3A, %dma_wait3A_78, %dma_wait3A_79] : memref<2x1024x16xf32, #tpu.memory_space<vmem>> -> memref<1x1024x16xf32, #tpu.memory_space<vmem>>
      %dma_wait3A_81 = tpu.memref_squeeze %dma_wait3A_80 : memref<1x1024x16xf32, #tpu.memory_space<vmem>> -> memref<1024x16xf32, #tpu.memory_space<vmem>>
      %dma_wait3A_82 = arith.constant 0 : i32
      %dma_wait3A_83 = arith.constant 0 : i32
      %dma_wait3A_84 = tpu.memref_slice %dma_wait3A_81[%dma_wait3A_82, %dma_wait3A_83] : memref<1024x16xf32, #tpu.memory_space<vmem>> -> memref<1000x16xf32, #tpu.memory_space<vmem>>
      %dma_wait3A_85 = arith.constant 0 : i32
      %dma_wait3A_86 = arith.constant 0 : i32
      %dma_wait3A_87 = tpu.memref_slice %arg2[%dma_wait3A_85, %dma_wait3A_86] : memref<320000x16xf32, #tpu.memory_space<hbm>> -> memref<1000x16xf32, #tpu.memory_space<hbm>>
      %dma_wait3A_88 = arith.constant 0 : i32
      %dma_wait3A_89 = arith.constant 0 : i32
      %dma_wait3A_90 = tpu.memref_slice %arg8[%dma_wait3A, %dma_wait3A_88, %dma_wait3A_89] : memref<2x1024x16xf32, #tpu.memory_space<vmem>> -> memref<1x1024x16xf32, #tpu.memory_space<vmem>>
      %dma_wait3A_91 = tpu.memref_squeeze %dma_wait3A_90 : memref<1x1024x16xf32, #tpu.memory_space<vmem>> -> memref<1024x16xf32, #tpu.memory_space<vmem>>
      %dma_wait3A_92 = arith.constant 0 : i32
      %dma_wait3A_93 = arith.constant 0 : i32
      %dma_wait3A_94 = tpu.memref_slice %dma_wait3A_91[%dma_wait3A_92, %dma_wait3A_93] : memref<1024x16xf32, #tpu.memory_space<vmem>> -> memref<1000x16xf32, #tpu.memory_space<vmem>>
      %dma_wait3A_95 = arith.constant 0 : i32
      %dma_wait3A_96 = arith.constant 0 : i32
      %dma_wait3A_97 = tpu.memref_slice %arg2[%dma_wait3A_95, %dma_wait3A_96] : memref<320000x16xf32, #tpu.memory_space<hbm>> -> memref<1000x16xf32, #tpu.memory_space<hbm>>
      tpu.wait_dma2 semaphore(%arg11 : memref<!tpu.dma_semaphore, #tpu.memory_space<semaphore_mem>>) src(%dma_wait3A_97 : memref<1000x16xf32, #tpu.memory_space<hbm>>) dst(%dma_wait3A_94 : memref<1000x16xf32, #tpu.memory_space<vmem>>)
      %mul3A_98 = arith.constant 32 : i32
      %mul3A_99 = arith.muli %add3A_71, %mul3A_98 : i32
      %add3A_100 = arith.addi %add3A, %mul3A_99 : i32
      %mul3A_101 = arith.constant 1000 : i32
      %mul3A_102 = arith.muli %add3A_100, %mul3A_101 : i32
      %run_scoped3A_103 = arith.constant 0 : i32
      %run_scoped3A_104 = arith.constant 0 : i32
      %run_scoped3A_105 = arith.constant 0 : i32
      "tpu.region"() ({
        %run_scoped3A_158 = tpu.sem_alloc : memref<!tpu.dma_semaphore, #tpu.memory_space<semaphore_mem>>
        %dma_start3A_159 = arith.constant 0 : i32
        %dma_start3A_160 = arith.constant 0 : i32
        %dma_start3A_161 = tpu.memref_slice %arg8[%run_scoped3A_103, %dma_start3A_159, %dma_start3A_160] : memref<2x1024x16xf32, #tpu.memory_space<vmem>> -> memref<1x1024x16xf32, #tpu.memory_space<vmem>>
        %dma_start3A_162 = tpu.memref_squeeze %dma_start3A_161 : memref<1x1024x16xf32, #tpu.memory_space<vmem>> -> memref<1024x16xf32, #tpu.memory_space<vmem>>
        %dma_start3A_163 = arith.constant 0 : i32
        %dma_start3A_164 = arith.constant 0 : i32
        %dma_start3A_165 = tpu.memref_slice %dma_start3A_162[%dma_start3A_163, %dma_start3A_164] : memref<1024x16xf32, #tpu.memory_space<vmem>> -> memref<1000x16xf32, #tpu.memory_space<vmem>>
        %dma_start3A_166 = arith.constant 0 : i32
        %dma_start3A_167 = arith.constant 0 : i32
        %dma_start3A_168 = tpu.memref_slice %arg7[%run_scoped3A_104, %dma_start3A_166, %dma_start3A_167] : memref<2x1x1000xi32, #tpu.memory_space<vmem>> -> memref<1x1x1000xi32, #tpu.memory_space<vmem>>
        %dma_start3A_169 = tpu.memref_squeeze %dma_start3A_168 : memref<1x1x1000xi32, #tpu.memory_space<vmem>> -> memref<1x1000xi32, #tpu.memory_space<vmem>>
        %dma_start3A_170 = arith.constant 0 : i32
        %dma_start3A_171 = tpu.memref_slice %dma_start3A_169[%run_scoped3A_105, %dma_start3A_170] : memref<1x1000xi32, #tpu.memory_space<vmem>> -> memref<1x1000xi32, #tpu.memory_space<vmem>>
        %dma_start3A_172 = tpu.memref_squeeze %dma_start3A_171 : memref<1x1000xi32, #tpu.memory_space<vmem>> -> memref<1000xi32, #tpu.memory_space<vmem>>
        %dma_start3A_173 = arith.constant 0 : i32
        %dma_start3A_174 = arith.constant 0 : i32
        %dma_start3A_175 = tpu.memref_slice %arg10[%dma_start3A_173, %dma_start3A_174] : memref<10000x16xf32, #tpu.memory_space<vmem_shared>> -> memref<10000x16xf32, #tpu.memory_space<vmem_shared>>
        tpu.enqueue_indirect_dma source(%dma_start3A_165 : memref<1000x16xf32, #tpu.memory_space<vmem>>) target(%dma_start3A_175 : memref<10000x16xf32, #tpu.memory_space<vmem_shared>>) offsets(%dma_start3A_172 : memref<1000xi32, #tpu.memory_space<vmem>>) semaphore(%run_scoped3A_158 : memref<!tpu.dma_semaphore, #tpu.memory_space<semaphore_mem>>) {add = true}
        %dma_wait3A_176 = arith.constant 0 : i32
        %dma_wait3A_177 = arith.constant 0 : i32
        %dma_wait3A_178 = tpu.memref_slice %arg8[%run_scoped3A_103, %dma_wait3A_176, %dma_wait3A_177] : memref<2x1024x16xf32, #tpu.memory_space<vmem>> -> memref<1x1024x16xf32, #tpu.memory_space<vmem>>
        %dma_wait3A_179 = tpu.memref_squeeze %dma_wait3A_178 : memref<1x1024x16xf32, #tpu.memory_space<vmem>> -> memref<1024x16xf32, #tpu.memory_space<vmem>>
        %dma_wait3A_180 = arith.constant 0 : i32
        %dma_wait3A_181 = arith.constant 0 : i32
        %dma_wait3A_182 = tpu.memref_slice %dma_wait3A_179[%dma_wait3A_180, %dma_wait3A_181] : memref<1024x16xf32, #tpu.memory_space<vmem>> -> memref<1000x16xf32, #tpu.memory_space<vmem>>
        %dma_wait3A_183 = arith.constant 0 : i32
        %dma_wait3A_184 = arith.constant 0 : i32
        %dma_wait3A_185 = tpu.memref_slice %arg7[%run_scoped3A_104, %dma_wait3A_183, %dma_wait3A_184] : memref<2x1x1000xi32, #tpu.memory_space<vmem>> -> memref<1x1x1000xi32, #tpu.memory_space<vmem>>
        %dma_wait3A_186 = tpu.memref_squeeze %dma_wait3A_185 : memref<1x1x1000xi32, #tpu.memory_space<vmem>> -> memref<1x1000xi32, #tpu.memory_space<vmem>>
        %dma_wait3A_187 = arith.constant 0 : i32
        %dma_wait3A_188 = tpu.memref_slice %dma_wait3A_186[%run_scoped3A_105, %dma_wait3A_187] : memref<1x1000xi32, #tpu.memory_space<vmem>> -> memref<1x1000xi32, #tpu.memory_space<vmem>>
        %dma_wait3A_189 = tpu.memref_squeeze %dma_wait3A_188 : memref<1x1000xi32, #tpu.memory_space<vmem>> -> memref<1000xi32, #tpu.memory_space<vmem>>
        %dma_wait3A_190 = arith.constant 0 : i32
        %dma_wait3A_191 = arith.constant 0 : i32
        %dma_wait3A_192 = tpu.memref_slice %arg10[%dma_wait3A_190, %dma_wait3A_191] : memref<10000x16xf32, #tpu.memory_space<vmem_shared>> -> memref<10000x16xf32, #tpu.memory_space<vmem_shared>>
        tpu.wait_indirect_dma semaphore(%run_scoped3A_158 : memref<!tpu.dma_semaphore, #tpu.memory_space<semaphore_mem>>) src(%dma_wait3A_182 : memref<1000x16xf32, #tpu.memory_space<vmem>>) dst(%dma_wait3A_192 : memref<10000x16xf32, #tpu.memory_space<vmem_shared>>)
        tpu.yield
      }) : () -> ()
      %scan3A_106 = arith.constant 0 : i32
      %scan3A_107 = arith.constant 0 : i32
      %scan3A_108 = arith.constant 64 : i32
      %scan3A_109 = arith.addi %scan3A_107, %scan3A_108 : i32
      %scan3A_110 = arith.constant 1 : i32
      scf.for %scan3A_158 = %scan3A_107 to %scan3A_109 step %scan3A_110  : i32 {
        %mul3A_159 = arith.constant 16 : i32
        %mul3A_160 = arith.muli %scan3A_158, %mul3A_159 : i32
        %add3A_161 = vector.broadcast %mul3A_160 : i32 to vector<16xi32>
        %add3A_162 = arith.addi %iota3A, %add3A_161 : vector<16xi32>
        %gather3A = arith.constant 0 : i32
        %gather3A_163 = arith.constant 0 : i32
        %gather3A_164 = arith.constant 0 : i32
        %gather3A_165 = tpu.memref_slice %arg8[%gather3A, %gather3A_163, %gather3A_164] : memref<2x1024x16xf32, #tpu.memory_space<vmem>> -> memref<1x1024x16xf32, #tpu.memory_space<vmem>>
        %gather3A_166 = tpu.memref_squeeze %gather3A_165 : memref<1x1024x16xf32, #tpu.memory_space<vmem>> -> memref<1024x16xf32, #tpu.memory_space<vmem>>
        %gather3A_167 = tpu.vector_load_idx %gather3A_166[%add3A_162, %broadcast_in_dim3A_3] : memref<1024x16xf32, #tpu.memory_space<vmem>>[vector<16xi32>, vector<16xi32>], vector<16xf32>,
        %mul3A_168 = arith.constant 16 : i32
        %mul3A_169 = arith.muli %scan3A_158, %mul3A_168 : i32
        %swap3A = arith.constant 0 : i32
        %swap3A_170 = arith.index_cast %swap3A : i32 to index
        %swap3A_171 = arith.index_cast %mul3A_169 : i32 to index
        %swap3A_172 = tpu.vector_load %arg9[%swap3A_170, %swap3A_171] {strides = array<i32>} : memref<16x1024xf32, #tpu.memory_space<vmem>>, vector<16xf32>,
        tpu.vector_store %arg9[%swap3A_170, %swap3A_171], %gather3A_167 {strides = array<i32>} : memref<16x1024xf32, #tpu.memory_space<vmem>>, vector<16xf32>,
        %gather3A_173 = arith.constant 0 : i32
        %gather3A_174 = arith.constant 0 : i32
        %gather3A_175 = arith.constant 0 : i32
        %gather3A_176 = tpu.memref_slice %arg8[%gather3A_173, %gather3A_174, %gather3A_175] : memref<2x1024x16xf32, #tpu.memory_space<vmem>> -> memref<1x1024x16xf32, #tpu.memory_space<vmem>>
        %gather3A_177 = tpu.memref_squeeze %gather3A_176 : memref<1x1024x16xf32, #tpu.memory_space<vmem>> -> memref<1024x16xf32, #tpu.memory_space<vmem>>
        %gather3A_178 = tpu.vector_load_idx %gather3A_177[%add3A_162, %broadcast_in_dim3A_5] : memref<1024x16xf32, #tpu.memory_space<vmem>>[vector<16xi32>, vector<16xi32>], vector<16xf32>,
        %mul3A_179 = arith.constant 16 : i32
        %mul3A_180 = arith.muli %scan3A_158, %mul3A_179 : i32
        %swap3A_181 = arith.constant 1 : i32
        %swap3A_182 = arith.index_cast %swap3A_181 : i32 to index
        %swap3A_183 = arith.index_cast %mul3A_180 : i32 to index
        %swap3A_184 = tpu.vector_load %arg9[%swap3A_182, %swap3A_183] {strides = array<i32>} : memref<16x1024xf32, #tpu.memory_space<vmem>>, vector<16xf32>,
        tpu.vector_store %arg9[%swap3A_182, %swap3A_183], %gather3A_178 {strides = array<i32>} : memref<16x1024xf32, #tpu.memory_space<vmem>>, vector<16xf32>,
        %gather3A_185 = arith.constant 0 : i32
        %gather3A_186 = arith.constant 0 : i32
        %gather3A_187 = arith.constant 0 : i32
        %gather3A_188 = tpu.memref_slice %arg8[%gather3A_185, %gather3A_186, %gather3A_187] : memref<2x1024x16xf32, #tpu.memory_space<vmem>> -> memref<1x1024x16xf32, #tpu.memory_space<vmem>>
        %gather3A_189 = tpu.memref_squeeze %gather3A_188 : memref<1x1024x16xf32, #tpu.memory_space<vmem>> -> memref<1024x16xf32, #tpu.memory_space<vmem>>
        %gather3A_190 = tpu.vector_load_idx %gather3A_189[%add3A_162, %broadcast_in_dim3A_7] : memref<1024x16xf32, #tpu.memory_space<vmem>>[vector<16xi32>, vector<16xi32>], vector<16xf32>,
        %mul3A_191 = arith.constant 16 : i32
        %mul3A_192 = arith.muli %scan3A_158, %mul3A_191 : i32
        %swap3A_193 = arith.constant 2 : i32
        %swap3A_194 = arith.index_cast %swap3A_193 : i32 to index
        %swap3A_195 = arith.index_cast %mul3A_192 : i32 to index
        %swap3A_196 = tpu.vector_load %arg9[%swap3A_194, %swap3A_195] {strides = array<i32>} : memref<16x1024xf32, #tpu.memory_space<vmem>>, vector<16xf32>,
        tpu.vector_store %arg9[%swap3A_194, %swap3A_195], %gather3A_190 {strides = array<i32>} : memref<16x1024xf32, #tpu.memory_space<vmem>>, vector<16xf32>,
        %gather3A_197 = arith.constant 0 : i32
        %gather3A_198 = arith.constant 0 : i32
        %gather3A_199 = arith.constant 0 : i32
        %gather3A_200 = tpu.memref_slice %arg8[%gather3A_197, %gather3A_198, %gather3A_199] : memref<2x1024x16xf32, #tpu.memory_space<vmem>> -> memref<1x1024x16xf32, #tpu.memory_space<vmem>>
        %gather3A_201 = tpu.memref_squeeze %gather3A_200 : memref<1x1024x16xf32, #tpu.memory_space<vmem>> -> memref<1024x16xf32, #tpu.memory_space<vmem>>
        %gather3A_202 = tpu.vector_load_idx %gather3A_201[%add3A_162, %broadcast_in_dim3A_9] : memref<1024x16xf32, #tpu.memory_space<vmem>>[vector<16xi32>, vector<16xi32>], vector<16xf32>,
        %mul3A_203 = arith.constant 16 : i32
        %mul3A_204 = arith.muli %scan3A_158, %mul3A_203 : i32
        %swap3A_205 = arith.constant 3 : i32
        %swap3A_206 = arith.index_cast %swap3A_205 : i32 to index
        %swap3A_207 = arith.index_cast %mul3A_204 : i32 to index
        %swap3A_208 = tpu.vector_load %arg9[%swap3A_206, %swap3A_207] {strides = array<i32>} : memref<16x1024xf32, #tpu.memory_space<vmem>>, vector<16xf32>,
        tpu.vector_store %arg9[%swap3A_206, %swap3A_207], %gather3A_202 {strides = array<i32>} : memref<16x1024xf32, #tpu.memory_space<vmem>>, vector<16xf32>,
        %gather3A_209 = arith.constant 0 : i32
        %gather3A_210 = arith.constant 0 : i32
        %gather3A_211 = arith.constant 0 : i32
        %gather3A_212 = tpu.memref_slice %arg8[%gather3A_209, %gather3A_210, %gather3A_211] : memref<2x1024x16xf32, #tpu.memory_space<vmem>> -> memref<1x1024x16xf32, #tpu.memory_space<vmem>>
        %gather3A_213 = tpu.memref_squeeze %gather3A_212 : memref<1x1024x16xf32, #tpu.memory_space<vmem>> -> memref<1024x16xf32, #tpu.memory_space<vmem>>
        %gather3A_214 = tpu.vector_load_idx %gather3A_213[%add3A_162, %broadcast_in_dim3A_11] : memref<1024x16xf32, #tpu.memory_space<vmem>>[vector<16xi32>, vector<16xi32>], vector<16xf32>,
        %mul3A_215 = arith.constant 16 : i32
        %mul3A_216 = arith.muli %scan3A_158, %mul3A_215 : i32
        %swap3A_217 = arith.constant 4 : i32
        %swap3A_218 = arith.index_cast %swap3A_217 : i32 to index
        %swap3A_219 = arith.index_cast %mul3A_216 : i32 to index
        %swap3A_220 = tpu.vector_load %arg9[%swap3A_218, %swap3A_219] {strides = array<i32>} : memref<16x1024xf32, #tpu.memory_space<vmem>>, vector<16xf32>,
        tpu.vector_store %arg9[%swap3A_218, %swap3A_219], %gather3A_214 {strides = array<i32>} : memref<16x1024xf32, #tpu.memory_space<vmem>>, vector<16xf32>,
        %gather3A_221 = arith.constant 0 : i32
        %gather3A_222 = arith.constant 0 : i32
        %gather3A_223 = arith.constant 0 : i32
        %gather3A_224 = tpu.memref_slice %arg8[%gather3A_221, %gather3A_222, %gather3A_223] : memref<2x1024x16xf32, #tpu.memory_space<vmem>> -> memref<1x1024x16xf32, #tpu.memory_space<vmem>>
        %gather3A_225 = tpu.memref_squeeze %gather3A_224 : memref<1x1024x16xf32, #tpu.memory_space<vmem>> -> memref<1024x16xf32, #tpu.memory_space<vmem>>
        %gather3A_226 = tpu.vector_load_idx %gather3A_225[%add3A_162, %broadcast_in_dim3A_13] : memref<1024x16xf32, #tpu.memory_space<vmem>>[vector<16xi32>, vector<16xi32>], vector<16xf32>,
        %mul3A_227 = arith.constant 16 : i32
        %mul3A_228 = arith.muli %scan3A_158, %mul3A_227 : i32
        %swap3A_229 = arith.constant 5 : i32
        %swap3A_230 = arith.index_cast %swap3A_229 : i32 to index
        %swap3A_231 = arith.index_cast %mul3A_228 : i32 to index
        %swap3A_232 = tpu.vector_load %arg9[%swap3A_230, %swap3A_231] {strides = array<i32>} : memref<16x1024xf32, #tpu.memory_space<vmem>>, vector<16xf32>,
        tpu.vector_store %arg9[%swap3A_230, %swap3A_231], %gather3A_226 {strides = array<i32>} : memref<16x1024xf32, #tpu.memory_space<vmem>>, vector<16xf32>,
        %gather3A_233 = arith.constant 0 : i32
        %gather3A_234 = arith.constant 0 : i32
        %gather3A_235 = arith.constant 0 : i32
        %gather3A_236 = tpu.memref_slice %arg8[%gather3A_233, %gather3A_234, %gather3A_235] : memref<2x1024x16xf32, #tpu.memory_space<vmem>> -> memref<1x1024x16xf32, #tpu.memory_space<vmem>>
        %gather3A_237 = tpu.memref_squeeze %gather3A_236 : memref<1x1024x16xf32, #tpu.memory_space<vmem>> -> memref<1024x16xf32, #tpu.memory_space<vmem>>
        %gather3A_238 = tpu.vector_load_idx %gather3A_237[%add3A_162, %broadcast_in_dim3A_15] : memref<1024x16xf32, #tpu.memory_space<vmem>>[vector<16xi32>, vector<16xi32>], vector<16xf32>,
        %mul3A_239 = arith.constant 16 : i32
        %mul3A_240 = arith.muli %scan3A_158, %mul3A_239 : i32
        %swap3A_241 = arith.constant 6 : i32
        %swap3A_242 = arith.index_cast %swap3A_241 : i32 to index
        %swap3A_243 = arith.index_cast %mul3A_240 : i32 to index
        %swap3A_244 = tpu.vector_load %arg9[%swap3A_242, %swap3A_243] {strides = array<i32>} : memref<16x1024xf32, #tpu.memory_space<vmem>>, vector<16xf32>,
        tpu.vector_store %arg9[%swap3A_242, %swap3A_243], %gather3A_238 {strides = array<i32>} : memref<16x1024xf32, #tpu.memory_space<vmem>>, vector<16xf32>,
        %gather3A_245 = arith.constant 0 : i32
        %gather3A_246 = arith.constant 0 : i32
        %gather3A_247 = arith.constant 0 : i32
        %gather3A_248 = tpu.memref_slice %arg8[%gather3A_245, %gather3A_246, %gather3A_247] : memref<2x1024x16xf32, #tpu.memory_space<vmem>> -> memref<1x1024x16xf32, #tpu.memory_space<vmem>>
        %gather3A_249 = tpu.memref_squeeze %gather3A_248 : memref<1x1024x16xf32, #tpu.memory_space<vmem>> -> memref<1024x16xf32, #tpu.memory_space<vmem>>
        %gather3A_250 = tpu.vector_load_idx %gather3A_249[%add3A_162, %broadcast_in_dim3A_17] : memref<1024x16xf32, #tpu.memory_space<vmem>>[vector<16xi32>, vector<16xi32>], vector<16xf32>,
        %mul3A_251 = arith.constant 16 : i32
        %mul3A_252 = arith.muli %scan3A_158, %mul3A_251 : i32
        %swap3A_253 = arith.constant 7 : i32
        %swap3A_254 = arith.index_cast %swap3A_253 : i32 to index
        %swap3A_255 = arith.index_cast %mul3A_252 : i32 to index
        %swap3A_256 = tpu.vector_load %arg9[%swap3A_254, %swap3A_255] {strides = array<i32>} : memref<16x1024xf32, #tpu.memory_space<vmem>>, vector<16xf32>,
        tpu.vector_store %arg9[%swap3A_254, %swap3A_255], %gather3A_250 {strides = array<i32>} : memref<16x1024xf32, #tpu.memory_space<vmem>>, vector<16xf32>,
        %gather3A_257 = arith.constant 0 : i32
        %gather3A_258 = arith.constant 0 : i32
        %gather3A_259 = arith.constant 0 : i32
        %gather3A_260 = tpu.memref_slice %arg8[%gather3A_257, %gather3A_258, %gather3A_259] : memref<2x1024x16xf32, #tpu.memory_space<vmem>> -> memref<1x1024x16xf32, #tpu.memory_space<vmem>>
        %gather3A_261 = tpu.memref_squeeze %gather3A_260 : memref<1x1024x16xf32, #tpu.memory_space<vmem>> -> memref<1024x16xf32, #tpu.memory_space<vmem>>
        %gather3A_262 = tpu.vector_load_idx %gather3A_261[%add3A_162, %broadcast_in_dim3A_19] : memref<1024x16xf32, #tpu.memory_space<vmem>>[vector<16xi32>, vector<16xi32>], vector<16xf32>,
        %mul3A_263 = arith.constant 16 : i32
        %mul3A_264 = arith.muli %scan3A_158, %mul3A_263 : i32
        %swap3A_265 = arith.constant 8 : i32
        %swap3A_266 = arith.index_cast %swap3A_265 : i32 to index
        %swap3A_267 = arith.index_cast %mul3A_264 : i32 to index
        %swap3A_268 = tpu.vector_load %arg9[%swap3A_266, %swap3A_267] {strides = array<i32>} : memref<16x1024xf32, #tpu.memory_space<vmem>>, vector<16xf32>,
        tpu.vector_store %arg9[%swap3A_266, %swap3A_267], %gather3A_262 {strides = array<i32>} : memref<16x1024xf32, #tpu.memory_space<vmem>>, vector<16xf32>,
        %gather3A_269 = arith.constant 0 : i32
        %gather3A_270 = arith.constant 0 : i32
        %gather3A_271 = arith.constant 0 : i32
        %gather3A_272 = tpu.memref_slice %arg8[%gather3A_269, %gather3A_270, %gather3A_271] : memref<2x1024x16xf32, #tpu.memory_space<vmem>> -> memref<1x1024x16xf32, #tpu.memory_space<vmem>>
        %gather3A_273 = tpu.memref_squeeze %gather3A_272 : memref<1x1024x16xf32, #tpu.memory_space<vmem>> -> memref<1024x16xf32, #tpu.memory_space<vmem>>
        %gather3A_274 = tpu.vector_load_idx %gather3A_273[%add3A_162, %broadcast_in_dim3A_21] : memref<1024x16xf32, #tpu.memory_space<vmem>>[vector<16xi32>, vector<16xi32>], vector<16xf32>,
        %mul3A_275 = arith.constant 16 : i32
        %mul3A_276 = arith.muli %scan3A_158, %mul3A_275 : i32
        %swap3A_277 = arith.constant 9 : i32
        %swap3A_278 = arith.index_cast %swap3A_277 : i32 to index
        %swap3A_279 = arith.index_cast %mul3A_276 : i32 to index
        %swap3A_280 = tpu.vector_load %arg9[%swap3A_278, %swap3A_279] {strides = array<i32>} : memref<16x1024xf32, #tpu.memory_space<vmem>>, vector<16xf32>,
        tpu.vector_store %arg9[%swap3A_278, %swap3A_279], %gather3A_274 {strides = array<i32>} : memref<16x1024xf32, #tpu.memory_space<vmem>>, vector<16xf32>,
        %gather3A_281 = arith.constant 0 : i32
        %gather3A_282 = arith.constant 0 : i32
        %gather3A_283 = arith.constant 0 : i32
        %gather3A_284 = tpu.memref_slice %arg8[%gather3A_281, %gather3A_282, %gather3A_283] : memref<2x1024x16xf32, #tpu.memory_space<vmem>> -> memref<1x1024x16xf32, #tpu.memory_space<vmem>>
        %gather3A_285 = tpu.memref_squeeze %gather3A_284 : memref<1x1024x16xf32, #tpu.memory_space<vmem>> -> memref<1024x16xf32, #tpu.memory_space<vmem>>
        %gather3A_286 = tpu.vector_load_idx %gather3A_285[%add3A_162, %broadcast_in_dim3A_23] : memref<1024x16xf32, #tpu.memory_space<vmem>>[vector<16xi32>, vector<16xi32>], vector<16xf32>,
        %mul3A_287 = arith.constant 16 : i32
        %mul3A_288 = arith.muli %scan3A_158, %mul3A_287 : i32
        %swap3A_289 = arith.constant 10 : i32
        %swap3A_290 = arith.index_cast %swap3A_289 : i32 to index
        %swap3A_291 = arith.index_cast %mul3A_288 : i32 to index
        %swap3A_292 = tpu.vector_load %arg9[%swap3A_290, %swap3A_291] {strides = array<i32>} : memref<16x1024xf32, #tpu.memory_space<vmem>>, vector<16xf32>,
        tpu.vector_store %arg9[%swap3A_290, %swap3A_291], %gather3A_286 {strides = array<i32>} : memref<16x1024xf32, #tpu.memory_space<vmem>>, vector<16xf32>,
        %gather3A_293 = arith.constant 0 : i32
        %gather3A_294 = arith.constant 0 : i32
        %gather3A_295 = arith.constant 0 : i32
        %gather3A_296 = tpu.memref_slice %arg8[%gather3A_293, %gather3A_294, %gather3A_295] : memref<2x1024x16xf32, #tpu.memory_space<vmem>> -> memref<1x1024x16xf32, #tpu.memory_space<vmem>>
        %gather3A_297 = tpu.memref_squeeze %gather3A_296 : memref<1x1024x16xf32, #tpu.memory_space<vmem>> -> memref<1024x16xf32, #tpu.memory_space<vmem>>
        %gather3A_298 = tpu.vector_load_idx %gather3A_297[%add3A_162, %broadcast_in_dim3A_25] : memref<1024x16xf32, #tpu.memory_space<vmem>>[vector<16xi32>, vector<16xi32>], vector<16xf32>,
        %mul3A_299 = arith.constant 16 : i32
        %mul3A_300 = arith.muli %scan3A_158, %mul3A_299 : i32
        %swap3A_301 = arith.constant 11 : i32
        %swap3A_302 = arith.index_cast %swap3A_301 : i32 to index
        %swap3A_303 = arith.index_cast %mul3A_300 : i32 to index
        %swap3A_304 = tpu.vector_load %arg9[%swap3A_302, %swap3A_303] {strides = array<i32>} : memref<16x1024xf32, #tpu.memory_space<vmem>>, vector<16xf32>,
        tpu.vector_store %arg9[%swap3A_302, %swap3A_303], %gather3A_298 {strides = array<i32>} : memref<16x1024xf32, #tpu.memory_space<vmem>>, vector<16xf32>,
        %gather3A_305 = arith.constant 0 : i32
        %gather3A_306 = arith.constant 0 : i32
        %gather3A_307 = arith.constant 0 : i32
        %gather3A_308 = tpu.memref_slice %arg8[%gather3A_305, %gather3A_306, %gather3A_307] : memref<2x1024x16xf32, #tpu.memory_space<vmem>> -> memref<1x1024x16xf32, #tpu.memory_space<vmem>>
        %gather3A_309 = tpu.memref_squeeze %gather3A_308 : memref<1x1024x16xf32, #tpu.memory_space<vmem>> -> memref<1024x16xf32, #tpu.memory_space<vmem>>
        %gather3A_310 = tpu.vector_load_idx %gather3A_309[%add3A_162, %broadcast_in_dim3A_27] : memref<1024x16xf32, #tpu.memory_space<vmem>>[vector<16xi32>, vector<16xi32>], vector<16xf32>,
        %mul3A_311 = arith.constant 16 : i32
        %mul3A_312 = arith.muli %scan3A_158, %mul3A_311 : i32
        %swap3A_313 = arith.constant 12 : i32
        %swap3A_314 = arith.index_cast %swap3A_313 : i32 to index
        %swap3A_315 = arith.index_cast %mul3A_312 : i32 to index
        %swap3A_316 = tpu.vector_load %arg9[%swap3A_314, %swap3A_315] {strides = array<i32>} : memref<16x1024xf32, #tpu.memory_space<vmem>>, vector<16xf32>,
        tpu.vector_store %arg9[%swap3A_314, %swap3A_315], %gather3A_310 {strides = array<i32>} : memref<16x1024xf32, #tpu.memory_space<vmem>>, vector<16xf32>,
        %gather3A_317 = arith.constant 0 : i32
        %gather3A_318 = arith.constant 0 : i32
        %gather3A_319 = arith.constant 0 : i32
        %gather3A_320 = tpu.memref_slice %arg8[%gather3A_317, %gather3A_318, %gather3A_319] : memref<2x1024x16xf32, #tpu.memory_space<vmem>> -> memref<1x1024x16xf32, #tpu.memory_space<vmem>>
        %gather3A_321 = tpu.memref_squeeze %gather3A_320 : memref<1x1024x16xf32, #tpu.memory_space<vmem>> -> memref<1024x16xf32, #tpu.memory_space<vmem>>
        %gather3A_322 = tpu.vector_load_idx %gather3A_321[%add3A_162, %broadcast_in_dim3A_29] : memref<1024x16xf32, #tpu.memory_space<vmem>>[vector<16xi32>, vector<16xi32>], vector<16xf32>,
        %mul3A_323 = arith.constant 16 : i32
        %mul3A_324 = arith.muli %scan3A_158, %mul3A_323 : i32
        %swap3A_325 = arith.constant 13 : i32
        %swap3A_326 = arith.index_cast %swap3A_325 : i32 to index
        %swap3A_327 = arith.index_cast %mul3A_324 : i32 to index
        %swap3A_328 = tpu.vector_load %arg9[%swap3A_326, %swap3A_327] {strides = array<i32>} : memref<16x1024xf32, #tpu.memory_space<vmem>>, vector<16xf32>,
        tpu.vector_store %arg9[%swap3A_326, %swap3A_327], %gather3A_322 {strides = array<i32>} : memref<16x1024xf32, #tpu.memory_space<vmem>>, vector<16xf32>,
        %gather3A_329 = arith.constant 0 : i32
        %gather3A_330 = arith.constant 0 : i32
        %gather3A_331 = arith.constant 0 : i32
        %gather3A_332 = tpu.memref_slice %arg8[%gather3A_329, %gather3A_330, %gather3A_331] : memref<2x1024x16xf32, #tpu.memory_space<vmem>> -> memref<1x1024x16xf32, #tpu.memory_space<vmem>>
        %gather3A_333 = tpu.memref_squeeze %gather3A_332 : memref<1x1024x16xf32, #tpu.memory_space<vmem>> -> memref<1024x16xf32, #tpu.memory_space<vmem>>
        %gather3A_334 = tpu.vector_load_idx %gather3A_333[%add3A_162, %broadcast_in_dim3A_31] : memref<1024x16xf32, #tpu.memory_space<vmem>>[vector<16xi32>, vector<16xi32>], vector<16xf32>,
        %mul3A_335 = arith.constant 16 : i32
        %mul3A_336 = arith.muli %scan3A_158, %mul3A_335 : i32
        %swap3A_337 = arith.constant 14 : i32
        %swap3A_338 = arith.index_cast %swap3A_337 : i32 to index
        %swap3A_339 = arith.index_cast %mul3A_336 : i32 to index
        %swap3A_340 = tpu.vector_load %arg9[%swap3A_338, %swap3A_339] {strides = array<i32>} : memref<16x1024xf32, #tpu.memory_space<vmem>>, vector<16xf32>,
        tpu.vector_store %arg9[%swap3A_338, %swap3A_339], %gather3A_334 {strides = array<i32>} : memref<16x1024xf32, #tpu.memory_space<vmem>>, vector<16xf32>,
        %gather3A_341 = arith.constant 0 : i32
        %gather3A_342 = arith.constant 0 : i32
        %gather3A_343 = arith.constant 0 : i32
        %gather3A_344 = tpu.memref_slice %arg8[%gather3A_341, %gather3A_342, %gather3A_343] : memref<2x1024x16xf32, #tpu.memory_space<vmem>> -> memref<1x1024x16xf32, #tpu.memory_space<vmem>>
        %gather3A_345 = tpu.memref_squeeze %gather3A_344 : memref<1x1024x16xf32, #tpu.memory_space<vmem>> -> memref<1024x16xf32, #tpu.memory_space<vmem>>
        %gather3A_346 = tpu.vector_load_idx %gather3A_345[%add3A_162, %broadcast_in_dim3A_33] : memref<1024x16xf32, #tpu.memory_space<vmem>>[vector<16xi32>, vector<16xi32>], vector<16xf32>,
        %mul3A_347 = arith.constant 16 : i32
        %mul3A_348 = arith.muli %scan3A_158, %mul3A_347 : i32
        %swap3A_349 = arith.constant 15 : i32
        %swap3A_350 = arith.index_cast %swap3A_349 : i32 to index
        %swap3A_351 = arith.index_cast %mul3A_348 : i32 to index
        %swap3A_352 = tpu.vector_load %arg9[%swap3A_350, %swap3A_351] {strides = array<i32>} : memref<16x1024xf32, #tpu.memory_space<vmem>>, vector<16xf32>,
        tpu.vector_store %arg9[%swap3A_350, %swap3A_351], %gather3A_346 {strides = array<i32>} : memref<16x1024xf32, #tpu.memory_space<vmem>>, vector<16xf32>,
      }
      %scan3A_111 = arith.constant 64 : i32
      "tpu.region"() ({
        %run_scoped3A_158 = tpu.sem_alloc : memref<!tpu.dma_semaphore, #tpu.memory_space<semaphore_mem>>
        %dma_start3A_159 = arith.constant 0 : i32
        %dma_start3A_160 = arith.constant 0 : i32
        %dma_start3A_161 = tpu.memref_slice %arg9[%dma_start3A_159, %dma_start3A_160] : memref<16x1024xf32, #tpu.memory_space<vmem>> -> memref<16x1000xf32, #tpu.memory_space<vmem>>
        %dma_start3A_162 = arith.constant 0 : i32
        %dma_start3A_163 = tpu.memref_slice %arg6[%dma_start3A_162, %mul3A_102] : memref<16x320000xf32, #tpu.memory_space<hbm>> -> memref<16x1000xf32, #tpu.memory_space<hbm>>
        %dma_start3A_164 = arith.constant 0 : i32
        %dma_start3A_165 = tpu.memref_slice %arg6[%dma_start3A_164, %mul3A_102] : memref<16x320000xf32, #tpu.memory_space<hbm>> -> memref<16x1000xf32, #tpu.memory_space<hbm>>
        %dma_start3A_166 = arith.constant 0 : i32
        %dma_start3A_167 = arith.constant 0 : i32
        %dma_start3A_168 = tpu.memref_slice %arg9[%dma_start3A_166, %dma_start3A_167] : memref<16x1024xf32, #tpu.memory_space<vmem>> -> memref<16x1000xf32, #tpu.memory_space<vmem>>
        tpu.enqueue_dma source(%dma_start3A_168 : memref<16x1000xf32, #tpu.memory_space<vmem>>) target(%dma_start3A_165 : memref<16x1000xf32, #tpu.memory_space<hbm>>) target_semaphore(%run_scoped3A_158 : memref<!tpu.dma_semaphore, #tpu.memory_space<semaphore_mem>>)
        %dma_wait3A_169 = arith.constant 0 : i32
        %dma_wait3A_170 = arith.constant 0 : i32
        %dma_wait3A_171 = tpu.memref_slice %arg9[%dma_wait3A_169, %dma_wait3A_170] : memref<16x1024xf32, #tpu.memory_space<vmem>> -> memref<16x1000xf32, #tpu.memory_space<vmem>>
        %dma_wait3A_172 = arith.constant 0 : i32
        %dma_wait3A_173 = tpu.memref_slice %arg6[%dma_wait3A_172, %mul3A_102] : memref<16x320000xf32, #tpu.memory_space<hbm>> -> memref<16x1000xf32, #tpu.memory_space<hbm>>
        %dma_wait3A_174 = arith.constant 0 : i32
        %dma_wait3A_175 = tpu.memref_slice %arg6[%dma_wait3A_174, %mul3A_102] : memref<16x320000xf32, #tpu.memory_space<hbm>> -> memref<16x1000xf32, #tpu.memory_space<hbm>>
        %dma_wait3A_176 = arith.constant 0 : i32
        %dma_wait3A_177 = arith.constant 0 : i32
        %dma_wait3A_178 = tpu.memref_slice %arg9[%dma_wait3A_176, %dma_wait3A_177] : memref<16x1024xf32, #tpu.memory_space<vmem>> -> memref<16x1000xf32, #tpu.memory_space<vmem>>
        tpu.wait_dma2 semaphore(%run_scoped3A_158 : memref<!tpu.dma_semaphore, #tpu.memory_space<semaphore_mem>>) src(%dma_wait3A_178 : memref<16x1000xf32, #tpu.memory_space<vmem>>) dst(%dma_wait3A_175 : memref<16x1000xf32, #tpu.memory_space<hbm>>)
        tpu.yield
      }) : () -> ()
      %mul3A_112 = arith.constant 2 : i32
      %mul3A_113 = arith.muli %mul3A_112, %scan3A_67 : i32
      %add3A_114 = arith.constant 1 : i32
      %add3A_115 = arith.addi %mul3A_113, %add3A_114 : i32
      %add3A_116 = arith.constant 1 : i32
      %add3A_117 = arith.addi %add3A_115, %add3A_116 : i32
      %lt3A_118 = arith.constant 10 : i32
      %lt3A_119 = arith.cmpi slt, %add3A_117, %lt3A_118 : i32
      %convert_element_type3A_120 = arith.extui %lt3A_119 : i1 to i32
      %cond3A_121 = arith.constant 0 : i32
      %cond3A_122 = arith.cmpi ne, %convert_element_type3A_120, %cond3A_121 : i32
      scf.if %cond3A_122 {
        %add3A_158 = arith.constant 1 : i32
        %add3A_159 = arith.addi %add3A_115, %add3A_158 : i32
        %mul3A_160 = arith.constant 32 : i32
        %mul3A_161 = arith.muli %add3A_159, %mul3A_160 : i32
        %add3A_162 = arith.addi %add3A, %mul3A_161 : i32
        %run_scoped3A_163 = arith.constant 0 : i32
        "tpu.region"() ({
          %run_scoped3A_185 = tpu.sem_alloc : memref<!tpu.dma_semaphore, #tpu.memory_space<semaphore_mem>>
          %dma_start3A_186 = arith.constant 0 : i32
          %dma_start3A_187 = arith.constant 0 : i32
          %dma_start3A_188 = tpu.memref_slice %arg7[%run_scoped3A_163, %dma_start3A_186, %dma_start3A_187] : memref<2x1x1000xi32, #tpu.memory_space<vmem>> -> memref<1x1x1000xi32, #tpu.memory_space<vmem>>
          %dma_start3A_189 = tpu.memref_squeeze %dma_start3A_188 : memref<1x1x1000xi32, #tpu.memory_space<vmem>> -> memref<1x1000xi32, #tpu.memory_space<vmem>>
          %dma_start3A_190 = arith.constant 0 : i32
          %dma_start3A_191 = tpu.memref_slice %arg3[%add3A_162, %dma_start3A_190] : memref<320x1000xi32, #tpu.memory_space<hbm>> -> memref<1x1000xi32, #tpu.memory_space<hbm>>
          %dma_start3A_192 = arith.constant 0 : i32
          %dma_start3A_193 = arith.constant 0 : i32
          %dma_start3A_194 = tpu.memref_slice %arg7[%run_scoped3A_163, %dma_start3A_192, %dma_start3A_193] : memref<2x1x1000xi32, #tpu.memory_space<vmem>> -> memref<1x1x1000xi32, #tpu.memory_space<vmem>>
          %dma_start3A_195 = tpu.memref_squeeze %dma_start3A_194 : memref<1x1x1000xi32, #tpu.memory_space<vmem>> -> memref<1x1000xi32, #tpu.memory_space<vmem>>
          %dma_start3A_196 = arith.constant 0 : i32
          %dma_start3A_197 = tpu.memref_slice %arg3[%add3A_162, %dma_start3A_196] : memref<320x1000xi32, #tpu.memory_space<hbm>> -> memref<1x1000xi32, #tpu.memory_space<hbm>>
          tpu.enqueue_dma source(%dma_start3A_197 : memref<1x1000xi32, #tpu.memory_space<hbm>>) target(%dma_start3A_195 : memref<1x1000xi32, #tpu.memory_space<vmem>>) target_semaphore(%run_scoped3A_185 : memref<!tpu.dma_semaphore, #tpu.memory_space<semaphore_mem>>)
          %dma_wait3A_198 = arith.constant 0 : i32
          %dma_wait3A_199 = arith.constant 0 : i32
          %dma_wait3A_200 = tpu.memref_slice %arg7[%run_scoped3A_163, %dma_wait3A_198, %dma_wait3A_199] : memref<2x1x1000xi32, #tpu.memory_space<vmem>> -> memref<1x1x1000xi32, #tpu.memory_space<vmem>>
          %dma_wait3A_201 = tpu.memref_squeeze %dma_wait3A_200 : memref<1x1x1000xi32, #tpu.memory_space<vmem>> -> memref<1x1000xi32, #tpu.memory_space<vmem>>
          %dma_wait3A_202 = arith.constant 0 : i32
          %dma_wait3A_203 = tpu.memref_slice %arg3[%add3A_162, %dma_wait3A_202] : memref<320x1000xi32, #tpu.memory_space<hbm>> -> memref<1x1000xi32, #tpu.memory_space<hbm>>
          %dma_wait3A_204 = arith.constant 0 : i32
          %dma_wait3A_205 = arith.constant 0 : i32
          %dma_wait3A_206 = tpu.memref_slice %arg7[%run_scoped3A_163, %dma_wait3A_204, %dma_wait3A_205] : memref<2x1x1000xi32, #tpu.memory_space<vmem>> -> memref<1x1x1000xi32, #tpu.memory_space<vmem>>
          %dma_wait3A_207 = tpu.memref_squeeze %dma_wait3A_206 : memref<1x1x1000xi32, #tpu.memory_space<vmem>> -> memref<1x1000xi32, #tpu.memory_space<vmem>>
          %dma_wait3A_208 = arith.constant 0 : i32
          %dma_wait3A_209 = tpu.memref_slice %arg3[%add3A_162, %dma_wait3A_208] : memref<320x1000xi32, #tpu.memory_space<hbm>> -> memref<1x1000xi32, #tpu.memory_space<hbm>>
          tpu.wait_dma2 semaphore(%run_scoped3A_185 : memref<!tpu.dma_semaphore, #tpu.memory_space<semaphore_mem>>) src(%dma_wait3A_209 : memref<1x1000xi32, #tpu.memory_space<hbm>>) dst(%dma_wait3A_207 : memref<1x1000xi32, #tpu.memory_space<vmem>>)
          tpu.yield
        }) : () -> ()
        %mul3A_164 = arith.constant 1000 : i32
        %mul3A_165 = arith.muli %add3A_162, %mul3A_164 : i32
        %dma_start3A_166 = arith.constant 0 : i32
        %dma_start3A_167 = arith.constant 0 : i32
        %dma_start3A_168 = arith.constant 0 : i32
        %dma_start3A_169 = tpu.memref_slice %arg8[%dma_start3A_166, %dma_start3A_167, %dma_start3A_168] : memref<2x1024x16xf32, #tpu.memory_space<vmem>> -> memref<1x1024x16xf32, #tpu.memory_space<vmem>>
        %dma_start3A_170 = tpu.memref_squeeze %dma_start3A_169 : memref<1x1024x16xf32, #tpu.memory_space<vmem>> -> memref<1024x16xf32, #tpu.memory_space<vmem>>
        %dma_start3A_171 = arith.constant 0 : i32
        %dma_start3A_172 = arith.constant 0 : i32
        %dma_start3A_173 = tpu.memref_slice %dma_start3A_170[%dma_start3A_171, %dma_start3A_172] : memref<1024x16xf32, #tpu.memory_space<vmem>> -> memref<1000x16xf32, #tpu.memory_space<vmem>>
        %dma_start3A_174 = arith.constant 0 : i32
        %dma_start3A_175 = tpu.memref_slice %arg2[%mul3A_165, %dma_start3A_174] : memref<320000x16xf32, #tpu.memory_space<hbm>> -> memref<1000x16xf32, #tpu.memory_space<hbm>>
        %dma_start3A_176 = arith.constant 0 : i32
        %dma_start3A_177 = arith.constant 0 : i32
        %dma_start3A_178 = tpu.memref_slice %arg8[%dma_start3A_166, %dma_start3A_176, %dma_start3A_177] : memref<2x1024x16xf32, #tpu.memory_space<vmem>> -> memref<1x1024x16xf32, #tpu.memory_space<vmem>>
        %dma_start3A_179 = tpu.memref_squeeze %dma_start3A_178 : memref<1x1024x16xf32, #tpu.memory_space<vmem>> -> memref<1024x16xf32, #tpu.memory_space<vmem>>
        %dma_start3A_180 = arith.constant 0 : i32
        %dma_start3A_181 = arith.constant 0 : i32
        %dma_start3A_182 = tpu.memref_slice %dma_start3A_179[%dma_start3A_180, %dma_start3A_181] : memref<1024x16xf32, #tpu.memory_space<vmem>> -> memref<1000x16xf32, #tpu.memory_space<vmem>>
        %dma_start3A_183 = arith.constant 0 : i32
        %dma_start3A_184 = tpu.memref_slice %arg2[%mul3A_165, %dma_start3A_183] : memref<320000x16xf32, #tpu.memory_space<hbm>> -> memref<1000x16xf32, #tpu.memory_space<hbm>>
        tpu.enqueue_dma source(%dma_start3A_184 : memref<1000x16xf32, #tpu.memory_space<hbm>>) target(%dma_start3A_182 : memref<1000x16xf32, #tpu.memory_space<vmem>>) target_semaphore(%arg11 : memref<!tpu.dma_semaphore, #tpu.memory_space<semaphore_mem>>)
      } else {
      }
      %dma_wait3A_123 = arith.constant 1 : i32
      %dma_wait3A_124 = arith.constant 0 : i32
      %dma_wait3A_125 = arith.constant 0 : i32
      %dma_wait3A_126 = tpu.memref_slice %arg8[%dma_wait3A_123, %dma_wait3A_124, %dma_wait3A_125] : memref<2x1024x16xf32, #tpu.memory_space<vmem>> -> memref<1x1024x16xf32, #tpu.memory_space<vmem>>
      %dma_wait3A_127 = tpu.memref_squeeze %dma_wait3A_126 : memref<1x1024x16xf32, #tpu.memory_space<vmem>> -> memref<1024x16xf32, #tpu.memory_space<vmem>>
      %dma_wait3A_128 = arith.constant 0 : i32
      %dma_wait3A_129 = arith.constant 0 : i32
      %dma_wait3A_130 = tpu.memref_slice %dma_wait3A_127[%dma_wait3A_128, %dma_wait3A_129] : memref<1024x16xf32, #tpu.memory_space<vmem>> -> memref<1000x16xf32, #tpu.memory_space<vmem>>
      %dma_wait3A_131 = arith.constant 0 : i32
      %dma_wait3A_132 = arith.constant 0 : i32
      %dma_wait3A_133 = tpu.memref_slice %arg2[%dma_wait3A_131, %dma_wait3A_132] : memref<320000x16xf32, #tpu.memory_space<hbm>> -> memref<1000x16xf32, #tpu.memory_space<hbm>>
      %dma_wait3A_134 = arith.constant 0 : i32
      %dma_wait3A_135 = arith.constant 0 : i32
      %dma_wait3A_136 = tpu.memref_slice %arg8[%dma_wait3A_123, %dma_wait3A_134, %dma_wait3A_135] : memref<2x1024x16xf32, #tpu.memory_space<vmem>> -> memref<1x1024x16xf32, #tpu.memory_space<vmem>>
      %dma_wait3A_137 = tpu.memref_squeeze %dma_wait3A_136 : memref<1x1024x16xf32, #tpu.memory_space<vmem>> -> memref<1024x16xf32, #tpu.memory_space<vmem>>
      %dma_wait3A_138 = arith.constant 0 : i32
      %dma_wait3A_139 = arith.constant 0 : i32
      %dma_wait3A_140 = tpu.memref_slice %dma_wait3A_137[%dma_wait3A_138, %dma_wait3A_139] : memref<1024x16xf32, #tpu.memory_space<vmem>> -> memref<1000x16xf32, #tpu.memory_space<vmem>>
      %dma_wait3A_141 = arith.constant 0 : i32
      %dma_wait3A_142 = arith.constant 0 : i32
      %dma_wait3A_143 = tpu.memref_slice %arg2[%dma_wait3A_141, %dma_wait3A_142] : memref<320000x16xf32, #tpu.memory_space<hbm>> -> memref<1000x16xf32, #tpu.memory_space<hbm>>
      tpu.wait_dma2 semaphore(%arg11 : memref<!tpu.dma_semaphore, #tpu.memory_space<semaphore_mem>>) src(%dma_wait3A_143 : memref<1000x16xf32, #tpu.memory_space<hbm>>) dst(%dma_wait3A_140 : memref<1000x16xf32, #tpu.memory_space<vmem>>)
      %mul3A_144 = arith.constant 32 : i32
      %mul3A_145 = arith.muli %add3A_115, %mul3A_144 : i32
      %add3A_146 = arith.addi %add3A, %mul3A_145 : i32
      %mul3A_147 = arith.constant 1000 : i32
      %mul3A_148 = arith.muli %add3A_146, %mul3A_147 : i32
      %run_scoped3A_149 = arith.constant 1 : i32
      %run_scoped3A_150 = arith.constant 1 : i32
      %run_scoped3A_151 = arith.constant 0 : i32
      "tpu.region"() ({
        %run_scoped3A_158 = tpu.sem_alloc : memref<!tpu.dma_semaphore, #tpu.memory_space<semaphore_mem>>
        %dma_start3A_159 = arith.constant 0 : i32
        %dma_start3A_160 = arith.constant 0 : i32
        %dma_start3A_161 = tpu.memref_slice %arg8[%run_scoped3A_149, %dma_start3A_159, %dma_start3A_160] : memref<2x1024x16xf32, #tpu.memory_space<vmem>> -> memref<1x1024x16xf32, #tpu.memory_space<vmem>>
        %dma_start3A_162 = tpu.memref_squeeze %dma_start3A_161 : memref<1x1024x16xf32, #tpu.memory_space<vmem>> -> memref<1024x16xf32, #tpu.memory_space<vmem>>
        %dma_start3A_163 = arith.constant 0 : i32
        %dma_start3A_164 = arith.constant 0 : i32
        %dma_start3A_165 = tpu.memref_slice %dma_start3A_162[%dma_start3A_163, %dma_start3A_164] : memref<1024x16xf32, #tpu.memory_space<vmem>> -> memref<1000x16xf32, #tpu.memory_space<vmem>>
        %dma_start3A_166 = arith.constant 0 : i32
        %dma_start3A_167 = arith.constant 0 : i32
        %dma_start3A_168 = tpu.memref_slice %arg7[%run_scoped3A_150, %dma_start3A_166, %dma_start3A_167] : memref<2x1x1000xi32, #tpu.memory_space<vmem>> -> memref<1x1x1000xi32, #tpu.memory_space<vmem>>
        %dma_start3A_169 = tpu.memref_squeeze %dma_start3A_168 : memref<1x1x1000xi32, #tpu.memory_space<vmem>> -> memref<1x1000xi32, #tpu.memory_space<vmem>>
        %dma_start3A_170 = arith.constant 0 : i32
        %dma_start3A_171 = tpu.memref_slice %dma_start3A_169[%run_scoped3A_151, %dma_start3A_170] : memref<1x1000xi32, #tpu.memory_space<vmem>> -> memref<1x1000xi32, #tpu.memory_space<vmem>>
        %dma_start3A_172 = tpu.memref_squeeze %dma_start3A_171 : memref<1x1000xi32, #tpu.memory_space<vmem>> -> memref<1000xi32, #tpu.memory_space<vmem>>
        %dma_start3A_173 = arith.constant 0 : i32
        %dma_start3A_174 = arith.constant 0 : i32
        %dma_start3A_175 = tpu.memref_slice %arg10[%dma_start3A_173, %dma_start3A_174] : memref<10000x16xf32, #tpu.memory_space<vmem_shared>> -> memref<10000x16xf32, #tpu.memory_space<vmem_shared>>
        tpu.enqueue_indirect_dma source(%dma_start3A_165 : memref<1000x16xf32, #tpu.memory_space<vmem>>) target(%dma_start3A_175 : memref<10000x16xf32, #tpu.memory_space<vmem_shared>>) offsets(%dma_start3A_172 : memref<1000xi32, #tpu.memory_space<vmem>>) semaphore(%run_scoped3A_158 : memref<!tpu.dma_semaphore, #tpu.memory_space<semaphore_mem>>) {add = true}
        %dma_wait3A_176 = arith.constant 0 : i32
        %dma_wait3A_177 = arith.constant 0 : i32
        %dma_wait3A_178 = tpu.memref_slice %arg8[%run_scoped3A_149, %dma_wait3A_176, %dma_wait3A_177] : memref<2x1024x16xf32, #tpu.memory_space<vmem>> -> memref<1x1024x16xf32, #tpu.memory_space<vmem>>
        %dma_wait3A_179 = tpu.memref_squeeze %dma_wait3A_178 : memref<1x1024x16xf32, #tpu.memory_space<vmem>> -> memref<1024x16xf32, #tpu.memory_space<vmem>>
        %dma_wait3A_180 = arith.constant 0 : i32
        %dma_wait3A_181 = arith.constant 0 : i32
        %dma_wait3A_182 = tpu.memref_slice %dma_wait3A_179[%dma_wait3A_180, %dma_wait3A_181] : memref<1024x16xf32, #tpu.memory_space<vmem>> -> memref<1000x16xf32, #tpu.memory_space<vmem>>
        %dma_wait3A_183 = arith.constant 0 : i32
        %dma_wait3A_184 = arith.constant 0 : i32
        %dma_wait3A_185 = tpu.memref_slice %arg7[%run_scoped3A_150, %dma_wait3A_183, %dma_wait3A_184] : memref<2x1x1000xi32, #tpu.memory_space<vmem>> -> memref<1x1x1000xi32, #tpu.memory_space<vmem>>
        %dma_wait3A_186 = tpu.memref_squeeze %dma_wait3A_185 : memref<1x1x1000xi32, #tpu.memory_space<vmem>> -> memref<1x1000xi32, #tpu.memory_space<vmem>>
        %dma_wait3A_187 = arith.constant 0 : i32
        %dma_wait3A_188 = tpu.memref_slice %dma_wait3A_186[%run_scoped3A_151, %dma_wait3A_187] : memref<1x1000xi32, #tpu.memory_space<vmem>> -> memref<1x1000xi32, #tpu.memory_space<vmem>>
        %dma_wait3A_189 = tpu.memref_squeeze %dma_wait3A_188 : memref<1x1000xi32, #tpu.memory_space<vmem>> -> memref<1000xi32, #tpu.memory_space<vmem>>
        %dma_wait3A_190 = arith.constant 0 : i32
        %dma_wait3A_191 = arith.constant 0 : i32
        %dma_wait3A_192 = tpu.memref_slice %arg10[%dma_wait3A_190, %dma_wait3A_191] : memref<10000x16xf32, #tpu.memory_space<vmem_shared>> -> memref<10000x16xf32, #tpu.memory_space<vmem_shared>>
        tpu.wait_indirect_dma semaphore(%run_scoped3A_158 : memref<!tpu.dma_semaphore, #tpu.memory_space<semaphore_mem>>) src(%dma_wait3A_182 : memref<1000x16xf32, #tpu.memory_space<vmem>>) dst(%dma_wait3A_192 : memref<10000x16xf32, #tpu.memory_space<vmem_shared>>)
        tpu.yield
      }) : () -> ()
      %scan3A_152 = arith.constant 0 : i32
      %scan3A_153 = arith.constant 0 : i32
      %scan3A_154 = arith.constant 64 : i32
      %scan3A_155 = arith.addi %scan3A_153, %scan3A_154 : i32
      %scan3A_156 = arith.constant 1 : i32
      scf.for %scan3A_158 = %scan3A_153 to %scan3A_155 step %scan3A_156  : i32 {
        %mul3A_159 = arith.constant 16 : i32
        %mul3A_160 = arith.muli %scan3A_158, %mul3A_159 : i32
        %add3A_161 = vector.broadcast %mul3A_160 : i32 to vector<16xi32>
        %add3A_162 = arith.addi %iota3A, %add3A_161 : vector<16xi32>
        %gather3A = arith.constant 1 : i32
        %gather3A_163 = arith.constant 0 : i32
        %gather3A_164 = arith.constant 0 : i32
        %gather3A_165 = tpu.memref_slice %arg8[%gather3A, %gather3A_163, %gather3A_164] : memref<2x1024x16xf32, #tpu.memory_space<vmem>> -> memref<1x1024x16xf32, #tpu.memory_space<vmem>>
        %gather3A_166 = tpu.memref_squeeze %gather3A_165 : memref<1x1024x16xf32, #tpu.memory_space<vmem>> -> memref<1024x16xf32, #tpu.memory_space<vmem>>
        %gather3A_167 = tpu.vector_load_idx %gather3A_166[%add3A_162, %broadcast_in_dim3A_3] : memref<1024x16xf32, #tpu.memory_space<vmem>>[vector<16xi32>, vector<16xi32>], vector<16xf32>,
        %mul3A_168 = arith.constant 16 : i32
        %mul3A_169 = arith.muli %scan3A_158, %mul3A_168 : i32
        %swap3A = arith.constant 0 : i32
        %swap3A_170 = arith.index_cast %swap3A : i32 to index
        %swap3A_171 = arith.index_cast %mul3A_169 : i32 to index
        %swap3A_172 = tpu.vector_load %arg9[%swap3A_170, %swap3A_171] {strides = array<i32>} : memref<16x1024xf32, #tpu.memory_space<vmem>>, vector<16xf32>,
        tpu.vector_store %arg9[%swap3A_170, %swap3A_171], %gather3A_167 {strides = array<i32>} : memref<16x1024xf32, #tpu.memory_space<vmem>>, vector<16xf32>,
        %gather3A_173 = arith.constant 1 : i32
        %gather3A_174 = arith.constant 0 : i32
        %gather3A_175 = arith.constant 0 : i32
        %gather3A_176 = tpu.memref_slice %arg8[%gather3A_173, %gather3A_174, %gather3A_175] : memref<2x1024x16xf32, #tpu.memory_space<vmem>> -> memref<1x1024x16xf32, #tpu.memory_space<vmem>>
        %gather3A_177 = tpu.memref_squeeze %gather3A_176 : memref<1x1024x16xf32, #tpu.memory_space<vmem>> -> memref<1024x16xf32, #tpu.memory_space<vmem>>
        %gather3A_178 = tpu.vector_load_idx %gather3A_177[%add3A_162, %broadcast_in_dim3A_5] : memref<1024x16xf32, #tpu.memory_space<vmem>>[vector<16xi32>, vector<16xi32>], vector<16xf32>,
        %mul3A_179 = arith.constant 16 : i32
        %mul3A_180 = arith.muli %scan3A_158, %mul3A_179 : i32
        %swap3A_181 = arith.constant 1 : i32
        %swap3A_182 = arith.index_cast %swap3A_181 : i32 to index
        %swap3A_183 = arith.index_cast %mul3A_180 : i32 to index
        %swap3A_184 = tpu.vector_load %arg9[%swap3A_182, %swap3A_183] {strides = array<i32>} : memref<16x1024xf32, #tpu.memory_space<vmem>>, vector<16xf32>,
        tpu.vector_store %arg9[%swap3A_182, %swap3A_183], %gather3A_178 {strides = array<i32>} : memref<16x1024xf32, #tpu.memory_space<vmem>>, vector<16xf32>,
        %gather3A_185 = arith.constant 1 : i32
        %gather3A_186 = arith.constant 0 : i32
        %gather3A_187 = arith.constant 0 : i32
        %gather3A_188 = tpu.memref_slice %arg8[%gather3A_185, %gather3A_186, %gather3A_187] : memref<2x1024x16xf32, #tpu.memory_space<vmem>> -> memref<1x1024x16xf32, #tpu.memory_space<vmem>>
        %gather3A_189 = tpu.memref_squeeze %gather3A_188 : memref<1x1024x16xf32, #tpu.memory_space<vmem>> -> memref<1024x16xf32, #tpu.memory_space<vmem>>
        %gather3A_190 = tpu.vector_load_idx %gather3A_189[%add3A_162, %broadcast_in_dim3A_7] : memref<1024x16xf32, #tpu.memory_space<vmem>>[vector<16xi32>, vector<16xi32>], vector<16xf32>,
        %mul3A_191 = arith.constant 16 : i32
        %mul3A_192 = arith.muli %scan3A_158, %mul3A_191 : i32
        %swap3A_193 = arith.constant 2 : i32
        %swap3A_194 = arith.index_cast %swap3A_193 : i32 to index
        %swap3A_195 = arith.index_cast %mul3A_192 : i32 to index
        %swap3A_196 = tpu.vector_load %arg9[%swap3A_194, %swap3A_195] {strides = array<i32>} : memref<16x1024xf32, #tpu.memory_space<vmem>>, vector<16xf32>,
        tpu.vector_store %arg9[%swap3A_194, %swap3A_195], %gather3A_190 {strides = array<i32>} : memref<16x1024xf32, #tpu.memory_space<vmem>>, vector<16xf32>,
        %gather3A_197 = arith.constant 1 : i32
        %gather3A_198 = arith.constant 0 : i32
        %gather3A_199 = arith.constant 0 : i32
        %gather3A_200 = tpu.memref_slice %arg8[%gather3A_197, %gather3A_198, %gather3A_199] : memref<2x1024x16xf32, #tpu.memory_space<vmem>> -> memref<1x1024x16xf32, #tpu.memory_space<vmem>>
        %gather3A_201 = tpu.memref_squeeze %gather3A_200 : memref<1x1024x16xf32, #tpu.memory_space<vmem>> -> memref<1024x16xf32, #tpu.memory_space<vmem>>
        %gather3A_202 = tpu.vector_load_idx %gather3A_201[%add3A_162, %broadcast_in_dim3A_9] : memref<1024x16xf32, #tpu.memory_space<vmem>>[vector<16xi32>, vector<16xi32>], vector<16xf32>,
        %mul3A_203 = arith.constant 16 : i32
        %mul3A_204 = arith.muli %scan3A_158, %mul3A_203 : i32
        %swap3A_205 = arith.constant 3 : i32
        %swap3A_206 = arith.index_cast %swap3A_205 : i32 to index
        %swap3A_207 = arith.index_cast %mul3A_204 : i32 to index
        %swap3A_208 = tpu.vector_load %arg9[%swap3A_206, %swap3A_207] {strides = array<i32>} : memref<16x1024xf32, #tpu.memory_space<vmem>>, vector<16xf32>,
        tpu.vector_store %arg9[%swap3A_206, %swap3A_207], %gather3A_202 {strides = array<i32>} : memref<16x1024xf32, #tpu.memory_space<vmem>>, vector<16xf32>,
        %gather3A_209 = arith.constant 1 : i32
        %gather3A_210 = arith.constant 0 : i32
        %gather3A_211 = arith.constant 0 : i32
        %gather3A_212 = tpu.memref_slice %arg8[%gather3A_209, %gather3A_210, %gather3A_211] : memref<2x1024x16xf32, #tpu.memory_space<vmem>> -> memref<1x1024x16xf32, #tpu.memory_space<vmem>>
        %gather3A_213 = tpu.memref_squeeze %gather3A_212 : memref<1x1024x16xf32, #tpu.memory_space<vmem>> -> memref<1024x16xf32, #tpu.memory_space<vmem>>
        %gather3A_214 = tpu.vector_load_idx %gather3A_213[%add3A_162, %broadcast_in_dim3A_11] : memref<1024x16xf32, #tpu.memory_space<vmem>>[vector<16xi32>, vector<16xi32>], vector<16xf32>,
        %mul3A_215 = arith.constant 16 : i32
        %mul3A_216 = arith.muli %scan3A_158, %mul3A_215 : i32
        %swap3A_217 = arith.constant 4 : i32
        %swap3A_218 = arith.index_cast %swap3A_217 : i32 to index
        %swap3A_219 = arith.index_cast %mul3A_216 : i32 to index
        %swap3A_220 = tpu.vector_load %arg9[%swap3A_218, %swap3A_219] {strides = array<i32>} : memref<16x1024xf32, #tpu.memory_space<vmem>>, vector<16xf32>,
        tpu.vector_store %arg9[%swap3A_218, %swap3A_219], %gather3A_214 {strides = array<i32>} : memref<16x1024xf32, #tpu.memory_space<vmem>>, vector<16xf32>,
        %gather3A_221 = arith.constant 1 : i32
        %gather3A_222 = arith.constant 0 : i32
        %gather3A_223 = arith.constant 0 : i32
        %gather3A_224 = tpu.memref_slice %arg8[%gather3A_221, %gather3A_222, %gather3A_223] : memref<2x1024x16xf32, #tpu.memory_space<vmem>> -> memref<1x1024x16xf32, #tpu.memory_space<vmem>>
        %gather3A_225 = tpu.memref_squeeze %gather3A_224 : memref<1x1024x16xf32, #tpu.memory_space<vmem>> -> memref<1024x16xf32, #tpu.memory_space<vmem>>
        %gather3A_226 = tpu.vector_load_idx %gather3A_225[%add3A_162, %broadcast_in_dim3A_13] : memref<1024x16xf32, #tpu.memory_space<vmem>>[vector<16xi32>, vector<16xi32>], vector<16xf32>,
        %mul3A_227 = arith.constant 16 : i32
        %mul3A_228 = arith.muli %scan3A_158, %mul3A_227 : i32
        %swap3A_229 = arith.constant 5 : i32
        %swap3A_230 = arith.index_cast %swap3A_229 : i32 to index
        %swap3A_231 = arith.index_cast %mul3A_228 : i32 to index
        %swap3A_232 = tpu.vector_load %arg9[%swap3A_230, %swap3A_231] {strides = array<i32>} : memref<16x1024xf32, #tpu.memory_space<vmem>>, vector<16xf32>,
        tpu.vector_store %arg9[%swap3A_230, %swap3A_231], %gather3A_226 {strides = array<i32>} : memref<16x1024xf32, #tpu.memory_space<vmem>>, vector<16xf32>,
        %gather3A_233 = arith.constant 1 : i32
        %gather3A_234 = arith.constant 0 : i32
        %gather3A_235 = arith.constant 0 : i32
        %gather3A_236 = tpu.memref_slice %arg8[%gather3A_233, %gather3A_234, %gather3A_235] : memref<2x1024x16xf32, #tpu.memory_space<vmem>> -> memref<1x1024x16xf32, #tpu.memory_space<vmem>>
        %gather3A_237 = tpu.memref_squeeze %gather3A_236 : memref<1x1024x16xf32, #tpu.memory_space<vmem>> -> memref<1024x16xf32, #tpu.memory_space<vmem>>
        %gather3A_238 = tpu.vector_load_idx %gather3A_237[%add3A_162, %broadcast_in_dim3A_15] : memref<1024x16xf32, #tpu.memory_space<vmem>>[vector<16xi32>, vector<16xi32>], vector<16xf32>,
        %mul3A_239 = arith.constant 16 : i32
        %mul3A_240 = arith.muli %scan3A_158, %mul3A_239 : i32
        %swap3A_241 = arith.constant 6 : i32
        %swap3A_242 = arith.index_cast %swap3A_241 : i32 to index
        %swap3A_243 = arith.index_cast %mul3A_240 : i32 to index
        %swap3A_244 = tpu.vector_load %arg9[%swap3A_242, %swap3A_243] {strides = array<i32>} : memref<16x1024xf32, #tpu.memory_space<vmem>>, vector<16xf32>,
        tpu.vector_store %arg9[%swap3A_242, %swap3A_243], %gather3A_238 {strides = array<i32>} : memref<16x1024xf32, #tpu.memory_space<vmem>>, vector<16xf32>,
        %gather3A_245 = arith.constant 1 : i32
        %gather3A_246 = arith.constant 0 : i32
        %gather3A_247 = arith.constant 0 : i32
        %gather3A_248 = tpu.memref_slice %arg8[%gather3A_245, %gather3A_246, %gather3A_247] : memref<2x1024x16xf32, #tpu.memory_space<vmem>> -> memref<1x1024x16xf32, #tpu.memory_space<vmem>>
        %gather3A_249 = tpu.memref_squeeze %gather3A_248 : memref<1x1024x16xf32, #tpu.memory_space<vmem>> -> memref<1024x16xf32, #tpu.memory_space<vmem>>
        %gather3A_250 = tpu.vector_load_idx %gather3A_249[%add3A_162, %broadcast_in_dim3A_17] : memref<1024x16xf32, #tpu.memory_space<vmem>>[vector<16xi32>, vector<16xi32>], vector<16xf32>,
        %mul3A_251 = arith.constant 16 : i32
        %mul3A_252 = arith.muli %scan3A_158, %mul3A_251 : i32
        %swap3A_253 = arith.constant 7 : i32
        %swap3A_254 = arith.index_cast %swap3A_253 : i32 to index
        %swap3A_255 = arith.index_cast %mul3A_252 : i32 to index
        %swap3A_256 = tpu.vector_load %arg9[%swap3A_254, %swap3A_255] {strides = array<i32>} : memref<16x1024xf32, #tpu.memory_space<vmem>>, vector<16xf32>,
        tpu.vector_store %arg9[%swap3A_254, %swap3A_255], %gather3A_250 {strides = array<i32>} : memref<16x1024xf32, #tpu.memory_space<vmem>>, vector<16xf32>,
        %gather3A_257 = arith.constant 1 : i32
        %gather3A_258 = arith.constant 0 : i32
        %gather3A_259 = arith.constant 0 : i32
        %gather3A_260 = tpu.memref_slice %arg8[%gather3A_257, %gather3A_258, %gather3A_259] : memref<2x1024x16xf32, #tpu.memory_space<vmem>> -> memref<1x1024x16xf32, #tpu.memory_space<vmem>>
        %gather3A_261 = tpu.memref_squeeze %gather3A_260 : memref<1x1024x16xf32, #tpu.memory_space<vmem>> -> memref<1024x16xf32, #tpu.memory_space<vmem>>
        %gather3A_262 = tpu.vector_load_idx %gather3A_261[%add3A_162, %broadcast_in_dim3A_19] : memref<1024x16xf32, #tpu.memory_space<vmem>>[vector<16xi32>, vector<16xi32>], vector<16xf32>,
        %mul3A_263 = arith.constant 16 : i32
        %mul3A_264 = arith.muli %scan3A_158, %mul3A_263 : i32
        %swap3A_265 = arith.constant 8 : i32
        %swap3A_266 = arith.index_cast %swap3A_265 : i32 to index
        %swap3A_267 = arith.index_cast %mul3A_264 : i32 to index
        %swap3A_268 = tpu.vector_load %arg9[%swap3A_266, %swap3A_267] {strides = array<i32>} : memref<16x1024xf32, #tpu.memory_space<vmem>>, vector<16xf32>,
        tpu.vector_store %arg9[%swap3A_266, %swap3A_267], %gather3A_262 {strides = array<i32>} : memref<16x1024xf32, #tpu.memory_space<vmem>>, vector<16xf32>,
        %gather3A_269 = arith.constant 1 : i32
        %gather3A_270 = arith.constant 0 : i32
        %gather3A_271 = arith.constant 0 : i32
        %gather3A_272 = tpu.memref_slice %arg8[%gather3A_269, %gather3A_270, %gather3A_271] : memref<2x1024x16xf32, #tpu.memory_space<vmem>> -> memref<1x1024x16xf32, #tpu.memory_space<vmem>>
        %gather3A_273 = tpu.memref_squeeze %gather3A_272 : memref<1x1024x16xf32, #tpu.memory_space<vmem>> -> memref<1024x16xf32, #tpu.memory_space<vmem>>
        %gather3A_274 = tpu.vector_load_idx %gather3A_273[%add3A_162, %broadcast_in_dim3A_21] : memref<1024x16xf32, #tpu.memory_space<vmem>>[vector<16xi32>, vector<16xi32>], vector<16xf32>,
        %mul3A_275 = arith.constant 16 : i32
        %mul3A_276 = arith.muli %scan3A_158, %mul3A_275 : i32
        %swap3A_277 = arith.constant 9 : i32
        %swap3A_278 = arith.index_cast %swap3A_277 : i32 to index
        %swap3A_279 = arith.index_cast %mul3A_276 : i32 to index
        %swap3A_280 = tpu.vector_load %arg9[%swap3A_278, %swap3A_279] {strides = array<i32>} : memref<16x1024xf32, #tpu.memory_space<vmem>>, vector<16xf32>,
        tpu.vector_store %arg9[%swap3A_278, %swap3A_279], %gather3A_274 {strides = array<i32>} : memref<16x1024xf32, #tpu.memory_space<vmem>>, vector<16xf32>,
        %gather3A_281 = arith.constant 1 : i32
        %gather3A_282 = arith.constant 0 : i32
        %gather3A_283 = arith.constant 0 : i32
        %gather3A_284 = tpu.memref_slice %arg8[%gather3A_281, %gather3A_282, %gather3A_283] : memref<2x1024x16xf32, #tpu.memory_space<vmem>> -> memref<1x1024x16xf32, #tpu.memory_space<vmem>>
        %gather3A_285 = tpu.memref_squeeze %gather3A_284 : memref<1x1024x16xf32, #tpu.memory_space<vmem>> -> memref<1024x16xf32, #tpu.memory_space<vmem>>
        %gather3A_286 = tpu.vector_load_idx %gather3A_285[%add3A_162, %broadcast_in_dim3A_23] : memref<1024x16xf32, #tpu.memory_space<vmem>>[vector<16xi32>, vector<16xi32>], vector<16xf32>,
        %mul3A_287 = arith.constant 16 : i32
        %mul3A_288 = arith.muli %scan3A_158, %mul3A_287 : i32
        %swap3A_289 = arith.constant 10 : i32
        %swap3A_290 = arith.index_cast %swap3A_289 : i32 to index
        %swap3A_291 = arith.index_cast %mul3A_288 : i32 to index
        %swap3A_292 = tpu.vector_load %arg9[%swap3A_290, %swap3A_291] {strides = array<i32>} : memref<16x1024xf32, #tpu.memory_space<vmem>>, vector<16xf32>,
        tpu.vector_store %arg9[%swap3A_290, %swap3A_291], %gather3A_286 {strides = array<i32>} : memref<16x1024xf32, #tpu.memory_space<vmem>>, vector<16xf32>,
        %gather3A_293 = arith.constant 1 : i32
        %gather3A_294 = arith.constant 0 : i32
        %gather3A_295 = arith.constant 0 : i32
        %gather3A_296 = tpu.memref_slice %arg8[%gather3A_293, %gather3A_294, %gather3A_295] : memref<2x1024x16xf32, #tpu.memory_space<vmem>> -> memref<1x1024x16xf32, #tpu.memory_space<vmem>>
        %gather3A_297 = tpu.memref_squeeze %gather3A_296 : memref<1x1024x16xf32, #tpu.memory_space<vmem>> -> memref<1024x16xf32, #tpu.memory_space<vmem>>
        %gather3A_298 = tpu.vector_load_idx %gather3A_297[%add3A_162, %broadcast_in_dim3A_25] : memref<1024x16xf32, #tpu.memory_space<vmem>>[vector<16xi32>, vector<16xi32>], vector<16xf32>,
        %mul3A_299 = arith.constant 16 : i32
        %mul3A_300 = arith.muli %scan3A_158, %mul3A_299 : i32
        %swap3A_301 = arith.constant 11 : i32
        %swap3A_302 = arith.index_cast %swap3A_301 : i32 to index
        %swap3A_303 = arith.index_cast %mul3A_300 : i32 to index
        %swap3A_304 = tpu.vector_load %arg9[%swap3A_302, %swap3A_303] {strides = array<i32>} : memref<16x1024xf32, #tpu.memory_space<vmem>>, vector<16xf32>,
        tpu.vector_store %arg9[%swap3A_302, %swap3A_303], %gather3A_298 {strides = array<i32>} : memref<16x1024xf32, #tpu.memory_space<vmem>>, vector<16xf32>,
        %gather3A_305 = arith.constant 1 : i32
        %gather3A_306 = arith.constant 0 : i32
        %gather3A_307 = arith.constant 0 : i32
        %gather3A_308 = tpu.memref_slice %arg8[%gather3A_305, %gather3A_306, %gather3A_307] : memref<2x1024x16xf32, #tpu.memory_space<vmem>> -> memref<1x1024x16xf32, #tpu.memory_space<vmem>>
        %gather3A_309 = tpu.memref_squeeze %gather3A_308 : memref<1x1024x16xf32, #tpu.memory_space<vmem>> -> memref<1024x16xf32, #tpu.memory_space<vmem>>
        %gather3A_310 = tpu.vector_load_idx %gather3A_309[%add3A_162, %broadcast_in_dim3A_27] : memref<1024x16xf32, #tpu.memory_space<vmem>>[vector<16xi32>, vector<16xi32>], vector<16xf32>,
        %mul3A_311 = arith.constant 16 : i32
        %mul3A_312 = arith.muli %scan3A_158, %mul3A_311 : i32
        %swap3A_313 = arith.constant 12 : i32
        %swap3A_314 = arith.index_cast %swap3A_313 : i32 to index
        %swap3A_315 = arith.index_cast %mul3A_312 : i32 to index
        %swap3A_316 = tpu.vector_load %arg9[%swap3A_314, %swap3A_315] {strides = array<i32>} : memref<16x1024xf32, #tpu.memory_space<vmem>>, vector<16xf32>,
        tpu.vector_store %arg9[%swap3A_314, %swap3A_315], %gather3A_310 {strides = array<i32>} : memref<16x1024xf32, #tpu.memory_space<vmem>>, vector<16xf32>,
        %gather3A_317 = arith.constant 1 : i32
        %gather3A_318 = arith.constant 0 : i32
        %gather3A_319 = arith.constant 0 : i32
        %gather3A_320 = tpu.memref_slice %arg8[%gather3A_317, %gather3A_318, %gather3A_319] : memref<2x1024x16xf32, #tpu.memory_space<vmem>> -> memref<1x1024x16xf32, #tpu.memory_space<vmem>>
        %gather3A_321 = tpu.memref_squeeze %gather3A_320 : memref<1x1024x16xf32, #tpu.memory_space<vmem>> -> memref<1024x16xf32, #tpu.memory_space<vmem>>
        %gather3A_322 = tpu.vector_load_idx %gather3A_321[%add3A_162, %broadcast_in_dim3A_29] : memref<1024x16xf32, #tpu.memory_space<vmem>>[vector<16xi32>, vector<16xi32>], vector<16xf32>,
        %mul3A_323 = arith.constant 16 : i32
        %mul3A_324 = arith.muli %scan3A_158, %mul3A_323 : i32
        %swap3A_325 = arith.constant 13 : i32
        %swap3A_326 = arith.index_cast %swap3A_325 : i32 to index
        %swap3A_327 = arith.index_cast %mul3A_324 : i32 to index
        %swap3A_328 = tpu.vector_load %arg9[%swap3A_326, %swap3A_327] {strides = array<i32>} : memref<16x1024xf32, #tpu.memory_space<vmem>>, vector<16xf32>,
        tpu.vector_store %arg9[%swap3A_326, %swap3A_327], %gather3A_322 {strides = array<i32>} : memref<16x1024xf32, #tpu.memory_space<vmem>>, vector<16xf32>,
        %gather3A_329 = arith.constant 1 : i32
        %gather3A_330 = arith.constant 0 : i32
        %gather3A_331 = arith.constant 0 : i32
        %gather3A_332 = tpu.memref_slice %arg8[%gather3A_329, %gather3A_330, %gather3A_331] : memref<2x1024x16xf32, #tpu.memory_space<vmem>> -> memref<1x1024x16xf32, #tpu.memory_space<vmem>>
        %gather3A_333 = tpu.memref_squeeze %gather3A_332 : memref<1x1024x16xf32, #tpu.memory_space<vmem>> -> memref<1024x16xf32, #tpu.memory_space<vmem>>
        %gather3A_334 = tpu.vector_load_idx %gather3A_333[%add3A_162, %broadcast_in_dim3A_31] : memref<1024x16xf32, #tpu.memory_space<vmem>>[vector<16xi32>, vector<16xi32>], vector<16xf32>,
        %mul3A_335 = arith.constant 16 : i32
        %mul3A_336 = arith.muli %scan3A_158, %mul3A_335 : i32
        %swap3A_337 = arith.constant 14 : i32
        %swap3A_338 = arith.index_cast %swap3A_337 : i32 to index
        %swap3A_339 = arith.index_cast %mul3A_336 : i32 to index
        %swap3A_340 = tpu.vector_load %arg9[%swap3A_338, %swap3A_339] {strides = array<i32>} : memref<16x1024xf32, #tpu.memory_space<vmem>>, vector<16xf32>,
        tpu.vector_store %arg9[%swap3A_338, %swap3A_339], %gather3A_334 {strides = array<i32>} : memref<16x1024xf32, #tpu.memory_space<vmem>>, vector<16xf32>,
        %gather3A_341 = arith.constant 1 : i32
        %gather3A_342 = arith.constant 0 : i32
        %gather3A_343 = arith.constant 0 : i32
        %gather3A_344 = tpu.memref_slice %arg8[%gather3A_341, %gather3A_342, %gather3A_343] : memref<2x1024x16xf32, #tpu.memory_space<vmem>> -> memref<1x1024x16xf32, #tpu.memory_space<vmem>>
        %gather3A_345 = tpu.memref_squeeze %gather3A_344 : memref<1x1024x16xf32, #tpu.memory_space<vmem>> -> memref<1024x16xf32, #tpu.memory_space<vmem>>
        %gather3A_346 = tpu.vector_load_idx %gather3A_345[%add3A_162, %broadcast_in_dim3A_33] : memref<1024x16xf32, #tpu.memory_space<vmem>>[vector<16xi32>, vector<16xi32>], vector<16xf32>,
        %mul3A_347 = arith.constant 16 : i32
        %mul3A_348 = arith.muli %scan3A_158, %mul3A_347 : i32
        %swap3A_349 = arith.constant 15 : i32
        %swap3A_350 = arith.index_cast %swap3A_349 : i32 to index
        %swap3A_351 = arith.index_cast %mul3A_348 : i32 to index
        %swap3A_352 = tpu.vector_load %arg9[%swap3A_350, %swap3A_351] {strides = array<i32>} : memref<16x1024xf32, #tpu.memory_space<vmem>>, vector<16xf32>,
        tpu.vector_store %arg9[%swap3A_350, %swap3A_351], %gather3A_346 {strides = array<i32>} : memref<16x1024xf32, #tpu.memory_space<vmem>>, vector<16xf32>,
      }
      %scan3A_157 = arith.constant 64 : i32
      "tpu.region"() ({
        %run_scoped3A_158 = tpu.sem_alloc : memref<!tpu.dma_semaphore, #tpu.memory_space<semaphore_mem>>
        %dma_start3A_159 = arith.constant 0 : i32
        %dma_start3A_160 = arith.constant 0 : i32
        %dma_start3A_161 = tpu.memref_slice %arg9[%dma_start3A_159, %dma_start3A_160] : memref<16x1024xf32, #tpu.memory_space<vmem>> -> memref<16x1000xf32, #tpu.memory_space<vmem>>
        %dma_start3A_162 = arith.constant 0 : i32
        %dma_start3A_163 = tpu.memref_slice %arg6[%dma_start3A_162, %mul3A_148] : memref<16x320000xf32, #tpu.memory_space<hbm>> -> memref<16x1000xf32, #tpu.memory_space<hbm>>
        %dma_start3A_164 = arith.constant 0 : i32
        %dma_start3A_165 = tpu.memref_slice %arg6[%dma_start3A_164, %mul3A_148] : memref<16x320000xf32, #tpu.memory_space<hbm>> -> memref<16x1000xf32, #tpu.memory_space<hbm>>
        %dma_start3A_166 = arith.constant 0 : i32
        %dma_start3A_167 = arith.constant 0 : i32
        %dma_start3A_168 = tpu.memref_slice %arg9[%dma_start3A_166, %dma_start3A_167] : memref<16x1024xf32, #tpu.memory_space<vmem>> -> memref<16x1000xf32, #tpu.memory_space<vmem>>
        tpu.enqueue_dma source(%dma_start3A_168 : memref<16x1000xf32, #tpu.memory_space<vmem>>) target(%dma_start3A_165 : memref<16x1000xf32, #tpu.memory_space<hbm>>) target_semaphore(%run_scoped3A_158 : memref<!tpu.dma_semaphore, #tpu.memory_space<semaphore_mem>>)
        %dma_wait3A_169 = arith.constant 0 : i32
        %dma_wait3A_170 = arith.constant 0 : i32
        %dma_wait3A_171 = tpu.memref_slice %arg9[%dma_wait3A_169, %dma_wait3A_170] : memref<16x1024xf32, #tpu.memory_space<vmem>> -> memref<16x1000xf32, #tpu.memory_space<vmem>>
        %dma_wait3A_172 = arith.constant 0 : i32
        %dma_wait3A_173 = tpu.memref_slice %arg6[%dma_wait3A_172, %mul3A_148] : memref<16x320000xf32, #tpu.memory_space<hbm>> -> memref<16x1000xf32, #tpu.memory_space<hbm>>
        %dma_wait3A_174 = arith.constant 0 : i32
        %dma_wait3A_175 = tpu.memref_slice %arg6[%dma_wait3A_174, %mul3A_148] : memref<16x320000xf32, #tpu.memory_space<hbm>> -> memref<16x1000xf32, #tpu.memory_space<hbm>>
        %dma_wait3A_176 = arith.constant 0 : i32
        %dma_wait3A_177 = arith.constant 0 : i32
        %dma_wait3A_178 = tpu.memref_slice %arg9[%dma_wait3A_176, %dma_wait3A_177] : memref<16x1024xf32, #tpu.memory_space<vmem>> -> memref<16x1000xf32, #tpu.memory_space<vmem>>
        tpu.wait_dma2 semaphore(%run_scoped3A_158 : memref<!tpu.dma_semaphore, #tpu.memory_space<semaphore_mem>>) src(%dma_wait3A_178 : memref<16x1000xf32, #tpu.memory_space<vmem>>) dst(%dma_wait3A_175 : memref<16x1000xf32, #tpu.memory_space<hbm>>)
        tpu.yield
      }) : () -> ()
    }
    %scan3A_60 = arith.constant 5 : i32
    %barrier3A_61 = arith.constant 0 : index
    tpu.barrier barrier_id(%barrier3A_61)
    %eq3A_62 = arith.constant 0 : i32
    %eq3A_63 = arith.cmpi eq, %arg1, %eq3A_62 : i32
    %convert_element_type3A_64 = arith.extui %eq3A_63 : i1 to i32
    %cond3A_65 = arith.constant 0 : i32
    %cond3A_66 = arith.cmpi ne, %convert_element_type3A_64, %cond3A_65 : i32
    scf.if %cond3A_66 {
      "tpu.region"() ({
        %run_scoped3A_67 = tpu.sem_alloc : memref<!tpu.dma_semaphore, #tpu.memory_space<semaphore_mem>>
        %dma_start3A_68 = arith.constant 0 : i32
        %dma_start3A_69 = arith.constant 0 : i32
        %dma_start3A_70 = tpu.memref_slice %arg5[%arg0, %dma_start3A_68, %dma_start3A_69] : memref<2x10000x16xf32, #tpu.memory_space<hbm>> -> memref<1x10000x16xf32, #tpu.memory_space<hbm>>
        %dma_start3A_71 = tpu.memref_squeeze %dma_start3A_70 : memref<1x10000x16xf32, #tpu.memory_space<hbm>> -> memref<10000x16xf32, #tpu.memory_space<hbm>>
        tpu.enqueue_dma source(%arg10 : memref<10000x16xf32, #tpu.memory_space<vmem_shared>>) target(%dma_start3A_71 : memref<10000x16xf32, #tpu.memory_space<hbm>>) target_semaphore(%run_scoped3A_67 : memref<!tpu.dma_semaphore, #tpu.memory_space<semaphore_mem>>)
        %dma_wait3A = arith.constant 0 : i32
        %dma_wait3A_72 = arith.constant 0 : i32
        %dma_wait3A_73 = tpu.memref_slice %arg5[%arg0, %dma_wait3A, %dma_wait3A_72] : memref<2x10000x16xf32, #tpu.memory_space<hbm>> -> memref<1x10000x16xf32, #tpu.memory_space<hbm>>
        %dma_wait3A_74 = tpu.memref_squeeze %dma_wait3A_73 : memref<1x10000x16xf32, #tpu.memory_space<hbm>> -> memref<10000x16xf32, #tpu.memory_space<hbm>>
        tpu.wait_dma2 semaphore(%run_scoped3A_67 : memref<!tpu.dma_semaphore, #tpu.memory_space<semaphore_mem>>) src(%arg10 : memref<10000x16xf32, #tpu.memory_space<vmem_shared>>) dst(%dma_wait3A_74 : memref<10000x16xf32, #tpu.memory_space<hbm>>)
        tpu.yield
      }) : () -> ()
    } else {
    }
    return
  }
}

module attributes {stable_mosaic.version = 14 : i64} {
  func.func @_prep_body(%arg0: memref<10000x128xf32, #tpu.memory_space<vmem>>, %arg1: memref<128x16xf32, #tpu.memory_space<vmem>>, %arg2: memref<128x16xf32, #tpu.memory_space<vmem>>, %arg3: memref<10000x16xf32, #tpu.memory_space<vmem>>, %arg4: memref<10000x16xf32, #tpu.memory_space<vmem>>) attributes {dimension_semantics = [], scalar_prefetch = 0 : i64, scratch_operands = 0 : i64, tpu.core_type = #tpu.core_type<tc>} {
    %get3A = arith.constant 0 : index
    %get3A_0 = arith.constant 0 : index
    %get3A_1 = vector.load %arg0[%get3A, %get3A_0] : memref<10000x128xf32, #tpu.memory_space<vmem>>, vector<10000x128xf32>
    %get3A_2 = arith.constant 0 : index
    %get3A_3 = arith.constant 0 : index
    %get3A_4 = vector.load %arg1[%get3A_2, %get3A_3] : memref<128x16xf32, #tpu.memory_space<vmem>>, vector<128x16xf32>
    %dot_general3A = arith.constant dense<0.000000e+00> : vector<10000x16xf32>
    %dot_general3A_5 = tpu.matmul %get3A_1, %get3A_4, %dot_general3A {dimension_numbers = #tpu.dot_dimension_numbers<[1], [0], [0], [1], [0, 0, 1, 1], [], []>, transpose_lhs_hint = false} : vector<10000x128xf32>, vector<128x16xf32>, vector<10000x16xf32> -> vector<10000x16xf32>
    %swap3A = arith.constant 0 : index
    %swap3A_6 = arith.constant 0 : index
    %swap3A_7 = vector.load %arg3[%swap3A, %swap3A_6] : memref<10000x16xf32, #tpu.memory_space<vmem>>, vector<10000x16xf32>
    tpu.vector_store %arg3[%swap3A, %swap3A_6], %dot_general3A_5 {strides = array<i32>} : memref<10000x16xf32, #tpu.memory_space<vmem>>, vector<10000x16xf32>,
    %get3A_8 = arith.constant 0 : index
    %get3A_9 = arith.constant 0 : index
    %get3A_10 = vector.load %arg2[%get3A_8, %get3A_9] : memref<128x16xf32, #tpu.memory_space<vmem>>, vector<128x16xf32>
    %dot_general3A_11 = arith.constant dense<0.000000e+00> : vector<10000x16xf32>
    %dot_general3A_12 = tpu.matmul %get3A_1, %get3A_10, %dot_general3A_11 {dimension_numbers = #tpu.dot_dimension_numbers<[1], [0], [0], [1], [0, 0, 1, 1], [], []>, transpose_lhs_hint = false} : vector<10000x128xf32>, vector<128x16xf32>, vector<10000x16xf32> -> vector<10000x16xf32>
    %swap3A_13 = arith.constant 0 : index
    %swap3A_14 = arith.constant 0 : index
    %swap3A_15 = vector.load %arg4[%swap3A_13, %swap3A_14] : memref<10000x16xf32, #tpu.memory_space<vmem>>, vector<10000x16xf32>
    tpu.vector_store %arg4[%swap3A_13, %swap3A_14], %dot_general3A_12 {strides = array<i32>} : memref<10000x16xf32, #tpu.memory_space<vmem>>, vector<10000x16xf32>,
    return
  }
}

module attributes {stable_mosaic.version = 14 : i64} {
  func.func @_edge_body(%arg0: i32, %arg1: memref<2000x128xf32, #tpu.memory_space<vmem>>, %arg2: memref<2000x128xf32, #tpu.memory_space<vmem>>, %arg3: memref<2000x128xf32, #tpu.memory_space<vmem>>, %arg4: memref<128x128xf32, #tpu.memory_space<vmem>>, %arg5: memref<128x128xf32, #tpu.memory_space<vmem>>, %arg6: memref<128x128xf32, #tpu.memory_space<vmem>>, %arg7: memref<128x128xf32, #tpu.memory_space<vmem>>, %arg8: memref<1x128xf32, #tpu.memory_space<vmem>>, %arg9: memref<1x128xf32, #tpu.memory_space<vmem>>, %arg10: memref<1x128xf32, #tpu.memory_space<vmem>>, %arg11: memref<1x128xf32, #tpu.memory_space<vmem>>, %arg12: memref<1x128xf32, #tpu.memory_space<vmem>>, %arg13: memref<2000x128xf32, #tpu.memory_space<vmem>>) attributes {dimension_semantics = [#tpu.dimension_semantics<arbitrary>], iteration_bounds = array<i64: 20>, scalar_prefetch = 0 : i64, scratch_operands = 0 : i64, tpu.core_type = #tpu.core_type<tc>, window_params = [{transform_indices = @transform_0, window_bounds = array<i64: 2000, 128>}, {transform_indices = @transform_1, window_bounds = array<i64: 2000, 128>}, {transform_indices = @transform_2, window_bounds = array<i64: 2000, 128>}, {pipeline_mode = #tpu.pipeline_mode<synchronous>, transform_indices = @transform_3, window_bounds = array<i64: 128, 128>}, {pipeline_mode = #tpu.pipeline_mode<synchronous>, transform_indices = @transform_4, window_bounds = array<i64: 128, 128>}, {pipeline_mode = #tpu.pipeline_mode<synchronous>, transform_indices = @transform_5, window_bounds = array<i64: 128, 128>}, {pipeline_mode = #tpu.pipeline_mode<synchronous>, transform_indices = @transform_6, window_bounds = array<i64: 128, 128>}, {pipeline_mode = #tpu.pipeline_mode<synchronous>, transform_indices = @transform_7, window_bounds = array<i64: 1, 128>}, {pipeline_mode = #tpu.pipeline_mode<synchronous>, transform_indices = @transform_8, window_bounds = array<i64: 1, 128>}, {pipeline_mode = #tpu.pipeline_mode<synchronous>, transform_indices = @transform_9, window_bounds = array<i64: 1, 128>}, {pipeline_mode = #tpu.pipeline_mode<synchronous>, transform_indices = @transform_10, window_bounds = array<i64: 1, 128>}, {pipeline_mode = #tpu.pipeline_mode<synchronous>, transform_indices = @transform_11, window_bounds = array<i64: 1, 128>}, {transform_indices = @transform_12, window_bounds = array<i64: 2000, 128>}]} {
    %get3A = arith.constant 0 : index
    %get3A_0 = arith.constant 0 : index
    %get3A_1 = vector.load %arg3[%get3A, %get3A_0] : memref<2000x128xf32, #tpu.memory_space<vmem>>, vector<2000x128xf32>
    %get3A_2 = arith.constant 0 : index
    %get3A_3 = arith.constant 0 : index
    %get3A_4 = vector.load %arg1[%get3A_2, %get3A_3] : memref<2000x128xf32, #tpu.memory_space<vmem>>, vector<2000x128xf32>
    %get3A_5 = arith.constant 0 : index
    %get3A_6 = arith.constant 0 : index
    %get3A_7 = vector.load %arg2[%get3A_5, %get3A_6] : memref<2000x128xf32, #tpu.memory_space<vmem>>, vector<2000x128xf32>
    %add3A = arith.addf %get3A_4, %get3A_7 : vector<2000x128xf32>
    %get3A_8 = arith.constant 0 : index
    %get3A_9 = arith.constant 0 : index
    %get3A_10 = vector.load %arg8[%get3A_8, %get3A_9] : memref<1x128xf32, #tpu.memory_space<vmem>>, vector<1x128xf32>
    %add3A_11 = vector.broadcast %get3A_10 : vector<1x128xf32> to vector<2000x128xf32>
    %add3A_12 = arith.addf %add3A, %add3A_11 : vector<2000x128xf32>
    %get3A_13 = arith.constant 0 : index
    %get3A_14 = arith.constant 0 : index
    %get3A_15 = vector.load %arg4[%get3A_13, %get3A_14] : memref<128x128xf32, #tpu.memory_space<vmem>>, vector<128x128xf32>
    %dot_general3A = arith.constant dense<0.000000e+00> : vector<2000x128xf32>
    %dot_general3A_16 = tpu.matmul %get3A_1, %get3A_15, %dot_general3A {dimension_numbers = #tpu.dot_dimension_numbers<[1], [0], [0], [1], [0, 0, 1, 1], [], []>, transpose_lhs_hint = false} : vector<2000x128xf32>, vector<128x128xf32>, vector<2000x128xf32> -> vector<2000x128xf32>
    %add3A_17 = arith.addf %add3A_12, %dot_general3A_16 : vector<2000x128xf32>
    %logistic3A = arith.negf %add3A_17 : vector<2000x128xf32>
    %logistic3A_18 = math.exp %logistic3A : vector<2000x128xf32>
    %logistic3A_19 = arith.constant 1.000000e+00 : f32
    %logistic3A_20 = vector.broadcast %logistic3A_19 : f32 to vector<2000x128xf32>
    %logistic3A_21 = arith.addf %logistic3A_20, %logistic3A_18 : vector<2000x128xf32>
    %logistic3A_22 = arith.divf %logistic3A_20, %logistic3A_21 : vector<2000x128xf32>
    %mul3A = arith.mulf %add3A_17, %logistic3A_22 : vector<2000x128xf32>
    %get3A_23 = arith.constant 0 : index
    %get3A_24 = arith.constant 0 : index
    %get3A_25 = vector.load %arg5[%get3A_23, %get3A_24] : memref<128x128xf32, #tpu.memory_space<vmem>>, vector<128x128xf32>
    %dot_general3A_26 = arith.constant dense<0.000000e+00> : vector<2000x128xf32>
    %dot_general3A_27 = tpu.matmul %mul3A, %get3A_25, %dot_general3A_26 {dimension_numbers = #tpu.dot_dimension_numbers<[1], [0], [0], [1], [0, 0, 1, 1], [], []>, transpose_lhs_hint = false} : vector<2000x128xf32>, vector<128x128xf32>, vector<2000x128xf32> -> vector<2000x128xf32>
    %get3A_28 = arith.constant 0 : index
    %get3A_29 = arith.constant 0 : index
    %get3A_30 = vector.load %arg9[%get3A_28, %get3A_29] : memref<1x128xf32, #tpu.memory_space<vmem>>, vector<1x128xf32>
    %add3A_31 = vector.broadcast %get3A_30 : vector<1x128xf32> to vector<2000x128xf32>
    %add3A_32 = arith.addf %dot_general3A_27, %add3A_31 : vector<2000x128xf32>
    %logistic3A_33 = arith.negf %add3A_32 : vector<2000x128xf32>
    %logistic3A_34 = math.exp %logistic3A_33 : vector<2000x128xf32>
    %logistic3A_35 = arith.constant 1.000000e+00 : f32
    %logistic3A_36 = vector.broadcast %logistic3A_35 : f32 to vector<2000x128xf32>
    %logistic3A_37 = arith.addf %logistic3A_36, %logistic3A_34 : vector<2000x128xf32>
    %logistic3A_38 = arith.divf %logistic3A_36, %logistic3A_37 : vector<2000x128xf32>
    %mul3A_39 = arith.mulf %add3A_32, %logistic3A_38 : vector<2000x128xf32>
    %get3A_40 = arith.constant 0 : index
    %get3A_41 = arith.constant 0 : index
    %get3A_42 = vector.load %arg6[%get3A_40, %get3A_41] : memref<128x128xf32, #tpu.memory_space<vmem>>, vector<128x128xf32>
    %dot_general3A_43 = arith.constant dense<0.000000e+00> : vector<2000x128xf32>
    %dot_general3A_44 = tpu.matmul %mul3A_39, %get3A_42, %dot_general3A_43 {dimension_numbers = #tpu.dot_dimension_numbers<[1], [0], [0], [1], [0, 0, 1, 1], [], []>, transpose_lhs_hint = false} : vector<2000x128xf32>, vector<128x128xf32>, vector<2000x128xf32> -> vector<2000x128xf32>
    %get3A_45 = arith.constant 0 : index
    %get3A_46 = arith.constant 0 : index
    %get3A_47 = vector.load %arg10[%get3A_45, %get3A_46] : memref<1x128xf32, #tpu.memory_space<vmem>>, vector<1x128xf32>
    %add3A_48 = vector.broadcast %get3A_47 : vector<1x128xf32> to vector<2000x128xf32>
    %add3A_49 = arith.addf %dot_general3A_44, %add3A_48 : vector<2000x128xf32>
    %mul3A_50 = arith.mulf %add3A_49, %add3A_49 : vector<2000x128xf32>
    %get3A_51 = arith.constant 0 : index
    %get3A_52 = arith.constant 0 : index
    %get3A_53 = vector.load %arg7[%get3A_51, %get3A_52] : memref<128x128xf32, #tpu.memory_space<vmem>>, vector<128x128xf32>
    %dot_general3A_54 = arith.constant dense<0.000000e+00> : vector<2000x128xf32>
    %dot_general3A_55 = tpu.matmul %mul3A_50, %get3A_53, %dot_general3A_54 {dimension_numbers = #tpu.dot_dimension_numbers<[1], [0], [0], [1], [0, 0, 1, 1], [], []>, transpose_lhs_hint = false} : vector<2000x128xf32>, vector<128x128xf32>, vector<2000x128xf32> -> vector<2000x128xf32>
    %add3A_56 = arith.constant 9.99999974E-6 : f32
    %add3A_57 = vector.broadcast %add3A_56 : f32 to vector<2000x128xf32>
    %add3A_58 = arith.addf %dot_general3A_55, %add3A_57 : vector<2000x128xf32>
    %rsqrt3A = math.rsqrt %add3A_58 : vector<2000x128xf32>
    %mul3A_59 = arith.mulf %add3A_49, %rsqrt3A : vector<2000x128xf32>
    %get3A_60 = arith.constant 0 : index
    %get3A_61 = arith.constant 0 : index
    %get3A_62 = vector.load %arg11[%get3A_60, %get3A_61] : memref<1x128xf32, #tpu.memory_space<vmem>>, vector<1x128xf32>
    %mul3A_63 = vector.broadcast %get3A_62 : vector<1x128xf32> to vector<2000x128xf32>
    %mul3A_64 = arith.mulf %mul3A_59, %mul3A_63 : vector<2000x128xf32>
    %add3A_65 = arith.addf %get3A_1, %mul3A_64 : vector<2000x128xf32>
    %get3A_66 = arith.constant 0 : index
    %get3A_67 = arith.constant 0 : index
    %get3A_68 = vector.load %arg12[%get3A_66, %get3A_67] : memref<1x128xf32, #tpu.memory_space<vmem>>, vector<1x128xf32>
    %add3A_69 = vector.broadcast %get3A_68 : vector<1x128xf32> to vector<2000x128xf32>
    %add3A_70 = arith.addf %add3A_65, %add3A_69 : vector<2000x128xf32>
    %swap3A = arith.constant 0 : index
    %swap3A_71 = arith.constant 0 : index
    %swap3A_72 = vector.load %arg13[%swap3A, %swap3A_71] : memref<2000x128xf32, #tpu.memory_space<vmem>>, vector<2000x128xf32>
    tpu.vector_store %arg13[%swap3A, %swap3A_71], %add3A_70 {strides = array<i32>} : memref<2000x128xf32, #tpu.memory_space<vmem>>, vector<2000x128xf32>,
    return
  }
  func.func @transform_0(%arg0: i32) -> (i32, i32) {
    %c0_i32 = arith.constant 0 : i32
    %c0_i32_0 = arith.constant 0 : i32
    return %arg0, %c0_i32 : i32, i32
  }
  func.func @transform_1(%arg0: i32) -> (i32, i32) {
    %c0_i32 = arith.constant 0 : i32
    %c0_i32_0 = arith.constant 0 : i32
    return %arg0, %c0_i32 : i32, i32
  }
  func.func @transform_2(%arg0: i32) -> (i32, i32) {
    %c0_i32 = arith.constant 0 : i32
    %c0_i32_0 = arith.constant 0 : i32
    return %arg0, %c0_i32 : i32, i32
  }
  func.func @transform_3(%arg0: i32) -> (i32, i32) {
    %c0_i32 = arith.constant 0 : i32
    %c0_i32_0 = arith.constant 0 : i32
    %c0_i32_1 = arith.constant 0 : i32
    return %c0_i32, %c0_i32_0 : i32, i32
  }
  func.func @transform_4(%arg0: i32) -> (i32, i32) {
    %c0_i32 = arith.constant 0 : i32
    %c0_i32_0 = arith.constant 0 : i32
    %c0_i32_1 = arith.constant 0 : i32
    return %c0_i32, %c0_i32_0 : i32, i32
  }
  func.func @transform_5(%arg0: i32) -> (i32, i32) {
    %c0_i32 = arith.constant 0 : i32
    %c0_i32_0 = arith.constant 0 : i32
    %c0_i32_1 = arith.constant 0 : i32
    return %c0_i32, %c0_i32_0 : i32, i32
  }
  func.func @transform_6(%arg0: i32) -> (i32, i32) {
    %c0_i32 = arith.constant 0 : i32
    %c0_i32_0 = arith.constant 0 : i32
    %c0_i32_1 = arith.constant 0 : i32
    return %c0_i32, %c0_i32_0 : i32, i32
  }
  func.func @transform_7(%arg0: i32) -> (i32, i32) {
    %c0_i32 = arith.constant 0 : i32
    %c0_i32_0 = arith.constant 0 : i32
    %c0_i32_1 = arith.constant 0 : i32
    return %c0_i32, %c0_i32_0 : i32, i32
  }
  func.func @transform_8(%arg0: i32) -> (i32, i32) {
    %c0_i32 = arith.constant 0 : i32
    %c0_i32_0 = arith.constant 0 : i32
    %c0_i32_1 = arith.constant 0 : i32
    return %c0_i32, %c0_i32_0 : i32, i32
  }
  func.func @transform_9(%arg0: i32) -> (i32, i32) {
    %c0_i32 = arith.constant 0 : i32
    %c0_i32_0 = arith.constant 0 : i32
    %c0_i32_1 = arith.constant 0 : i32
    return %c0_i32, %c0_i32_0 : i32, i32
  }
  func.func @transform_10(%arg0: i32) -> (i32, i32) {
    %c0_i32 = arith.constant 0 : i32
    %c0_i32_0 = arith.constant 0 : i32
    %c0_i32_1 = arith.constant 0 : i32
    return %c0_i32, %c0_i32_0 : i32, i32
  }
  func.func @transform_11(%arg0: i32) -> (i32, i32) {
    %c0_i32 = arith.constant 0 : i32
    %c0_i32_0 = arith.constant 0 : i32
    %c0_i32_1 = arith.constant 0 : i32
    return %c0_i32, %c0_i32_0 : i32, i32
  }
  func.func @transform_12(%arg0: i32) -> (i32, i32) {
    %c0_i32 = arith.constant 0 : i32
    %c0_i32_0 = arith.constant 0 : i32
    return %arg0, %c0_i32 : i32, i32
  }
}

module attributes {stable_mosaic.version = 14 : i64} {
  func.func @_node_body(%arg0: i32, %arg1: memref<2000x128xf32, #tpu.memory_space<vmem>>, %arg2: memref<2x2000x16xf32, #tpu.memory_space<vmem>>, %arg3: memref<2x2000x16xf32, #tpu.memory_space<vmem>>, %arg4: memref<128x128xf32, #tpu.memory_space<vmem>>, %arg5: memref<16x128xf32, #tpu.memory_space<vmem>>, %arg6: memref<128x128xf32, #tpu.memory_space<vmem>>, %arg7: memref<128x128xf32, #tpu.memory_space<vmem>>, %arg8: memref<1x128xf32, #tpu.memory_space<vmem>>, %arg9: memref<1x128xf32, #tpu.memory_space<vmem>>, %arg10: memref<1x128xf32, #tpu.memory_space<vmem>>, %arg11: memref<1x128xf32, #tpu.memory_space<vmem>>, %arg12: memref<1x128xf32, #tpu.memory_space<vmem>>, %arg13: memref<2000x128xf32, #tpu.memory_space<vmem>>) attributes {dimension_semantics = [#tpu.dimension_semantics<arbitrary>], iteration_bounds = array<i64: 5>, scalar_prefetch = 0 : i64, scratch_operands = 0 : i64, tpu.core_type = #tpu.core_type<tc>, window_params = [{transform_indices = @transform_0, window_bounds = array<i64: 2000, 128>}, {transform_indices = @transform_1, window_bounds = array<i64: 2, 2000, 16>}, {transform_indices = @transform_2, window_bounds = array<i64: 2, 2000, 16>}, {pipeline_mode = #tpu.pipeline_mode<synchronous>, transform_indices = @transform_3, window_bounds = array<i64: 128, 128>}, {pipeline_mode = #tpu.pipeline_mode<synchronous>, transform_indices = @transform_4, window_bounds = array<i64: 16, 128>}, {pipeline_mode = #tpu.pipeline_mode<synchronous>, transform_indices = @transform_5, window_bounds = array<i64: 128, 128>}, {pipeline_mode = #tpu.pipeline_mode<synchronous>, transform_indices = @transform_6, window_bounds = array<i64: 128, 128>}, {pipeline_mode = #tpu.pipeline_mode<synchronous>, transform_indices = @transform_7, window_bounds = array<i64: 1, 128>}, {pipeline_mode = #tpu.pipeline_mode<synchronous>, transform_indices = @transform_8, window_bounds = array<i64: 1, 128>}, {pipeline_mode = #tpu.pipeline_mode<synchronous>, transform_indices = @transform_9, window_bounds = array<i64: 1, 128>}, {pipeline_mode = #tpu.pipeline_mode<synchronous>, transform_indices = @transform_10, window_bounds = array<i64: 1, 128>}, {pipeline_mode = #tpu.pipeline_mode<synchronous>, transform_indices = @transform_11, window_bounds = array<i64: 1, 128>}, {transform_indices = @transform_12, window_bounds = array<i64: 2000, 128>}]} {
    %get3A = arith.constant 0 : index
    %get3A_0 = arith.constant 0 : index
    %get3A_1 = vector.load %arg1[%get3A, %get3A_0] : memref<2000x128xf32, #tpu.memory_space<vmem>>, vector<2000x128xf32>
    %get3A_2 = arith.constant 0 : index
    %get3A_3 = arith.constant 0 : index
    %get3A_4 = arith.constant 0 : index
    %get3A_5 = vector.load %arg2[%get3A_2, %get3A_3, %get3A_4] : memref<2x2000x16xf32, #tpu.memory_space<vmem>>, vector<1x2000x16xf32>
    %get3A_6 = vector.shape_cast %get3A_5 : vector<1x2000x16xf32> to vector<2000x16xf32>
    %get3A_7 = arith.constant 1 : index
    %get3A_8 = arith.constant 0 : index
    %get3A_9 = arith.constant 0 : index
    %get3A_10 = vector.load %arg2[%get3A_7, %get3A_8, %get3A_9] : memref<2x2000x16xf32, #tpu.memory_space<vmem>>, vector<1x2000x16xf32>
    %get3A_11 = vector.shape_cast %get3A_10 : vector<1x2000x16xf32> to vector<2000x16xf32>
    %add3A = arith.addf %get3A_6, %get3A_11 : vector<2000x16xf32>
    %get3A_12 = arith.constant 0 : index
    %get3A_13 = arith.constant 0 : index
    %get3A_14 = arith.constant 0 : index
    %get3A_15 = vector.load %arg3[%get3A_12, %get3A_13, %get3A_14] : memref<2x2000x16xf32, #tpu.memory_space<vmem>>, vector<1x2000x16xf32>
    %get3A_16 = vector.shape_cast %get3A_15 : vector<1x2000x16xf32> to vector<2000x16xf32>
    %get3A_17 = arith.constant 1 : index
    %get3A_18 = arith.constant 0 : index
    %get3A_19 = arith.constant 0 : index
    %get3A_20 = vector.load %arg3[%get3A_17, %get3A_18, %get3A_19] : memref<2x2000x16xf32, #tpu.memory_space<vmem>>, vector<1x2000x16xf32>
    %get3A_21 = vector.shape_cast %get3A_20 : vector<1x2000x16xf32> to vector<2000x16xf32>
    %add3A_22 = arith.addf %get3A_16, %get3A_21 : vector<2000x16xf32>
    %max3A = arith.constant 1.000000e+00 : f32
    %max3A_23 = vector.broadcast %max3A : f32 to vector<2000x16xf32>
    %max3A_24 = arith.maximumf %add3A_22, %max3A_23 : vector<2000x16xf32>
    %div3A = arith.divf %add3A, %max3A_24 : vector<2000x16xf32>
    %get3A_25 = arith.constant 0 : index
    %get3A_26 = arith.constant 0 : index
    %get3A_27 = vector.load %arg4[%get3A_25, %get3A_26] : memref<128x128xf32, #tpu.memory_space<vmem>>, vector<128x128xf32>
    %dot_general3A = arith.constant dense<0.000000e+00> : vector<2000x128xf32>
    %dot_general3A_28 = tpu.matmul %get3A_1, %get3A_27, %dot_general3A {dimension_numbers = #tpu.dot_dimension_numbers<[1], [0], [0], [1], [0, 0, 1, 1], [], []>, transpose_lhs_hint = false} : vector<2000x128xf32>, vector<128x128xf32>, vector<2000x128xf32> -> vector<2000x128xf32>
    %get3A_29 = arith.constant 0 : index
    %get3A_30 = arith.constant 0 : index
    %get3A_31 = vector.load %arg5[%get3A_29, %get3A_30] : memref<16x128xf32, #tpu.memory_space<vmem>>, vector<16x128xf32>
    %dot_general3A_32 = arith.constant dense<0.000000e+00> : vector<2000x128xf32>
    %dot_general3A_33 = tpu.matmul %div3A, %get3A_31, %dot_general3A_32 {dimension_numbers = #tpu.dot_dimension_numbers<[1], [0], [0], [1], [0, 0, 1, 1], [], []>, transpose_lhs_hint = false} : vector<2000x16xf32>, vector<16x128xf32>, vector<2000x128xf32> -> vector<2000x128xf32>
    %add3A_34 = arith.addf %dot_general3A_28, %dot_general3A_33 : vector<2000x128xf32>
    %get3A_35 = arith.constant 0 : index
    %get3A_36 = arith.constant 0 : index
    %get3A_37 = vector.load %arg8[%get3A_35, %get3A_36] : memref<1x128xf32, #tpu.memory_space<vmem>>, vector<1x128xf32>
    %add3A_38 = vector.broadcast %get3A_37 : vector<1x128xf32> to vector<2000x128xf32>
    %add3A_39 = arith.addf %add3A_34, %add3A_38 : vector<2000x128xf32>
    %logistic3A = arith.negf %add3A_39 : vector<2000x128xf32>
    %logistic3A_40 = math.exp %logistic3A : vector<2000x128xf32>
    %logistic3A_41 = arith.constant 1.000000e+00 : f32
    %logistic3A_42 = vector.broadcast %logistic3A_41 : f32 to vector<2000x128xf32>
    %logistic3A_43 = arith.addf %logistic3A_42, %logistic3A_40 : vector<2000x128xf32>
    %logistic3A_44 = arith.divf %logistic3A_42, %logistic3A_43 : vector<2000x128xf32>
    %mul3A = arith.mulf %add3A_39, %logistic3A_44 : vector<2000x128xf32>
    %get3A_45 = arith.constant 0 : index
    %get3A_46 = arith.constant 0 : index
    %get3A_47 = vector.load %arg6[%get3A_45, %get3A_46] : memref<128x128xf32, #tpu.memory_space<vmem>>, vector<128x128xf32>
    %dot_general3A_48 = arith.constant dense<0.000000e+00> : vector<2000x128xf32>
    %dot_general3A_49 = tpu.matmul %mul3A, %get3A_47, %dot_general3A_48 {dimension_numbers = #tpu.dot_dimension_numbers<[1], [0], [0], [1], [0, 0, 1, 1], [], []>, transpose_lhs_hint = false} : vector<2000x128xf32>, vector<128x128xf32>, vector<2000x128xf32> -> vector<2000x128xf32>
    %get3A_50 = arith.constant 0 : index
    %get3A_51 = arith.constant 0 : index
    %get3A_52 = vector.load %arg9[%get3A_50, %get3A_51] : memref<1x128xf32, #tpu.memory_space<vmem>>, vector<1x128xf32>
    %add3A_53 = vector.broadcast %get3A_52 : vector<1x128xf32> to vector<2000x128xf32>
    %add3A_54 = arith.addf %dot_general3A_49, %add3A_53 : vector<2000x128xf32>
    %logistic3A_55 = arith.negf %add3A_54 : vector<2000x128xf32>
    %logistic3A_56 = math.exp %logistic3A_55 : vector<2000x128xf32>
    %logistic3A_57 = arith.constant 1.000000e+00 : f32
    %logistic3A_58 = vector.broadcast %logistic3A_57 : f32 to vector<2000x128xf32>
    %logistic3A_59 = arith.addf %logistic3A_58, %logistic3A_56 : vector<2000x128xf32>
    %logistic3A_60 = arith.divf %logistic3A_58, %logistic3A_59 : vector<2000x128xf32>
    %mul3A_61 = arith.mulf %add3A_54, %logistic3A_60 : vector<2000x128xf32>
    %get3A_62 = arith.constant 0 : index
    %get3A_63 = arith.constant 0 : index
    %get3A_64 = vector.load %arg7[%get3A_62, %get3A_63] : memref<128x128xf32, #tpu.memory_space<vmem>>, vector<128x128xf32>
    %dot_general3A_65 = arith.constant dense<0.000000e+00> : vector<2000x128xf32>
    %dot_general3A_66 = tpu.matmul %mul3A_61, %get3A_64, %dot_general3A_65 {dimension_numbers = #tpu.dot_dimension_numbers<[1], [0], [0], [1], [0, 0, 1, 1], [], []>, transpose_lhs_hint = false} : vector<2000x128xf32>, vector<128x128xf32>, vector<2000x128xf32> -> vector<2000x128xf32>
    %get3A_67 = arith.constant 0 : index
    %get3A_68 = arith.constant 0 : index
    %get3A_69 = vector.load %arg10[%get3A_67, %get3A_68] : memref<1x128xf32, #tpu.memory_space<vmem>>, vector<1x128xf32>
    %add3A_70 = vector.broadcast %get3A_69 : vector<1x128xf32> to vector<2000x128xf32>
    %add3A_71 = arith.addf %dot_general3A_66, %add3A_70 : vector<2000x128xf32>
    %reduce_sum3A = arith.constant dense<0.000000e+00> : vector<2000xf32>
    %reduce_sum3A_72 = vector.multi_reduction <add>, %add3A_71, %reduce_sum3A [1] : vector<2000x128xf32> to vector<2000xf32>
    %broadcast_in_dim3A = vector.shape_cast %reduce_sum3A_72 : vector<2000xf32> to vector<2000x1xf32>
    %div3A_73 = arith.constant 1.280000e+02 : f32
    %div3A_74 = vector.broadcast %div3A_73 : f32 to vector<2000x1xf32>
    %div3A_75 = arith.divf %broadcast_in_dim3A, %div3A_74 : vector<2000x1xf32>
    %sub3A = vector.broadcast %div3A_75 : vector<2000x1xf32> to vector<2000x128xf32>
    %sub3A_76 = arith.subf %add3A_71, %sub3A : vector<2000x128xf32>
    %mul3A_77 = arith.mulf %sub3A_76, %sub3A_76 : vector<2000x128xf32>
    %reduce_sum3A_78 = arith.constant dense<0.000000e+00> : vector<2000xf32>
    %reduce_sum3A_79 = vector.multi_reduction <add>, %mul3A_77, %reduce_sum3A_78 [1] : vector<2000x128xf32> to vector<2000xf32>
    %broadcast_in_dim3A_80 = vector.shape_cast %reduce_sum3A_79 : vector<2000xf32> to vector<2000x1xf32>
    %div3A_81 = arith.constant 1.280000e+02 : f32
    %div3A_82 = vector.broadcast %div3A_81 : f32 to vector<2000x1xf32>
    %div3A_83 = arith.divf %broadcast_in_dim3A_80, %div3A_82 : vector<2000x1xf32>
    %add3A_84 = arith.constant 9.99999974E-6 : f32
    %add3A_85 = vector.broadcast %add3A_84 : f32 to vector<2000x1xf32>
    %add3A_86 = arith.addf %div3A_83, %add3A_85 : vector<2000x1xf32>
    %rsqrt3A = math.rsqrt %add3A_86 : vector<2000x1xf32>
    %mul3A_87 = vector.broadcast %rsqrt3A : vector<2000x1xf32> to vector<2000x128xf32>
    %mul3A_88 = arith.mulf %sub3A_76, %mul3A_87 : vector<2000x128xf32>
    %get3A_89 = arith.constant 0 : index
    %get3A_90 = arith.constant 0 : index
    %get3A_91 = vector.load %arg11[%get3A_89, %get3A_90] : memref<1x128xf32, #tpu.memory_space<vmem>>, vector<1x128xf32>
    %mul3A_92 = vector.broadcast %get3A_91 : vector<1x128xf32> to vector<2000x128xf32>
    %mul3A_93 = arith.mulf %mul3A_88, %mul3A_92 : vector<2000x128xf32>
    %add3A_94 = arith.addf %get3A_1, %mul3A_93 : vector<2000x128xf32>
    %get3A_95 = arith.constant 0 : index
    %get3A_96 = arith.constant 0 : index
    %get3A_97 = vector.load %arg12[%get3A_95, %get3A_96] : memref<1x128xf32, #tpu.memory_space<vmem>>, vector<1x128xf32>
    %add3A_98 = vector.broadcast %get3A_97 : vector<1x128xf32> to vector<2000x128xf32>
    %add3A_99 = arith.addf %add3A_94, %add3A_98 : vector<2000x128xf32>
    %swap3A = arith.constant 0 : index
    %swap3A_100 = arith.constant 0 : index
    %swap3A_101 = vector.load %arg13[%swap3A, %swap3A_100] : memref<2000x128xf32, #tpu.memory_space<vmem>>, vector<2000x128xf32>
    tpu.vector_store %arg13[%swap3A, %swap3A_100], %add3A_99 {strides = array<i32>} : memref<2000x128xf32, #tpu.memory_space<vmem>>, vector<2000x128xf32>,
    return
  }
  func.func @transform_0(%arg0: i32) -> (i32, i32) {
    %c0_i32 = arith.constant 0 : i32
    %c0_i32_0 = arith.constant 0 : i32
    return %arg0, %c0_i32 : i32, i32
  }
  func.func @transform_1(%arg0: i32) -> (i32, i32, i32) {
    %c0_i32 = arith.constant 0 : i32
    %c0_i32_0 = arith.constant 0 : i32
    %c0_i32_1 = arith.constant 0 : i32
    return %c0_i32, %arg0, %c0_i32_0 : i32, i32, i32
  }
  func.func @transform_2(%arg0: i32) -> (i32, i32, i32) {
    %c0_i32 = arith.constant 0 : i32
    %c0_i32_0 = arith.constant 0 : i32
    %c0_i32_1 = arith.constant 0 : i32
    return %c0_i32, %arg0, %c0_i32_0 : i32, i32, i32
  }
  func.func @transform_3(%arg0: i32) -> (i32, i32) {
    %c0_i32 = arith.constant 0 : i32
    %c0_i32_0 = arith.constant 0 : i32
    %c0_i32_1 = arith.constant 0 : i32
    return %c0_i32, %c0_i32_0 : i32, i32
  }
  func.func @transform_4(%arg0: i32) -> (i32, i32) {
    %c0_i32 = arith.constant 0 : i32
    %c0_i32_0 = arith.constant 0 : i32
    %c0_i32_1 = arith.constant 0 : i32
    return %c0_i32, %c0_i32_0 : i32, i32
  }
  func.func @transform_5(%arg0: i32) -> (i32, i32) {
    %c0_i32 = arith.constant 0 : i32
    %c0_i32_0 = arith.constant 0 : i32
    %c0_i32_1 = arith.constant 0 : i32
    return %c0_i32, %c0_i32_0 : i32, i32
  }
  func.func @transform_6(%arg0: i32) -> (i32, i32) {
    %c0_i32 = arith.constant 0 : i32
    %c0_i32_0 = arith.constant 0 : i32
    %c0_i32_1 = arith.constant 0 : i32
    return %c0_i32, %c0_i32_0 : i32, i32
  }
  func.func @transform_7(%arg0: i32) -> (i32, i32) {
    %c0_i32 = arith.constant 0 : i32
    %c0_i32_0 = arith.constant 0 : i32
    %c0_i32_1 = arith.constant 0 : i32
    return %c0_i32, %c0_i32_0 : i32, i32
  }
  func.func @transform_8(%arg0: i32) -> (i32, i32) {
    %c0_i32 = arith.constant 0 : i32
    %c0_i32_0 = arith.constant 0 : i32
    %c0_i32_1 = arith.constant 0 : i32
    return %c0_i32, %c0_i32_0 : i32, i32
  }
  func.func @transform_9(%arg0: i32) -> (i32, i32) {
    %c0_i32 = arith.constant 0 : i32
    %c0_i32_0 = arith.constant 0 : i32
    %c0_i32_1 = arith.constant 0 : i32
    return %c0_i32, %c0_i32_0 : i32, i32
  }
  func.func @transform_10(%arg0: i32) -> (i32, i32) {
    %c0_i32 = arith.constant 0 : i32
    %c0_i32_0 = arith.constant 0 : i32
    %c0_i32_1 = arith.constant 0 : i32
    return %c0_i32, %c0_i32_0 : i32, i32
  }
  func.func @transform_11(%arg0: i32) -> (i32, i32) {
    %c0_i32 = arith.constant 0 : i32
    %c0_i32_0 = arith.constant 0 : i32
    %c0_i32_1 = arith.constant 0 : i32
    return %c0_i32, %c0_i32_0 : i32, i32
  }
  func.func @transform_12(%arg0: i32) -> (i32, i32) {
    %c0_i32 = arith.constant 0 : i32
    %c0_i32_0 = arith.constant 0 : i32
    return %arg0, %c0_i32 : i32, i32
  }
}

</mosaic_0001>

<sc_bundles>
// kernel: kernel.10.cloned.1.call-start
scs
__scs_entry_jumppad:
0x0: {  	(pc) =	sbr.rel $0x88, $3  }
0x1: {  	(tag) =	ssettag $0x0;
	lr =	simm.s32 $0x1  }
0x2: {  	[smem:$0x3F8E] =	sst lr;
	_ =	strace $0xD0000000  }
0x3: {  	_ = 	snop  }
0x4: {  	_ = 	snop  }
0x5: {  	_ = 	snop  }
0x6: {  	_ = 	snop  }
0x7: {  	_ = 	snop  }
__scs_overlays_trampoline_lowered:
0x8: {  	[smem:$0x3F9D] =	sst s0  }
0x9: {  	[smem:$0x3F9E] =	sst s1  }
0xa: {  	[smem:$0x3F9F] =	sst s2  }
0xb: {  	[smem:$0x3FA0] =	sst s3  }
0xc: {  	[smem:$0x3FA1] =	sst s4  }
0xd: {  	[smem:$0x3FA2] =	sst s5  }
0xe: {  	[smem:$0x3FA3] =	sst s6  }
0xf: {  	[smem:$0x3FA4] =	sst s7  }
0x10: {  	[smem:$0x3FA5] =	sst s8  }
0x11: {  	[smem:$0x3FA6] =	sst s9;
	s0 =	simm.s32 @!p0 $0x0  }
0x12: {  	s1 =	sld [smem:$0x3F8C];
	s0 =	simm.s32 @p0 $0x1  }
0x13: {  	[smem:$0x3FA7] =	sst s0;
	s0 =	simm.s32 @!p1 $0x0  }
0x14: {  	s2 =	sld [smem:$0x3F8B];
	s0 =	simm.s32 @p1 $0x1  }
0x15: {  	[smem:$0x3FA8] =	sst s0;
	s0 =	simm.s32 @!p2 $0x0  }
0x16: {  	s3 =	sld [smem:$0x3FDB];
	s0 =	simm.s32 @p2 $0x1  }
0x17: {  	s4 =	simm.s32 $0x1BF5;
	[smem:$0x3FAA] =	sst s0  }
0x18: {  	s0 =	sld [smem:$0x3F8D];
	_ =	swait.ge [sflag:s4], $0x0  }
0x19: {  	s7 =	sld [smem:$0x3F8E]  }
0x1a: {  	s8 =	sadd.s32 $0xFFFFE003, lr  }
0x1b: {  	s9 =	sadd.s32 $0xFFFFFEF7, lr;
	s5 =	simm.s32 $0xFFFFFFFF;
	p2 =	slt.u32 s8, $0xFFFFF086  }
0x1c: {  	p1 =	slt.u32 s9, $0xF7A;
	s5 =	simm.s32 @!p2 $0x0  }
0x1d: {  	s5 =	simm.s32 @p1 $0x1;
	p0 =	seq.s32 s7, s2  }
0x1e: {  	s7 =	smul.u32 @!p0 $0xF7A, s2;
	p2 =	seq.s32 @!p0 s5, $0x0  }
0x1f: {  	s9 =	smul.u32 $0xF7A, s1;
	s8 =	simm.s32 @!p0 $0x1BF5;
	p2 =	por !p2, p0  }
0x20: {  	[sflag:s8] =	ssyncset.s32 @!p0 $0xFFFFF086;
	s6 =	sadd.s32 @!p0 s3, s7;
	s7 =	simm.s32 @!p0 $0x108  }
0x21: {  	s3 =	sadd.s32 s3, s9;
	s6 =	sadd.s32 @!p0 $0x88, s6;
	s7 =	simm.s32 @p2 $0x1082  }
0x22: {  	[simem:s7], [sflag:s8] =	dma.local @!p0 [hbm:s6], $0xF7A  }
0x23: {  	s9 =	sor.u32 $0xD0000000, s2;
	s6 =	simm.s32 $0x108;
	_ =	swait.ge @!p0 [sflag:s8], $0x0  }
0x24: {  	s3 =	sadd.s32 $0x88, s3;
	s6 =	simm.s32 @!p1 $0x1082;
	[sflag:s4] =	ssyncset.s32 $0xFFFFF086  }
0x25: {  	[simem:s6], [sflag:s4] =	dma.local [hbm:s3], $0xF7A  }
0x26: {  	[smem:$0x3F8E] =	sst s1;
	(tag) =	ssettag s2;
	_ =	strace s9  }
0x27: {  	s1 =	sld [smem:$0x3F9E]  }
0x28: {  	s2 =	sld [smem:$0x3F9F]  }
0x29: {  	s4 =	sld [smem:$0x3FA1]  }
0x2a: {  	p0 =	seq.s32 s5, $0x0;
	s5 =	sld [smem:$0x3FA2]  }
0x2b: {  	s6 =	sld [smem:$0x3FA3]  }
0x2c: {  	s7 =	sld [smem:$0x3FA4]  }
0x2d: {  	s3 =	simm.s32 $0x108;
	s8 =	sld [smem:$0x3FA5]  }
0x2e: {  	s3 =	simm.s32 @!p0 $0x1082;
	s9 =	sld [smem:$0x3FA6]  }
0x2f: {  	lr =	sadd.s32 s0, s3;
	s0 =	sld [smem:$0x3F9D]  }
0x30: {  	s3 =	sld [smem:$0x3FA0]  }
0x31: {  	[smem:$0x3FA9] =	sst s10  }
0x32: {  	s10 =	sld [smem:$0x3FA7];
	_ =	sdelay $0x3  }
0x33: {  	p0 =	seq.s32 s10, $0x1;
	s10 =	sld [smem:$0x3FA9];
	_ =	sdelay $0x3  }
0x34: {  	[smem:$0x3FA9] =	sst s10  }
0x35: {  	s10 =	sld [smem:$0x3FA8];
	_ =	sdelay $0x3  }
0x36: {  	p1 =	seq.s32 s10, $0x1;
	s10 =	sld [smem:$0x3FA9];
	_ =	sdelay $0x3  }
0x37: {  	[smem:$0x3FA9] =	sst s10  }
0x38: {  	s10 =	sld [smem:$0x3FAA]  }
0x39: {  	_ = 	snop;
	(pc) =	sbr.ind lr, $3  }
0x3a: {  	_ = 	snop  }
0x3b: {  	_ = 	snop  }
0x3c: {  	p2 =	seq.s32 s10, $0x1;
	s10 =	sld [smem:$0x3FA9]  }
0x3d: {  	_ =	shalt  }
0x3e: {  	_ =	shalt  }
0x3f: {  	_ =	shalt  }
0x40: {  	_ =	shalt  }
0x41: {  	_ =	shalt  }
0x42: {  	_ =	shalt  }
0x43: {  	_ =	shalt  }
0x44: {  	_ =	shalt  }
0x45: {  	_ =	shalt  }
0x46: {  	_ =	shalt  }
0x47: {  	_ =	shalt  }
0x48: {  	_ =	shalt  }
0x49: {  	_ =	shalt  }
0x4a: {  	_ =	shalt  }
0x4b: {  	_ =	shalt  }
0x4c: {  	_ =	shalt  }
0x4d: {  	_ =	shalt  }
0x4e: {  	_ =	shalt  }
0x4f: {  	_ =	shalt  }
0x50: {  	_ =	shalt  }
0x51: {  	_ =	shalt  }
0x52: {  	_ =	shalt  }
0x53: {  	_ =	shalt  }
0x54: {  	_ =	shalt  }
0x55: {  	_ =	shalt  }
0x56: {  	_ =	shalt  }
0x57: {  	_ =	shalt  }
0x58: {  	_ =	shalt  }
0x59: {  	_ =	shalt  }
0x5a: {  	_ =	shalt  }
0x5b: {  	_ =	shalt  }
0x5c: {  	_ =	shalt  }
0x5d: {  	_ =	shalt  }
0x5e: {  	_ =	shalt  }
0x5f: {  	_ =	shalt  }
0x60: {  	_ =	shalt  }
0x61: {  	_ =	shalt  }
0x62: {  	_ =	shalt  }
0x63: {  	_ =	shalt  }
0x64: {  	_ =	shalt  }
0x65: {  	_ =	shalt  }
0x66: {  	_ =	shalt  }
0x67: {  	_ =	shalt  }
0x68: {  	_ =	shalt  }
0x69: {  	_ =	shalt  }
0x6a: {  	_ =	shalt  }
0x6b: {  	_ =	shalt  }
0x6c: {  	_ =	shalt  }
0x6d: {  	_ =	shalt  }
0x6e: {  	_ =	shalt  }
0x6f: {  	_ =	shalt  }
0x70: {  	_ =	shalt  }
0x71: {  	_ =	shalt  }
0x72: {  	_ =	shalt  }
0x73: {  	_ =	shalt  }
0x74: {  	_ =	shalt  }
0x75: {  	_ =	shalt  }
0x76: {  	_ =	shalt  }
0x77: {  	_ =	shalt  }
0x78: {  	_ =	shalt  }
0x79: {  	_ =	shalt  }
0x7a: {  	_ =	shalt  }
0x7b: {  	_ =	shalt  }
0x7c: {  	_ =	shalt  }
0x7d: {  	_ =	shalt  }
0x7e: {  	_ =	shalt  }
0x7f: {  	_ =	shalt  }
0x80: {  	_ =	shalt  }
0x81: {  	_ =	shalt  }
0x82: {  	_ =	shalt  }
0x83: {  	_ =	shalt  }
0x84: {  	_ =	shalt  }
0x85: {  	_ =	shalt  }
0x86: {  	_ =	shalt  }
0x87: {  	_ =	shalt  }
.Lfunc_end0:
.L_simem_size_0:
called_computation.1_lowered:
.L_overlay_start_0:
0x88: {  	s2 =	sld [smem:$0x3FD9]  }
0x89: {  	s3 =	sld [smem:$0x3FFE];
	_ =	sdelay $0x1  }
0x8a: {  	s1 =	srdreg.scid  }
0x8b: {  	s0 =	sand.u32 $0x1, s1  }
0x8c: {  	s14 =	sshll.u32 s0, $0xA;
	s2 =	sadd.s32 s3, s2  }
0x8d: {  	s2 =	sadd.s32 s2, s14  }
0x8e: {  	[smem:$0x3FB5] =	sst s2  }
0x8f: {  	_ = 	snop  }
0x90: {  	s2 =	sld [smem:$0x3FD0];
	_ =	sdelay $0x2  }
0x91: {  	s15 =	simm.s32 $0xA;
	s4 =	simm.s32 $0x10  }
0x92: {  	[smem:s4], [sflag:s15] =	dma.local [hbm:s2], $0x1  }
0x93: {  	_ =	swait.eq [sflag:s15], $0x1  }
0x94: {  	[sflag:s15] =	ssyncset.done $0x0  }
0x95: {  	s16 =	sld [smem:$0x10];
	[sflag:s15] =	ssyncadd.s32 $0xFFFFFFFF  }
0x96: {  	s17 =	sld [smem:$0x11];
	(tm) =	ssettm $0x1  }
0x97: {  	s18 =	sld [smem:$0x3FFB];
	_ =	sdelay $0x3  }
0x98: {  	_ =	strace s18  }
0x99: {  	s4 =	sld [smem:$0x3FFC];
	_ =	sdelay $0x3  }
0x9a: {  	_ =	strace s4  }
0x9b: {  	s4 =	sld [smem:$0x3FFD];
	_ =	sdelay $0x3  }
0x9c: {  	_ =	strace s4  }
0x9d: {  	_ =	strace $0x8FFFFFFF  }
0x9e: {  	s19 =	sld [smem:$0x3FDB];
	_ =	sdelay $0x1  }
0x9f: {  	s5 =	simm.s32 $_scs_section_size  }
0xa0: {  	s6 =	simm.s32 $_size__tile_overlayer_lowered;
	s7 =	simm.s32 $_tile_overlayer_lowered  }
0xa1: {  	s22 =	simm.s32 $0x1BFF;
	s21 =	sshll.u32 s7, $0x1;
	s4 =	sadd.s32 s5, s19  }
0xa2: {  	s8 =	simm.s32 $0x0;
	s20 =	sshll.u32 s6, $0x1;
	s6 =	sadd.s32 s21, s4  }
0xa3: {  	[timem:s8], [sflag:s22] =	dma.local [hbm:s6], s20  }
0xa4: {  	_ =	swait.ge [sflag:s22], s20  }
0xa5: {  	s5 =	ssub.s32 $0x0, s20;
	[sflag:s22] =	ssyncset.done $0x0  }
0xa6: {  	[sflag:s22] =	ssyncadd.s32 s5;
	_ =	sdelay $0x1  }
0xa7: {  	s23 =	simm.s32 $0x1B8B  }
0xa8: {  	_ =	swait.ge [sflag:s23], $0x1  }
0xa9: {  	[sflag:s23] =	ssyncset.done $0x0  }
0xaa: {  	s25 =	simm.s32 $0x1B8E;
	s24 =	sld [smem:$0x3FFE];
	[sflag:s23] =	ssyncadd.s32 $0xFFFFFFFF  }
0xab: {  	s26 =	simm.s32 $execute0_lowered;
	[smem:$0x3FD2] =	sst s25  }
0xac: {  	s6 =	sshll.u32 s26, $0x1;
	_ =	strace $0x80000049;
	[dreg:$0x1] =	wrdreg $0xFFFFFFFF  }
0xad: {  	s28 =	simm.s32 $_size_execute0_lowered;
	s4 =	sadd.s32 s4, s6;
	[dreg:$0x0] =	wrdreg $0x0  }
0xae: {  	s6 =	sshll.u32 s28, $0x1;
	[dreg:$0x2] =	wrdreg s4  }
0xaf: {  	[dreg:$0x3] =	wrdreg s6  }
0xb0: {  	[dreg:$0x4] =	wrdreg $0xC0  }
0xb1: {  	_ =	task [dreg:s8], $0x5FFFF  }
0xb2: {  	[dreg:$0x1] =	wrdreg $0xFFFFFFFF  }
0xb3: {  	[dreg:$0x0] =	wrdreg $0x60  }
0xb4: {  	[dreg:$0x2] =	wrdreg s17  }
0xb5: {  	[dreg:$0x3] =	wrdreg s16  }
0xb6: {  	[dreg:$0x4] =	wrdreg s24  }
0xb7: {  	[dreg:$0x5] =	wrdreg $0xC7D00  }
0xb8: {  	[dreg:$0x6] =	wrdreg $0x9  }
0xb9: {  	_ =	task.clear_ibuf [dreg:s8], $0x7FFFF;
	_ =	strace $0x90000049  }
0xba: {  	s29 =	simm.s32 $0x9;
	_ =	strace $0x8000004B  }
0xbb: {  	_ =	swait.ge [sflag:s29], $0x1  }
0xbc: {  	[sflag:s29] =	ssyncadd.s32 $0xFFFFFFFF  }
0xbd: {  	_ =	strace $0x9000004B  }
0xbe: {  	_ =	sfence  }
0xbf: {  	s30 =	sld [smem:$0x0];
	_ =	sdelay $0x2  }
0xc0: {  	s31 =	sshll.u32 s1, $0xD;
	s1 =	sshrl.u32 s1, $0x2  }
0xc1: {  	s3 =	sand.u32 $0x4000, s31;
	s1 =	sadd.s32 s1, s30  }
0xc2: {  	s0 =	sor.u32 s3, s0;
	s1 =	sshll.u32 s1, $0x11  }
0xc3: {  	s0 =	sor.u32 s1, s0  }
0xc4: {  	s0 =	sadd.s32 $0x8F2B, s0  }
0xc5: {  	[sflag:s0] =	ssyncadd.remote.s32 $0x1  }
0xc6: {  	_ =	sfence.sel $0xFFFF  }
0xc7: {  	[dreg:$0x0] =	wrdreg $0xFFFFFFFF;
	(pc) =	sbr.abs _section_cstart, $3  }
0xc8: {  	[dreg:$0x1] =	wrdreg $0xFFFFFFFF  }
0xc9: {  	_ =	task.clear_ibuf [dreg:s8], $0x2FFFF;
	_ =	strace $0x9FFFFFFF  }
0xca: {  	(tm) =	ssettm $0x7FFFFFFF  }
0xcb: {  	_ =	shalt  }
tec
execute0_lowered:
.L_overlay_start_1:
0x0: {  	(tag) =	ssettag $0x1  }
0x1: {  	s5 =	rddreg [dreg:$0x0]  }
0x2: {  	s10 =	rddreg [dreg:$0x1]  }
0x3: {  	s0 =	rddreg [dreg:$0x2]  }
0x4: {  	s12 =	rddreg [dreg:$0x3]  }
0x5: {  	s1 =	srdreg.scid;
	s2 =	stileid.u32;
	s4 =	simm.s32 $0x0  }
0x6: {  	s15 =	simm.s32 $0x2;
	s16 =	simm.s32 $0x7D0;
	s17 =	simm.s32 $0x3E8  }
0x7: {  	s18 =	simm.s32 $0x47D0;
	s19 =	simm.s32 $0x1;
	s20 =	simm.s32 $0x87D0  }
0x8: {  	s28 =	simm.s32 $0xA3D0;
	s29 =	simm.s32 $0xA7D0;
	s30 =	simm.s32 $0xABD0  }
0x9: {  	s31 =	simm.s32 $0xAFD0;
	s1 =	sand.u32 $0x1, s1;
	s3 =	sshll.u32 s2, $0x1  }
0xa: {  	[smem:$0x7FF] =	sst s4;
	s7 =	sadd.s32 $0x17800, s0;
	p0 =	sne.s32 s2, $0x0  }
0xb: {  	s6 =	smul.u32 $0x4E20, s1;
	s11 =	sor.u32 s1, s3;
	_ =	strace $0x8000004A  }
0xc: {  	s1 =	ssub.s32 $0x2, s1;
	[dreg:$0x5] =	wrdreg s7;
	s7 =	sadd.s32 $0x1C800, s0  }
0xd: {  	s3 =	smul.u32 $0x7D, s11;
	s8 =	sshrl.u32 s1, $0x1;
	s24 =	sor.u32 $0x20, s11  }
0xe: {  	s9 =	smul.u32 $0x7D0, s11;
	s25 =	sor.u32 $0x40, s11;
	[dreg:$0x8] =	wrdreg s24  }
0xf: {  	s6 =	sadd.s32 s6, s0;
	s21 =	ssub.s32 s1, s8;
	[dreg:$0x9] =	wrdreg s25  }
0x10: {  	s24 =	simm.s32 $0x97D0;
	s25 =	simm.s32 $0x9BD0;
	s8 =	simm.s32 $0xBBD0  }
0x11: {  	s22 =	sadd.s32 s10, s3;
	s23 =	sadd.s32 s5, s9;
	s10 =	smov.u32 s11  }
0x12: {  	s26 =	sadd.s32 $0x3A00, s6;
	s0 =	smax.u32 s21, $0x1;
	s11 =	smov.u32 s12  }
0x13: {  	s3 =	sshrl.u32 @!p0 s12, $0x3;
	s21 =	simm.s32 $0x8BD0;
	[dreg:$0x6] =	wrdreg s22  }
0x14: {  	s6 =	simm.s32 $0xB7D0;
	s9 =	simm.s32 $0xBFD0;
	[dreg:$0x7] =	wrdreg s23  }
0x15: {  	s12 =	simm.s32 $0xC3D0;
	s5 =	simm.s32 $0x0;
	[dreg:$0xa] =	wrdreg s26  }
0x16: {  	v0 =	vlaneseq.u32;
	[dreg:$0xb] =	wrdreg s0;
	s22 =	simm.s32 $0x8FD0;
	s23 =	simm.s32 $0x93D0  }
0x17: {  	v0 =	vmul.u32 $0x10, v0;
	s26 =	simm.s32 $0x9FD0;
	s0 =	simm.s32 $0xB3D0;
	[dreg:$0xc] =	wrdreg s3  }
.LBB2_1:
0x18: {  	[dreg:$0xd] =	wrdreg s5  }
0x19: {  	s1 =	simm.s32 @!p0 $0x1C02;
	s2 =	rddreg [dreg:$0x5]  }
0x1a: {  	[spmem:s3], [sflag:s1] =	dma.local @!p0 [hbm:s2], $0x4E20  }
0x1b: {  	s1 =	simm.s32 @!p0 $0x2  }
0x1c: {  	_ =	swait.ge @!p0 [sflag:s1], $0x4E20  }
0x1d: {  	[sflag:s1] =	ssyncset.done @!p0 $0x0  }
0x1e: {  	[sflag:s1] =	ssyncadd.s32 @!p0 $0xFFFFB1E0  }
0x1f: {  	[bflag:$0x0] =	sbarrier.arrive $0xFFFF  }
0x20: {  	s13 =	rddreg [dreg:$0x6]  }
0x21: {  	[tilespmem:s4], [sflag:$0x2] =	stream.linear.gather [hbm4b:s13+s4], $0x3E8, $0x38;
	[tilespmem:$0xEEE0] =	vst v63  }
0x22: {  	_ =	swait.ge [sflag:s15], $0x3E8  }
0x23: {  	[sflag:s15] =	ssyncset.done $0x0  }
0x24: {  	s14 =	rddreg [dreg:$0x7];
	[sflag:s15] =	ssyncadd.s32 $0xFFFFFC18  }
0x25: {  	[tilespmem:s16], [sflag:$0x1] =	stream.linear.gather [hbm4b:s14+s4], $0x3E80, $0x38;
	[tilespmem:$0xEEE0] =	vst v63  }
0x26: {  	s14 =	simm.s32 $0x0  }
.LBB2_2:
0x27: {  	s1 =	sshll.u32 s14, $0x6;
	s2 =	rddreg [dreg:$0x8]  }
0x28: {  	s2 =	sor.u32 s2, s1  }
0x29: {  	s13 =	smul.u32 $0x7D, s2  }
0x2a: {  	s3 =	rddreg [dreg:$0x1]  }
0x2b: {  	s5 =	simm.s32 $0x0;
	s3 =	sadd.s32 s3, s13  }
0x2c: {  	[tilespmem:s17], [sflag:$0x2] =	stream.linear.gather [hbm4b:s3+s5], $0x3E8, $0x38;
	[tilespmem:$0xEEE0] =	vst v63  }
0x2d: {  	_ =	swait.ge [sflag:s15], $0x3E8  }
0x2e: {  	[sflag:s15] =	ssyncset.done $0x0  }
0x2f: {  	s2 =	smul.u32 $0x7D0, s2;
	[sflag:s15] =	ssyncadd.s32 $0xFFFFFC18  }
0x30: {  	s3 =	rddreg [dreg:$0x0]  }
0x31: {  	s2 =	sadd.s32 s3, s2  }
0x32: {  	[tilespmem:s18], [sflag:$0x1] =	stream.linear.gather [hbm4b:s2+s5], $0x3E80, $0x38;
	[tilespmem:$0xEEE0] =	vst v63  }
0x33: {  	v1 =	vmov s5;
	_ =	swait.ge [sflag:s19], $0x3E80  }
0x34: {  	v1 =	vshll.u32 v1, $0x4;
	[sflag:s19] =	ssyncset.done $0x0  }
0x35: {  	v1 =	vor.u32 v0, v1;
	[sflag:s19] =	ssyncadd.s32 $0xFFFFC180  }
0x36: {  	[spmem:s11] =	stream.indirect.scatter.add.f32 [tilespmem:s16], [sflag:$0x2], $0x10, s5, s17, $0xb8;
	[tilespmem:$0xEEE0] =	vst v63  }
0x37: {  	_ =	swait.ge [sflag:s15], $0x3E80  }
0x38: {  	[sflag:s15] =	ssyncset.done $0x0  }
0x39: {  	[sflag:s15] =	ssyncadd.s32 $0xFFFFC180  }
0x3a: {  	v2 =	vld.idx.msk [tilespmem:v1+s16+$0x0], $0xffff  }
0x3b: {  	v3 =	vor.u32 $0x1, v1;
	_ =	sdelay $0x2  }
0x3c: {  	s2 =	simm.s32 $0xA7D0  }
0x3d: {  	[tilespmem:s2+$0xFFFFE000] =	vst v2  }
0x3e: {  	v2 =	vld.idx.msk [tilespmem:v3+s16+$0x0], $0xffff  }
0x3f: {  	v3 =	vor.u32 $0x2, v1;
	_ =	sdelay $0x3  }
0x40: {  	[tilespmem:s2+$0xFFFFE400] =	vst v2  }
0x41: {  	v2 =	vld.idx.msk [tilespmem:v3+s16+$0x0], $0xffff  }
0x42: {  	v3 =	vor.u32 $0x3, v1;
	_ =	sdelay $0x3  }
0x43: {  	[tilespmem:s2+$0xFFFFE800] =	vst v2  }
0x44: {  	v2 =	vld.idx.msk [tilespmem:v3+s16+$0x0], $0xffff  }
0x45: {  	v3 =	vor.u32 $0x4, v1;
	_ =	sdelay $0x3  }
0x46: {  	[tilespmem:s2+$0xFFFFEC00] =	vst v2  }
0x47: {  	v2 =	vld.idx.msk [tilespmem:v3+s16+$0x0], $0xffff  }
0x48: {  	v3 =	vor.u32 $0x5, v1;
	_ =	sdelay $0x3  }
0x49: {  	[tilespmem:s2+$0xFFFFF000] =	vst v2  }
0x4a: {  	v2 =	vld.idx.msk [tilespmem:v3+s16+$0x0], $0xffff  }
0x4b: {  	v3 =	vor.u32 $0x6, v1;
	_ =	sdelay $0x3  }
0x4c: {  	[tilespmem:s2+$0xFFFFF400] =	vst v2  }
0x4d: {  	v2 =	vld.idx.msk [tilespmem:v3+s16+$0x0], $0xffff  }
0x4e: {  	v3 =	vor.u32 $0x7, v1;
	_ =	sdelay $0x3  }
0x4f: {  	[tilespmem:s2+$0xFFFFF800] =	vst v2  }
0x50: {  	v2 =	vld.idx.msk [tilespmem:v3+s16+$0x0], $0xffff  }
0x51: {  	v3 =	vor.u32 $0x8, v1;
	_ =	sdelay $0x3  }
0x52: {  	[tilespmem:s2+$0xFFFFFC00] =	vst v2  }
0x53: {  	v2 =	vld.idx.msk [tilespmem:v3+s16+$0x0], $0xffff  }
0x54: {  	v3 =	vor.u32 $0x9, v1;
	_ =	sdelay $0x3  }
0x55: {  	[tilespmem:s2+$0x0] =	vst v2  }
0x56: {  	v2 =	vld.idx.msk [tilespmem:v3+s16+$0x0], $0xffff  }
0x57: {  	v3 =	vor.u32 $0xA, v1;
	_ =	sdelay $0x3  }
0x58: {  	[tilespmem:s2+$0x400] =	vst v2  }
0x59: {  	v2 =	vld.idx.msk [tilespmem:v3+s16+$0x0], $0xffff  }
0x5a: {  	v3 =	vor.u32 $0xB, v1;
	_ =	sdelay $0x3  }
0x5b: {  	[tilespmem:s2+$0x800] =	vst v2  }
0x5c: {  	v2 =	vld.idx.msk [tilespmem:v3+s16+$0x0], $0xffff  }
0x5d: {  	v3 =	vor.u32 $0xC, v1;
	_ =	sdelay $0x3  }
0x5e: {  	[tilespmem:s2+$0xC00] =	vst v2  }
0x5f: {  	v2 =	vld.idx.msk [tilespmem:v3+s16+$0x0], $0xffff  }
0x60: {  	v3 =	vor.u32 $0xD, v1;
	_ =	sdelay $0x3  }
0x61: {  	[tilespmem:s2+$0x1000] =	vst v2  }
0x62: {  	v2 =	vld.idx.msk [tilespmem:v3+s16+$0x0], $0xffff  }
0x63: {  	v3 =	vor.u32 $0xE, v1;
	_ =	sdelay $0x3  }
0x64: {  	[tilespmem:s2+$0x1400] =	vst v2  }
0x65: {  	v2 =	vld.idx.msk [tilespmem:v3+s16+$0x0], $0xffff  }
0x66: {  	v3 =	vor.u32 $0xF, v1;
	_ =	sdelay $0x3  }
0x67: {  	s5 =	simm.s32 $0x10;
	[tilespmem:s2+$0x1800] =	vst v2  }
0x68: {  	s3 =	simm.s32 $0x20;
	v1 =	vmov s5;
	v2 =	vld.idx.msk [tilespmem:v3+s16+$0x0], $0xffff  }
.LBB2_3:
0x69: {  	p1 =	sne.s32 s3, $0x3F0;
	v1 =	vshll.u32 v1, $0x4  }
0x6a: {  	v1 =	vor.u32 v0, v1;
	_ =	sdelay $0x3  }
0x6b: {  	[tilespmem:s2+$0x1C00] =	vst v2  }
0x6c: {  	v2 =	vld.idx.msk [tilespmem:v1+s16+$0x0], $0xffff;
	_ =	sdelay $0x1  }
0x6d: {  	v3 =	vor.u32 $0x1, v1;
	_ =	sdelay $0x2  }
0x6e: {  	s2 =	sadd.s32 $0x10, s2  }
0x6f: {  	[tilespmem:s2+$0xFFFFE000] =	vst v2  }
0x70: {  	v2 =	vld.idx.msk [tilespmem:v3+s16+$0x0], $0xffff;
	_ =	sdelay $0x1  }
0x71: {  	v3 =	vor.u32 $0x2, v1;
	_ =	sdelay $0x3  }
0x72: {  	[tilespmem:s2+$0xFFFFE400] =	vst v2  }
0x73: {  	v2 =	vld.idx.msk [tilespmem:v3+s16+$0x0], $0xffff;
	_ =	sdelay $0x1  }
0x74: {  	v3 =	vor.u32 $0x3, v1;
	_ =	sdelay $0x3  }
0x75: {  	[tilespmem:s2+$0xFFFFE800] =	vst v2  }
0x76: {  	v2 =	vld.idx.msk [tilespmem:v3+s16+$0x0], $0xffff;
	_ =	sdelay $0x1  }
0x77: {  	v3 =	vor.u32 $0x4, v1;
	_ =	sdelay $0x3  }
0x78: {  	[tilespmem:s2+$0xFFFFEC00] =	vst v2  }
0x79: {  	v2 =	vld.idx.msk [tilespmem:v3+s16+$0x0], $0xffff;
	_ =	sdelay $0x1  }
0x7a: {  	v3 =	vor.u32 $0x5, v1;
	_ =	sdelay $0x3  }
0x7b: {  	[tilespmem:s2+$0xFFFFF000] =	vst v2  }
0x7c: {  	v2 =	vld.idx.msk [tilespmem:v3+s16+$0x0], $0xffff;
	_ =	sdelay $0x1  }
0x7d: {  	v3 =	vor.u32 $0x6, v1;
	_ =	sdelay $0x3  }
0x7e: {  	[tilespmem:s2+$0xFFFFF400] =	vst v2  }
0x7f: {  	v2 =	vld.idx.msk [tilespmem:v3+s16+$0x0], $0xffff;
	_ =	sdelay $0x1  }
0x80: {  	v3 =	vor.u32 $0x7, v1;
	_ =	sdelay $0x3  }
0x81: {  	[tilespmem:s2+$0xFFFFF800] =	vst v2  }
0x82: {  	v2 =	vld.idx.msk [tilespmem:v3+s16+$0x0], $0xffff;
	_ =	sdelay $0x1  }
0x83: {  	v3 =	vor.u32 $0x8, v1;
	_ =	sdelay $0x3  }
0x84: {  	[tilespmem:s2+$0xFFFFFC00] =	vst v2  }
0x85: {  	v2 =	vld.idx.msk [tilespmem:v3+s16+$0x0], $0xffff;
	_ =	sdelay $0x1  }
0x86: {  	v3 =	vor.u32 $0x9, v1;
	_ =	sdelay $0x3  }
0x87: {  	[tilespmem:s2+$0x0] =	vst v2  }
0x88: {  	v2 =	vld.idx.msk [tilespmem:v3+s16+$0x0], $0xffff;
	_ =	sdelay $0x1  }
0x89: {  	v3 =	vor.u32 $0xA, v1;
	_ =	sdelay $0x3  }
0x8a: {  	[tilespmem:s2+$0x400] =	vst v2  }
0x8b: {  	v2 =	vld.idx.msk [tilespmem:v3+s16+$0x0], $0xffff;
	_ =	sdelay $0x1  }
0x8c: {  	v3 =	vor.u32 $0xB, v1;
	_ =	sdelay $0x3  }
0x8d: {  	[tilespmem:s2+$0x800] =	vst v2  }
0x8e: {  	v2 =	vld.idx.msk [tilespmem:v3+s16+$0x0], $0xffff;
	_ =	sdelay $0x1  }
0x8f: {  	v3 =	vor.u32 $0xC, v1;
	_ =	sdelay $0x3  }
0x90: {  	[tilespmem:s2+$0xC00] =	vst v2  }
0x91: {  	v2 =	vld.idx.msk [tilespmem:v3+s16+$0x0], $0xffff;
	_ =	sdelay $0x1  }
0x92: {  	v3 =	vor.u32 $0xD, v1;
	_ =	sdelay $0x3  }
0x93: {  	[tilespmem:s2+$0x1000] =	vst v2  }
0x94: {  	v2 =	vld.idx.msk [tilespmem:v3+s16+$0x0], $0xffff;
	_ =	sdelay $0x1  }
0x95: {  	v3 =	vor.u32 $0xE, v1;
	_ =	sdelay $0x3  }
0x96: {  	[tilespmem:s2+$0x1400] =	vst v2  }
0x97: {  	v2 =	vld.idx.msk [tilespmem:v3+s16+$0x0], $0xffff;
	_ =	sdelay $0x1  }
0x98: {  	v3 =	vor.u32 $0xF, v1  }
.Ltmp0:
0x99: {  	(pc) =	sbr.rel @p1 .LBB2_3-.Ltmp0, $3  }
0x9a: {  	_ =	sdelay $0x1  }
0x9b: {  	[tilespmem:s2+$0x1800] =	vst v2  }
0x9c: {  	v1 =	vmov s3;
	s3 =	sadd.s32 $0x10, s3;
	v2 =	vld.idx.msk [tilespmem:v3+s16+$0x0], $0xffff  }
0x9d: {  	v1 =	vshll.u32 v1, $0x4  }
0x9e: {  	v1 =	vor.u32 v0, v1;
	_ =	sdelay $0x3  }
0x9f: {  	[tilespmem:s2+$0x1C00] =	vst v2  }
0xa0: {  	v2 =	vld.idx.msk [tilespmem:v1+s16+$0x0], $0xffff  }
0xa1: {  	v3 =	vor.u32 $0x1, v1;
	_ =	sdelay $0x2  }
0xa2: {  	s5 =	sadd.s32 $0x10, s2  }
0xa3: {  	[tilespmem:s5+$0xFFFFE000] =	vst v2  }
0xa4: {  	v2 =	vld.idx.msk [tilespmem:v3+s16+$0x0], $0xffff  }
0xa5: {  	v3 =	vor.u32 $0x2, v1;
	_ =	sdelay $0x3  }
0xa6: {  	[tilespmem:s5+$0xFFFFE400] =	vst v2  }
0xa7: {  	v2 =	vld.idx.msk [tilespmem:v3+s16+$0x0], $0xffff  }
0xa8: {  	v3 =	vor.u32 $0x3, v1;
	_ =	sdelay $0x3  }
0xa9: {  	[tilespmem:s5+$0xFFFFE800] =	vst v2  }
0xaa: {  	v2 =	vld.idx.msk [tilespmem:v3+s16+$0x0], $0xffff  }
0xab: {  	v3 =	vor.u32 $0x4, v1;
	_ =	sdelay $0x3  }
0xac: {  	[tilespmem:s5+$0xFFFFEC00] =	vst v2  }
0xad: {  	v2 =	vld.idx.msk [tilespmem:v3+s16+$0x0], $0xffff  }
0xae: {  	v3 =	vor.u32 $0x5, v1;
	_ =	sdelay $0x3  }
0xaf: {  	[tilespmem:s5+$0xFFFFF000] =	vst v2  }
0xb0: {  	v2 =	vld.idx.msk [tilespmem:v3+s16+$0x0], $0xffff  }
0xb1: {  	v3 =	vor.u32 $0x6, v1;
	_ =	sdelay $0x3  }
0xb2: {  	[tilespmem:s5+$0xFFFFF400] =	vst v2  }
0xb3: {  	v2 =	vld.idx.msk [tilespmem:v3+s16+$0x0], $0xffff  }
0xb4: {  	v3 =	vor.u32 $0x7, v1;
	_ =	sdelay $0x3  }
0xb5: {  	[tilespmem:s5+$0xFFFFF800] =	vst v2  }
0xb6: {  	v2 =	vld.idx.msk [tilespmem:v3+s16+$0x0], $0xffff  }
0xb7: {  	v3 =	vor.u32 $0x8, v1;
	_ =	sdelay $0x3  }
0xb8: {  	[tilespmem:s5+$0xFFFFFC00] =	vst v2  }
0xb9: {  	v2 =	vld.idx.msk [tilespmem:v3+s16+$0x0], $0xffff  }
0xba: {  	v3 =	vor.u32 $0x9, v1;
	_ =	sdelay $0x3  }
0xbb: {  	[tilespmem:s5+$0x0] =	vst v2  }
0xbc: {  	v2 =	vld.idx.msk [tilespmem:v3+s16+$0x0], $0xffff  }
0xbd: {  	v3 =	vor.u32 $0xA, v1;
	_ =	sdelay $0x3  }
0xbe: {  	[tilespmem:s5+$0x400] =	vst v2  }
0xbf: {  	v2 =	vld.idx.msk [tilespmem:v3+s16+$0x0], $0xffff  }
0xc0: {  	v3 =	vor.u32 $0xB, v1;
	_ =	sdelay $0x3  }
0xc1: {  	[tilespmem:s5+$0x800] =	vst v2  }
0xc2: {  	v2 =	vld.idx.msk [tilespmem:v3+s16+$0x0], $0xffff  }
0xc3: {  	v3 =	vor.u32 $0xC, v1;
	_ =	sdelay $0x3  }
0xc4: {  	[tilespmem:s5+$0xC00] =	vst v2  }
0xc5: {  	v2 =	vld.idx.msk [tilespmem:v3+s16+$0x0], $0xffff  }
0xc6: {  	v3 =	vor.u32 $0xD, v1;
	_ =	sdelay $0x3  }
0xc7: {  	[tilespmem:s5+$0x1000] =	vst v2  }
0xc8: {  	v2 =	vld.idx.msk [tilespmem:v3+s16+$0x0], $0xffff  }
0xc9: {  	v3 =	vor.u32 $0xE, v1;
	_ =	sdelay $0x3  }
0xca: {  	[tilespmem:s5+$0x1400] =	vst v2  }
0xcb: {  	v2 =	vld.idx.msk [tilespmem:v3+s16+$0x0], $0xffff  }
0xcc: {  	v1 =	vor.u32 $0xF, v1;
	_ =	sdelay $0x3  }
0xcd: {  	[tilespmem:s5+$0x1800] =	vst v2  }
0xce: {  	v1 =	vld.idx.msk [tilespmem:v1+s16+$0x0], $0xffff;
	_ =	sdelay $0x1  }
0xcf: {  	s3 =	sor.u32 s10, s1  }
0xd0: {  	s3 =	smul.u32 $0x7D, s3;
	_ =	sdelay $0x1  }
0xd1: {  	s2 =	sadd.s32 s7, s3;
	[tilespmem:s5+$0x1C00] =	vst v1  }
0xd2: {  	[hbm4b:s2+s4] =	stream.linear.scatter [tilespmem:s20], [sflag:$0x2], $0x3E8, $0x38;
	[tilespmem:$0xEEE0] =	vst v63  }
0xd3: {  	s3 =	sadd.s32 $0x9C40, s2  }
0xd4: {  	[hbm4b:s3+s4] =	stream.linear.scatter [tilespmem:s21], [sflag:$0x2], $0x3E8, $0x38;
	[tilespmem:$0xEEE0] =	vst v63  }
0xd5: {  	s5 =	sadd.s32 $0x13880, s2  }
0xd6: {  	[hbm4b:s5+s4] =	stream.linear.scatter [tilespmem:s22], [sflag:$0x2], $0x3E8, $0x38;
	[tilespmem:$0xEEE0] =	vst v63  }
0xd7: {  	s5 =	sadd.s32 $0x1D4C0, s2  }
0xd8: {  	[hbm4b:s5+s4] =	stream.linear.scatter [tilespmem:s23], [sflag:$0x2], $0x3E8, $0x38;
	[tilespmem:$0xEEE0] =	vst v63  }
0xd9: {  	s5 =	sadd.s32 $0x27100, s2  }
0xda: {  	[hbm4b:s5+s4] =	stream.linear.scatter [tilespmem:s24], [sflag:$0x2], $0x3E8, $0x38;
	[tilespmem:$0xEEE0] =	vst v63  }
0xdb: {  	s5 =	sadd.s32 $0x30D40, s2  }
0xdc: {  	[hbm4b:s5+s4] =	stream.linear.scatter [tilespmem:s25], [sflag:$0x2], $0x3E8, $0x38;
	[tilespmem:$0xEEE0] =	vst v63  }
0xdd: {  	s5 =	sadd.s32 $0x3A980, s2  }
0xde: {  	[hbm4b:s5+s4] =	stream.linear.scatter [tilespmem:s26], [sflag:$0x2], $0x3E8, $0x38;
	[tilespmem:$0xEEE0] =	vst v63  }
0xdf: {  	s5 =	sadd.s32 $0x445C0, s2  }
0xe0: {  	[hbm4b:s5+s4] =	stream.linear.scatter [tilespmem:s28], [sflag:$0x2], $0x3E8, $0x38;
	[tilespmem:$0xEEE0] =	vst v63  }
0xe1: {  	s5 =	sadd.s32 $0x4E200, s2  }
0xe2: {  	[hbm4b:s5+s4] =	stream.linear.scatter [tilespmem:s29], [sflag:$0x2], $0x3E8, $0x38;
	[tilespmem:$0xEEE0] =	vst v63  }
0xe3: {  	s5 =	sadd.s32 $0x57E40, s2  }
0xe4: {  	[hbm4b:s5+s4] =	stream.linear.scatter [tilespmem:s30], [sflag:$0x2], $0x3E8, $0x38;
	[tilespmem:$0xEEE0] =	vst v63  }
0xe5: {  	s5 =	sadd.s32 $0x61A80, s2  }
0xe6: {  	[hbm4b:s5+s4] =	stream.linear.scatter [tilespmem:s31], [sflag:$0x2], $0x3E8, $0x38;
	[tilespmem:$0xEEE0] =	vst v63  }
0xe7: {  	s5 =	sadd.s32 $0x6B6C0, s2  }
0xe8: {  	[hbm4b:s5+s4] =	stream.linear.scatter [tilespmem:s0], [sflag:$0x2], $0x3E8, $0x38;
	[tilespmem:$0xEEE0] =	vst v63  }
0xe9: {  	s5 =	sadd.s32 $0x75300, s2  }
0xea: {  	[hbm4b:s5+s4] =	stream.linear.scatter [tilespmem:s6], [sflag:$0x2], $0x3E8, $0x38;
	[tilespmem:$0xEEE0] =	vst v63  }
0xeb: {  	s5 =	sadd.s32 $0x7EF40, s2  }
0xec: {  	[hbm4b:s5+s4] =	stream.linear.scatter [tilespmem:s8], [sflag:$0x2], $0x3E8, $0x38;
	[tilespmem:$0xEEE0] =	vst v63  }
0xed: {  	s5 =	sadd.s32 $0x88B80, s2  }
0xee: {  	[hbm4b:s5+s4] =	stream.linear.scatter [tilespmem:s9], [sflag:$0x2], $0x3E8, $0x38;
	[tilespmem:$0xEEE0] =	vst v63  }
0xef: {  	s2 =	sadd.s32 $0x927C0, s2  }
0xf0: {  	[hbm4b:s2+s4] =	stream.linear.scatter [tilespmem:s12], [sflag:$0x2], $0x3E8, $0x38;
	[tilespmem:$0xEEE0] =	vst v63  }
0xf1: {  	p1 =	seq.s32 s14, $0x4;
	s2 =	rddreg [dreg:$0x9];
	_ =	swait.ge [sflag:s15], $0x3E80  }
0xf2: {  	s1 =	sadd.s32 @!p1 s2, s1;
	[sflag:s15] =	ssyncset.done $0x0  }
0xf3: {  	s2 =	smul.u32 @!p1 $0x7D, s1;
	[sflag:s15] =	ssyncadd.s32 $0xFFFFC180  }
0xf4: {  	s3 =	rddreg [dreg:$0x1]  }
0xf5: {  	s2 =	sadd.s32 @!p1 s3, s2;
	s3 =	simm.s32 @!p1 $0x0  }
0xf6: {  	[tilespmem:s3], [sflag:$0x2] =	stream.linear.gather @!p1 [hbm4b:s2+s3], $0x3E8, $0x38;
	[tilespmem:$0xEEE0] =	vst v63  }
0xf7: {  	s2 =	simm.s32 @!p1 $0x2  }
0xf8: {  	_ =	swait.ge @!p1 [sflag:s2], $0x3E8  }
0xf9: {  	[sflag:s2] =	ssyncset.done @!p1 $0x0  }
0xfa: {  	s1 =	smul.u32 @!p1 $0x7D0, s1;
	[sflag:s2] =	ssyncadd.s32 @!p1 $0xFFFFFC18  }
0xfb: {  	s2 =	rddreg [dreg:$0x0]  }
0xfc: {  	s1 =	sadd.s32 @!p1 s2, s1;
	s2 =	simm.s32 @!p1 $0x7D0  }
0xfd: {  	[tilespmem:s2], [sflag:$0x1] =	stream.linear.gather @!p1 [hbm4b:s1+s3], $0x3E80, $0x38;
	[tilespmem:$0xEEE0] =	vst v63  }
0xfe: {  	s3 =	simm.s32 $0x0  }
0xff: {  	_ =	swait.ge [sflag:s19], $0x3E80;
	v1 =	vmov s3  }
0x100: {  	[sflag:s19] =	ssyncset.done $0x0;
	v1 =	vshll.u32 v1, $0x4  }
0x101: {  	[sflag:s19] =	ssyncadd.s32 $0xFFFFC180;
	v1 =	vor.u32 v0, v1  }
0x102: {  	[spmem:s11] =	stream.indirect.scatter.add.f32 [tilespmem:s18], [sflag:$0x2], $0x10, s17, s17, $0xb8;
	[tilespmem:$0xEEE0] =	vst v63  }
0x103: {  	_ =	swait.ge [sflag:s15], $0x3E80  }
0x104: {  	[sflag:s15] =	ssyncset.done $0x0  }
0x105: {  	[sflag:s15] =	ssyncadd.s32 $0xFFFFC180  }
0x106: {  	v2 =	vld.idx.msk [tilespmem:v1+s18+$0x0], $0xffff  }
0x107: {  	v3 =	vor.u32 $0x1, v1;
	_ =	sdelay $0x2  }
0x108: {  	s1 =	simm.s32 $0xA7D0  }
0x109: {  	[tilespmem:s1+$0xFFFFE000] =	vst v2  }
0x10a: {  	v2 =	vld.idx.msk [tilespmem:v3+s18+$0x0], $0xffff  }
0x10b: {  	v3 =	vor.u32 $0x2, v1;
	_ =	sdelay $0x3  }
0x10c: {  	[tilespmem:s1+$0xFFFFE400] =	vst v2  }
0x10d: {  	v2 =	vld.idx.msk [tilespmem:v3+s18+$0x0], $0xffff  }
0x10e: {  	v3 =	vor.u32 $0x3, v1;
	_ =	sdelay $0x3  }
0x10f: {  	[tilespmem:s1+$0xFFFFE800] =	vst v2  }
0x110: {  	v2 =	vld.idx.msk [tilespmem:v3+s18+$0x0], $0xffff  }
0x111: {  	v3 =	vor.u32 $0x4, v1;
	_ =	sdelay $0x3  }
0x112: {  	[tilespmem:s1+$0xFFFFEC00] =	vst v2  }
0x113: {  	v2 =	vld.idx.msk [tilespmem:v3+s18+$0x0], $0xffff  }
0x114: {  	v3 =	vor.u32 $0x5, v1;
	_ =	sdelay $0x3  }
0x115: {  	[tilespmem:s1+$0xFFFFF000] =	vst v2  }
0x116: {  	v2 =	vld.idx.msk [tilespmem:v3+s18+$0x0], $0xffff  }
0x117: {  	v3 =	vor.u32 $0x6, v1;
	_ =	sdelay $0x3  }
0x118: {  	[tilespmem:s1+$0xFFFFF400] =	vst v2  }
0x119: {  	v2 =	vld.idx.msk [tilespmem:v3+s18+$0x0], $0xffff  }
0x11a: {  	v3 =	vor.u32 $0x7, v1;
	_ =	sdelay $0x3  }
0x11b: {  	[tilespmem:s1+$0xFFFFF800] =	vst v2  }
0x11c: {  	v2 =	vld.idx.msk [tilespmem:v3+s18+$0x0], $0xffff  }
0x11d: {  	v3 =	vor.u32 $0x8, v1;
	_ =	sdelay $0x3  }
0x11e: {  	[tilespmem:s1+$0xFFFFFC00] =	vst v2  }
0x11f: {  	v2 =	vld.idx.msk [tilespmem:v3+s18+$0x0], $0xffff  }
0x120: {  	v3 =	vor.u32 $0x9, v1;
	_ =	sdelay $0x3  }
0x121: {  	[tilespmem:s1+$0x0] =	vst v2  }
0x122: {  	v2 =	vld.idx.msk [tilespmem:v3+s18+$0x0], $0xffff  }
0x123: {  	v3 =	vor.u32 $0xA, v1;
	_ =	sdelay $0x3  }
0x124: {  	[tilespmem:s1+$0x400] =	vst v2  }
0x125: {  	v2 =	vld.idx.msk [tilespmem:v3+s18+$0x0], $0xffff  }
0x126: {  	v3 =	vor.u32 $0xB, v1;
	_ =	sdelay $0x3  }
0x127: {  	[tilespmem:s1+$0x800] =	vst v2  }
0x128: {  	v2 =	vld.idx.msk [tilespmem:v3+s18+$0x0], $0xffff  }
0x129: {  	v3 =	vor.u32 $0xC, v1;
	_ =	sdelay $0x3  }
0x12a: {  	[tilespmem:s1+$0xC00] =	vst v2  }
0x12b: {  	v2 =	vld.idx.msk [tilespmem:v3+s18+$0x0], $0xffff  }
0x12c: {  	v3 =	vor.u32 $0xD, v1;
	_ =	sdelay $0x3  }
0x12d: {  	[tilespmem:s1+$0x1000] =	vst v2  }
0x12e: {  	v2 =	vld.idx.msk [tilespmem:v3+s18+$0x0], $0xffff  }
0x12f: {  	v3 =	vor.u32 $0xE, v1;
	_ =	sdelay $0x3  }
0x130: {  	[tilespmem:s1+$0x1400] =	vst v2  }
0x131: {  	v2 =	vld.idx.msk [tilespmem:v3+s18+$0x0], $0xffff  }
0x132: {  	v3 =	vor.u32 $0xF, v1;
	_ =	sdelay $0x3  }
0x133: {  	s5 =	simm.s32 $0x10;
	[tilespmem:s1+$0x1800] =	vst v2  }
0x134: {  	s2 =	simm.s32 $0x20;
	v1 =	vmov s5;
	v2 =	vld.idx.msk [tilespmem:v3+s18+$0x0], $0xffff  }
.LBB2_5:
0x135: {  	p1 =	sne.s32 s2, $0x3F0;
	v1 =	vshll.u32 v1, $0x4  }
0x136: {  	v1 =	vor.u32 v0, v1;
	_ =	sdelay $0x3  }
0x137: {  	[tilespmem:s1+$0x1C00] =	vst v2  }
0x138: {  	v2 =	vld.idx.msk [tilespmem:v1+s18+$0x0], $0xffff;
	_ =	sdelay $0x1  }
0x139: {  	v3 =	vor.u32 $0x1, v1;
	_ =	sdelay $0x2  }
0x13a: {  	s1 =	sadd.s32 $0x10, s1  }
0x13b: {  	[tilespmem:s1+$0xFFFFE000] =	vst v2  }
0x13c: {  	v2 =	vld.idx.msk [tilespmem:v3+s18+$0x0], $0xffff;
	_ =	sdelay $0x1  }
0x13d: {  	v3 =	vor.u32 $0x2, v1;
	_ =	sdelay $0x3  }
0x13e: {  	[tilespmem:s1+$0xFFFFE400] =	vst v2  }
0x13f: {  	v2 =	vld.idx.msk [tilespmem:v3+s18+$0x0], $0xffff;
	_ =	sdelay $0x1  }
0x140: {  	v3 =	vor.u32 $0x3, v1;
	_ =	sdelay $0x3  }
0x141: {  	[tilespmem:s1+$0xFFFFE800] =	vst v2  }
0x142: {  	v2 =	vld.idx.msk [tilespmem:v3+s18+$0x0], $0xffff;
	_ =	sdelay $0x1  }
0x143: {  	v3 =	vor.u32 $0x4, v1;
	_ =	sdelay $0x3  }
0x144: {  	[tilespmem:s1+$0xFFFFEC00] =	vst v2  }
0x145: {  	v2 =	vld.idx.msk [tilespmem:v3+s18+$0x0], $0xffff;
	_ =	sdelay $0x1  }
0x146: {  	v3 =	vor.u32 $0x5, v1;
	_ =	sdelay $0x3  }
0x147: {  	[tilespmem:s1+$0xFFFFF000] =	vst v2  }
0x148: {  	v2 =	vld.idx.msk [tilespmem:v3+s18+$0x0], $0xffff;
	_ =	sdelay $0x1  }
0x149: {  	v3 =	vor.u32 $0x6, v1;
	_ =	sdelay $0x3  }
0x14a: {  	[tilespmem:s1+$0xFFFFF400] =	vst v2  }
0x14b: {  	v2 =	vld.idx.msk [tilespmem:v3+s18+$0x0], $0xffff;
	_ =	sdelay $0x1  }
0x14c: {  	v3 =	vor.u32 $0x7, v1;
	_ =	sdelay $0x3  }
0x14d: {  	[tilespmem:s1+$0xFFFFF800] =	vst v2  }
0x14e: {  	v2 =	vld.idx.msk [tilespmem:v3+s18+$0x0], $0xffff;
	_ =	sdelay $0x1  }
0x14f: {  	v3 =	vor.u32 $0x8, v1;
	_ =	sdelay $0x3  }
0x150: {  	[tilespmem:s1+$0xFFFFFC00] =	vst v2  }
0x151: {  	v2 =	vld.idx.msk [tilespmem:v3+s18+$0x0], $0xffff;
	_ =	sdelay $0x1  }
0x152: {  	v3 =	vor.u32 $0x9, v1;
	_ =	sdelay $0x3  }
0x153: {  	[tilespmem:s1+$0x0] =	vst v2  }
0x154: {  	v2 =	vld.idx.msk [tilespmem:v3+s18+$0x0], $0xffff;
	_ =	sdelay $0x1  }
0x155: {  	v3 =	vor.u32 $0xA, v1;
	_ =	sdelay $0x3  }
0x156: {  	[tilespmem:s1+$0x400] =	vst v2  }
0x157: {  	v2 =	vld.idx.msk [tilespmem:v3+s18+$0x0], $0xffff;
	_ =	sdelay $0x1  }
0x158: {  	v3 =	vor.u32 $0xB, v1;
	_ =	sdelay $0x3  }
0x159: {  	[tilespmem:s1+$0x800] =	vst v2  }
0x15a: {  	v2 =	vld.idx.msk [tilespmem:v3+s18+$0x0], $0xffff;
	_ =	sdelay $0x1  }
0x15b: {  	v3 =	vor.u32 $0xC, v1;
	_ =	sdelay $0x3  }
0x15c: {  	[tilespmem:s1+$0xC00] =	vst v2  }
0x15d: {  	v2 =	vld.idx.msk [tilespmem:v3+s18+$0x0], $0xffff;
	_ =	sdelay $0x1  }
0x15e: {  	v3 =	vor.u32 $0xD, v1;
	_ =	sdelay $0x3  }
0x15f: {  	[tilespmem:s1+$0x1000] =	vst v2  }
0x160: {  	v2 =	vld.idx.msk [tilespmem:v3+s18+$0x0], $0xffff;
	_ =	sdelay $0x1  }
0x161: {  	v3 =	vor.u32 $0xE, v1;
	_ =	sdelay $0x3  }
0x162: {  	[tilespmem:s1+$0x1400] =	vst v2  }
0x163: {  	v2 =	vld.idx.msk [tilespmem:v3+s18+$0x0], $0xffff;
	_ =	sdelay $0x1  }
0x164: {  	v3 =	vor.u32 $0xF, v1  }
.Ltmp1:
0x165: {  	(pc) =	sbr.rel @p1 .LBB2_5-.Ltmp1, $3  }
0x166: {  	_ =	sdelay $0x1  }
0x167: {  	[tilespmem:s1+$0x1800] =	vst v2  }
0x168: {  	v1 =	vmov s2;
	s2 =	sadd.s32 $0x10, s2;
	v2 =	vld.idx.msk [tilespmem:v3+s18+$0x0], $0xffff  }
0x169: {  	v1 =	vshll.u32 v1, $0x4  }
0x16a: {  	v1 =	vor.u32 v0, v1;
	_ =	sdelay $0x3  }
0x16b: {  	[tilespmem:s1+$0x1C00] =	vst v2  }
0x16c: {  	v2 =	vld.idx.msk [tilespmem:v1+s18+$0x0], $0xffff  }
0x16d: {  	v3 =	vor.u32 $0x1, v1;
	_ =	sdelay $0x2  }
0x16e: {  	s5 =	sadd.s32 $0x10, s1  }
0x16f: {  	[tilespmem:s5+$0xFFFFE000] =	vst v2  }
0x170: {  	v2 =	vld.idx.msk [tilespmem:v3+s18+$0x0], $0xffff  }
0x171: {  	v3 =	vor.u32 $0x2, v1;
	_ =	sdelay $0x3  }
0x172: {  	[tilespmem:s5+$0xFFFFE400] =	vst v2  }
0x173: {  	v2 =	vld.idx.msk [tilespmem:v3+s18+$0x0], $0xffff  }
0x174: {  	v3 =	vor.u32 $0x3, v1;
	_ =	sdelay $0x3  }
0x175: {  	[tilespmem:s5+$0xFFFFE800] =	vst v2  }
0x176: {  	v2 =	vld.idx.msk [tilespmem:v3+s18+$0x0], $0xffff  }
0x177: {  	v3 =	vor.u32 $0x4, v1;
	_ =	sdelay $0x3  }
0x178: {  	[tilespmem:s5+$0xFFFFEC00] =	vst v2  }
0x179: {  	v2 =	vld.idx.msk [tilespmem:v3+s18+$0x0], $0xffff  }
0x17a: {  	v3 =	vor.u32 $0x5, v1;
	_ =	sdelay $0x3  }
0x17b: {  	[tilespmem:s5+$0xFFFFF000] =	vst v2  }
0x17c: {  	v2 =	vld.idx.msk [tilespmem:v3+s18+$0x0], $0xffff  }
0x17d: {  	v3 =	vor.u32 $0x6, v1;
	_ =	sdelay $0x3  }
0x17e: {  	[tilespmem:s5+$0xFFFFF400] =	vst v2  }
0x17f: {  	v2 =	vld.idx.msk [tilespmem:v3+s18+$0x0], $0xffff  }
0x180: {  	v3 =	vor.u32 $0x7, v1;
	_ =	sdelay $0x3  }
0x181: {  	[tilespmem:s5+$0xFFFFF800] =	vst v2  }
0x182: {  	v2 =	vld.idx.msk [tilespmem:v3+s18+$0x0], $0xffff  }
0x183: {  	v3 =	vor.u32 $0x8, v1;
	_ =	sdelay $0x3  }
0x184: {  	[tilespmem:s5+$0xFFFFFC00] =	vst v2  }
0x185: {  	v2 =	vld.idx.msk [tilespmem:v3+s18+$0x0], $0xffff  }
0x186: {  	v3 =	vor.u32 $0x9, v1;
	_ =	sdelay $0x3  }
0x187: {  	[tilespmem:s5+$0x0] =	vst v2  }
0x188: {  	v2 =	vld.idx.msk [tilespmem:v3+s18+$0x0], $0xffff  }
0x189: {  	v3 =	vor.u32 $0xA, v1;
	_ =	sdelay $0x3  }
0x18a: {  	[tilespmem:s5+$0x400] =	vst v2  }
0x18b: {  	v2 =	vld.idx.msk [tilespmem:v3+s18+$0x0], $0xffff  }
0x18c: {  	v3 =	vor.u32 $0xB, v1;
	_ =	sdelay $0x3  }
0x18d: {  	[tilespmem:s5+$0x800] =	vst v2  }
0x18e: {  	v2 =	vld.idx.msk [tilespmem:v3+s18+$0x0], $0xffff  }
0x18f: {  	v3 =	vor.u32 $0xC, v1;
	_ =	sdelay $0x3  }
0x190: {  	[tilespmem:s5+$0xC00] =	vst v2  }
0x191: {  	v2 =	vld.idx.msk [tilespmem:v3+s18+$0x0], $0xffff  }
0x192: {  	v3 =	vor.u32 $0xD, v1;
	_ =	sdelay $0x3  }
0x193: {  	[tilespmem:s5+$0x1000] =	vst v2  }
0x194: {  	v2 =	vld.idx.msk [tilespmem:v3+s18+$0x0], $0xffff  }
0x195: {  	v3 =	vor.u32 $0xE, v1;
	_ =	sdelay $0x3  }
0x196: {  	[tilespmem:s5+$0x1400] =	vst v2  }
0x197: {  	v2 =	vld.idx.msk [tilespmem:v3+s18+$0x0], $0xffff  }
0x198: {  	v1 =	vor.u32 $0xF, v1;
	_ =	sdelay $0x3  }
0x199: {  	[tilespmem:s5+$0x1800] =	vst v2  }
0x19a: {  	v1 =	vld.idx.msk [tilespmem:v1+s18+$0x0], $0xffff;
	_ =	sdelay $0x4  }
0x19b: {  	s1 =	sadd.s32 s7, s13;
	[tilespmem:s5+$0x1C00] =	vst v1  }
0x19c: {  	[hbm4b:s1+s4] =	stream.linear.scatter [tilespmem:s20], [sflag:$0x2], $0x3E8, $0x38;
	[tilespmem:$0xEEE0] =	vst v63  }
0x19d: {  	s2 =	sadd.s32 $0x9C40, s1  }
0x19e: {  	[hbm4b:s2+s4] =	stream.linear.scatter [tilespmem:s21], [sflag:$0x2], $0x3E8, $0x38;
	[tilespmem:$0xEEE0] =	vst v63  }
0x19f: {  	s13 =	sadd.s32 $0x13880, s1  }
0x1a0: {  	[hbm4b:s13+s4] =	stream.linear.scatter [tilespmem:s22], [sflag:$0x2], $0x3E8, $0x38;
	[tilespmem:$0xEEE0] =	vst v63  }
0x1a1: {  	s3 =	sadd.s32 $0x1D4C0, s1  }
0x1a2: {  	[hbm4b:s3+s4] =	stream.linear.scatter [tilespmem:s23], [sflag:$0x2], $0x3E8, $0x38;
	[tilespmem:$0xEEE0] =	vst v63  }
0x1a3: {  	s5 =	sadd.s32 $0x27100, s1  }
0x1a4: {  	[hbm4b:s5+s4] =	stream.linear.scatter [tilespmem:s24], [sflag:$0x2], $0x3E8, $0x38;
	[tilespmem:$0xEEE0] =	vst v63  }
0x1a5: {  	s13 =	sadd.s32 $0x30D40, s1  }
0x1a6: {  	[hbm4b:s13+s4] =	stream.linear.scatter [tilespmem:s25], [sflag:$0x2], $0x3E8, $0x38;
	[tilespmem:$0xEEE0] =	vst v63  }
0x1a7: {  	s3 =	sadd.s32 $0x3A980, s1  }
0x1a8: {  	[hbm4b:s3+s4] =	stream.linear.scatter [tilespmem:s26], [sflag:$0x2], $0x3E8, $0x38;
	[tilespmem:$0xEEE0] =	vst v63  }
0x1a9: {  	s5 =	sadd.s32 $0x445C0, s1  }
0x1aa: {  	[hbm4b:s5+s4] =	stream.linear.scatter [tilespmem:s28], [sflag:$0x2], $0x3E8, $0x38;
	[tilespmem:$0xEEE0] =	vst v63  }
0x1ab: {  	s13 =	sadd.s32 $0x4E200, s1  }
0x1ac: {  	[hbm4b:s13+s4] =	stream.linear.scatter [tilespmem:s29], [sflag:$0x2], $0x3E8, $0x38;
	[tilespmem:$0xEEE0] =	vst v63  }
0x1ad: {  	s3 =	sadd.s32 $0x57E40, s1  }
0x1ae: {  	[hbm4b:s3+s4] =	stream.linear.scatter [tilespmem:s30], [sflag:$0x2], $0x3E8, $0x38;
	[tilespmem:$0xEEE0] =	vst v63  }
0x1af: {  	s5 =	sadd.s32 $0x61A80, s1  }
0x1b0: {  	[hbm4b:s5+s4] =	stream.linear.scatter [tilespmem:s31], [sflag:$0x2], $0x3E8, $0x38;
	[tilespmem:$0xEEE0] =	vst v63  }
0x1b1: {  	s13 =	sadd.s32 $0x6B6C0, s1  }
0x1b2: {  	[hbm4b:s13+s4] =	stream.linear.scatter [tilespmem:s0], [sflag:$0x2], $0x3E8, $0x38;
	[tilespmem:$0xEEE0] =	vst v63  }
0x1b3: {  	s3 =	sadd.s32 $0x75300, s1  }
0x1b4: {  	[hbm4b:s3+s4] =	stream.linear.scatter [tilespmem:s6], [sflag:$0x2], $0x3E8, $0x38;
	[tilespmem:$0xEEE0] =	vst v63  }
0x1b5: {  	s14 =	sadd.s32 $0x1, s14;
	s5 =	sadd.s32 $0x7EF40, s1  }
0x1b6: {  	[hbm4b:s5+s4] =	stream.linear.scatter [tilespmem:s8], [sflag:$0x2], $0x3E8, $0x38;
	[tilespmem:$0xEEE0] =	vst v63  }
0x1b7: {  	p1 =	sne.s32 s14, $0x5;
	s13 =	sadd.s32 $0x88B80, s1  }
0x1b8: {  	[hbm4b:s13+s4] =	stream.linear.scatter [tilespmem:s9], [sflag:$0x2], $0x3E8, $0x38;
	[tilespmem:$0xEEE0] =	vst v63  }
.Ltmp2:
0x1b9: {  	s1 =	sadd.s32 $0x927C0, s1;
	(pc) =	sbr.rel @p1 .LBB2_2-.Ltmp2, $4  }
0x1ba: {  	[hbm4b:s1+s4] =	stream.linear.scatter [tilespmem:s12], [sflag:$0x2], $0x3E8, $0x38;
	[tilespmem:$0xEEE0] =	vst v63  }
0x1bb: {  	_ =	swait.ge [sflag:s15], $0x3E80  }
0x1bc: {  	[sflag:s15] =	ssyncset.done $0x0  }
0x1bd: {  	[sflag:s15] =	ssyncadd.s32 $0xFFFFC180  }
0x1be: {  	[bflag:$0x0] =	sbarrier.arrive $0xFFFF  }
0x1bf: {  	s2 =	rddreg [dreg:$0xa]  }
0x1c0: {  	s1 =	simm.s32 @!p0 $0x1C02;
	s3 =	rddreg [dreg:$0xc]  }
0x1c1: {  	[hbm:s2], [sflag:s1] =	dma.local @!p0 [spmem:s3], $0x4E20  }
0x1c2: {  	s1 =	simm.s32 @!p0 $0x2  }
0x1c3: {  	_ =	swait.ge @!p0 [sflag:s1], $0x4E20  }
0x1c4: {  	s5 =	rddreg [dreg:$0xd]  }
0x1c5: {  	s14 =	rddreg [dreg:$0xb];
	s5 =	sadd.s32 $0x1, s5  }
0x1c6: {  	p1 =	sne.s32 s5, s14  }
.Ltmp3:
0x1c7: {  	_ = 	snop;
	(pc) =	sbr.rel @p1 .LBB2_1-.Ltmp3, $3  }
0x1c8: {  	_ =	sdelay $0x1  }
0x1c9: {  	[sflag:s1] =	ssyncset.done @!p0 $0x0  }
0x1ca: {  	[sflag:s1] =	ssyncadd.s32 @!p0 $0xFFFFB1E0  }
0x1cb: {  	_ =	sfence.sel $0x180000  }
0x1cc: {  	[bflag:$0x0] =	sbarrier.arrive $0xFFFF  }
0x1cd: {  	_ =	strace $0x9000004A  }
0x1ce: {  	[bflag:$0x2] =	sbarrier.arrive $0xFFFF  }
0x1cf: {  	s0 =	rddreg [dreg:$0x4]  }
0x1d0: {  	s0 =	sadd.s32 @!p0 $0x100000, s0  }
0x1d1: {  	[sflag:s0] =	ssyncadd.tile.s32 @!p0 $0x1;
	_ =	shalt  }
.Lfunc_end2:
_tile_overlayer_lowered:
.L_overlay_start_2:
0x1d2: {  	(tag) =	ssettag $0x2  }
0x1d3: {  	s0 =	rddreg [dreg:$0x0];
	s2 =	stileid.u32  }
0x1d4: {  	s1 =	rddreg [dreg:$0x1];
	p0 =	sne.s32 s2, $0x0  }
0x1d5: {  	s3 =	rddreg [dreg:$0x2];
	[bflag:$0x3] =	sbarrier.arrive $0xFFFF;
	s2 =	simm.s32 @!p0 $0x1C02  }
0x1d6: {  	[timem:s3], [sflag:s2] =	dma.local @!p0 [hbm:s0], s1  }
0x1d7: {  	s0 =	simm.s32 @!p0 $0x2  }
0x1d8: {  	_ =	swait.ge @!p0 [sflag:s0], s1  }
0x1d9: {  	s1 =	ssub.s32 @!p0 $0x0, s1;
	[sflag:s0] =	ssyncset.done @!p0 $0x0  }
0x1da: {  	[sflag:s0] =	ssyncadd.s32 @!p0 s1  }
0x1db: {  	[bflag:$0x3] =	sbarrier.arrive $0xFFFF  }
0x1dc: {  	_ =	shalt  }

// kernel: kernel.7.cloned.1.call-start
scs
__scs_entry_jumppad:
0x0: {  	(pc) =	sbr.rel $0x88, $3  }
0x1: {  	(tag) =	ssettag $0x0;
	lr =	simm.s32 $0x1  }
0x2: {  	[smem:$0x3F8E] =	sst lr;
	_ =	strace $0xD0000000  }
0x3: {  	_ = 	snop  }
0x4: {  	_ = 	snop  }
0x5: {  	_ = 	snop  }
0x6: {  	_ = 	snop  }
0x7: {  	_ = 	snop  }
__scs_overlays_trampoline_lowered:
0x8: {  	[smem:$0x3F9D] =	sst s0  }
0x9: {  	[smem:$0x3F9E] =	sst s1  }
0xa: {  	[smem:$0x3F9F] =	sst s2  }
0xb: {  	[smem:$0x3FA0] =	sst s3  }
0xc: {  	[smem:$0x3FA1] =	sst s4  }
0xd: {  	[smem:$0x3FA2] =	sst s5  }
0xe: {  	[smem:$0x3FA3] =	sst s6  }
0xf: {  	[smem:$0x3FA4] =	sst s7  }
0x10: {  	[smem:$0x3FA5] =	sst s8  }
0x11: {  	[smem:$0x3FA6] =	sst s9;
	s0 =	simm.s32 @!p0 $0x0  }
0x12: {  	s1 =	sld [smem:$0x3F8C];
	s0 =	simm.s32 @p0 $0x1  }
0x13: {  	[smem:$0x3FA7] =	sst s0;
	s0 =	simm.s32 @!p1 $0x0  }
0x14: {  	s2 =	sld [smem:$0x3F8B];
	s0 =	simm.s32 @p1 $0x1  }
0x15: {  	[smem:$0x3FA8] =	sst s0;
	s0 =	simm.s32 @!p2 $0x0  }
0x16: {  	s3 =	sld [smem:$0x3FDB];
	s0 =	simm.s32 @p2 $0x1  }
0x17: {  	s4 =	simm.s32 $0x1BF5;
	[smem:$0x3FAA] =	sst s0  }
0x18: {  	s0 =	sld [smem:$0x3F8D];
	_ =	swait.ge [sflag:s4], $0x0  }
0x19: {  	s7 =	sld [smem:$0x3F8E]  }
0x1a: {  	s8 =	sadd.s32 $0xFFFFE003, lr  }
0x1b: {  	s9 =	sadd.s32 $0xFFFFFEF7, lr;
	s5 =	simm.s32 $0xFFFFFFFF;
	p2 =	slt.u32 s8, $0xFFFFF086  }
0x1c: {  	p1 =	slt.u32 s9, $0xF7A;
	s5 =	simm.s32 @!p2 $0x0  }
0x1d: {  	s5 =	simm.s32 @p1 $0x1;
	p0 =	seq.s32 s7, s2  }
0x1e: {  	s7 =	smul.u32 @!p0 $0xF7A, s2;
	p2 =	seq.s32 @!p0 s5, $0x0  }
0x1f: {  	s9 =	smul.u32 $0xF7A, s1;
	s8 =	simm.s32 @!p0 $0x1BF5;
	p2 =	por !p2, p0  }
0x20: {  	[sflag:s8] =	ssyncset.s32 @!p0 $0xFFFFF086;
	s6 =	sadd.s32 @!p0 s3, s7;
	s7 =	simm.s32 @!p0 $0x108  }
0x21: {  	s3 =	sadd.s32 s3, s9;
	s6 =	sadd.s32 @!p0 $0x88, s6;
	s7 =	simm.s32 @p2 $0x1082  }
0x22: {  	[simem:s7], [sflag:s8] =	dma.local @!p0 [hbm:s6], $0xF7A  }
0x23: {  	s9 =	sor.u32 $0xD0000000, s2;
	s6 =	simm.s32 $0x108;
	_ =	swait.ge @!p0 [sflag:s8], $0x0  }
0x24: {  	s3 =	sadd.s32 $0x88, s3;
	s6 =	simm.s32 @!p1 $0x1082;
	[sflag:s4] =	ssyncset.s32 $0xFFFFF086  }
0x25: {  	[simem:s6], [sflag:s4] =	dma.local [hbm:s3], $0xF7A  }
0x26: {  	[smem:$0x3F8E] =	sst s1;
	(tag) =	ssettag s2;
	_ =	strace s9  }
0x27: {  	s1 =	sld [smem:$0x3F9E]  }
0x28: {  	s2 =	sld [smem:$0x3F9F]  }
0x29: {  	s4 =	sld [smem:$0x3FA1]  }
0x2a: {  	p0 =	seq.s32 s5, $0x0;
	s5 =	sld [smem:$0x3FA2]  }
0x2b: {  	s6 =	sld [smem:$0x3FA3]  }
0x2c: {  	s7 =	sld [smem:$0x3FA4]  }
0x2d: {  	s3 =	simm.s32 $0x108;
	s8 =	sld [smem:$0x3FA5]  }
0x2e: {  	s3 =	simm.s32 @!p0 $0x1082;
	s9 =	sld [smem:$0x3FA6]  }
0x2f: {  	lr =	sadd.s32 s0, s3;
	s0 =	sld [smem:$0x3F9D]  }
0x30: {  	s3 =	sld [smem:$0x3FA0]  }
0x31: {  	[smem:$0x3FA9] =	sst s10  }
0x32: {  	s10 =	sld [smem:$0x3FA7];
	_ =	sdelay $0x3  }
0x33: {  	p0 =	seq.s32 s10, $0x1;
	s10 =	sld [smem:$0x3FA9];
	_ =	sdelay $0x3  }
0x34: {  	[smem:$0x3FA9] =	sst s10  }
0x35: {  	s10 =	sld [smem:$0x3FA8];
	_ =	sdelay $0x3  }
0x36: {  	p1 =	seq.s32 s10, $0x1;
	s10 =	sld [smem:$0x3FA9];
	_ =	sdelay $0x3  }
0x37: {  	[smem:$0x3FA9] =	sst s10  }
0x38: {  	s10 =	sld [smem:$0x3FAA]  }
0x39: {  	_ = 	snop;
	(pc) =	sbr.ind lr, $3  }
0x3a: {  	_ = 	snop  }
0x3b: {  	_ = 	snop  }
0x3c: {  	p2 =	seq.s32 s10, $0x1;
	s10 =	sld [smem:$0x3FA9]  }
0x3d: {  	_ =	shalt  }
0x3e: {  	_ =	shalt  }
0x3f: {  	_ =	shalt  }
0x40: {  	_ =	shalt  }
0x41: {  	_ =	shalt  }
0x42: {  	_ =	shalt  }
0x43: {  	_ =	shalt  }
0x44: {  	_ =	shalt  }
0x45: {  	_ =	shalt  }
0x46: {  	_ =	shalt  }
0x47: {  	_ =	shalt  }
0x48: {  	_ =	shalt  }
0x49: {  	_ =	shalt  }
0x4a: {  	_ =	shalt  }
0x4b: {  	_ =	shalt  }
0x4c: {  	_ =	shalt  }
0x4d: {  	_ =	shalt  }
0x4e: {  	_ =	shalt  }
0x4f: {  	_ =	shalt  }
0x50: {  	_ =	shalt  }
0x51: {  	_ =	shalt  }
0x52: {  	_ =	shalt  }
0x53: {  	_ =	shalt  }
0x54: {  	_ =	shalt  }
0x55: {  	_ =	shalt  }
0x56: {  	_ =	shalt  }
0x57: {  	_ =	shalt  }
0x58: {  	_ =	shalt  }
0x59: {  	_ =	shalt  }
0x5a: {  	_ =	shalt  }
0x5b: {  	_ =	shalt  }
0x5c: {  	_ =	shalt  }
0x5d: {  	_ =	shalt  }
0x5e: {  	_ =	shalt  }
0x5f: {  	_ =	shalt  }
0x60: {  	_ =	shalt  }
0x61: {  	_ =	shalt  }
0x62: {  	_ =	shalt  }
0x63: {  	_ =	shalt  }
0x64: {  	_ =	shalt  }
0x65: {  	_ =	shalt  }
0x66: {  	_ =	shalt  }
0x67: {  	_ =	shalt  }
0x68: {  	_ =	shalt  }
0x69: {  	_ =	shalt  }
0x6a: {  	_ =	shalt  }
0x6b: {  	_ =	shalt  }
0x6c: {  	_ =	shalt  }
0x6d: {  	_ =	shalt  }
0x6e: {  	_ =	shalt  }
0x6f: {  	_ =	shalt  }
0x70: {  	_ =	shalt  }
0x71: {  	_ =	shalt  }
0x72: {  	_ =	shalt  }
0x73: {  	_ =	shalt  }
0x74: {  	_ =	shalt  }
0x75: {  	_ =	shalt  }
0x76: {  	_ =	shalt  }
0x77: {  	_ =	shalt  }
0x78: {  	_ =	shalt  }
0x79: {  	_ =	shalt  }
0x7a: {  	_ =	shalt  }
0x7b: {  	_ =	shalt  }
0x7c: {  	_ =	shalt  }
0x7d: {  	_ =	shalt  }
0x7e: {  	_ =	shalt  }
0x7f: {  	_ =	shalt  }
0x80: {  	_ =	shalt  }
0x81: {  	_ =	shalt  }
0x82: {  	_ =	shalt  }
0x83: {  	_ =	shalt  }
0x84: {  	_ =	shalt  }
0x85: {  	_ =	shalt  }
0x86: {  	_ =	shalt  }
0x87: {  	_ =	shalt  }
.Lfunc_end0:
.L_simem_size_0:
called_computation_lowered:
.L_overlay_start_0:
0x88: {  	s2 =	sld [smem:$0x3FD9]  }
0x89: {  	s3 =	sld [smem:$0x3FFE];
	_ =	sdelay $0x1  }
0x8a: {  	s1 =	srdreg.scid  }
0x8b: {  	s0 =	sand.u32 $0x1, s1  }
0x8c: {  	s14 =	sshll.u32 s0, $0xA;
	s2 =	sadd.s32 s3, s2  }
0x8d: {  	s2 =	sadd.s32 s2, s14  }
0x8e: {  	[smem:$0x3FB5] =	sst s2  }
0x8f: {  	_ = 	snop  }
0x90: {  	s2 =	sld [smem:$0x3FD0];
	_ =	sdelay $0x2  }
0x91: {  	s15 =	simm.s32 $0xA;
	s4 =	simm.s32 $0x10  }
0x92: {  	[smem:s4], [sflag:s15] =	dma.local [hbm:s2], $0x1  }
0x93: {  	_ =	swait.eq [sflag:s15], $0x1  }
0x94: {  	[sflag:s15] =	ssyncset.done $0x0  }
0x95: {  	s16 =	sld [smem:$0x10];
	[sflag:s15] =	ssyncadd.s32 $0xFFFFFFFF  }
0x96: {  	s17 =	sld [smem:$0x11];
	(tm) =	ssettm $0x1  }
0x97: {  	s18 =	sld [smem:$0x3FFB];
	_ =	sdelay $0x3  }
0x98: {  	_ =	strace s18  }
0x99: {  	s4 =	sld [smem:$0x3FFC];
	_ =	sdelay $0x3  }
0x9a: {  	_ =	strace s4  }
0x9b: {  	s4 =	sld [smem:$0x3FFD];
	_ =	sdelay $0x3  }
0x9c: {  	_ =	strace s4  }
0x9d: {  	_ =	strace $0x8FFFFFFF  }
0x9e: {  	s19 =	sld [smem:$0x3FDB];
	_ =	sdelay $0x1  }
0x9f: {  	s5 =	simm.s32 $_scs_section_size  }
0xa0: {  	s6 =	simm.s32 $_size__tile_overlayer_lowered;
	s7 =	simm.s32 $_tile_overlayer_lowered  }
0xa1: {  	s22 =	simm.s32 $0x1BFF;
	s21 =	sshll.u32 s7, $0x1;
	s4 =	sadd.s32 s5, s19  }
0xa2: {  	s8 =	simm.s32 $0x0;
	s20 =	sshll.u32 s6, $0x1;
	s6 =	sadd.s32 s21, s4  }
0xa3: {  	[timem:s8], [sflag:s22] =	dma.local [hbm:s6], s20  }
0xa4: {  	_ =	swait.ge [sflag:s22], s20  }
0xa5: {  	s5 =	ssub.s32 $0x0, s20;
	[sflag:s22] =	ssyncset.done $0x0  }
0xa6: {  	[sflag:s22] =	ssyncadd.s32 s5;
	_ =	sdelay $0x1  }
0xa7: {  	s23 =	simm.s32 $0x1B8B  }
0xa8: {  	_ =	swait.ge [sflag:s23], $0x1  }
0xa9: {  	[sflag:s23] =	ssyncset.done $0x0  }
0xaa: {  	s25 =	simm.s32 $0x1B8E;
	s24 =	sld [smem:$0x3FFE];
	[sflag:s23] =	ssyncadd.s32 $0xFFFFFFFF  }
0xab: {  	s26 =	simm.s32 $execute0_lowered;
	[smem:$0x3FD2] =	sst s25  }
0xac: {  	s6 =	sshll.u32 s26, $0x1;
	_ =	strace $0x80000046;
	[dreg:$0x1] =	wrdreg $0xFFFFFFFF  }
0xad: {  	s28 =	simm.s32 $_size_execute0_lowered;
	s4 =	sadd.s32 s4, s6;
	[dreg:$0x0] =	wrdreg $0x0  }
0xae: {  	s6 =	sshll.u32 s28, $0x1;
	[dreg:$0x2] =	wrdreg s4  }
0xaf: {  	[dreg:$0x3] =	wrdreg s6  }
0xb0: {  	[dreg:$0x4] =	wrdreg $0xC0  }
0xb1: {  	_ =	task [dreg:s8], $0x5FFFF  }
0xb2: {  	[dreg:$0x1] =	wrdreg $0xFFFFFFFF  }
0xb3: {  	[dreg:$0x0] =	wrdreg $0x60  }
0xb4: {  	[dreg:$0x2] =	wrdreg s24  }
0xb5: {  	[dreg:$0x3] =	wrdreg s16  }
0xb6: {  	[dreg:$0x4] =	wrdreg s17  }
0xb7: {  	[dreg:$0x5] =	wrdreg $0x1C8200  }
0xb8: {  	[dreg:$0x6] =	wrdreg $0x9  }
0xb9: {  	_ =	task.clear_ibuf [dreg:s8], $0x7FFFF;
	_ =	strace $0x90000046  }
0xba: {  	s29 =	simm.s32 $0x9;
	_ =	strace $0x80000048  }
0xbb: {  	_ =	swait.ge [sflag:s29], $0x1  }
0xbc: {  	[sflag:s29] =	ssyncadd.s32 $0xFFFFFFFF  }
0xbd: {  	_ =	strace $0x90000048  }
0xbe: {  	_ =	sfence  }
0xbf: {  	s30 =	sld [smem:$0x0];
	_ =	sdelay $0x2  }
0xc0: {  	s31 =	sshll.u32 s1, $0xD;
	s1 =	sshrl.u32 s1, $0x2  }
0xc1: {  	s3 =	sand.u32 $0x4000, s31;
	s1 =	sadd.s32 s1, s30  }
0xc2: {  	s0 =	sor.u32 s3, s0;
	s1 =	sshll.u32 s1, $0x11  }
0xc3: {  	s0 =	sor.u32 s1, s0  }
0xc4: {  	s0 =	sadd.s32 $0x8F2B, s0  }
0xc5: {  	[sflag:s0] =	ssyncadd.remote.s32 $0x1  }
0xc6: {  	_ =	sfence.sel $0xFFFF  }
0xc7: {  	[dreg:$0x0] =	wrdreg $0xFFFFFFFF;
	(pc) =	sbr.abs _section_cstart, $3  }
0xc8: {  	[dreg:$0x1] =	wrdreg $0xFFFFFFFF  }
0xc9: {  	_ =	task.clear_ibuf [dreg:s8], $0x2FFFF;
	_ =	strace $0x9FFFFFFF  }
0xca: {  	(tm) =	ssettm $0x7FFFFFFF  }
0xcb: {  	_ =	shalt  }
tec
execute0_lowered:
.L_overlay_start_1:
0x0: {  	(tag) =	ssettag $0x1  }
0x1: {  	s0 =	rddreg [dreg:$0x0]  }
0x2: {  	s15 =	rddreg [dreg:$0x1]  }
0x3: {  	s11 =	rddreg [dreg:$0x3];
	s4 =	simm.s32 $0x0  }
0x4: {  	s24 =	srdreg.scid;
	s2 =	stileid.u32;
	s21 =	simm.s32 $0x3  }
0x5: {  	s28 =	simm.s32 $0xBB8;
	s19 =	simm.s32 $0x4E20;
	s22 =	simm.s32 $0x12DA0  }
0x6: {  	s16 =	simm.s32 $0x2;
	s17 =	simm.s32 $0x149A0;
	[smem:$0x7FF] =	sst s4  }
0x7: {  	s5 =	sadd.s32 $0x8A00, s0;
	s6 =	sadd.s32 $0x3A00, s0;
	s7 =	sadd.s32 $0xDA00, s0  }
0x8: {  	s1 =	sadd.s32 $0x1C800, s0;
	s23 =	sadd.s32 $0x17800, s0;
	s10 =	sadd.s32 $0x1D000, s0  }
0x9: {  	s3 =	sshll.u32 s2, $0x1;
	s12 =	sadd.s32 $0xB9400, s0;
	s13 =	sadd.s32 $0x155800, s0  }
0xa: {  	p0 =	sne.s32 s2, $0x0;
	_ =	strace $0x80000047;
	[dreg:$0x5] =	wrdreg s1  }
0xb: {  	s2 =	simm.s32 $0x141A0;
	[dreg:$0x6] =	wrdreg s23;
	s1 =	sand.u32 $0x1, s24  }
0xc: {  	s24 =	simm.s32 $0x3E8;
	s23 =	simm.s32 $0x139A0;
	s9 =	ssub.s32 $0x2, s1  }
0xd: {  	s8 =	smul.u32 $0x4E20, s1;
	s14 =	sor.u32 s1, s3;
	s25 =	sshrl.u32 s9, $0x1  }
0xe: {  	s3 =	smul.u32 $0x7D, s14;
	s29 =	sor.u32 $0x20, s14;
	[dreg:$0x7] =	wrdreg s14  }
0xf: {  	s30 =	sor.u32 $0x40, s14;
	s14 =	simm.s32 $0x0;
	[dreg:$0xa] =	wrdreg s29  }
0x10: {  	s1 =	ssub.s32 s9, s25;
	[dreg:$0xb] =	wrdreg s30;
	s9 =	sshrl.u32 @!p0 s11, $0x3  }
0x11: {  	s0 =	sadd.s32 s8, s0;
	s26 =	sadd.s32 s7, s3;
	[dreg:$0xe] =	wrdreg s9  }
0x12: {  	s25 =	simm.s32 $0x131A0;
	s3 =	sadd.s32 s15, s3;
	[dreg:$0x8] =	wrdreg s26  }
0x13: {  	s11 =	simm.s32 $0x1;
	s0 =	sadd.s32 $0x1F1C00, s0;
	[dreg:$0x9] =	wrdreg s3  }
0x14: {  	v0 =	vlaneseq.u32;
	s31 =	smax.u32 s1, $0x1;
	s1 =	simm.s32 $0x13DA0;
	[dreg:$0xc] =	wrdreg s0  }
0x15: {  	v0 =	vmul.u32 $0x10, v0;
	[dreg:$0xd] =	wrdreg s31;
	s26 =	simm.s32 $0x135A0;
	s3 =	simm.s32 $0x145A0  }
.LBB2_1:
0x16: {  	[dreg:$0xf] =	wrdreg s14  }
0x17: {  	s0 =	rddreg [dreg:$0x5];
	s8 =	simm.s32 $0x189A0  }
0x18: {  	[tilespmem:s8], [sflag:$0x3] =	stream.linear.gather [hbm4b:s0+s4], $0x3E80, $0x38;
	[tilespmem:$0x1EF30] =	vst v63  }
0x19: {  	_ =	swait.ge [sflag:s21], $0x3E80  }
0x1a: {  	[sflag:s21] =	ssyncset.done $0x0  }
0x1b: {  	s0 =	simm.s32 @!p0 $0x1C03;
	s8 =	rddreg [dreg:$0x6];
	[sflag:s21] =	ssyncadd.s32 $0xFFFFC180  }
0x1c: {  	[spmem:s9], [sflag:s0] =	dma.local @!p0 [hbm:s8], $0x4E20  }
0x1d: {  	s0 =	simm.s32 @!p0 $0x3  }
0x1e: {  	_ =	swait.ge @!p0 [sflag:s0], $0x4E20  }
0x1f: {  	[sflag:s0] =	ssyncset.done @!p0 $0x0  }
0x20: {  	[sflag:s0] =	ssyncadd.s32 @!p0 $0xFFFFB1E0  }
0x21: {  	[bflag:$0x0] =	sbarrier.arrive $0xFFFF  }
0x22: {  	s14 =	rddreg [dreg:$0x8]  }
0x23: {  	[tilespmem:s4], [sflag:$0x3] =	stream.linear.gather [hbm4b:s14+s4], $0x3E8, $0x38;
	[tilespmem:$0x1EF30] =	vst v63  }
0x24: {  	_ =	swait.ge [sflag:s21], $0x3E8  }
0x25: {  	[sflag:s21] =	ssyncset.done $0x0  }
0x26: {  	s20 =	simm.s32 $0x7D0;
	s18 =	rddreg [dreg:$0x9];
	[sflag:s21] =	ssyncadd.s32 $0xFFFFFC18  }
0x27: {  	[tilespmem:s20], [sflag:$0x3] =	stream.linear.gather [hbm4b:s18+s4], $0x3E8, $0x38;
	[tilespmem:$0x1EF30] =	vst v63  }
0x28: {  	_ =	swait.ge [sflag:s21], $0x3E8  }
0x29: {  	[sflag:s21] =	ssyncset.done $0x0  }
0x2a: {  	s30 =	simm.s32 $0xFA0;
	[sflag:s21] =	ssyncadd.s32 $0xFFFFFC18  }
0x2b: {  	[tilespmem:s30], [sflag:$0x1] =	stream.indirect.gather [hbm4b:s5+s24], $0x10, s4, s24, $0xb8;
	[tilespmem:$0x1EF30] =	vst v63  }
0x2c: {  	s31 =	simm.s32 $0x8CA0;
	s29 =	simm.s32 $0x0  }
0x2d: {  	[tilespmem:s31], [sflag:$0x1] =	stream.indirect.gather [hbm4b:s6+s24], $0x10, s20, s24, $0xb8;
	[tilespmem:$0x1EF30] =	vst v63  }
.LBB2_2:
0x2e: {  	s0 =	sshll.u32 s29, $0x6;
	s8 =	rddreg [dreg:$0xa]  }
0x2f: {  	s30 =	sor.u32 s8, s0  }
0x30: {  	s31 =	smul.u32 $0x7D, s30;
	_ =	sdelay $0x1  }
0x31: {  	s9 =	simm.s32 $0x0;
	s18 =	sadd.s32 s7, s31  }
0x32: {  	[tilespmem:s24], [sflag:$0x3] =	stream.linear.gather [hbm4b:s18+s9], $0x3E8, $0x38;
	[tilespmem:$0x1EF30] =	vst v63  }
0x33: {  	_ =	swait.ge [sflag:s21], $0x3E8  }
0x34: {  	[sflag:s21] =	ssyncset.done $0x0  }
0x35: {  	s20 =	sadd.s32 s15, s31;
	[sflag:s21] =	ssyncadd.s32 $0xFFFFFC18  }
0x36: {  	[tilespmem:s28], [sflag:$0x3] =	stream.linear.gather [hbm4b:s20+s9], $0x3E8, $0x38;
	[tilespmem:$0x1EF30] =	vst v63  }
0x37: {  	_ =	swait.ge [sflag:s21], $0x3E8  }
0x38: {  	[sflag:s21] =	ssyncset.done $0x0;
	s14 =	rddreg [dreg:$0x7]  }
0x39: {  	s18 =	smov.u32 s15;
	[sflag:s21] =	ssyncadd.s32 $0xFFFFFC18;
	s20 =	sor.u32 s14, s0  }
0x3a: {  	[tilespmem:s19], [sflag:$0x1] =	stream.indirect.gather [hbm4b:s5+s24], $0x10, s24, s24, $0xb8;
	[tilespmem:$0x1EF30] =	vst v63  }
0x3b: {  	s14 =	simm.s32 $0xCB20;
	s8 =	smul.u32 $0x7D, s20;
	s15 =	rddreg [dreg:$0x2]  }
0x3c: {  	[tilespmem:s14], [sflag:$0x1] =	stream.indirect.gather [hbm4b:s6+s24], $0x10, s28, s24, $0xb8;
	[tilespmem:$0x1EF30] =	vst v63  }
0x3d: {  	s19 =	simm.s32 $0x109A0;
	s14 =	sadd.s32 s15, s8  }
0x3e: {  	[tilespmem:s19], [sflag:$0x2] =	stream.linear.gather [hbm4b:s14+s9], $0x3E8, $0x38;
	[tilespmem:$0x1EF30] =	vst v63  }
0x3f: {  	s15 =	sadd.s32 $0x9C40, s14;
	s19 =	simm.s32 $0x10DA0  }
0x40: {  	[tilespmem:s19], [sflag:$0x2] =	stream.linear.gather [hbm4b:s15+s9], $0x3E8, $0x38;
	[tilespmem:$0x1EF30] =	vst v63  }
0x41: {  	s15 =	sadd.s32 $0x13880, s14;
	s19 =	simm.s32 $0x111A0  }
0x42: {  	[tilespmem:s19], [sflag:$0x2] =	stream.linear.gather [hbm4b:s15+s9], $0x3E8, $0x38;
	[tilespmem:$0x1EF30] =	vst v63  }
0x43: {  	s15 =	sadd.s32 $0x1D4C0, s14;
	s19 =	simm.s32 $0x115A0  }
0x44: {  	[tilespmem:s19], [sflag:$0x2] =	stream.linear.gather [hbm4b:s15+s9], $0x3E8, $0x38;
	[tilespmem:$0x1EF30] =	vst v63  }
0x45: {  	s15 =	sadd.s32 $0x27100, s14;
	s19 =	simm.s32 $0x119A0  }
0x46: {  	[tilespmem:s19], [sflag:$0x2] =	stream.linear.gather [hbm4b:s15+s9], $0x3E8, $0x38;
	[tilespmem:$0x1EF30] =	vst v63  }
0x47: {  	s15 =	sadd.s32 $0x30D40, s14;
	s19 =	simm.s32 $0x11DA0  }
0x48: {  	[tilespmem:s19], [sflag:$0x2] =	stream.linear.gather [hbm4b:s15+s9], $0x3E8, $0x38;
	[tilespmem:$0x1EF30] =	vst v63  }
0x49: {  	s15 =	sadd.s32 $0x3A980, s14;
	s19 =	simm.s32 $0x121A0  }
0x4a: {  	[tilespmem:s19], [sflag:$0x2] =	stream.linear.gather [hbm4b:s15+s9], $0x3E8, $0x38;
	[tilespmem:$0x1EF30] =	vst v63  }
0x4b: {  	s15 =	sadd.s32 $0x445C0, s14;
	s19 =	simm.s32 $0x125A0  }
0x4c: {  	[tilespmem:s19], [sflag:$0x2] =	stream.linear.gather [hbm4b:s15+s9], $0x3E8, $0x38;
	[tilespmem:$0x1EF30] =	vst v63  }
0x4d: {  	s8 =	simm.s32 $0x129A0;
	s19 =	sadd.s32 $0x4E200, s14  }
0x4e: {  	[tilespmem:s8], [sflag:$0x2] =	stream.linear.gather [hbm4b:s19+s9], $0x3E8, $0x38;
	[tilespmem:$0x1EF30] =	vst v63  }
0x4f: {  	s19 =	sadd.s32 $0x57E40, s14  }
0x50: {  	[tilespmem:s22], [sflag:$0x2] =	stream.linear.gather [hbm4b:s19+s9], $0x3E8, $0x38;
	[tilespmem:$0x1EF30] =	vst v63  }
0x51: {  	s19 =	sadd.s32 $0x61A80, s14  }
0x52: {  	[tilespmem:s25], [sflag:$0x2] =	stream.linear.gather [hbm4b:s19+s9], $0x3E8, $0x38;
	[tilespmem:$0x1EF30] =	vst v63  }
0x53: {  	s19 =	sadd.s32 $0x6B6C0, s14  }
0x54: {  	[tilespmem:s26], [sflag:$0x2] =	stream.linear.gather [hbm4b:s19+s9], $0x3E8, $0x38;
	[tilespmem:$0x1EF30] =	vst v63  }
0x55: {  	s19 =	sadd.s32 $0x75300, s14  }
0x56: {  	[tilespmem:s23], [sflag:$0x2] =	stream.linear.gather [hbm4b:s19+s9], $0x3E8, $0x38;
	[tilespmem:$0x1EF30] =	vst v63  }
0x57: {  	s19 =	sadd.s32 $0x7EF40, s14  }
0x58: {  	[tilespmem:s1], [sflag:$0x2] =	stream.linear.gather [hbm4b:s19+s9], $0x3E8, $0x38;
	[tilespmem:$0x1EF30] =	vst v63  }
0x59: {  	s19 =	sadd.s32 $0x88B80, s14  }
0x5a: {  	[tilespmem:s2], [sflag:$0x2] =	stream.linear.gather [hbm4b:s19+s9], $0x3E8, $0x38;
	[tilespmem:$0x1EF30] =	vst v63  }
0x5b: {  	s14 =	sadd.s32 $0x927C0, s14  }
0x5c: {  	[tilespmem:s3], [sflag:$0x2] =	stream.linear.gather [hbm4b:s14+s9], $0x3E8, $0x38;
	[tilespmem:$0x1EF30] =	vst v63  }
0x5d: {  	_ =	swait.ge [sflag:s11], $0x3E80  }
0x5e: {  	[sflag:s11] =	ssyncset.done $0x0  }
0x5f: {  	[sflag:s11] =	ssyncadd.s32 $0xFFFFC180  }
0x60: {  	s20 =	smul.u32 $0x7D0, s20;
	_ =	swait.ge [sflag:s11], $0x3E80  }
0x61: {  	[sflag:s11] =	ssyncset.done $0x0  }
0x62: {  	s15 =	sadd.s32 s10, s20;
	s19 =	simm.s32 $0xFA0;
	[sflag:s11] =	ssyncadd.s32 $0xFFFFC180  }
0x63: {  	[hbm4b:s15+s9] =	stream.linear.scatter [tilespmem:s19], [sflag:$0x3], $0x3E80, $0x38;
	[tilespmem:$0x1EF30] =	vst v63  }
0x64: {  	_ =	swait.ge [sflag:s21], $0x3E80  }
0x65: {  	[sflag:s21] =	ssyncset.done $0x0  }
0x66: {  	s15 =	sadd.s32 s12, s20;
	s19 =	simm.s32 $0x8CA0;
	[sflag:s21] =	ssyncadd.s32 $0xFFFFC180  }
0x67: {  	[hbm4b:s15+s9] =	stream.linear.scatter [tilespmem:s19], [sflag:$0x3], $0x3E80, $0x38;
	[tilespmem:$0x1EF30] =	vst v63  }
0x68: {  	_ =	swait.ge [sflag:s21], $0x3E80  }
0x69: {  	[sflag:s21] =	ssyncset.done $0x0  }
0x6a: {  	[sflag:s21] =	ssyncadd.s32 $0xFFFFC180  }
0x6b: {  	s15 =	simm.s32 $0x189A0;
	s19 =	simm.s32 $0x7D0;
	s14 =	rddreg [dreg:$0x3]  }
0x6c: {  	[spmem:s14] =	stream.indirect.scatter.add.f32 [tilespmem:s15], [sflag:$0x3], $0x10, s19, s24, $0xb8;
	[tilespmem:$0x1EF30] =	vst v63  }
0x6d: {  	_ =	swait.ge [sflag:s21], $0x3E80  }
0x6e: {  	[sflag:s21] =	ssyncset.done $0x0  }
0x6f: {  	[sflag:s21] =	ssyncadd.s32 $0xFFFFC180  }
0x70: {  	_ =	swait.ge [sflag:s16], $0x3E80  }
0x71: {  	v1 =	vmov s9;
	[sflag:s16] =	ssyncset.done $0x0  }
0x72: {  	v1 =	vshll.u32 v1, $0x4;
	[sflag:s16] =	ssyncadd.s32 $0xFFFFC180  }
0x73: {  	v1 =	vor.u32 v0, v1;
	v2 =	vld [tilespmem:s8+$0xFFFFE000];
	_ =	sdelay $0x4  }
0x74: {  	[tilespmem:v1+s17+$0x0] =	vst.idx.msk $0xffff, v2  }
0x75: {  	v3 =	vor.u32 $0x1, v1;
	v2 =	vld [tilespmem:s8+$0xFFFFE400];
	_ =	sdelay $0x4  }
0x76: {  	[tilespmem:v3+s17+$0x0] =	vst.idx.msk $0xffff, v2  }
0x77: {  	v3 =	vor.u32 $0x2, v1;
	v2 =	vld [tilespmem:s8+$0xFFFFE800];
	_ =	sdelay $0x4  }
0x78: {  	[tilespmem:v3+s17+$0x0] =	vst.idx.msk $0xffff, v2  }
0x79: {  	v3 =	vor.u32 $0x3, v1;
	v2 =	vld [tilespmem:s8+$0xFFFFEC00];
	_ =	sdelay $0x4  }
0x7a: {  	[tilespmem:v3+s17+$0x0] =	vst.idx.msk $0xffff, v2  }
0x7b: {  	v3 =	vor.u32 $0x4, v1;
	v2 =	vld [tilespmem:s8+$0xFFFFF000];
	_ =	sdelay $0x4  }
0x7c: {  	[tilespmem:v3+s17+$0x0] =	vst.idx.msk $0xffff, v2  }
0x7d: {  	v3 =	vor.u32 $0x5, v1;
	v2 =	vld [tilespmem:s8+$0xFFFFF400];
	_ =	sdelay $0x4  }
0x7e: {  	[tilespmem:v3+s17+$0x0] =	vst.idx.msk $0xffff, v2  }
0x7f: {  	v3 =	vor.u32 $0x6, v1;
	v2 =	vld [tilespmem:s8+$0xFFFFF800];
	_ =	sdelay $0x4  }
0x80: {  	[tilespmem:v3+s17+$0x0] =	vst.idx.msk $0xffff, v2  }
0x81: {  	v3 =	vor.u32 $0x7, v1;
	v2 =	vld [tilespmem:s8+$0xFFFFFC00];
	_ =	sdelay $0x4  }
0x82: {  	[tilespmem:v3+s17+$0x0] =	vst.idx.msk $0xffff, v2  }
0x83: {  	v3 =	vor.u32 $0x8, v1;
	v2 =	vld [tilespmem:s8+$0x0];
	_ =	sdelay $0x4  }
0x84: {  	[tilespmem:v3+s17+$0x0] =	vst.idx.msk $0xffff, v2  }
0x85: {  	v3 =	vor.u32 $0x9, v1;
	v2 =	vld [tilespmem:s8+$0x400];
	_ =	sdelay $0x4  }
0x86: {  	[tilespmem:v3+s17+$0x0] =	vst.idx.msk $0xffff, v2  }
0x87: {  	v3 =	vor.u32 $0xA, v1;
	v2 =	vld [tilespmem:s8+$0x800];
	_ =	sdelay $0x4  }
0x88: {  	[tilespmem:v3+s17+$0x0] =	vst.idx.msk $0xffff, v2  }
0x89: {  	v3 =	vor.u32 $0xB, v1;
	v2 =	vld [tilespmem:s8+$0xC00];
	_ =	sdelay $0x4  }
0x8a: {  	[tilespmem:v3+s17+$0x0] =	vst.idx.msk $0xffff, v2  }
0x8b: {  	v3 =	vor.u32 $0xC, v1;
	v2 =	vld [tilespmem:s8+$0x1000];
	_ =	sdelay $0x4  }
0x8c: {  	[tilespmem:v3+s17+$0x0] =	vst.idx.msk $0xffff, v2  }
0x8d: {  	v3 =	vor.u32 $0xD, v1;
	v2 =	vld [tilespmem:s8+$0x1400];
	_ =	sdelay $0x4  }
0x8e: {  	[tilespmem:v3+s17+$0x0] =	vst.idx.msk $0xffff, v2  }
0x8f: {  	v3 =	vor.u32 $0xE, v1;
	v2 =	vld [tilespmem:s8+$0x1800];
	_ =	sdelay $0x4  }
0x90: {  	[tilespmem:v3+s17+$0x0] =	vst.idx.msk $0xffff, v2  }
0x91: {  	v1 =	vor.u32 $0xF, v1;
	v2 =	vld [tilespmem:s8+$0x1C00];
	_ =	sdelay $0x2  }
0x92: {  	s19 =	simm.s32 $0x10  }
0x93: {  	s9 =	simm.s32 $0x20;
	v3 =	vmov s19  }
.LBB2_3:
0x94: {  	p1 =	sne.s32 s9, $0x3F0;
	v3 =	vshll.u32 v3, $0x4;
	[tilespmem:v1+s17+$0x0] =	vst.idx.msk $0xffff, v2;
	s8 =	sadd.s32 $0x10, s8  }
0x95: {  	v2 =	vld [tilespmem:s8+$0xFFFFE000];
	v1 =	vor.u32 v0, v3;
	_ =	sdelay $0x4  }
0x96: {  	[tilespmem:v1+s17+$0x0] =	vst.idx.msk $0xffff, v2  }
0x97: {  	v3 =	vor.u32 $0x1, v1;
	v2 =	vld [tilespmem:s8+$0xFFFFE400];
	_ =	sdelay $0x4  }
0x98: {  	[tilespmem:v3+s17+$0x0] =	vst.idx.msk $0xffff, v2  }
0x99: {  	v3 =	vor.u32 $0x2, v1;
	v2 =	vld [tilespmem:s8+$0xFFFFE800];
	_ =	sdelay $0x4  }
0x9a: {  	[tilespmem:v3+s17+$0x0] =	vst.idx.msk $0xffff, v2  }
0x9b: {  	v3 =	vor.u32 $0x3, v1;
	v2 =	vld [tilespmem:s8+$0xFFFFEC00];
	_ =	sdelay $0x4  }
0x9c: {  	[tilespmem:v3+s17+$0x0] =	vst.idx.msk $0xffff, v2  }
0x9d: {  	v3 =	vor.u32 $0x4, v1;
	v2 =	vld [tilespmem:s8+$0xFFFFF000];
	_ =	sdelay $0x4  }
0x9e: {  	[tilespmem:v3+s17+$0x0] =	vst.idx.msk $0xffff, v2  }
0x9f: {  	v3 =	vor.u32 $0x5, v1;
	v2 =	vld [tilespmem:s8+$0xFFFFF400];
	_ =	sdelay $0x4  }
0xa0: {  	[tilespmem:v3+s17+$0x0] =	vst.idx.msk $0xffff, v2  }
0xa1: {  	v3 =	vor.u32 $0x6, v1;
	v2 =	vld [tilespmem:s8+$0xFFFFF800];
	_ =	sdelay $0x4  }
0xa2: {  	[tilespmem:v3+s17+$0x0] =	vst.idx.msk $0xffff, v2  }
0xa3: {  	v3 =	vor.u32 $0x7, v1;
	v2 =	vld [tilespmem:s8+$0xFFFFFC00];
	_ =	sdelay $0x4  }
0xa4: {  	[tilespmem:v3+s17+$0x0] =	vst.idx.msk $0xffff, v2  }
0xa5: {  	v3 =	vor.u32 $0x8, v1;
	v2 =	vld [tilespmem:s8+$0x0];
	_ =	sdelay $0x4  }
0xa6: {  	[tilespmem:v3+s17+$0x0] =	vst.idx.msk $0xffff, v2  }
0xa7: {  	v3 =	vor.u32 $0x9, v1;
	v2 =	vld [tilespmem:s8+$0x400];
	_ =	sdelay $0x4  }
0xa8: {  	[tilespmem:v3+s17+$0x0] =	vst.idx.msk $0xffff, v2  }
0xa9: {  	v3 =	vor.u32 $0xA, v1;
	v2 =	vld [tilespmem:s8+$0x800];
	_ =	sdelay $0x4  }
0xaa: {  	[tilespmem:v3+s17+$0x0] =	vst.idx.msk $0xffff, v2  }
0xab: {  	v3 =	vor.u32 $0xB, v1;
	v2 =	vld [tilespmem:s8+$0xC00];
	_ =	sdelay $0x4  }
0xac: {  	[tilespmem:v3+s17+$0x0] =	vst.idx.msk $0xffff, v2  }
0xad: {  	v3 =	vor.u32 $0xC, v1;
	v2 =	vld [tilespmem:s8+$0x1000];
	_ =	sdelay $0x4  }
0xae: {  	[tilespmem:v3+s17+$0x0] =	vst.idx.msk $0xffff, v2  }
0xaf: {  	v3 =	vor.u32 $0xD, v1;
	v2 =	vld [tilespmem:s8+$0x1400];
	_ =	sdelay $0x4  }
0xb0: {  	[tilespmem:v3+s17+$0x0] =	vst.idx.msk $0xffff, v2  }
0xb1: {  	v3 =	vor.u32 $0xE, v1;
	v2 =	vld [tilespmem:s8+$0x1800];
	_ =	sdelay $0x4  }
0xb2: {  	[tilespmem:v3+s17+$0x0] =	vst.idx.msk $0xffff, v2  }
.Ltmp0:
0xb3: {  	v1 =	vor.u32 $0xF, v1;
	v2 =	vld [tilespmem:s8+$0x1C00];
	(pc) =	sbr.rel @p1 .LBB2_3-.Ltmp0, $2  }
0xb4: {  	_ =	sdelay $0x2  }
0xb5: {  	v3 =	vmov s9;
	s9 =	sadd.s32 $0x10, s9  }
0xb6: {  	_ =	sdelay $0x3  }
0xb7: {  	v3 =	vshll.u32 v3, $0x4;
	[tilespmem:v1+s17+$0x0] =	vst.idx.msk $0xffff, v2;
	s8 =	sadd.s32 $0x10, s8  }
0xb8: {  	v1 =	vld [tilespmem:s8+$0xFFFFE000];
	v2 =	vor.u32 v0, v3;
	_ =	sdelay $0x4  }
0xb9: {  	[tilespmem:v2+s17+$0x0] =	vst.idx.msk $0xffff, v1  }
0xba: {  	v3 =	vor.u32 $0x1, v2;
	v1 =	vld [tilespmem:s8+$0xFFFFE400];
	_ =	sdelay $0x4  }
0xbb: {  	[tilespmem:v3+s17+$0x0] =	vst.idx.msk $0xffff, v1  }
0xbc: {  	v3 =	vor.u32 $0x2, v2;
	v1 =	vld [tilespmem:s8+$0xFFFFE800];
	_ =	sdelay $0x4  }
0xbd: {  	[tilespmem:v3+s17+$0x0] =	vst.idx.msk $0xffff, v1  }
0xbe: {  	v3 =	vor.u32 $0x3, v2;
	v1 =	vld [tilespmem:s8+$0xFFFFEC00];
	_ =	sdelay $0x4  }
0xbf: {  	[tilespmem:v3+s17+$0x0] =	vst.idx.msk $0xffff, v1  }
0xc0: {  	v3 =	vor.u32 $0x4, v2;
	v1 =	vld [tilespmem:s8+$0xFFFFF000];
	_ =	sdelay $0x4  }
0xc1: {  	[tilespmem:v3+s17+$0x0] =	vst.idx.msk $0xffff, v1  }
0xc2: {  	v3 =	vor.u32 $0x5, v2;
	v1 =	vld [tilespmem:s8+$0xFFFFF400];
	_ =	sdelay $0x4  }
0xc3: {  	[tilespmem:v3+s17+$0x0] =	vst.idx.msk $0xffff, v1  }
0xc4: {  	v3 =	vor.u32 $0x6, v2;
	v1 =	vld [tilespmem:s8+$0xFFFFF800];
	_ =	sdelay $0x4  }
0xc5: {  	[tilespmem:v3+s17+$0x0] =	vst.idx.msk $0xffff, v1  }
0xc6: {  	v3 =	vor.u32 $0x7, v2;
	v1 =	vld [tilespmem:s8+$0xFFFFFC00];
	_ =	sdelay $0x4  }
0xc7: {  	[tilespmem:v3+s17+$0x0] =	vst.idx.msk $0xffff, v1  }
0xc8: {  	v3 =	vor.u32 $0x8, v2;
	v1 =	vld [tilespmem:s8+$0x0];
	_ =	sdelay $0x4  }
0xc9: {  	[tilespmem:v3+s17+$0x0] =	vst.idx.msk $0xffff, v1  }
0xca: {  	v3 =	vor.u32 $0x9, v2;
	v1 =	vld [tilespmem:s8+$0x400];
	_ =	sdelay $0x4  }
0xcb: {  	[tilespmem:v3+s17+$0x0] =	vst.idx.msk $0xffff, v1  }
0xcc: {  	v3 =	vor.u32 $0xA, v2;
	v1 =	vld [tilespmem:s8+$0x800];
	_ =	sdelay $0x4  }
0xcd: {  	[tilespmem:v3+s17+$0x0] =	vst.idx.msk $0xffff, v1  }
0xce: {  	v3 =	vor.u32 $0xB, v2;
	v1 =	vld [tilespmem:s8+$0xC00];
	_ =	sdelay $0x4  }
0xcf: {  	[tilespmem:v3+s17+$0x0] =	vst.idx.msk $0xffff, v1  }
0xd0: {  	v3 =	vor.u32 $0xC, v2;
	v1 =	vld [tilespmem:s8+$0x1000];
	_ =	sdelay $0x4  }
0xd1: {  	[tilespmem:v3+s17+$0x0] =	vst.idx.msk $0xffff, v1  }
0xd2: {  	v3 =	vor.u32 $0xD, v2;
	v1 =	vld [tilespmem:s8+$0x1400];
	_ =	sdelay $0x4  }
0xd3: {  	[tilespmem:v3+s17+$0x0] =	vst.idx.msk $0xffff, v1  }
0xd4: {  	v3 =	vor.u32 $0xE, v2;
	v1 =	vld [tilespmem:s8+$0x1800];
	_ =	sdelay $0x4  }
0xd5: {  	[tilespmem:v3+s17+$0x0] =	vst.idx.msk $0xffff, v1  }
0xd6: {  	v2 =	vor.u32 $0xF, v2;
	v1 =	vld [tilespmem:s8+$0x1C00];
	_ =	sdelay $0x3  }
0xd7: {  	p1 =	seq.s32 s29, $0x4;
	s8 =	rddreg [dreg:$0xb]  }
0xd8: {  	s15 =	sadd.s32 s13, s20;
	s0 =	sadd.s32 @!p1 s8, s0;
	[tilespmem:v2+s17+$0x0] =	vst.idx.msk $0xffff, v1  }
0xd9: {  	[hbm4b:s15+s4] =	stream.linear.scatter [tilespmem:s17], [sflag:$0x3], $0x3E80, $0x38;
	[tilespmem:$0x1EF30] =	vst v63  }
0xda: {  	s0 =	smul.u32 @!p1 $0x7D, s0;
	_ =	swait.ge [sflag:s21], $0x3E80  }
0xdb: {  	[sflag:s21] =	ssyncset.done $0x0  }
0xdc: {  	s9 =	simm.s32 @!p1 $0x0;
	s8 =	sadd.s32 @!p1 s7, s0;
	[sflag:s21] =	ssyncadd.s32 $0xFFFFC180  }
0xdd: {  	[tilespmem:s9], [sflag:$0x3] =	stream.linear.gather @!p1 [hbm4b:s8+s9], $0x3E8, $0x38;
	[tilespmem:$0x1EF30] =	vst v63  }
0xde: {  	s8 =	simm.s32 @!p1 $0x3  }
0xdf: {  	_ =	swait.ge @!p1 [sflag:s8], $0x3E8  }
0xe0: {  	[sflag:s8] =	ssyncset.done @!p1 $0x0  }
0xe1: {  	s14 =	simm.s32 @!p1 $0x7D0;
	s0 =	sadd.s32 @!p1 s18, s0;
	[sflag:s8] =	ssyncadd.s32 @!p1 $0xFFFFFC18  }
0xe2: {  	[tilespmem:s14], [sflag:$0x3] =	stream.linear.gather @!p1 [hbm4b:s0+s9], $0x3E8, $0x38;
	[tilespmem:$0x1EF30] =	vst v63  }
0xe3: {  	_ =	swait.ge @!p1 [sflag:s8], $0x3E8  }
0xe4: {  	[sflag:s8] =	ssyncset.done @!p1 $0x0  }
0xe5: {  	s0 =	simm.s32 @!p1 $0x3E8;
	[sflag:s8] =	ssyncadd.s32 @!p1 $0xFFFFFC18;
	s8 =	simm.s32 @!p1 $0xFA0  }
0xe6: {  	[tilespmem:s8], [sflag:$0x1] =	stream.indirect.gather @!p1 [hbm4b:s5+s0], $0x10, s9, s0, $0xb8;
	[tilespmem:$0x1EF30] =	vst v63  }
0xe7: {  	s15 =	smov.u32 s18;
	s8 =	simm.s32 @!p1 $0x8CA0;
	s18 =	rddreg [dreg:$0x2]  }
0xe8: {  	[tilespmem:s8], [sflag:$0x1] =	stream.indirect.gather @!p1 [hbm4b:s6+s0], $0x10, s14, s0, $0xb8;
	[tilespmem:$0x1EF30] =	vst v63  }
0xe9: {  	s19 =	simm.s32 $0x109A0;
	s9 =	simm.s32 $0x0;
	s0 =	sadd.s32 s18, s31  }
0xea: {  	[tilespmem:s19], [sflag:$0x2] =	stream.linear.gather [hbm4b:s0+s9], $0x3E8, $0x38;
	[tilespmem:$0x1EF30] =	vst v63  }
0xeb: {  	s31 =	simm.s32 $0x10DA0;
	s20 =	sadd.s32 $0x9C40, s0  }
0xec: {  	[tilespmem:s31], [sflag:$0x2] =	stream.linear.gather [hbm4b:s20+s9], $0x3E8, $0x38;
	[tilespmem:$0x1EF30] =	vst v63  }
0xed: {  	s18 =	sadd.s32 $0x13880, s0;
	s19 =	simm.s32 $0x111A0  }
0xee: {  	[tilespmem:s19], [sflag:$0x2] =	stream.linear.gather [hbm4b:s18+s9], $0x3E8, $0x38;
	[tilespmem:$0x1EF30] =	vst v63  }
0xef: {  	s20 =	sadd.s32 $0x1D4C0, s0;
	s31 =	simm.s32 $0x115A0  }
0xf0: {  	[tilespmem:s31], [sflag:$0x2] =	stream.linear.gather [hbm4b:s20+s9], $0x3E8, $0x38;
	[tilespmem:$0x1EF30] =	vst v63  }
0xf1: {  	s18 =	sadd.s32 $0x27100, s0;
	s19 =	simm.s32 $0x119A0  }
0xf2: {  	[tilespmem:s19], [sflag:$0x2] =	stream.linear.gather [hbm4b:s18+s9], $0x3E8, $0x38;
	[tilespmem:$0x1EF30] =	vst v63  }
0xf3: {  	s20 =	sadd.s32 $0x30D40, s0;
	s31 =	simm.s32 $0x11DA0  }
0xf4: {  	[tilespmem:s31], [sflag:$0x2] =	stream.linear.gather [hbm4b:s20+s9], $0x3E8, $0x38;
	[tilespmem:$0x1EF30] =	vst v63  }
0xf5: {  	s14 =	sadd.s32 $0x3A980, s0;
	s18 =	simm.s32 $0x121A0  }
0xf6: {  	[tilespmem:s18], [sflag:$0x2] =	stream.linear.gather [hbm4b:s14+s9], $0x3E8, $0x38;
	[tilespmem:$0x1EF30] =	vst v63  }
0xf7: {  	s19 =	sadd.s32 $0x445C0, s0;
	s20 =	simm.s32 $0x125A0  }
0xf8: {  	[tilespmem:s20], [sflag:$0x2] =	stream.linear.gather [hbm4b:s19+s9], $0x3E8, $0x38;
	[tilespmem:$0x1EF30] =	vst v63  }
0xf9: {  	s8 =	simm.s32 $0x129A0;
	s31 =	sadd.s32 $0x4E200, s0  }
0xfa: {  	[tilespmem:s8], [sflag:$0x2] =	stream.linear.gather [hbm4b:s31+s9], $0x3E8, $0x38;
	[tilespmem:$0x1EF30] =	vst v63  }
0xfb: {  	s18 =	sadd.s32 $0x57E40, s0  }
0xfc: {  	[tilespmem:s22], [sflag:$0x2] =	stream.linear.gather [hbm4b:s18+s9], $0x3E8, $0x38;
	[tilespmem:$0x1EF30] =	vst v63  }
0xfd: {  	s19 =	sadd.s32 $0x61A80, s0  }
0xfe: {  	[tilespmem:s25], [sflag:$0x2] =	stream.linear.gather [hbm4b:s19+s9], $0x3E8, $0x38;
	[tilespmem:$0x1EF30] =	vst v63  }
0xff: {  	s20 =	sadd.s32 $0x6B6C0, s0  }
0x100: {  	[tilespmem:s26], [sflag:$0x2] =	stream.linear.gather [hbm4b:s20+s9], $0x3E8, $0x38;
	[tilespmem:$0x1EF30] =	vst v63  }
0x101: {  	s31 =	sadd.s32 $0x75300, s0  }
0x102: {  	[tilespmem:s23], [sflag:$0x2] =	stream.linear.gather [hbm4b:s31+s9], $0x3E8, $0x38;
	[tilespmem:$0x1EF30] =	vst v63  }
0x103: {  	s18 =	sadd.s32 $0x7EF40, s0  }
0x104: {  	[tilespmem:s1], [sflag:$0x2] =	stream.linear.gather [hbm4b:s18+s9], $0x3E8, $0x38;
	[tilespmem:$0x1EF30] =	vst v63  }
0x105: {  	s19 =	sadd.s32 $0x88B80, s0  }
0x106: {  	[tilespmem:s2], [sflag:$0x2] =	stream.linear.gather [hbm4b:s19+s9], $0x3E8, $0x38;
	[tilespmem:$0x1EF30] =	vst v63  }
0x107: {  	s0 =	sadd.s32 $0x927C0, s0  }
0x108: {  	[tilespmem:s3], [sflag:$0x2] =	stream.linear.gather [hbm4b:s0+s9], $0x3E8, $0x38;
	[tilespmem:$0x1EF30] =	vst v63  }
0x109: {  	_ =	swait.ge [sflag:s11], $0x3E80  }
0x10a: {  	[sflag:s11] =	ssyncset.done $0x0  }
0x10b: {  	[sflag:s11] =	ssyncadd.s32 $0xFFFFC180  }
0x10c: {  	s0 =	smul.u32 $0x7D0, s30;
	_ =	swait.ge [sflag:s11], $0x3E80  }
0x10d: {  	[sflag:s11] =	ssyncset.done $0x0  }
0x10e: {  	s19 =	simm.s32 $0x4E20;
	s20 =	sadd.s32 s10, s0;
	[sflag:s11] =	ssyncadd.s32 $0xFFFFC180  }
0x10f: {  	[hbm4b:s20+s9] =	stream.linear.scatter [tilespmem:s19], [sflag:$0x3], $0x3E80, $0x38;
	[tilespmem:$0x1EF30] =	vst v63  }
0x110: {  	_ =	swait.ge [sflag:s21], $0x3E80  }
0x111: {  	[sflag:s21] =	ssyncset.done $0x0  }
0x112: {  	s31 =	simm.s32 $0xCB20;
	s30 =	sadd.s32 s12, s0;
	[sflag:s21] =	ssyncadd.s32 $0xFFFFC180  }
0x113: {  	[hbm4b:s30+s9] =	stream.linear.scatter [tilespmem:s31], [sflag:$0x3], $0x3E80, $0x38;
	[tilespmem:$0x1EF30] =	vst v63  }
0x114: {  	_ =	swait.ge [sflag:s21], $0x3E80  }
0x115: {  	[sflag:s21] =	ssyncset.done $0x0  }
0x116: {  	[sflag:s21] =	ssyncadd.s32 $0xFFFFC180  }
0x117: {  	s30 =	simm.s32 $0x189A0;
	s20 =	rddreg [dreg:$0x3]  }
0x118: {  	[spmem:s20] =	stream.indirect.scatter.add.f32 [tilespmem:s30], [sflag:$0x3], $0x10, s28, s24, $0xb8;
	[tilespmem:$0x1EF30] =	vst v63  }
0x119: {  	_ =	swait.ge [sflag:s21], $0x3E80  }
0x11a: {  	[sflag:s21] =	ssyncset.done $0x0  }
0x11b: {  	[sflag:s21] =	ssyncadd.s32 $0xFFFFC180  }
0x11c: {  	_ =	swait.ge [sflag:s16], $0x3E80  }
0x11d: {  	v1 =	vmov s9;
	[sflag:s16] =	ssyncset.done $0x0  }
0x11e: {  	v1 =	vshll.u32 v1, $0x4;
	[sflag:s16] =	ssyncadd.s32 $0xFFFFC180  }
0x11f: {  	v1 =	vor.u32 v0, v1;
	v2 =	vld [tilespmem:s8+$0xFFFFE000];
	_ =	sdelay $0x4  }
0x120: {  	[tilespmem:v1+s17+$0x0] =	vst.idx.msk $0xffff, v2  }
0x121: {  	v3 =	vor.u32 $0x1, v1;
	v2 =	vld [tilespmem:s8+$0xFFFFE400];
	_ =	sdelay $0x4  }
0x122: {  	[tilespmem:v3+s17+$0x0] =	vst.idx.msk $0xffff, v2  }
0x123: {  	v3 =	vor.u32 $0x2, v1;
	v2 =	vld [tilespmem:s8+$0xFFFFE800];
	_ =	sdelay $0x4  }
0x124: {  	[tilespmem:v3+s17+$0x0] =	vst.idx.msk $0xffff, v2  }
0x125: {  	v3 =	vor.u32 $0x3, v1;
	v2 =	vld [tilespmem:s8+$0xFFFFEC00];
	_ =	sdelay $0x4  }
0x126: {  	[tilespmem:v3+s17+$0x0] =	vst.idx.msk $0xffff, v2  }
0x127: {  	v3 =	vor.u32 $0x4, v1;
	v2 =	vld [tilespmem:s8+$0xFFFFF000];
	_ =	sdelay $0x4  }
0x128: {  	[tilespmem:v3+s17+$0x0] =	vst.idx.msk $0xffff, v2  }
0x129: {  	v3 =	vor.u32 $0x5, v1;
	v2 =	vld [tilespmem:s8+$0xFFFFF400];
	_ =	sdelay $0x4  }
0x12a: {  	[tilespmem:v3+s17+$0x0] =	vst.idx.msk $0xffff, v2  }
0x12b: {  	v3 =	vor.u32 $0x6, v1;
	v2 =	vld [tilespmem:s8+$0xFFFFF800];
	_ =	sdelay $0x4  }
0x12c: {  	[tilespmem:v3+s17+$0x0] =	vst.idx.msk $0xffff, v2  }
0x12d: {  	v3 =	vor.u32 $0x7, v1;
	v2 =	vld [tilespmem:s8+$0xFFFFFC00];
	_ =	sdelay $0x4  }
0x12e: {  	[tilespmem:v3+s17+$0x0] =	vst.idx.msk $0xffff, v2  }
0x12f: {  	v3 =	vor.u32 $0x8, v1;
	v2 =	vld [tilespmem:s8+$0x0];
	_ =	sdelay $0x4  }
0x130: {  	[tilespmem:v3+s17+$0x0] =	vst.idx.msk $0xffff, v2  }
0x131: {  	v3 =	vor.u32 $0x9, v1;
	v2 =	vld [tilespmem:s8+$0x400];
	_ =	sdelay $0x4  }
0x132: {  	[tilespmem:v3+s17+$0x0] =	vst.idx.msk $0xffff, v2  }
0x133: {  	v3 =	vor.u32 $0xA, v1;
	v2 =	vld [tilespmem:s8+$0x800];
	_ =	sdelay $0x4  }
0x134: {  	[tilespmem:v3+s17+$0x0] =	vst.idx.msk $0xffff, v2  }
0x135: {  	v3 =	vor.u32 $0xB, v1;
	v2 =	vld [tilespmem:s8+$0xC00];
	_ =	sdelay $0x4  }
0x136: {  	[tilespmem:v3+s17+$0x0] =	vst.idx.msk $0xffff, v2  }
0x137: {  	v3 =	vor.u32 $0xC, v1;
	v2 =	vld [tilespmem:s8+$0x1000];
	_ =	sdelay $0x4  }
0x138: {  	[tilespmem:v3+s17+$0x0] =	vst.idx.msk $0xffff, v2  }
0x139: {  	v3 =	vor.u32 $0xD, v1;
	v2 =	vld [tilespmem:s8+$0x1400];
	_ =	sdelay $0x4  }
0x13a: {  	[tilespmem:v3+s17+$0x0] =	vst.idx.msk $0xffff, v2  }
0x13b: {  	v3 =	vor.u32 $0xE, v1;
	v2 =	vld [tilespmem:s8+$0x1800];
	_ =	sdelay $0x4  }
0x13c: {  	[tilespmem:v3+s17+$0x0] =	vst.idx.msk $0xffff, v2  }
0x13d: {  	v1 =	vor.u32 $0xF, v1;
	v2 =	vld [tilespmem:s8+$0x1C00];
	_ =	sdelay $0x2  }
0x13e: {  	s31 =	simm.s32 $0x10  }
0x13f: {  	s9 =	simm.s32 $0x20;
	v3 =	vmov s31  }
.LBB2_5:
0x140: {  	p1 =	sne.s32 s9, $0x3F0;
	v3 =	vshll.u32 v3, $0x4;
	[tilespmem:v1+s17+$0x0] =	vst.idx.msk $0xffff, v2;
	s8 =	sadd.s32 $0x10, s8  }
0x141: {  	v2 =	vld [tilespmem:s8+$0xFFFFE000];
	v1 =	vor.u32 v0, v3;
	_ =	sdelay $0x4  }
0x142: {  	[tilespmem:v1+s17+$0x0] =	vst.idx.msk $0xffff, v2  }
0x143: {  	v3 =	vor.u32 $0x1, v1;
	v2 =	vld [tilespmem:s8+$0xFFFFE400];
	_ =	sdelay $0x4  }
0x144: {  	[tilespmem:v3+s17+$0x0] =	vst.idx.msk $0xffff, v2  }
0x145: {  	v3 =	vor.u32 $0x2, v1;
	v2 =	vld [tilespmem:s8+$0xFFFFE800];
	_ =	sdelay $0x4  }
0x146: {  	[tilespmem:v3+s17+$0x0] =	vst.idx.msk $0xffff, v2  }
0x147: {  	v3 =	vor.u32 $0x3, v1;
	v2 =	vld [tilespmem:s8+$0xFFFFEC00];
	_ =	sdelay $0x4  }
0x148: {  	[tilespmem:v3+s17+$0x0] =	vst.idx.msk $0xffff, v2  }
0x149: {  	v3 =	vor.u32 $0x4, v1;
	v2 =	vld [tilespmem:s8+$0xFFFFF000];
	_ =	sdelay $0x4  }
0x14a: {  	[tilespmem:v3+s17+$0x0] =	vst.idx.msk $0xffff, v2  }
0x14b: {  	v3 =	vor.u32 $0x5, v1;
	v2 =	vld [tilespmem:s8+$0xFFFFF400];
	_ =	sdelay $0x4  }
0x14c: {  	[tilespmem:v3+s17+$0x0] =	vst.idx.msk $0xffff, v2  }
0x14d: {  	v3 =	vor.u32 $0x6, v1;
	v2 =	vld [tilespmem:s8+$0xFFFFF800];
	_ =	sdelay $0x4  }
0x14e: {  	[tilespmem:v3+s17+$0x0] =	vst.idx.msk $0xffff, v2  }
0x14f: {  	v3 =	vor.u32 $0x7, v1;
	v2 =	vld [tilespmem:s8+$0xFFFFFC00];
	_ =	sdelay $0x4  }
0x150: {  	[tilespmem:v3+s17+$0x0] =	vst.idx.msk $0xffff, v2  }
0x151: {  	v3 =	vor.u32 $0x8, v1;
	v2 =	vld [tilespmem:s8+$0x0];
	_ =	sdelay $0x4  }
0x152: {  	[tilespmem:v3+s17+$0x0] =	vst.idx.msk $0xffff, v2  }
0x153: {  	v3 =	vor.u32 $0x9, v1;
	v2 =	vld [tilespmem:s8+$0x400];
	_ =	sdelay $0x4  }
0x154: {  	[tilespmem:v3+s17+$0x0] =	vst.idx.msk $0xffff, v2  }
0x155: {  	v3 =	vor.u32 $0xA, v1;
	v2 =	vld [tilespmem:s8+$0x800];
	_ =	sdelay $0x4  }
0x156: {  	[tilespmem:v3+s17+$0x0] =	vst.idx.msk $0xffff, v2  }
0x157: {  	v3 =	vor.u32 $0xB, v1;
	v2 =	vld [tilespmem:s8+$0xC00];
	_ =	sdelay $0x4  }
0x158: {  	[tilespmem:v3+s17+$0x0] =	vst.idx.msk $0xffff, v2  }
0x159: {  	v3 =	vor.u32 $0xC, v1;
	v2 =	vld [tilespmem:s8+$0x1000];
	_ =	sdelay $0x4  }
0x15a: {  	[tilespmem:v3+s17+$0x0] =	vst.idx.msk $0xffff, v2  }
0x15b: {  	v3 =	vor.u32 $0xD, v1;
	v2 =	vld [tilespmem:s8+$0x1400];
	_ =	sdelay $0x4  }
0x15c: {  	[tilespmem:v3+s17+$0x0] =	vst.idx.msk $0xffff, v2  }
0x15d: {  	v3 =	vor.u32 $0xE, v1;
	v2 =	vld [tilespmem:s8+$0x1800];
	_ =	sdelay $0x4  }
0x15e: {  	[tilespmem:v3+s17+$0x0] =	vst.idx.msk $0xffff, v2  }
.Ltmp1:
0x15f: {  	v1 =	vor.u32 $0xF, v1;
	v2 =	vld [tilespmem:s8+$0x1C00];
	(pc) =	sbr.rel @p1 .LBB2_5-.Ltmp1, $2  }
0x160: {  	_ =	sdelay $0x2  }
0x161: {  	v3 =	vmov s9;
	s9 =	sadd.s32 $0x10, s9  }
0x162: {  	_ =	sdelay $0x3  }
0x163: {  	v3 =	vshll.u32 v3, $0x4;
	[tilespmem:v1+s17+$0x0] =	vst.idx.msk $0xffff, v2;
	s8 =	sadd.s32 $0x10, s8  }
0x164: {  	v1 =	vld [tilespmem:s8+$0xFFFFE000];
	v2 =	vor.u32 v0, v3;
	_ =	sdelay $0x4  }
0x165: {  	[tilespmem:v2+s17+$0x0] =	vst.idx.msk $0xffff, v1  }
0x166: {  	v3 =	vor.u32 $0x1, v2;
	v1 =	vld [tilespmem:s8+$0xFFFFE400];
	_ =	sdelay $0x4  }
0x167: {  	[tilespmem:v3+s17+$0x0] =	vst.idx.msk $0xffff, v1  }
0x168: {  	v3 =	vor.u32 $0x2, v2;
	v1 =	vld [tilespmem:s8+$0xFFFFE800];
	_ =	sdelay $0x4  }
0x169: {  	[tilespmem:v3+s17+$0x0] =	vst.idx.msk $0xffff, v1  }
0x16a: {  	v3 =	vor.u32 $0x3, v2;
	v1 =	vld [tilespmem:s8+$0xFFFFEC00];
	_ =	sdelay $0x4  }
0x16b: {  	[tilespmem:v3+s17+$0x0] =	vst.idx.msk $0xffff, v1  }
0x16c: {  	v3 =	vor.u32 $0x4, v2;
	v1 =	vld [tilespmem:s8+$0xFFFFF000];
	_ =	sdelay $0x4  }
0x16d: {  	[tilespmem:v3+s17+$0x0] =	vst.idx.msk $0xffff, v1  }
0x16e: {  	v3 =	vor.u32 $0x5, v2;
	v1 =	vld [tilespmem:s8+$0xFFFFF400];
	_ =	sdelay $0x4  }
0x16f: {  	[tilespmem:v3+s17+$0x0] =	vst.idx.msk $0xffff, v1  }
0x170: {  	v3 =	vor.u32 $0x6, v2;
	v1 =	vld [tilespmem:s8+$0xFFFFF800];
	_ =	sdelay $0x4  }
0x171: {  	[tilespmem:v3+s17+$0x0] =	vst.idx.msk $0xffff, v1  }
0x172: {  	v3 =	vor.u32 $0x7, v2;
	v1 =	vld [tilespmem:s8+$0xFFFFFC00];
	_ =	sdelay $0x4  }
0x173: {  	[tilespmem:v3+s17+$0x0] =	vst.idx.msk $0xffff, v1  }
0x174: {  	v3 =	vor.u32 $0x8, v2;
	v1 =	vld [tilespmem:s8+$0x0];
	_ =	sdelay $0x4  }
0x175: {  	[tilespmem:v3+s17+$0x0] =	vst.idx.msk $0xffff, v1  }
0x176: {  	v3 =	vor.u32 $0x9, v2;
	v1 =	vld [tilespmem:s8+$0x400];
	_ =	sdelay $0x4  }
0x177: {  	[tilespmem:v3+s17+$0x0] =	vst.idx.msk $0xffff, v1  }
0x178: {  	v3 =	vor.u32 $0xA, v2;
	v1 =	vld [tilespmem:s8+$0x800];
	_ =	sdelay $0x4  }
0x179: {  	[tilespmem:v3+s17+$0x0] =	vst.idx.msk $0xffff, v1  }
0x17a: {  	v3 =	vor.u32 $0xB, v2;
	v1 =	vld [tilespmem:s8+$0xC00];
	_ =	sdelay $0x4  }
0x17b: {  	[tilespmem:v3+s17+$0x0] =	vst.idx.msk $0xffff, v1  }
0x17c: {  	v3 =	vor.u32 $0xC, v2;
	v1 =	vld [tilespmem:s8+$0x1000];
	_ =	sdelay $0x4  }
0x17d: {  	[tilespmem:v3+s17+$0x0] =	vst.idx.msk $0xffff, v1  }
0x17e: {  	v3 =	vor.u32 $0xD, v2;
	v1 =	vld [tilespmem:s8+$0x1400];
	_ =	sdelay $0x4  }
0x17f: {  	[tilespmem:v3+s17+$0x0] =	vst.idx.msk $0xffff, v1  }
0x180: {  	v3 =	vor.u32 $0xE, v2;
	v1 =	vld [tilespmem:s8+$0x1800];
	_ =	sdelay $0x4  }
0x181: {  	[tilespmem:v3+s17+$0x0] =	vst.idx.msk $0xffff, v1  }
0x182: {  	v2 =	vor.u32 $0xF, v2;
	v1 =	vld [tilespmem:s8+$0x1C00];
	_ =	sdelay $0x2  }
0x183: {  	s29 =	sadd.s32 $0x1, s29  }
0x184: {  	p1 =	sne.s32 s29, $0x5  }
.Ltmp2:
0x185: {  	s0 =	sadd.s32 s13, s0;
	[tilespmem:v2+s17+$0x0] =	vst.idx.msk $0xffff, v1;
	(pc) =	sbr.rel @p1 .LBB2_2-.Ltmp2, $4  }
0x186: {  	[hbm4b:s0+s4] =	stream.linear.scatter [tilespmem:s17], [sflag:$0x3], $0x3E80, $0x38;
	[tilespmem:$0x1EF30] =	vst v63  }
0x187: {  	_ =	swait.ge [sflag:s21], $0x3E80  }
0x188: {  	[sflag:s21] =	ssyncset.done $0x0  }
0x189: {  	[sflag:s21] =	ssyncadd.s32 $0xFFFFC180  }
0x18a: {  	[bflag:$0x0] =	sbarrier.arrive $0xFFFF  }
0x18b: {  	s8 =	rddreg [dreg:$0xc]  }
0x18c: {  	s0 =	simm.s32 @!p0 $0x1C03;
	s9 =	rddreg [dreg:$0xe]  }
0x18d: {  	[hbm:s8], [sflag:s0] =	dma.local @!p0 [spmem:s9], $0x4E20  }
0x18e: {  	s0 =	simm.s32 @!p0 $0x3  }
0x18f: {  	_ =	swait.ge @!p0 [sflag:s0], $0x4E20  }
0x190: {  	s14 =	rddreg [dreg:$0xf]  }
0x191: {  	s31 =	rddreg [dreg:$0xd];
	s14 =	sadd.s32 $0x1, s14  }
0x192: {  	p1 =	sne.s32 s14, s31  }
.Ltmp3:
0x193: {  	_ = 	snop;
	(pc) =	sbr.rel @p1 .LBB2_1-.Ltmp3, $3  }
0x194: {  	_ =	sdelay $0x1  }
0x195: {  	[sflag:s0] =	ssyncset.done @!p0 $0x0  }
0x196: {  	[sflag:s0] =	ssyncadd.s32 @!p0 $0xFFFFB1E0  }
0x197: {  	_ =	sfence.sel $0x180000  }
0x198: {  	[bflag:$0x0] =	sbarrier.arrive $0xFFFF  }
0x199: {  	_ =	strace $0x90000047  }
0x19a: {  	[bflag:$0x2] =	sbarrier.arrive $0xFFFF  }
0x19b: {  	s0 =	rddreg [dreg:$0x4]  }
0x19c: {  	s0 =	sadd.s32 @!p0 $0x100000, s0  }
0x19d: {  	[sflag:s0] =	ssyncadd.tile.s32 @!p0 $0x1;
	_ =	shalt  }
.Lfunc_end2:
_tile_overlayer_lowered:
.L_overlay_start_2:
0x19e: {  	(tag) =	ssettag $0x2  }
0x19f: {  	s0 =	rddreg [dreg:$0x0];
	s2 =	stileid.u32  }
0x1a0: {  	s1 =	rddreg [dreg:$0x1];
	p0 =	sne.s32 s2, $0x0  }
0x1a1: {  	s3 =	rddreg [dreg:$0x2];
	[bflag:$0x3] =	sbarrier.arrive $0xFFFF;
	s2 =	simm.s32 @!p0 $0x1C03  }
0x1a2: {  	[timem:s3], [sflag:s2] =	dma.local @!p0 [hbm:s0], s1  }
0x1a3: {  	s0 =	simm.s32 @!p0 $0x3  }
0x1a4: {  	_ =	swait.ge @!p0 [sflag:s0], s1  }
0x1a5: {  	s1 =	ssub.s32 @!p0 $0x0, s1;
	[sflag:s0] =	ssyncset.done @!p0 $0x0  }
0x1a6: {  	[sflag:s0] =	ssyncadd.s32 @!p0 s1  }
0x1a7: {  	[bflag:$0x3] =	sbarrier.arrive $0xFFFF  }
0x1a8: {  	_ =	shalt  }

</sc_bundles>
